<compile_context>
chip_gen: v7x
topology: tpu7x:2x2x1
jax: 0.10.2.dev20260603
libtpu: 0.0.44.dev20260713+nightly
codegen_flags: <defaults>
</compile_context>

<pallas_src>
import functools

import jax
import jax.numpy as jnp
from jax import lax
from jax.experimental import pallas as pl
from jax.experimental.pallas import tpu as pltpu
from jax.experimental.pallas import tpu_sc as plsc

_B = 256
_D = 4 * 64 * 64
_NCH = 32
_RW = _B // _NCH
_NBUF = 4


def _sc_gather_body(a_hbm, b_hbm, t_hbm, a_out, b_out, idx_v, rows_a, rows_b, sem):
    info = plsc.get_sparse_core_info()
    nc = info.num_cores
    wid = lax.axis_index("s") * nc + lax.axis_index("c")
    nw = nc * info.num_subcores
    bw = _B // nw
    base = wid * bw
    pltpu.sync_copy(t_hbm.at[pl.ds(base, bw)], idx_v)
    cp_a = pltpu.async_copy(a_hbm.at[idx_v], rows_a, sem)
    cp_b = pltpu.async_copy(b_hbm.at[idx_v], rows_b, sem)
    cp_a.wait()
    cp_b.wait()
    pltpu.sync_copy(rows_a, a_out.at[pl.ds(base, bw)])
    pltpu.sync_copy(rows_b, b_out.at[pl.ds(base, bw)])


def _sc_gather(a_tbl, b_tbl, t):
    info = plsc.get_sparse_core_info()
    nw = info.num_cores * info.num_subcores
    bw = _B // nw
    mesh = plsc.VectorSubcoreMesh(core_axis_name="c", subcore_axis_name="s")
    f = functools.partial(
        pl.kernel,
        mesh=mesh,
        out_type=(
            jax.ShapeDtypeStruct((_B,), jnp.float32),
            jax.ShapeDtypeStruct((_B,), jnp.float32),
        ),
        scratch_types=[
            pltpu.VMEM((bw,), jnp.int32),
            pltpu.VMEM((bw,), jnp.float32),
            pltpu.VMEM((bw,), jnp.float32),
            pltpu.SemaphoreType.DMA,
        ],
    )(_sc_gather_body)
    return f(a_tbl, b_tbl, t)


def _fma_body(a_ref, b_ref, x_hbm, n_hbm, o_hbm, xv, nv, ov, sx, sn, so):
    def start_in(c):
        s = c % _NBUF
        pltpu.make_async_copy(x_hbm.at[pl.ds(c * _RW, _RW)], xv.at[s], sx.at[s]).start()
        pltpu.make_async_copy(n_hbm.at[pl.ds(c * _RW, _RW)], nv.at[s], sn.at[s]).start()

    for c in range(_NBUF):
        start_in(c)
    for c in range(_NCH):
        s = c % _NBUF
        pltpu.make_async_copy(x_hbm.at[pl.ds(c * _RW, _RW)], xv.at[s], sx.at[s]).wait()
        pltpu.make_async_copy(n_hbm.at[pl.ds(c * _RW, _RW)], nv.at[s], sn.at[s]).wait()
        if c >= _NBUF:
            pltpu.make_async_copy(
                ov.at[s], o_hbm.at[pl.ds((c - _NBUF) * _RW, _RW)], so.at[s]
            ).wait()
        a = a_ref[pl.ds(c * _RW, _RW), :]
        b = b_ref[pl.ds(c * _RW, _RW), :]
        ov[s] = a * xv[s] + b * nv[s]
        pltpu.make_async_copy(ov.at[s], o_hbm.at[pl.ds(c * _RW, _RW)], so.at[s]).start()
        if c + _NBUF < _NCH:
            start_in(c + _NBUF)
    for c in range(_NCH - _NBUF, _NCH):
        s = c % _NBUF
        pltpu.make_async_copy(ov.at[s], o_hbm.at[pl.ds(c * _RW, _RW)], so.at[s]).wait()


def _fma(a_g, b_g, x2, n2):
    return pl.pallas_call(
        _fma_body,
        in_specs=[
            pl.BlockSpec(memory_space=pltpu.VMEM),
            pl.BlockSpec(memory_space=pltpu.VMEM),
            pl.BlockSpec(memory_space=pl.ANY),
            pl.BlockSpec(memory_space=pl.ANY),
        ],
        out_specs=pl.BlockSpec(memory_space=pl.ANY),
        out_shape=jax.ShapeDtypeStruct((_B, _D), jnp.float32),
        scratch_shapes=[
            pltpu.VMEM((_NBUF, _RW, _D), jnp.float32),
            pltpu.VMEM((_NBUF, _RW, _D), jnp.float32),
            pltpu.VMEM((_NBUF, _RW, _D), jnp.float32),
            pltpu.SemaphoreType.DMA((_NBUF,)),
            pltpu.SemaphoreType.DMA((_NBUF,)),
            pltpu.SemaphoreType.DMA((_NBUF,)),
        ],
    )(a_g, b_g, x2, n2)


def kernel(x_start, t, noise, sqrt_alphas_cumprod, sqrt_one_minus_alphas_cumprod):
    a_g, b_g = _sc_gather(
        sqrt_alphas_cumprod.astype(jnp.float32),
        sqrt_one_minus_alphas_cumprod.astype(jnp.float32),
        t.astype(jnp.int32),
    )
    x2 = x_start.reshape(_B, _D)
    n2 = noise.reshape(_B, _D)
    out = _fma(a_g.reshape(_B, 1), b_g.reshape(_B, 1), x2, n2)
    return out.reshape(x_start.shape)

# --- scband reference (transcript-rebuilt; emitter-appended) ---
"""Pipeline reference for scband-noise-scheduler-3075196584575 (READ-ONLY COPY).

The authoritative reference and input builder live on the scoring server;
editing this copy changes nothing except your own understanding.
"""

import jax, jax.numpy as jnp
import numpy as np

NUM_TIMESTEPS = 1000

def cosine_beta_schedule(num_timesteps):
    s = 0.008
    t = jnp.linspace(0.0, float(num_timesteps), num_timesteps + 1)
    f = jnp.cos((t / num_timesteps + s) / (1 + s) * (jnp.pi / 2)) ** 2
    alpha_cumprod = f / f[0]
    beta = 1 - alpha_cumprod[1:] / alpha_cumprod[:-1]
    beta = jnp.clip(beta, 0.0, 0.999)
    return beta

def setup_inputs(seed: int = 0) -> dict:
    key = jax.random.key(seed)
    k1, k2, k3 = jax.random.split(key, 3)
    x_start = jax.random.normal(k1, (256, 4, 64, 64), dtype=jnp.float32)
    noise = jax.random.normal(k2, (256, 4, 64, 64), dtype=jnp.float32)
    t = jax.random.randint(k3, (256,), 0, NUM_TIMESTEPS, dtype=jnp.int64 if jax.config.jax_enable_x64 else jnp.int32)
    betas = cosine_beta_schedule(NUM_TIMESTEPS)
    alphas = 1.0 - betas
    alphas_cumprod = jnp.cumprod(alphas, axis=0)
    sqrt_alphas_cumprod = jnp.sqrt(alphas_cumprod)
    sqrt_one_minus_alphas_cumprod = jnp.sqrt(1.0 - alphas_cumprod)
    return {
        'x_start': x_start,
        't': t,
        'noise': noise,
        'sqrt_alphas_cumprod': sqrt_alphas_cumprod,
        'sqrt_one_minus_alphas_cumprod': sqrt_one_minus_alphas_cumprod,
    }

def _extract(a, t, x_shape):
    # gather a[t] then reshape for broadcasting: [B] -> [B, 1, 1, 1]
    out = jnp.take(a, t, axis=0)
    return out.reshape((t.shape[0],) + (1,) * (len(x_shape) - 1))

def reference(x_start, t, noise, sqrt_alphas_cumprod, sqrt_one_minus_alphas_cumprod):
    x_t = _extract(sqrt_alphas_cumprod, t, x_start.shape) * x_start \
        + _extract(sqrt_one_minus_alphas_cumprod, t, x_start.shape) * noise
    return x_t

if __name__ == "__main__":
    import jax
    _d = setup_inputs()
    print(jax.jit(kernel)(*tuple(_d.values())))

</pallas_src>

<mosaic_0001>
#map = affine_map<(d0, d1) -> (0)>
module attributes {stable_mosaic.version = 14 : i64} {
  func.func @_sc_gather_body(%arg0: i32, %arg1: i32, %arg2: memref<1000xf32, #tpu.memory_space<hbm>>, %arg3: memref<1000xf32, #tpu.memory_space<hbm>>, %arg4: memref<256xi32, #tpu.memory_space<hbm>>, %arg5: memref<256xf32, #tpu.memory_space<hbm>>, %arg6: memref<256xf32, #tpu.memory_space<hbm>>, %arg7: memref<8xi32, #tpu.memory_space<vmem>>, %arg8: memref<8xf32, #tpu.memory_space<vmem>>, %arg9: memref<8xf32, #tpu.memory_space<vmem>>, %arg10: memref<!tpu.dma_semaphore, #tpu.memory_space<semaphore_mem>>) attributes {dimension_semantics = [#tpu.dimension_semantics<core_parallel>, #tpu.dimension_semantics<subcore_parallel>], iteration_bounds = array<i64: 2, 16>, scalar_prefetch = 0 : i64, scratch_operands = 4 : i64, tpu.core_type = #tpu.core_type<sc_vector_subcore>, window_params = [{transform_indices = #map}, {transform_indices = #map}, {transform_indices = #map}, {transform_indices = #map}, {transform_indices = #map}]} {
    %mul3A = arith.constant 2 : i32
    %mul3A_0 = arith.muli %arg1, %mul3A : i32
    %add3A = arith.addi %mul3A_0, %arg0 : i32
    %mul3A_1 = arith.constant 8 : i32
    %mul3A_2 = arith.muli %add3A, %mul3A_1 : i32
    "tpu.region"() ({
      %run_scoped3A = tpu.sem_alloc : memref<!tpu.dma_semaphore, #tpu.memory_space<semaphore_mem>>
      %dma_start3A_9 = tpu.memref_slice %arg4[%mul3A_2] : memref<256xi32, #tpu.memory_space<hbm>> -> memref<8xi32, #tpu.memory_space<hbm>>
      %dma_start3A_10 = tpu.memref_slice %arg4[%mul3A_2] : memref<256xi32, #tpu.memory_space<hbm>> -> memref<8xi32, #tpu.memory_space<hbm>>
      tpu.enqueue_dma source(%dma_start3A_10 : memref<8xi32, #tpu.memory_space<hbm>>) target(%arg7 : memref<8xi32, #tpu.memory_space<vmem>>) target_semaphore(%run_scoped3A : memref<!tpu.dma_semaphore, #tpu.memory_space<semaphore_mem>>)
      %dma_wait3A_11 = tpu.memref_slice %arg4[%mul3A_2] : memref<256xi32, #tpu.memory_space<hbm>> -> memref<8xi32, #tpu.memory_space<hbm>>
      %dma_wait3A_12 = tpu.memref_slice %arg4[%mul3A_2] : memref<256xi32, #tpu.memory_space<hbm>> -> memref<8xi32, #tpu.memory_space<hbm>>
      tpu.wait_dma2 semaphore(%run_scoped3A : memref<!tpu.dma_semaphore, #tpu.memory_space<semaphore_mem>>) src(%dma_wait3A_12 : memref<8xi32, #tpu.memory_space<hbm>>) dst(%arg7 : memref<8xi32, #tpu.memory_space<vmem>>)
      tpu.yield
    }) : () -> ()
    %dma_start3A = arith.constant 0 : i32
    %dma_start3A_3 = tpu.memref_slice %arg2[%dma_start3A] : memref<1000xf32, #tpu.memory_space<hbm>> -> memref<1000xf32, #tpu.memory_space<hbm>>
    tpu.enqueue_indirect_dma source(%dma_start3A_3 : memref<1000xf32, #tpu.memory_space<hbm>>) target(%arg8 : memref<8xf32, #tpu.memory_space<vmem>>) offsets(%arg7 : memref<8xi32, #tpu.memory_space<vmem>>) semaphore(%arg10 : memref<!tpu.dma_semaphore, #tpu.memory_space<semaphore_mem>>)
    %dma_start3A_4 = arith.constant 0 : i32
    %dma_start3A_5 = tpu.memref_slice %arg3[%dma_start3A_4] : memref<1000xf32, #tpu.memory_space<hbm>> -> memref<1000xf32, #tpu.memory_space<hbm>>
    tpu.enqueue_indirect_dma source(%dma_start3A_5 : memref<1000xf32, #tpu.memory_space<hbm>>) target(%arg9 : memref<8xf32, #tpu.memory_space<vmem>>) offsets(%arg7 : memref<8xi32, #tpu.memory_space<vmem>>) semaphore(%arg10 : memref<!tpu.dma_semaphore, #tpu.memory_space<semaphore_mem>>)
    %dma_wait3A = arith.constant 0 : i32
    %dma_wait3A_6 = tpu.memref_slice %arg2[%dma_wait3A] : memref<1000xf32, #tpu.memory_space<hbm>> -> memref<1000xf32, #tpu.memory_space<hbm>>
    tpu.wait_indirect_dma semaphore(%arg10 : memref<!tpu.dma_semaphore, #tpu.memory_space<semaphore_mem>>) src(%dma_wait3A_6 : memref<1000xf32, #tpu.memory_space<hbm>>) dst(%arg8 : memref<8xf32, #tpu.memory_space<vmem>>)
    %dma_wait3A_7 = arith.constant 0 : i32
    %dma_wait3A_8 = tpu.memref_slice %arg3[%dma_wait3A_7] : memref<1000xf32, #tpu.memory_space<hbm>> -> memref<1000xf32, #tpu.memory_space<hbm>>
    tpu.wait_indirect_dma semaphore(%arg10 : memref<!tpu.dma_semaphore, #tpu.memory_space<semaphore_mem>>) src(%dma_wait3A_8 : memref<1000xf32, #tpu.memory_space<hbm>>) dst(%arg9 : memref<8xf32, #tpu.memory_space<vmem>>)
    "tpu.region"() ({
      %run_scoped3A = tpu.sem_alloc : memref<!tpu.dma_semaphore, #tpu.memory_space<semaphore_mem>>
      %dma_start3A_9 = tpu.memref_slice %arg5[%mul3A_2] : memref<256xf32, #tpu.memory_space<hbm>> -> memref<8xf32, #tpu.memory_space<hbm>>
      %dma_start3A_10 = tpu.memref_slice %arg5[%mul3A_2] : memref<256xf32, #tpu.memory_space<hbm>> -> memref<8xf32, #tpu.memory_space<hbm>>
      tpu.enqueue_dma source(%arg8 : memref<8xf32, #tpu.memory_space<vmem>>) target(%dma_start3A_10 : memref<8xf32, #tpu.memory_space<hbm>>) target_semaphore(%run_scoped3A : memref<!tpu.dma_semaphore, #tpu.memory_space<semaphore_mem>>)
      %dma_wait3A_11 = tpu.memref_slice %arg5[%mul3A_2] : memref<256xf32, #tpu.memory_space<hbm>> -> memref<8xf32, #tpu.memory_space<hbm>>
      %dma_wait3A_12 = tpu.memref_slice %arg5[%mul3A_2] : memref<256xf32, #tpu.memory_space<hbm>> -> memref<8xf32, #tpu.memory_space<hbm>>
      tpu.wait_dma2 semaphore(%run_scoped3A : memref<!tpu.dma_semaphore, #tpu.memory_space<semaphore_mem>>) src(%arg8 : memref<8xf32, #tpu.memory_space<vmem>>) dst(%dma_wait3A_12 : memref<8xf32, #tpu.memory_space<hbm>>)
      tpu.yield
    }) : () -> ()
    "tpu.region"() ({
      %run_scoped3A = tpu.sem_alloc : memref<!tpu.dma_semaphore, #tpu.memory_space<semaphore_mem>>
      %dma_start3A_9 = tpu.memref_slice %arg6[%mul3A_2] : memref<256xf32, #tpu.memory_space<hbm>> -> memref<8xf32, #tpu.memory_space<hbm>>
      %dma_start3A_10 = tpu.memref_slice %arg6[%mul3A_2] : memref<256xf32, #tpu.memory_space<hbm>> -> memref<8xf32, #tpu.memory_space<hbm>>
      tpu.enqueue_dma source(%arg9 : memref<8xf32, #tpu.memory_space<vmem>>) target(%dma_start3A_10 : memref<8xf32, #tpu.memory_space<hbm>>) target_semaphore(%run_scoped3A : memref<!tpu.dma_semaphore, #tpu.memory_space<semaphore_mem>>)
      %dma_wait3A_11 = tpu.memref_slice %arg6[%mul3A_2] : memref<256xf32, #tpu.memory_space<hbm>> -> memref<8xf32, #tpu.memory_space<hbm>>
      %dma_wait3A_12 = tpu.memref_slice %arg6[%mul3A_2] : memref<256xf32, #tpu.memory_space<hbm>> -> memref<8xf32, #tpu.memory_space<hbm>>
      tpu.wait_dma2 semaphore(%run_scoped3A : memref<!tpu.dma_semaphore, #tpu.memory_space<semaphore_mem>>) src(%arg9 : memref<8xf32, #tpu.memory_space<vmem>>) dst(%dma_wait3A_12 : memref<8xf32, #tpu.memory_space<hbm>>)
      tpu.yield
    }) : () -> ()
    return
  }
}

module attributes {stable_mosaic.version = 14 : i64} {
  func.func @_fma_body(%arg0: memref<256x1xf32, #tpu.memory_space<vmem>>, %arg1: memref<256x1xf32, #tpu.memory_space<vmem>>, %arg2: memref<256x16384xf32, #tpu.memory_space<any>>, %arg3: memref<256x16384xf32, #tpu.memory_space<any>>, %arg4: memref<256x16384xf32, #tpu.memory_space<any>>, %arg5: memref<4x8x16384xf32, #tpu.memory_space<vmem>>, %arg6: memref<4x8x16384xf32, #tpu.memory_space<vmem>>, %arg7: memref<4x8x16384xf32, #tpu.memory_space<vmem>>, %arg8: memref<4x!tpu.dma_semaphore, #tpu.memory_space<semaphore_mem>>, %arg9: memref<4x!tpu.dma_semaphore, #tpu.memory_space<semaphore_mem>>, %arg10: memref<4x!tpu.dma_semaphore, #tpu.memory_space<semaphore_mem>>) attributes {dimension_semantics = [], scalar_prefetch = 0 : i64, scratch_operands = 6 : i64, tpu.core_type = #tpu.core_type<tc>} {
    %dma_start3A = arith.constant 0 : i32
    %dma_start3A_0 = arith.constant 0 : i32
    %dma_start3A_1 = tpu.memref_slice %arg8[%dma_start3A_0] : memref<4x!tpu.dma_semaphore, #tpu.memory_space<semaphore_mem>> -> memref<1x!tpu.dma_semaphore, #tpu.memory_space<semaphore_mem>>
    %dma_start3A_2 = tpu.memref_squeeze %dma_start3A_1 : memref<1x!tpu.dma_semaphore, #tpu.memory_space<semaphore_mem>> -> memref<!tpu.dma_semaphore, #tpu.memory_space<semaphore_mem>>
    %dma_start3A_3 = arith.constant 0 : i32
    %dma_start3A_4 = arith.constant 0 : i32
    %dma_start3A_5 = tpu.memref_slice %arg5[%dma_start3A, %dma_start3A_3, %dma_start3A_4] : memref<4x8x16384xf32, #tpu.memory_space<vmem>> -> memref<1x8x16384xf32, #tpu.memory_space<vmem>>
    %dma_start3A_6 = tpu.memref_squeeze %dma_start3A_5 : memref<1x8x16384xf32, #tpu.memory_space<vmem>> -> memref<8x16384xf32, #tpu.memory_space<vmem>>
    %dma_start3A_7 = arith.constant 0 : i32
    %dma_start3A_8 = arith.constant 0 : i32
    %dma_start3A_9 = tpu.memref_slice %arg2[%dma_start3A_7, %dma_start3A_8] : memref<256x16384xf32, #tpu.memory_space<any>> -> memref<8x16384xf32, #tpu.memory_space<any>>
    tpu.enqueue_dma source(%dma_start3A_9 : memref<8x16384xf32, #tpu.memory_space<any>>) target(%dma_start3A_6 : memref<8x16384xf32, #tpu.memory_space<vmem>>) target_semaphore(%dma_start3A_2 : memref<!tpu.dma_semaphore, #tpu.memory_space<semaphore_mem>>)
    %dma_start3A_10 = arith.constant 0 : i32
    %dma_start3A_11 = arith.constant 0 : i32
    %dma_start3A_12 = tpu.memref_slice %arg9[%dma_start3A_11] : memref<4x!tpu.dma_semaphore, #tpu.memory_space<semaphore_mem>> -> memref<1x!tpu.dma_semaphore, #tpu.memory_space<semaphore_mem>>
    %dma_start3A_13 = tpu.memref_squeeze %dma_start3A_12 : memref<1x!tpu.dma_semaphore, #tpu.memory_space<semaphore_mem>> -> memref<!tpu.dma_semaphore, #tpu.memory_space<semaphore_mem>>
    %dma_start3A_14 = arith.constant 0 : i32
    %dma_start3A_15 = arith.constant 0 : i32
    %dma_start3A_16 = tpu.memref_slice %arg6[%dma_start3A_10, %dma_start3A_14, %dma_start3A_15] : memref<4x8x16384xf32, #tpu.memory_space<vmem>> -> memref<1x8x16384xf32, #tpu.memory_space<vmem>>
    %dma_start3A_17 = tpu.memref_squeeze %dma_start3A_16 : memref<1x8x16384xf32, #tpu.memory_space<vmem>> -> memref<8x16384xf32, #tpu.memory_space<vmem>>
    %dma_start3A_18 = arith.constant 0 : i32
    %dma_start3A_19 = arith.constant 0 : i32
    %dma_start3A_20 = tpu.memref_slice %arg3[%dma_start3A_18, %dma_start3A_19] : memref<256x16384xf32, #tpu.memory_space<any>> -> memref<8x16384xf32, #tpu.memory_space<any>>
    tpu.enqueue_dma source(%dma_start3A_20 : memref<8x16384xf32, #tpu.memory_space<any>>) target(%dma_start3A_17 : memref<8x16384xf32, #tpu.memory_space<vmem>>) target_semaphore(%dma_start3A_13 : memref<!tpu.dma_semaphore, #tpu.memory_space<semaphore_mem>>)
    %dma_start3A_21 = arith.constant 1 : i32
    %dma_start3A_22 = arith.constant 1 : i32
    %dma_start3A_23 = tpu.memref_slice %arg8[%dma_start3A_22] : memref<4x!tpu.dma_semaphore, #tpu.memory_space<semaphore_mem>> -> memref<1x!tpu.dma_semaphore, #tpu.memory_space<semaphore_mem>>
    %dma_start3A_24 = tpu.memref_squeeze %dma_start3A_23 : memref<1x!tpu.dma_semaphore, #tpu.memory_space<semaphore_mem>> -> memref<!tpu.dma_semaphore, #tpu.memory_space<semaphore_mem>>
    %dma_start3A_25 = arith.constant 0 : i32
    %dma_start3A_26 = arith.constant 0 : i32
    %dma_start3A_27 = tpu.memref_slice %arg5[%dma_start3A_21, %dma_start3A_25, %dma_start3A_26] : memref<4x8x16384xf32, #tpu.memory_space<vmem>> -> memref<1x8x16384xf32, #tpu.memory_space<vmem>>
    %dma_start3A_28 = tpu.memref_squeeze %dma_start3A_27 : memref<1x8x16384xf32, #tpu.memory_space<vmem>> -> memref<8x16384xf32, #tpu.memory_space<vmem>>
    %dma_start3A_29 = arith.constant 8 : i32
    %dma_start3A_30 = arith.constant 0 : i32
    %dma_start3A_31 = tpu.memref_slice %arg2[%dma_start3A_29, %dma_start3A_30] : memref<256x16384xf32, #tpu.memory_space<any>> -> memref<8x16384xf32, #tpu.memory_space<any>>
    tpu.enqueue_dma source(%dma_start3A_31 : memref<8x16384xf32, #tpu.memory_space<any>>) target(%dma_start3A_28 : memref<8x16384xf32, #tpu.memory_space<vmem>>) target_semaphore(%dma_start3A_24 : memref<!tpu.dma_semaphore, #tpu.memory_space<semaphore_mem>>)
    %dma_start3A_32 = arith.constant 1 : i32
    %dma_start3A_33 = arith.constant 1 : i32
    %dma_start3A_34 = tpu.memref_slice %arg9[%dma_start3A_33] : memref<4x!tpu.dma_semaphore, #tpu.memory_space<semaphore_mem>> -> memref<1x!tpu.dma_semaphore, #tpu.memory_space<semaphore_mem>>
    %dma_start3A_35 = tpu.memref_squeeze %dma_start3A_34 : memref<1x!tpu.dma_semaphore, #tpu.memory_space<semaphore_mem>> -> memref<!tpu.dma_semaphore, #tpu.memory_space<semaphore_mem>>
    %dma_start3A_36 = arith.constant 0 : i32
    %dma_start3A_37 = arith.constant 0 : i32
    %dma_start3A_38 = tpu.memref_slice %arg6[%dma_start3A_32, %dma_start3A_36, %dma_start3A_37] : memref<4x8x16384xf32, #tpu.memory_space<vmem>> -> memref<1x8x16384xf32, #tpu.memory_space<vmem>>
    %dma_start3A_39 = tpu.memref_squeeze %dma_start3A_38 : memref<1x8x16384xf32, #tpu.memory_space<vmem>> -> memref<8x16384xf32, #tpu.memory_space<vmem>>
    %dma_start3A_40 = arith.constant 8 : i32
    %dma_start3A_41 = arith.constant 0 : i32
    %dma_start3A_42 = tpu.memref_slice %arg3[%dma_start3A_40, %dma_start3A_41] : memref<256x16384xf32, #tpu.memory_space<any>> -> memref<8x16384xf32, #tpu.memory_space<any>>
    tpu.enqueue_dma source(%dma_start3A_42 : memref<8x16384xf32, #tpu.memory_space<any>>) target(%dma_start3A_39 : memref<8x16384xf32, #tpu.memory_space<vmem>>) target_semaphore(%dma_start3A_35 : memref<!tpu.dma_semaphore, #tpu.memory_space<semaphore_mem>>)
    %dma_start3A_43 = arith.constant 2 : i32
    %dma_start3A_44 = arith.constant 2 : i32
    %dma_start3A_45 = tpu.memref_slice %arg8[%dma_start3A_44] : memref<4x!tpu.dma_semaphore, #tpu.memory_space<semaphore_mem>> -> memref<1x!tpu.dma_semaphore, #tpu.memory_space<semaphore_mem>>
    %dma_start3A_46 = tpu.memref_squeeze %dma_start3A_45 : memref<1x!tpu.dma_semaphore, #tpu.memory_space<semaphore_mem>> -> memref<!tpu.dma_semaphore, #tpu.memory_space<semaphore_mem>>
    %dma_start3A_47 = arith.constant 0 : i32
    %dma_start3A_48 = arith.constant 0 : i32
    %dma_start3A_49 = tpu.memref_slice %arg5[%dma_start3A_43, %dma_start3A_47, %dma_start3A_48] : memref<4x8x16384xf32, #tpu.memory_space<vmem>> -> memref<1x8x16384xf32, #tpu.memory_space<vmem>>
    %dma_start3A_50 = tpu.memref_squeeze %dma_start3A_49 : memref<1x8x16384xf32, #tpu.memory_space<vmem>> -> memref<8x16384xf32, #tpu.memory_space<vmem>>
    %dma_start3A_51 = arith.constant 16 : i32
    %dma_start3A_52 = arith.constant 0 : i32
    %dma_start3A_53 = tpu.memref_slice %arg2[%dma_start3A_51, %dma_start3A_52] : memref<256x16384xf32, #tpu.memory_space<any>> -> memref<8x16384xf32, #tpu.memory_space<any>>
    tpu.enqueue_dma source(%dma_start3A_53 : memref<8x16384xf32, #tpu.memory_space<any>>) target(%dma_start3A_50 : memref<8x16384xf32, #tpu.memory_space<vmem>>) target_semaphore(%dma_start3A_46 : memref<!tpu.dma_semaphore, #tpu.memory_space<semaphore_mem>>)
    %dma_start3A_54 = arith.constant 2 : i32
    %dma_start3A_55 = arith.constant 2 : i32
    %dma_start3A_56 = tpu.memref_slice %arg9[%dma_start3A_55] : memref<4x!tpu.dma_semaphore, #tpu.memory_space<semaphore_mem>> -> memref<1x!tpu.dma_semaphore, #tpu.memory_space<semaphore_mem>>
    %dma_start3A_57 = tpu.memref_squeeze %dma_start3A_56 : memref<1x!tpu.dma_semaphore, #tpu.memory_space<semaphore_mem>> -> memref<!tpu.dma_semaphore, #tpu.memory_space<semaphore_mem>>
    %dma_start3A_58 = arith.constant 0 : i32
    %dma_start3A_59 = arith.constant 0 : i32
    %dma_start3A_60 = tpu.memref_slice %arg6[%dma_start3A_54, %dma_start3A_58, %dma_start3A_59] : memref<4x8x16384xf32, #tpu.memory_space<vmem>> -> memref<1x8x16384xf32, #tpu.memory_space<vmem>>
    %dma_start3A_61 = tpu.memref_squeeze %dma_start3A_60 : memref<1x8x16384xf32, #tpu.memory_space<vmem>> -> memref<8x16384xf32, #tpu.memory_space<vmem>>
    %dma_start3A_62 = arith.constant 16 : i32
    %dma_start3A_63 = arith.constant 0 : i32
    %dma_start3A_64 = tpu.memref_slice %arg3[%dma_start3A_62, %dma_start3A_63] : memref<256x16384xf32, #tpu.memory_space<any>> -> memref<8x16384xf32, #tpu.memory_space<any>>
    tpu.enqueue_dma source(%dma_start3A_64 : memref<8x16384xf32, #tpu.memory_space<any>>) target(%dma_start3A_61 : memref<8x16384xf32, #tpu.memory_space<vmem>>) target_semaphore(%dma_start3A_57 : memref<!tpu.dma_semaphore, #tpu.memory_space<semaphore_mem>>)
    %dma_start3A_65 = arith.constant 3 : i32
    %dma_start3A_66 = arith.constant 3 : i32
    %dma_start3A_67 = tpu.memref_slice %arg8[%dma_start3A_66] : memref<4x!tpu.dma_semaphore, #tpu.memory_space<semaphore_mem>> -> memref<1x!tpu.dma_semaphore, #tpu.memory_space<semaphore_mem>>
    %dma_start3A_68 = tpu.memref_squeeze %dma_start3A_67 : memref<1x!tpu.dma_semaphore, #tpu.memory_space<semaphore_mem>> -> memref<!tpu.dma_semaphore, #tpu.memory_space<semaphore_mem>>
    %dma_start3A_69 = arith.constant 0 : i32
    %dma_start3A_70 = arith.constant 0 : i32
    %dma_start3A_71 = tpu.memref_slice %arg5[%dma_start3A_65, %dma_start3A_69, %dma_start3A_70] : memref<4x8x16384xf32, #tpu.memory_space<vmem>> -> memref<1x8x16384xf32, #tpu.memory_space<vmem>>
    %dma_start3A_72 = tpu.memref_squeeze %dma_start3A_71 : memref<1x8x16384xf32, #tpu.memory_space<vmem>> -> memref<8x16384xf32, #tpu.memory_space<vmem>>
    %dma_start3A_73 = arith.constant 24 : i32
    %dma_start3A_74 = arith.constant 0 : i32
    %dma_start3A_75 = tpu.memref_slice %arg2[%dma_start3A_73, %dma_start3A_74] : memref<256x16384xf32, #tpu.memory_space<any>> -> memref<8x16384xf32, #tpu.memory_space<any>>
    tpu.enqueue_dma source(%dma_start3A_75 : memref<8x16384xf32, #tpu.memory_space<any>>) target(%dma_start3A_72 : memref<8x16384xf32, #tpu.memory_space<vmem>>) target_semaphore(%dma_start3A_68 : memref<!tpu.dma_semaphore, #tpu.memory_space<semaphore_mem>>)
    %dma_start3A_76 = arith.constant 3 : i32
    %dma_start3A_77 = arith.constant 3 : i32
    %dma_start3A_78 = tpu.memref_slice %arg9[%dma_start3A_77] : memref<4x!tpu.dma_semaphore, #tpu.memory_space<semaphore_mem>> -> memref<1x!tpu.dma_semaphore, #tpu.memory_space<semaphore_mem>>
    %dma_start3A_79 = tpu.memref_squeeze %dma_start3A_78 : memref<1x!tpu.dma_semaphore, #tpu.memory_space<semaphore_mem>> -> memref<!tpu.dma_semaphore, #tpu.memory_space<semaphore_mem>>
    %dma_start3A_80 = arith.constant 0 : i32
    %dma_start3A_81 = arith.constant 0 : i32
    %dma_start3A_82 = tpu.memref_slice %arg6[%dma_start3A_76, %dma_start3A_80, %dma_start3A_81] : memref<4x8x16384xf32, #tpu.memory_space<vmem>> -> memref<1x8x16384xf32, #tpu.memory_space<vmem>>
    %dma_start3A_83 = tpu.memref_squeeze %dma_start3A_82 : memref<1x8x16384xf32, #tpu.memory_space<vmem>> -> memref<8x16384xf32, #tpu.memory_space<vmem>>
    %dma_start3A_84 = arith.constant 24 : i32
    %dma_start3A_85 = arith.constant 0 : i32
    %dma_start3A_86 = tpu.memref_slice %arg3[%dma_start3A_84, %dma_start3A_85] : memref<256x16384xf32, #tpu.memory_space<any>> -> memref<8x16384xf32, #tpu.memory_space<any>>
    tpu.enqueue_dma source(%dma_start3A_86 : memref<8x16384xf32, #tpu.memory_space<any>>) target(%dma_start3A_83 : memref<8x16384xf32, #tpu.memory_space<vmem>>) target_semaphore(%dma_start3A_79 : memref<!tpu.dma_semaphore, #tpu.memory_space<semaphore_mem>>)
    %dma_wait3A = arith.constant 0 : i32
    %dma_wait3A_87 = arith.constant 0 : i32
    %dma_wait3A_88 = tpu.memref_slice %arg8[%dma_wait3A_87] : memref<4x!tpu.dma_semaphore, #tpu.memory_space<semaphore_mem>> -> memref<1x!tpu.dma_semaphore, #tpu.memory_space<semaphore_mem>>
    %dma_wait3A_89 = tpu.memref_squeeze %dma_wait3A_88 : memref<1x!tpu.dma_semaphore, #tpu.memory_space<semaphore_mem>> -> memref<!tpu.dma_semaphore, #tpu.memory_space<semaphore_mem>>
    %dma_wait3A_90 = arith.constant 0 : i32
    %dma_wait3A_91 = arith.constant 0 : i32
    %dma_wait3A_92 = tpu.memref_slice %arg5[%dma_wait3A, %dma_wait3A_90, %dma_wait3A_91] : memref<4x8x16384xf32, #tpu.memory_space<vmem>> -> memref<1x8x16384xf32, #tpu.memory_space<vmem>>
    %dma_wait3A_93 = tpu.memref_squeeze %dma_wait3A_92 : memref<1x8x16384xf32, #tpu.memory_space<vmem>> -> memref<8x16384xf32, #tpu.memory_space<vmem>>
    %dma_wait3A_94 = arith.constant 0 : i32
    %dma_wait3A_95 = arith.constant 0 : i32
    %dma_wait3A_96 = tpu.memref_slice %arg2[%dma_wait3A_94, %dma_wait3A_95] : memref<256x16384xf32, #tpu.memory_space<any>> -> memref<8x16384xf32, #tpu.memory_space<any>>
    tpu.wait_dma2 semaphore(%dma_wait3A_89 : memref<!tpu.dma_semaphore, #tpu.memory_space<semaphore_mem>>) src(%dma_wait3A_96 : memref<8x16384xf32, #tpu.memory_space<any>>) dst(%dma_wait3A_93 : memref<8x16384xf32, #tpu.memory_space<vmem>>)
    %dma_wait3A_97 = arith.constant 0 : i32
    %dma_wait3A_98 = arith.constant 0 : i32
    %dma_wait3A_99 = tpu.memref_slice %arg9[%dma_wait3A_98] : memref<4x!tpu.dma_semaphore, #tpu.memory_space<semaphore_mem>> -> memref<1x!tpu.dma_semaphore, #tpu.memory_space<semaphore_mem>>
    %dma_wait3A_100 = tpu.memref_squeeze %dma_wait3A_99 : memref<1x!tpu.dma_semaphore, #tpu.memory_space<semaphore_mem>> -> memref<!tpu.dma_semaphore, #tpu.memory_space<semaphore_mem>>
    %dma_wait3A_101 = arith.constant 0 : i32
    %dma_wait3A_102 = arith.constant 0 : i32
    %dma_wait3A_103 = tpu.memref_slice %arg6[%dma_wait3A_97, %dma_wait3A_101, %dma_wait3A_102] : memref<4x8x16384xf32, #tpu.memory_space<vmem>> -> memref<1x8x16384xf32, #tpu.memory_space<vmem>>
    %dma_wait3A_104 = tpu.memref_squeeze %dma_wait3A_103 : memref<1x8x16384xf32, #tpu.memory_space<vmem>> -> memref<8x16384xf32, #tpu.memory_space<vmem>>
    %dma_wait3A_105 = arith.constant 0 : i32
    %dma_wait3A_106 = arith.constant 0 : i32
    %dma_wait3A_107 = tpu.memref_slice %arg3[%dma_wait3A_105, %dma_wait3A_106] : memref<256x16384xf32, #tpu.memory_space<any>> -> memref<8x16384xf32, #tpu.memory_space<any>>
    tpu.wait_dma2 semaphore(%dma_wait3A_100 : memref<!tpu.dma_semaphore, #tpu.memory_space<semaphore_mem>>) src(%dma_wait3A_107 : memref<8x16384xf32, #tpu.memory_space<any>>) dst(%dma_wait3A_104 : memref<8x16384xf32, #tpu.memory_space<vmem>>)
    %get3A = arith.constant 0 : index
    %get3A_108 = arith.constant 0 : index
    %get3A_109 = vector.load %arg0[%get3A, %get3A_108] : memref<256x1xf32, #tpu.memory_space<vmem>>, vector<8x1xf32>
    %get3A_110 = arith.constant 0 : index
    %get3A_111 = arith.constant 0 : index
    %get3A_112 = vector.load %arg1[%get3A_110, %get3A_111] : memref<256x1xf32, #tpu.memory_space<vmem>>, vector<8x1xf32>
    %get3A_113 = arith.constant 0 : index
    %get3A_114 = arith.constant 0 : index
    %get3A_115 = arith.constant 0 : index
    %get3A_116 = vector.load %arg5[%get3A_113, %get3A_114, %get3A_115] : memref<4x8x16384xf32, #tpu.memory_space<vmem>>, vector<1x8x16384xf32>
    %get3A_117 = vector.shape_cast %get3A_116 : vector<1x8x16384xf32> to vector<8x16384xf32>
    %mul3A = vector.broadcast %get3A_109 : vector<8x1xf32> to vector<8x16384xf32>
    %mul3A_118 = arith.mulf %mul3A, %get3A_117 : vector<8x16384xf32>
    %get3A_119 = arith.constant 0 : index
    %get3A_120 = arith.constant 0 : index
    %get3A_121 = arith.constant 0 : index
    %get3A_122 = vector.load %arg6[%get3A_119, %get3A_120, %get3A_121] : memref<4x8x16384xf32, #tpu.memory_space<vmem>>, vector<1x8x16384xf32>
    %get3A_123 = vector.shape_cast %get3A_122 : vector<1x8x16384xf32> to vector<8x16384xf32>
    %mul3A_124 = vector.broadcast %get3A_112 : vector<8x1xf32> to vector<8x16384xf32>
    %mul3A_125 = arith.mulf %mul3A_124, %get3A_123 : vector<8x16384xf32>
    %add3A = arith.addf %mul3A_118, %mul3A_125 : vector<8x16384xf32>
    %swap3A = arith.constant 0 : index
    %swap3A_126 = arith.constant 0 : index
    %swap3A_127 = arith.constant 0 : index
    %swap3A_128 = vector.load %arg7[%swap3A, %swap3A_126, %swap3A_127] : memref<4x8x16384xf32, #tpu.memory_space<vmem>>, vector<1x8x16384xf32>
    %swap3A_129 = vector.shape_cast %swap3A_128 : vector<1x8x16384xf32> to vector<8x16384xf32>
    %swap3A_130 = vector.shape_cast %add3A : vector<8x16384xf32> to vector<1x8x16384xf32>
    tpu.vector_store %arg7[%swap3A, %swap3A_126, %swap3A_127], %swap3A_130 {strides = array<i32>} : memref<4x8x16384xf32, #tpu.memory_space<vmem>>, vector<1x8x16384xf32>,
    %dma_start3A_131 = arith.constant 0 : i32
    %dma_start3A_132 = arith.constant 0 : i32
    %dma_start3A_133 = tpu.memref_slice %arg10[%dma_start3A_132] : memref<4x!tpu.dma_semaphore, #tpu.memory_space<semaphore_mem>> -> memref<1x!tpu.dma_semaphore, #tpu.memory_space<semaphore_mem>>
    %dma_start3A_134 = tpu.memref_squeeze %dma_start3A_133 : memref<1x!tpu.dma_semaphore, #tpu.memory_space<semaphore_mem>> -> memref<!tpu.dma_semaphore, #tpu.memory_space<semaphore_mem>>
    %dma_start3A_135 = arith.constant 0 : i32
    %dma_start3A_136 = arith.constant 0 : i32
    %dma_start3A_137 = tpu.memref_slice %arg4[%dma_start3A_135, %dma_start3A_136] : memref<256x16384xf32, #tpu.memory_space<any>> -> memref<8x16384xf32, #tpu.memory_space<any>>
    %dma_start3A_138 = arith.constant 0 : i32
    %dma_start3A_139 = arith.constant 0 : i32
    %dma_start3A_140 = tpu.memref_slice %arg7[%dma_start3A_131, %dma_start3A_138, %dma_start3A_139] : memref<4x8x16384xf32, #tpu.memory_space<vmem>> -> memref<1x8x16384xf32, #tpu.memory_space<vmem>>
    %dma_start3A_141 = tpu.memref_squeeze %dma_start3A_140 : memref<1x8x16384xf32, #tpu.memory_space<vmem>> -> memref<8x16384xf32, #tpu.memory_space<vmem>>
    tpu.enqueue_dma source(%dma_start3A_141 : memref<8x16384xf32, #tpu.memory_space<vmem>>) target(%dma_start3A_137 : memref<8x16384xf32, #tpu.memory_space<any>>) target_semaphore(%dma_start3A_134 : memref<!tpu.dma_semaphore, #tpu.memory_space<semaphore_mem>>)
    %dma_start3A_142 = arith.constant 0 : i32
    %dma_start3A_143 = arith.constant 0 : i32
    %dma_start3A_144 = tpu.memref_slice %arg8[%dma_start3A_143] : memref<4x!tpu.dma_semaphore, #tpu.memory_space<semaphore_mem>> -> memref<1x!tpu.dma_semaphore, #tpu.memory_space<semaphore_mem>>
    %dma_start3A_145 = tpu.memref_squeeze %dma_start3A_144 : memref<1x!tpu.dma_semaphore, #tpu.memory_space<semaphore_mem>> -> memref<!tpu.dma_semaphore, #tpu.memory_space<semaphore_mem>>
    %dma_start3A_146 = arith.constant 0 : i32
    %dma_start3A_147 = arith.constant 0 : i32
    %dma_start3A_148 = tpu.memref_slice %arg5[%dma_start3A_142, %dma_start3A_146, %dma_start3A_147] : memref<4x8x16384xf32, #tpu.memory_space<vmem>> -> memref<1x8x16384xf32, #tpu.memory_space<vmem>>
    %dma_start3A_149 = tpu.memref_squeeze %dma_start3A_148 : memref<1x8x16384xf32, #tpu.memory_space<vmem>> -> memref<8x16384xf32, #tpu.memory_space<vmem>>
    %dma_start3A_150 = arith.constant 32 : i32
    %dma_start3A_151 = arith.constant 0 : i32
    %dma_start3A_152 = tpu.memref_slice %arg2[%dma_start3A_150, %dma_start3A_151] : memref<256x16384xf32, #tpu.memory_space<any>> -> memref<8x16384xf32, #tpu.memory_space<any>>
    tpu.enqueue_dma source(%dma_start3A_152 : memref<8x16384xf32, #tpu.memory_space<any>>) target(%dma_start3A_149 : memref<8x16384xf32, #tpu.memory_space<vmem>>) target_semaphore(%dma_start3A_145 : memref<!tpu.dma_semaphore, #tpu.memory_space<semaphore_mem>>)
    %dma_start3A_153 = arith.constant 0 : i32
    %dma_start3A_154 = arith.constant 0 : i32
    %dma_start3A_155 = tpu.memref_slice %arg9[%dma_start3A_154] : memref<4x!tpu.dma_semaphore, #tpu.memory_space<semaphore_mem>> -> memref<1x!tpu.dma_semaphore, #tpu.memory_space<semaphore_mem>>
    %dma_start3A_156 = tpu.memref_squeeze %dma_start3A_155 : memref<1x!tpu.dma_semaphore, #tpu.memory_space<semaphore_mem>> -> memref<!tpu.dma_semaphore, #tpu.memory_space<semaphore_mem>>
    %dma_start3A_157 = arith.constant 0 : i32
    %dma_start3A_158 = arith.constant 0 : i32
    %dma_start3A_159 = tpu.memref_slice %arg6[%dma_start3A_153, %dma_start3A_157, %dma_start3A_158] : memref<4x8x16384xf32, #tpu.memory_space<vmem>> -> memref<1x8x16384xf32, #tpu.memory_space<vmem>>
    %dma_start3A_160 = tpu.memref_squeeze %dma_start3A_159 : memref<1x8x16384xf32, #tpu.memory_space<vmem>> -> memref<8x16384xf32, #tpu.memory_space<vmem>>
    %dma_start3A_161 = arith.constant 32 : i32
    %dma_start3A_162 = arith.constant 0 : i32
    %dma_start3A_163 = tpu.memref_slice %arg3[%dma_start3A_161, %dma_start3A_162] : memref<256x16384xf32, #tpu.memory_space<any>> -> memref<8x16384xf32, #tpu.memory_space<any>>
    tpu.enqueue_dma source(%dma_start3A_163 : memref<8x16384xf32, #tpu.memory_space<any>>) target(%dma_start3A_160 : memref<8x16384xf32, #tpu.memory_space<vmem>>) target_semaphore(%dma_start3A_156 : memref<!tpu.dma_semaphore, #tpu.memory_space<semaphore_mem>>)
    %dma_wait3A_164 = arith.constant 1 : i32
    %dma_wait3A_165 = arith.constant 1 : i32
    %dma_wait3A_166 = tpu.memref_slice %arg8[%dma_wait3A_165] : memref<4x!tpu.dma_semaphore, #tpu.memory_space<semaphore_mem>> -> memref<1x!tpu.dma_semaphore, #tpu.memory_space<semaphore_mem>>
    %dma_wait3A_167 = tpu.memref_squeeze %dma_wait3A_166 : memref<1x!tpu.dma_semaphore, #tpu.memory_space<semaphore_mem>> -> memref<!tpu.dma_semaphore, #tpu.memory_space<semaphore_mem>>
    %dma_wait3A_168 = arith.constant 0 : i32
    %dma_wait3A_169 = arith.constant 0 : i32
    %dma_wait3A_170 = tpu.memref_slice %arg5[%dma_wait3A_164, %dma_wait3A_168, %dma_wait3A_169] : memref<4x8x16384xf32, #tpu.memory_space<vmem>> -> memref<1x8x16384xf32, #tpu.memory_space<vmem>>
    %dma_wait3A_171 = tpu.memref_squeeze %dma_wait3A_170 : memref<1x8x16384xf32, #tpu.memory_space<vmem>> -> memref<8x16384xf32, #tpu.memory_space<vmem>>
    %dma_wait3A_172 = arith.constant 8 : i32
    %dma_wait3A_173 = arith.constant 0 : i32
    %dma_wait3A_174 = tpu.memref_slice %arg2[%dma_wait3A_172, %dma_wait3A_173] : memref<256x16384xf32, #tpu.memory_space<any>> -> memref<8x16384xf32, #tpu.memory_space<any>>
    tpu.wait_dma2 semaphore(%dma_wait3A_167 : memref<!tpu.dma_semaphore, #tpu.memory_space<semaphore_mem>>) src(%dma_wait3A_174 : memref<8x16384xf32, #tpu.memory_space<any>>) dst(%dma_wait3A_171 : memref<8x16384xf32, #tpu.memory_space<vmem>>)
    %dma_wait3A_175 = arith.constant 1 : i32
    %dma_wait3A_176 = arith.constant 1 : i32
    %dma_wait3A_177 = tpu.memref_slice %arg9[%dma_wait3A_176] : memref<4x!tpu.dma_semaphore, #tpu.memory_space<semaphore_mem>> -> memref<1x!tpu.dma_semaphore, #tpu.memory_space<semaphore_mem>>
    %dma_wait3A_178 = tpu.memref_squeeze %dma_wait3A_177 : memref<1x!tpu.dma_semaphore, #tpu.memory_space<semaphore_mem>> -> memref<!tpu.dma_semaphore, #tpu.memory_space<semaphore_mem>>
    %dma_wait3A_179 = arith.constant 0 : i32
    %dma_wait3A_180 = arith.constant 0 : i32
    %dma_wait3A_181 = tpu.memref_slice %arg6[%dma_wait3A_175, %dma_wait3A_179, %dma_wait3A_180] : memref<4x8x16384xf32, #tpu.memory_space<vmem>> -> memref<1x8x16384xf32, #tpu.memory_space<vmem>>
    %dma_wait3A_182 = tpu.memref_squeeze %dma_wait3A_181 : memref<1x8x16384xf32, #tpu.memory_space<vmem>> -> memref<8x16384xf32, #tpu.memory_space<vmem>>
    %dma_wait3A_183 = arith.constant 8 : i32
    %dma_wait3A_184 = arith.constant 0 : i32
    %dma_wait3A_185 = tpu.memref_slice %arg3[%dma_wait3A_183, %dma_wait3A_184] : memref<256x16384xf32, #tpu.memory_space<any>> -> memref<8x16384xf32, #tpu.memory_space<any>>
    tpu.wait_dma2 semaphore(%dma_wait3A_178 : memref<!tpu.dma_semaphore, #tpu.memory_space<semaphore_mem>>) src(%dma_wait3A_185 : memref<8x16384xf32, #tpu.memory_space<any>>) dst(%dma_wait3A_182 : memref<8x16384xf32, #tpu.memory_space<vmem>>)
    %get3A_186 = arith.constant 8 : index
    %get3A_187 = arith.constant 0 : index
    %get3A_188 = vector.load %arg0[%get3A_186, %get3A_187] : memref<256x1xf32, #tpu.memory_space<vmem>>, vector<8x1xf32>
    %get3A_189 = arith.constant 8 : index
    %get3A_190 = arith.constant 0 : index
    %get3A_191 = vector.load %arg1[%get3A_189, %get3A_190] : memref<256x1xf32, #tpu.memory_space<vmem>>, vector<8x1xf32>
    %get3A_192 = arith.constant 1 : index
    %get3A_193 = arith.constant 0 : index
    %get3A_194 = arith.constant 0 : index
    %get3A_195 = vector.load %arg5[%get3A_192, %get3A_193, %get3A_194] : memref<4x8x16384xf32, #tpu.memory_space<vmem>>, vector<1x8x16384xf32>
    %get3A_196 = vector.shape_cast %get3A_195 : vector<1x8x16384xf32> to vector<8x16384xf32>
    %mul3A_197 = vector.broadcast %get3A_188 : vector<8x1xf32> to vector<8x16384xf32>
    %mul3A_198 = arith.mulf %mul3A_197, %get3A_196 : vector<8x16384xf32>
    %get3A_199 = arith.constant 1 : index
    %get3A_200 = arith.constant 0 : index
    %get3A_201 = arith.constant 0 : index
    %get3A_202 = vector.load %arg6[%get3A_199, %get3A_200, %get3A_201] : memref<4x8x16384xf32, #tpu.memory_space<vmem>>, vector<1x8x16384xf32>
    %get3A_203 = vector.shape_cast %get3A_202 : vector<1x8x16384xf32> to vector<8x16384xf32>
    %mul3A_204 = vector.broadcast %get3A_191 : vector<8x1xf32> to vector<8x16384xf32>
    %mul3A_205 = arith.mulf %mul3A_204, %get3A_203 : vector<8x16384xf32>
    %add3A_206 = arith.addf %mul3A_198, %mul3A_205 : vector<8x16384xf32>
    %swap3A_207 = arith.constant 1 : index
    %swap3A_208 = arith.constant 0 : index
    %swap3A_209 = arith.constant 0 : index
    %swap3A_210 = vector.load %arg7[%swap3A_207, %swap3A_208, %swap3A_209] : memref<4x8x16384xf32, #tpu.memory_space<vmem>>, vector<1x8x16384xf32>
    %swap3A_211 = vector.shape_cast %swap3A_210 : vector<1x8x16384xf32> to vector<8x16384xf32>
    %swap3A_212 = vector.shape_cast %add3A_206 : vector<8x16384xf32> to vector<1x8x16384xf32>
    tpu.vector_store %arg7[%swap3A_207, %swap3A_208, %swap3A_209], %swap3A_212 {strides = array<i32>} : memref<4x8x16384xf32, #tpu.memory_space<vmem>>, vector<1x8x16384xf32>,
    %dma_start3A_213 = arith.constant 1 : i32
    %dma_start3A_214 = arith.constant 1 : i32
    %dma_start3A_215 = tpu.memref_slice %arg10[%dma_start3A_214] : memref<4x!tpu.dma_semaphore, #tpu.memory_space<semaphore_mem>> -> memref<1x!tpu.dma_semaphore, #tpu.memory_space<semaphore_mem>>
    %dma_start3A_216 = tpu.memref_squeeze %dma_start3A_215 : memref<1x!tpu.dma_semaphore, #tpu.memory_space<semaphore_mem>> -> memref<!tpu.dma_semaphore, #tpu.memory_space<semaphore_mem>>
    %dma_start3A_217 = arith.constant 8 : i32
    %dma_start3A_218 = arith.constant 0 : i32
    %dma_start3A_219 = tpu.memref_slice %arg4[%dma_start3A_217, %dma_start3A_218] : memref<256x16384xf32, #tpu.memory_space<any>> -> memref<8x16384xf32, #tpu.memory_space<any>>
    %dma_start3A_220 = arith.constant 0 : i32
    %dma_start3A_221 = arith.constant 0 : i32
    %dma_start3A_222 = tpu.memref_slice %arg7[%dma_start3A_213, %dma_start3A_220, %dma_start3A_221] : memref<4x8x16384xf32, #tpu.memory_space<vmem>> -> memref<1x8x16384xf32, #tpu.memory_space<vmem>>
    %dma_start3A_223 = tpu.memref_squeeze %dma_start3A_222 : memref<1x8x16384xf32, #tpu.memory_space<vmem>> -> memref<8x16384xf32, #tpu.memory_space<vmem>>
    tpu.enqueue_dma source(%dma_start3A_223 : memref<8x16384xf32, #tpu.memory_space<vmem>>) target(%dma_start3A_219 : memref<8x16384xf32, #tpu.memory_space<any>>) target_semaphore(%dma_start3A_216 : memref<!tpu.dma_semaphore, #tpu.memory_space<semaphore_mem>>)
    %dma_start3A_224 = arith.constant 1 : i32
    %dma_start3A_225 = arith.constant 1 : i32
    %dma_start3A_226 = tpu.memref_slice %arg8[%dma_start3A_225] : memref<4x!tpu.dma_semaphore, #tpu.memory_space<semaphore_mem>> -> memref<1x!tpu.dma_semaphore, #tpu.memory_space<semaphore_mem>>
    %dma_start3A_227 = tpu.memref_squeeze %dma_start3A_226 : memref<1x!tpu.dma_semaphore, #tpu.memory_space<semaphore_mem>> -> memref<!tpu.dma_semaphore, #tpu.memory_space<semaphore_mem>>
    %dma_start3A_228 = arith.constant 0 : i32
    %dma_start3A_229 = arith.constant 0 : i32
    %dma_start3A_230 = tpu.memref_slice %arg5[%dma_start3A_224, %dma_start3A_228, %dma_start3A_229] : memref<4x8x16384xf32, #tpu.memory_space<vmem>> -> memref<1x8x16384xf32, #tpu.memory_space<vmem>>
    %dma_start3A_231 = tpu.memref_squeeze %dma_start3A_230 : memref<1x8x16384xf32, #tpu.memory_space<vmem>> -> memref<8x16384xf32, #tpu.memory_space<vmem>>
    %dma_start3A_232 = arith.constant 40 : i32
    %dma_start3A_233 = arith.constant 0 : i32
    %dma_start3A_234 = tpu.memref_slice %arg2[%dma_start3A_232, %dma_start3A_233] : memref<256x16384xf32, #tpu.memory_space<any>> -> memref<8x16384xf32, #tpu.memory_space<any>>
    tpu.enqueue_dma source(%dma_start3A_234 : memref<8x16384xf32, #tpu.memory_space<any>>) target(%dma_start3A_231 : memref<8x16384xf32, #tpu.memory_space<vmem>>) target_semaphore(%dma_start3A_227 : memref<!tpu.dma_semaphore, #tpu.memory_space<semaphore_mem>>)
    %dma_start3A_235 = arith.constant 1 : i32
    %dma_start3A_236 = arith.constant 1 : i32
    %dma_start3A_237 = tpu.memref_slice %arg9[%dma_start3A_236] : memref<4x!tpu.dma_semaphore, #tpu.memory_space<semaphore_mem>> -> memref<1x!tpu.dma_semaphore, #tpu.memory_space<semaphore_mem>>
    %dma_start3A_238 = tpu.memref_squeeze %dma_start3A_237 : memref<1x!tpu.dma_semaphore, #tpu.memory_space<semaphore_mem>> -> memref<!tpu.dma_semaphore, #tpu.memory_space<semaphore_mem>>
    %dma_start3A_239 = arith.constant 0 : i32
    %dma_start3A_240 = arith.constant 0 : i32
    %dma_start3A_241 = tpu.memref_slice %arg6[%dma_start3A_235, %dma_start3A_239, %dma_start3A_240] : memref<4x8x16384xf32, #tpu.memory_space<vmem>> -> memref<1x8x16384xf32, #tpu.memory_space<vmem>>
    %dma_start3A_242 = tpu.memref_squeeze %dma_start3A_241 : memref<1x8x16384xf32, #tpu.memory_space<vmem>> -> memref<8x16384xf32, #tpu.memory_space<vmem>>
    %dma_start3A_243 = arith.constant 40 : i32
    %dma_start3A_244 = arith.constant 0 : i32
    %dma_start3A_245 = tpu.memref_slice %arg3[%dma_start3A_243, %dma_start3A_244] : memref<256x16384xf32, #tpu.memory_space<any>> -> memref<8x16384xf32, #tpu.memory_space<any>>
    tpu.enqueue_dma source(%dma_start3A_245 : memref<8x16384xf32, #tpu.memory_space<any>>) target(%dma_start3A_242 : memref<8x16384xf32, #tpu.memory_space<vmem>>) target_semaphore(%dma_start3A_238 : memref<!tpu.dma_semaphore, #tpu.memory_space<semaphore_mem>>)
    %dma_wait3A_246 = arith.constant 2 : i32
    %dma_wait3A_247 = arith.constant 2 : i32
    %dma_wait3A_248 = tpu.memref_slice %arg8[%dma_wait3A_247] : memref<4x!tpu.dma_semaphore, #tpu.memory_space<semaphore_mem>> -> memref<1x!tpu.dma_semaphore, #tpu.memory_space<semaphore_mem>>
    %dma_wait3A_249 = tpu.memref_squeeze %dma_wait3A_248 : memref<1x!tpu.dma_semaphore, #tpu.memory_space<semaphore_mem>> -> memref<!tpu.dma_semaphore, #tpu.memory_space<semaphore_mem>>
    %dma_wait3A_250 = arith.constant 0 : i32
    %dma_wait3A_251 = arith.constant 0 : i32
    %dma_wait3A_252 = tpu.memref_slice %arg5[%dma_wait3A_246, %dma_wait3A_250, %dma_wait3A_251] : memref<4x8x16384xf32, #tpu.memory_space<vmem>> -> memref<1x8x16384xf32, #tpu.memory_space<vmem>>
    %dma_wait3A_253 = tpu.memref_squeeze %dma_wait3A_252 : memref<1x8x16384xf32, #tpu.memory_space<vmem>> -> memref<8x16384xf32, #tpu.memory_space<vmem>>
    %dma_wait3A_254 = arith.constant 16 : i32
    %dma_wait3A_255 = arith.constant 0 : i32
    %dma_wait3A_256 = tpu.memref_slice %arg2[%dma_wait3A_254, %dma_wait3A_255] : memref<256x16384xf32, #tpu.memory_space<any>> -> memref<8x16384xf32, #tpu.memory_space<any>>
    tpu.wait_dma2 semaphore(%dma_wait3A_249 : memref<!tpu.dma_semaphore, #tpu.memory_space<semaphore_mem>>) src(%dma_wait3A_256 : memref<8x16384xf32, #tpu.memory_space<any>>) dst(%dma_wait3A_253 : memref<8x16384xf32, #tpu.memory_space<vmem>>)
    %dma_wait3A_257 = arith.constant 2 : i32
    %dma_wait3A_258 = arith.constant 2 : i32
    %dma_wait3A_259 = tpu.memref_slice %arg9[%dma_wait3A_258] : memref<4x!tpu.dma_semaphore, #tpu.memory_space<semaphore_mem>> -> memref<1x!tpu.dma_semaphore, #tpu.memory_space<semaphore_mem>>
    %dma_wait3A_260 = tpu.memref_squeeze %dma_wait3A_259 : memref<1x!tpu.dma_semaphore, #tpu.memory_space<semaphore_mem>> -> memref<!tpu.dma_semaphore, #tpu.memory_space<semaphore_mem>>
    %dma_wait3A_261 = arith.constant 0 : i32
    %dma_wait3A_262 = arith.constant 0 : i32
    %dma_wait3A_263 = tpu.memref_slice %arg6[%dma_wait3A_257, %dma_wait3A_261, %dma_wait3A_262] : memref<4x8x16384xf32, #tpu.memory_space<vmem>> -> memref<1x8x16384xf32, #tpu.memory_space<vmem>>
    %dma_wait3A_264 = tpu.memref_squeeze %dma_wait3A_263 : memref<1x8x16384xf32, #tpu.memory_space<vmem>> -> memref<8x16384xf32, #tpu.memory_space<vmem>>
    %dma_wait3A_265 = arith.constant 16 : i32
    %dma_wait3A_266 = arith.constant 0 : i32
    %dma_wait3A_267 = tpu.memref_slice %arg3[%dma_wait3A_265, %dma_wait3A_266] : memref<256x16384xf32, #tpu.memory_space<any>> -> memref<8x16384xf32, #tpu.memory_space<any>>
    tpu.wait_dma2 semaphore(%dma_wait3A_260 : memref<!tpu.dma_semaphore, #tpu.memory_space<semaphore_mem>>) src(%dma_wait3A_267 : memref<8x16384xf32, #tpu.memory_space<any>>) dst(%dma_wait3A_264 : memref<8x16384xf32, #tpu.memory_space<vmem>>)
    %get3A_268 = arith.constant 16 : index
    %get3A_269 = arith.constant 0 : index
    %get3A_270 = vector.load %arg0[%get3A_268, %get3A_269] : memref<256x1xf32, #tpu.memory_space<vmem>>, vector<8x1xf32>
    %get3A_271 = arith.constant 16 : index
    %get3A_272 = arith.constant 0 : index
    %get3A_273 = vector.load %arg1[%get3A_271, %get3A_272] : memref<256x1xf32, #tpu.memory_space<vmem>>, vector<8x1xf32>
    %get3A_274 = arith.constant 2 : index
    %get3A_275 = arith.constant 0 : index
    %get3A_276 = arith.constant 0 : index
    %get3A_277 = vector.load %arg5[%get3A_274, %get3A_275, %get3A_276] : memref<4x8x16384xf32, #tpu.memory_space<vmem>>, vector<1x8x16384xf32>
    %get3A_278 = vector.shape_cast %get3A_277 : vector<1x8x16384xf32> to vector<8x16384xf32>
    %mul3A_279 = vector.broadcast %get3A_270 : vector<8x1xf32> to vector<8x16384xf32>
    %mul3A_280 = arith.mulf %mul3A_279, %get3A_278 : vector<8x16384xf32>
    %get3A_281 = arith.constant 2 : index
    %get3A_282 = arith.constant 0 : index
    %get3A_283 = arith.constant 0 : index
    %get3A_284 = vector.load %arg6[%get3A_281, %get3A_282, %get3A_283] : memref<4x8x16384xf32, #tpu.memory_space<vmem>>, vector<1x8x16384xf32>
    %get3A_285 = vector.shape_cast %get3A_284 : vector<1x8x16384xf32> to vector<8x16384xf32>
    %mul3A_286 = vector.broadcast %get3A_273 : vector<8x1xf32> to vector<8x16384xf32>
    %mul3A_287 = arith.mulf %mul3A_286, %get3A_285 : vector<8x16384xf32>
    %add3A_288 = arith.addf %mul3A_280, %mul3A_287 : vector<8x16384xf32>
    %swap3A_289 = arith.constant 2 : index
    %swap3A_290 = arith.constant 0 : index
    %swap3A_291 = arith.constant 0 : index
    %swap3A_292 = vector.load %arg7[%swap3A_289, %swap3A_290, %swap3A_291] : memref<4x8x16384xf32, #tpu.memory_space<vmem>>, vector<1x8x16384xf32>
    %swap3A_293 = vector.shape_cast %swap3A_292 : vector<1x8x16384xf32> to vector<8x16384xf32>
    %swap3A_294 = vector.shape_cast %add3A_288 : vector<8x16384xf32> to vector<1x8x16384xf32>
    tpu.vector_store %arg7[%swap3A_289, %swap3A_290, %swap3A_291], %swap3A_294 {strides = array<i32>} : memref<4x8x16384xf32, #tpu.memory_space<vmem>>, vector<1x8x16384xf32>,
    %dma_start3A_295 = arith.constant 2 : i32
    %dma_start3A_296 = arith.constant 2 : i32
    %dma_start3A_297 = tpu.memref_slice %arg10[%dma_start3A_296] : memref<4x!tpu.dma_semaphore, #tpu.memory_space<semaphore_mem>> -> memref<1x!tpu.dma_semaphore, #tpu.memory_space<semaphore_mem>>
    %dma_start3A_298 = tpu.memref_squeeze %dma_start3A_297 : memref<1x!tpu.dma_semaphore, #tpu.memory_space<semaphore_mem>> -> memref<!tpu.dma_semaphore, #tpu.memory_space<semaphore_mem>>
    %dma_start3A_299 = arith.constant 16 : i32
    %dma_start3A_300 = arith.constant 0 : i32
    %dma_start3A_301 = tpu.memref_slice %arg4[%dma_start3A_299, %dma_start3A_300] : memref<256x16384xf32, #tpu.memory_space<any>> -> memref<8x16384xf32, #tpu.memory_space<any>>
    %dma_start3A_302 = arith.constant 0 : i32
    %dma_start3A_303 = arith.constant 0 : i32
    %dma_start3A_304 = tpu.memref_slice %arg7[%dma_start3A_295, %dma_start3A_302, %dma_start3A_303] : memref<4x8x16384xf32, #tpu.memory_space<vmem>> -> memref<1x8x16384xf32, #tpu.memory_space<vmem>>
    %dma_start3A_305 = tpu.memref_squeeze %dma_start3A_304 : memref<1x8x16384xf32, #tpu.memory_space<vmem>> -> memref<8x16384xf32, #tpu.memory_space<vmem>>
    tpu.enqueue_dma source(%dma_start3A_305 : memref<8x16384xf32, #tpu.memory_space<vmem>>) target(%dma_start3A_301 : memref<8x16384xf32, #tpu.memory_space<any>>) target_semaphore(%dma_start3A_298 : memref<!tpu.dma_semaphore, #tpu.memory_space<semaphore_mem>>)
    %dma_start3A_306 = arith.constant 2 : i32
    %dma_start3A_307 = arith.constant 2 : i32
    %dma_start3A_308 = tpu.memref_slice %arg8[%dma_start3A_307] : memref<4x!tpu.dma_semaphore, #tpu.memory_space<semaphore_mem>> -> memref<1x!tpu.dma_semaphore, #tpu.memory_space<semaphore_mem>>
    %dma_start3A_309 = tpu.memref_squeeze %dma_start3A_308 : memref<1x!tpu.dma_semaphore, #tpu.memory_space<semaphore_mem>> -> memref<!tpu.dma_semaphore, #tpu.memory_space<semaphore_mem>>
    %dma_start3A_310 = arith.constant 0 : i32
    %dma_start3A_311 = arith.constant 0 : i32
    %dma_start3A_312 = tpu.memref_slice %arg5[%dma_start3A_306, %dma_start3A_310, %dma_start3A_311] : memref<4x8x16384xf32, #tpu.memory_space<vmem>> -> memref<1x8x16384xf32, #tpu.memory_space<vmem>>
    %dma_start3A_313 = tpu.memref_squeeze %dma_start3A_312 : memref<1x8x16384xf32, #tpu.memory_space<vmem>> -> memref<8x16384xf32, #tpu.memory_space<vmem>>
    %dma_start3A_314 = arith.constant 48 : i32
    %dma_start3A_315 = arith.constant 0 : i32
    %dma_start3A_316 = tpu.memref_slice %arg2[%dma_start3A_314, %dma_start3A_315] : memref<256x16384xf32, #tpu.memory_space<any>> -> memref<8x16384xf32, #tpu.memory_space<any>>
    tpu.enqueue_dma source(%dma_start3A_316 : memref<8x16384xf32, #tpu.memory_space<any>>) target(%dma_start3A_313 : memref<8x16384xf32, #tpu.memory_space<vmem>>) target_semaphore(%dma_start3A_309 : memref<!tpu.dma_semaphore, #tpu.memory_space<semaphore_mem>>)
    %dma_start3A_317 = arith.constant 2 : i32
    %dma_start3A_318 = arith.constant 2 : i32
    %dma_start3A_319 = tpu.memref_slice %arg9[%dma_start3A_318] : memref<4x!tpu.dma_semaphore, #tpu.memory_space<semaphore_mem>> -> memref<1x!tpu.dma_semaphore, #tpu.memory_space<semaphore_mem>>
    %dma_start3A_320 = tpu.memref_squeeze %dma_start3A_319 : memref<1x!tpu.dma_semaphore, #tpu.memory_space<semaphore_mem>> -> memref<!tpu.dma_semaphore, #tpu.memory_space<semaphore_mem>>
    %dma_start3A_321 = arith.constant 0 : i32
    %dma_start3A_322 = arith.constant 0 : i32
    %dma_start3A_323 = tpu.memref_slice %arg6[%dma_start3A_317, %dma_start3A_321, %dma_start3A_322] : memref<4x8x16384xf32, #tpu.memory_space<vmem>> -> memref<1x8x16384xf32, #tpu.memory_space<vmem>>
    %dma_start3A_324 = tpu.memref_squeeze %dma_start3A_323 : memref<1x8x16384xf32, #tpu.memory_space<vmem>> -> memref<8x16384xf32, #tpu.memory_space<vmem>>
    %dma_start3A_325 = arith.constant 48 : i32
    %dma_start3A_326 = arith.constant 0 : i32
    %dma_start3A_327 = tpu.memref_slice %arg3[%dma_start3A_325, %dma_start3A_326] : memref<256x16384xf32, #tpu.memory_space<any>> -> memref<8x16384xf32, #tpu.memory_space<any>>
    tpu.enqueue_dma source(%dma_start3A_327 : memref<8x16384xf32, #tpu.memory_space<any>>) target(%dma_start3A_324 : memref<8x16384xf32, #tpu.memory_space<vmem>>) target_semaphore(%dma_start3A_320 : memref<!tpu.dma_semaphore, #tpu.memory_space<semaphore_mem>>)
    %dma_wait3A_328 = arith.constant 3 : i32
    %dma_wait3A_329 = arith.constant 3 : i32
    %dma_wait3A_330 = tpu.memref_slice %arg8[%dma_wait3A_329] : memref<4x!tpu.dma_semaphore, #tpu.memory_space<semaphore_mem>> -> memref<1x!tpu.dma_semaphore, #tpu.memory_space<semaphore_mem>>
    %dma_wait3A_331 = tpu.memref_squeeze %dma_wait3A_330 : memref<1x!tpu.dma_semaphore, #tpu.memory_space<semaphore_mem>> -> memref<!tpu.dma_semaphore, #tpu.memory_space<semaphore_mem>>
    %dma_wait3A_332 = arith.constant 0 : i32
    %dma_wait3A_333 = arith.constant 0 : i32
    %dma_wait3A_334 = tpu.memref_slice %arg5[%dma_wait3A_328, %dma_wait3A_332, %dma_wait3A_333] : memref<4x8x16384xf32, #tpu.memory_space<vmem>> -> memref<1x8x16384xf32, #tpu.memory_space<vmem>>
    %dma_wait3A_335 = tpu.memref_squeeze %dma_wait3A_334 : memref<1x8x16384xf32, #tpu.memory_space<vmem>> -> memref<8x16384xf32, #tpu.memory_space<vmem>>
    %dma_wait3A_336 = arith.constant 24 : i32
    %dma_wait3A_337 = arith.constant 0 : i32
    %dma_wait3A_338 = tpu.memref_slice %arg2[%dma_wait3A_336, %dma_wait3A_337] : memref<256x16384xf32, #tpu.memory_space<any>> -> memref<8x16384xf32, #tpu.memory_space<any>>
    tpu.wait_dma2 semaphore(%dma_wait3A_331 : memref<!tpu.dma_semaphore, #tpu.memory_space<semaphore_mem>>) src(%dma_wait3A_338 : memref<8x16384xf32, #tpu.memory_space<any>>) dst(%dma_wait3A_335 : memref<8x16384xf32, #tpu.memory_space<vmem>>)
    %dma_wait3A_339 = arith.constant 3 : i32
    %dma_wait3A_340 = arith.constant 3 : i32
    %dma_wait3A_341 = tpu.memref_slice %arg9[%dma_wait3A_340] : memref<4x!tpu.dma_semaphore, #tpu.memory_space<semaphore_mem>> -> memref<1x!tpu.dma_semaphore, #tpu.memory_space<semaphore_mem>>
    %dma_wait3A_342 = tpu.memref_squeeze %dma_wait3A_341 : memref<1x!tpu.dma_semaphore, #tpu.memory_space<semaphore_mem>> -> memref<!tpu.dma_semaphore, #tpu.memory_space<semaphore_mem>>
    %dma_wait3A_343 = arith.constant 0 : i32
    %dma_wait3A_344 = arith.constant 0 : i32
    %dma_wait3A_345 = tpu.memref_slice %arg6[%dma_wait3A_339, %dma_wait3A_343, %dma_wait3A_344] : memref<4x8x16384xf32, #tpu.memory_space<vmem>> -> memref<1x8x16384xf32, #tpu.memory_space<vmem>>
    %dma_wait3A_346 = tpu.memref_squeeze %dma_wait3A_345 : memref<1x8x16384xf32, #tpu.memory_space<vmem>> -> memref<8x16384xf32, #tpu.memory_space<vmem>>
    %dma_wait3A_347 = arith.constant 24 : i32
    %dma_wait3A_348 = arith.constant 0 : i32
    %dma_wait3A_349 = tpu.memref_slice %arg3[%dma_wait3A_347, %dma_wait3A_348] : memref<256x16384xf32, #tpu.memory_space<any>> -> memref<8x16384xf32, #tpu.memory_space<any>>
    tpu.wait_dma2 semaphore(%dma_wait3A_342 : memref<!tpu.dma_semaphore, #tpu.memory_space<semaphore_mem>>) src(%dma_wait3A_349 : memref<8x16384xf32, #tpu.memory_space<any>>) dst(%dma_wait3A_346 : memref<8x16384xf32, #tpu.memory_space<vmem>>)
    %get3A_350 = arith.constant 24 : index
    %get3A_351 = arith.constant 0 : index
    %get3A_352 = vector.load %arg0[%get3A_350, %get3A_351] : memref<256x1xf32, #tpu.memory_space<vmem>>, vector<8x1xf32>
    %get3A_353 = arith.constant 24 : index
    %get3A_354 = arith.constant 0 : index
    %get3A_355 = vector.load %arg1[%get3A_353, %get3A_354] : memref<256x1xf32, #tpu.memory_space<vmem>>, vector<8x1xf32>
    %get3A_356 = arith.constant 3 : index
    %get3A_357 = arith.constant 0 : index
    %get3A_358 = arith.constant 0 : index
    %get3A_359 = vector.load %arg5[%get3A_356, %get3A_357, %get3A_358] : memref<4x8x16384xf32, #tpu.memory_space<vmem>>, vector<1x8x16384xf32>
    %get3A_360 = vector.shape_cast %get3A_359 : vector<1x8x16384xf32> to vector<8x16384xf32>
    %mul3A_361 = vector.broadcast %get3A_352 : vector<8x1xf32> to vector<8x16384xf32>
    %mul3A_362 = arith.mulf %mul3A_361, %get3A_360 : vector<8x16384xf32>
    %get3A_363 = arith.constant 3 : index
    %get3A_364 = arith.constant 0 : index
    %get3A_365 = arith.constant 0 : index
    %get3A_366 = vector.load %arg6[%get3A_363, %get3A_364, %get3A_365] : memref<4x8x16384xf32, #tpu.memory_space<vmem>>, vector<1x8x16384xf32>
    %get3A_367 = vector.shape_cast %get3A_366 : vector<1x8x16384xf32> to vector<8x16384xf32>
    %mul3A_368 = vector.broadcast %get3A_355 : vector<8x1xf32> to vector<8x16384xf32>
    %mul3A_369 = arith.mulf %mul3A_368, %get3A_367 : vector<8x16384xf32>
    %add3A_370 = arith.addf %mul3A_362, %mul3A_369 : vector<8x16384xf32>
    %swap3A_371 = arith.constant 3 : index
    %swap3A_372 = arith.constant 0 : index
    %swap3A_373 = arith.constant 0 : index
    %swap3A_374 = vector.load %arg7[%swap3A_371, %swap3A_372, %swap3A_373] : memref<4x8x16384xf32, #tpu.memory_space<vmem>>, vector<1x8x16384xf32>
    %swap3A_375 = vector.shape_cast %swap3A_374 : vector<1x8x16384xf32> to vector<8x16384xf32>
    %swap3A_376 = vector.shape_cast %add3A_370 : vector<8x16384xf32> to vector<1x8x16384xf32>
    tpu.vector_store %arg7[%swap3A_371, %swap3A_372, %swap3A_373], %swap3A_376 {strides = array<i32>} : memref<4x8x16384xf32, #tpu.memory_space<vmem>>, vector<1x8x16384xf32>,
    %dma_start3A_377 = arith.constant 3 : i32
    %dma_start3A_378 = arith.constant 3 : i32
    %dma_start3A_379 = tpu.memref_slice %arg10[%dma_start3A_378] : memref<4x!tpu.dma_semaphore, #tpu.memory_space<semaphore_mem>> -> memref<1x!tpu.dma_semaphore, #tpu.memory_space<semaphore_mem>>
    %dma_start3A_380 = tpu.memref_squeeze %dma_start3A_379 : memref<1x!tpu.dma_semaphore, #tpu.memory_space<semaphore_mem>> -> memref<!tpu.dma_semaphore, #tpu.memory_space<semaphore_mem>>
    %dma_start3A_381 = arith.constant 24 : i32
    %dma_start3A_382 = arith.constant 0 : i32
    %dma_start3A_383 = tpu.memref_slice %arg4[%dma_start3A_381, %dma_start3A_382] : memref<256x16384xf32, #tpu.memory_space<any>> -> memref<8x16384xf32, #tpu.memory_space<any>>
    %dma_start3A_384 = arith.constant 0 : i32
    %dma_start3A_385 = arith.constant 0 : i32
    %dma_start3A_386 = tpu.memref_slice %arg7[%dma_start3A_377, %dma_start3A_384, %dma_start3A_385] : memref<4x8x16384xf32, #tpu.memory_space<vmem>> -> memref<1x8x16384xf32, #tpu.memory_space<vmem>>
    %dma_start3A_387 = tpu.memref_squeeze %dma_start3A_386 : memref<1x8x16384xf32, #tpu.memory_space<vmem>> -> memref<8x16384xf32, #tpu.memory_space<vmem>>
    tpu.enqueue_dma source(%dma_start3A_387 : memref<8x16384xf32, #tpu.memory_space<vmem>>) target(%dma_start3A_383 : memref<8x16384xf32, #tpu.memory_space<any>>) target_semaphore(%dma_start3A_380 : memref<!tpu.dma_semaphore, #tpu.memory_space<semaphore_mem>>)
    %dma_start3A_388 = arith.constant 3 : i32
    %dma_start3A_389 = arith.constant 3 : i32
    %dma_start3A_390 = tpu.memref_slice %arg8[%dma_start3A_389] : memref<4x!tpu.dma_semaphore, #tpu.memory_space<semaphore_mem>> -> memref<1x!tpu.dma_semaphore, #tpu.memory_space<semaphore_mem>>
    %dma_start3A_391 = tpu.memref_squeeze %dma_start3A_390 : memref<1x!tpu.dma_semaphore, #tpu.memory_space<semaphore_mem>> -> memref<!tpu.dma_semaphore, #tpu.memory_space<semaphore_mem>>
    %dma_start3A_392 = arith.constant 0 : i32
    %dma_start3A_393 = arith.constant 0 : i32
    %dma_start3A_394 = tpu.memref_slice %arg5[%dma_start3A_388, %dma_start3A_392, %dma_start3A_393] : memref<4x8x16384xf32, #tpu.memory_space<vmem>> -> memref<1x8x16384xf32, #tpu.memory_space<vmem>>
    %dma_start3A_395 = tpu.memref_squeeze %dma_start3A_394 : memref<1x8x16384xf32, #tpu.memory_space<vmem>> -> memref<8x16384xf32, #tpu.memory_space<vmem>>
    %dma_start3A_396 = arith.constant 56 : i32
    %dma_start3A_397 = arith.constant 0 : i32
    %dma_start3A_398 = tpu.memref_slice %arg2[%dma_start3A_396, %dma_start3A_397] : memref<256x16384xf32, #tpu.memory_space<any>> -> memref<8x16384xf32, #tpu.memory_space<any>>
    tpu.enqueue_dma source(%dma_start3A_398 : memref<8x16384xf32, #tpu.memory_space<any>>) target(%dma_start3A_395 : memref<8x16384xf32, #tpu.memory_space<vmem>>) target_semaphore(%dma_start3A_391 : memref<!tpu.dma_semaphore, #tpu.memory_space<semaphore_mem>>)
    %dma_start3A_399 = arith.constant 3 : i32
    %dma_start3A_400 = arith.constant 3 : i32
    %dma_start3A_401 = tpu.memref_slice %arg9[%dma_start3A_400] : memref<4x!tpu.dma_semaphore, #tpu.memory_space<semaphore_mem>> -> memref<1x!tpu.dma_semaphore, #tpu.memory_space<semaphore_mem>>
    %dma_start3A_402 = tpu.memref_squeeze %dma_start3A_401 : memref<1x!tpu.dma_semaphore, #tpu.memory_space<semaphore_mem>> -> memref<!tpu.dma_semaphore, #tpu.memory_space<semaphore_mem>>
    %dma_start3A_403 = arith.constant 0 : i32
    %dma_start3A_404 = arith.constant 0 : i32
    %dma_start3A_405 = tpu.memref_slice %arg6[%dma_start3A_399, %dma_start3A_403, %dma_start3A_404] : memref<4x8x16384xf32, #tpu.memory_space<vmem>> -> memref<1x8x16384xf32, #tpu.memory_space<vmem>>
    %dma_start3A_406 = tpu.memref_squeeze %dma_start3A_405 : memref<1x8x16384xf32, #tpu.memory_space<vmem>> -> memref<8x16384xf32, #tpu.memory_space<vmem>>
    %dma_start3A_407 = arith.constant 56 : i32
    %dma_start3A_408 = arith.constant 0 : i32
    %dma_start3A_409 = tpu.memref_slice %arg3[%dma_start3A_407, %dma_start3A_408] : memref<256x16384xf32, #tpu.memory_space<any>> -> memref<8x16384xf32, #tpu.memory_space<any>>
    tpu.enqueue_dma source(%dma_start3A_409 : memref<8x16384xf32, #tpu.memory_space<any>>) target(%dma_start3A_406 : memref<8x16384xf32, #tpu.memory_space<vmem>>) target_semaphore(%dma_start3A_402 : memref<!tpu.dma_semaphore, #tpu.memory_space<semaphore_mem>>)
    %dma_wait3A_410 = arith.constant 0 : i32
    %dma_wait3A_411 = arith.constant 0 : i32
    %dma_wait3A_412 = tpu.memref_slice %arg8[%dma_wait3A_411] : memref<4x!tpu.dma_semaphore, #tpu.memory_space<semaphore_mem>> -> memref<1x!tpu.dma_semaphore, #tpu.memory_space<semaphore_mem>>
    %dma_wait3A_413 = tpu.memref_squeeze %dma_wait3A_412 : memref<1x!tpu.dma_semaphore, #tpu.memory_space<semaphore_mem>> -> memref<!tpu.dma_semaphore, #tpu.memory_space<semaphore_mem>>
    %dma_wait3A_414 = arith.constant 0 : i32
    %dma_wait3A_415 = arith.constant 0 : i32
    %dma_wait3A_416 = tpu.memref_slice %arg5[%dma_wait3A_410, %dma_wait3A_414, %dma_wait3A_415] : memref<4x8x16384xf32, #tpu.memory_space<vmem>> -> memref<1x8x16384xf32, #tpu.memory_space<vmem>>
    %dma_wait3A_417 = tpu.memref_squeeze %dma_wait3A_416 : memref<1x8x16384xf32, #tpu.memory_space<vmem>> -> memref<8x16384xf32, #tpu.memory_space<vmem>>
    %dma_wait3A_418 = arith.constant 32 : i32
    %dma_wait3A_419 = arith.constant 0 : i32
    %dma_wait3A_420 = tpu.memref_slice %arg2[%dma_wait3A_418, %dma_wait3A_419] : memref<256x16384xf32, #tpu.memory_space<any>> -> memref<8x16384xf32, #tpu.memory_space<any>>
    tpu.wait_dma2 semaphore(%dma_wait3A_413 : memref<!tpu.dma_semaphore, #tpu.memory_space<semaphore_mem>>) src(%dma_wait3A_420 : memref<8x16384xf32, #tpu.memory_space<any>>) dst(%dma_wait3A_417 : memref<8x16384xf32, #tpu.memory_space<vmem>>)
    %dma_wait3A_421 = arith.constant 0 : i32
    %dma_wait3A_422 = arith.constant 0 : i32
    %dma_wait3A_423 = tpu.memref_slice %arg9[%dma_wait3A_422] : memref<4x!tpu.dma_semaphore, #tpu.memory_space<semaphore_mem>> -> memref<1x!tpu.dma_semaphore, #tpu.memory_space<semaphore_mem>>
    %dma_wait3A_424 = tpu.memref_squeeze %dma_wait3A_423 : memref<1x!tpu.dma_semaphore, #tpu.memory_space<semaphore_mem>> -> memref<!tpu.dma_semaphore, #tpu.memory_space<semaphore_mem>>
    %dma_wait3A_425 = arith.constant 0 : i32
    %dma_wait3A_426 = arith.constant 0 : i32
    %dma_wait3A_427 = tpu.memref_slice %arg6[%dma_wait3A_421, %dma_wait3A_425, %dma_wait3A_426] : memref<4x8x16384xf32, #tpu.memory_space<vmem>> -> memref<1x8x16384xf32, #tpu.memory_space<vmem>>
    %dma_wait3A_428 = tpu.memref_squeeze %dma_wait3A_427 : memref<1x8x16384xf32, #tpu.memory_space<vmem>> -> memref<8x16384xf32, #tpu.memory_space<vmem>>
    %dma_wait3A_429 = arith.constant 32 : i32
    %dma_wait3A_430 = arith.constant 0 : i32
    %dma_wait3A_431 = tpu.memref_slice %arg3[%dma_wait3A_429, %dma_wait3A_430] : memref<256x16384xf32, #tpu.memory_space<any>> -> memref<8x16384xf32, #tpu.memory_space<any>>
    tpu.wait_dma2 semaphore(%dma_wait3A_424 : memref<!tpu.dma_semaphore, #tpu.memory_space<semaphore_mem>>) src(%dma_wait3A_431 : memref<8x16384xf32, #tpu.memory_space<any>>) dst(%dma_wait3A_428 : memref<8x16384xf32, #tpu.memory_space<vmem>>)
    %dma_wait3A_432 = arith.constant 0 : i32
    %dma_wait3A_433 = arith.constant 0 : i32
    %dma_wait3A_434 = tpu.memref_slice %arg10[%dma_wait3A_433] : memref<4x!tpu.dma_semaphore, #tpu.memory_space<semaphore_mem>> -> memref<1x!tpu.dma_semaphore, #tpu.memory_space<semaphore_mem>>
    %dma_wait3A_435 = tpu.memref_squeeze %dma_wait3A_434 : memref<1x!tpu.dma_semaphore, #tpu.memory_space<semaphore_mem>> -> memref<!tpu.dma_semaphore, #tpu.memory_space<semaphore_mem>>
    %dma_wait3A_436 = arith.constant 0 : i32
    %dma_wait3A_437 = arith.constant 0 : i32
    %dma_wait3A_438 = tpu.memref_slice %arg4[%dma_wait3A_436, %dma_wait3A_437] : memref<256x16384xf32, #tpu.memory_space<any>> -> memref<8x16384xf32, #tpu.memory_space<any>>
    %dma_wait3A_439 = arith.constant 0 : i32
    %dma_wait3A_440 = arith.constant 0 : i32
    %dma_wait3A_441 = tpu.memref_slice %arg7[%dma_wait3A_432, %dma_wait3A_439, %dma_wait3A_440] : memref<4x8x16384xf32, #tpu.memory_space<vmem>> -> memref<1x8x16384xf32, #tpu.memory_space<vmem>>
    %dma_wait3A_442 = tpu.memref_squeeze %dma_wait3A_441 : memref<1x8x16384xf32, #tpu.memory_space<vmem>> -> memref<8x16384xf32, #tpu.memory_space<vmem>>
    tpu.wait_dma2 semaphore(%dma_wait3A_435 : memref<!tpu.dma_semaphore, #tpu.memory_space<semaphore_mem>>) src(%dma_wait3A_442 : memref<8x16384xf32, #tpu.memory_space<vmem>>) dst(%dma_wait3A_438 : memref<8x16384xf32, #tpu.memory_space<any>>)
    %get3A_443 = arith.constant 32 : index
    %get3A_444 = arith.constant 0 : index
    %get3A_445 = vector.load %arg0[%get3A_443, %get3A_444] : memref<256x1xf32, #tpu.memory_space<vmem>>, vector<8x1xf32>
    %get3A_446 = arith.constant 32 : index
    %get3A_447 = arith.constant 0 : index
    %get3A_448 = vector.load %arg1[%get3A_446, %get3A_447] : memref<256x1xf32, #tpu.memory_space<vmem>>, vector<8x1xf32>
    %get3A_449 = arith.constant 0 : index
    %get3A_450 = arith.constant 0 : index
    %get3A_451 = arith.constant 0 : index
    %get3A_452 = vector.load %arg5[%get3A_449, %get3A_450, %get3A_451] : memref<4x8x16384xf32, #tpu.memory_space<vmem>>, vector<1x8x16384xf32>
    %get3A_453 = vector.shape_cast %get3A_452 : vector<1x8x16384xf32> to vector<8x16384xf32>
    %mul3A_454 = vector.broadcast %get3A_445 : vector<8x1xf32> to vector<8x16384xf32>
    %mul3A_455 = arith.mulf %mul3A_454, %get3A_453 : vector<8x16384xf32>
    %get3A_456 = arith.constant 0 : index
    %get3A_457 = arith.constant 0 : index
    %get3A_458 = arith.constant 0 : index
    %get3A_459 = vector.load %arg6[%get3A_456, %get3A_457, %get3A_458] : memref<4x8x16384xf32, #tpu.memory_space<vmem>>, vector<1x8x16384xf32>
    %get3A_460 = vector.shape_cast %get3A_459 : vector<1x8x16384xf32> to vector<8x16384xf32>
    %mul3A_461 = vector.broadcast %get3A_448 : vector<8x1xf32> to vector<8x16384xf32>
    %mul3A_462 = arith.mulf %mul3A_461, %get3A_460 : vector<8x16384xf32>
    %add3A_463 = arith.addf %mul3A_455, %mul3A_462 : vector<8x16384xf32>
    %swap3A_464 = arith.constant 0 : index
    %swap3A_465 = arith.constant 0 : index
    %swap3A_466 = arith.constant 0 : index
    %swap3A_467 = vector.load %arg7[%swap3A_464, %swap3A_465, %swap3A_466] : memref<4x8x16384xf32, #tpu.memory_space<vmem>>, vector<1x8x16384xf32>
    %swap3A_468 = vector.shape_cast %swap3A_467 : vector<1x8x16384xf32> to vector<8x16384xf32>
    %swap3A_469 = vector.shape_cast %add3A_463 : vector<8x16384xf32> to vector<1x8x16384xf32>
    tpu.vector_store %arg7[%swap3A_464, %swap3A_465, %swap3A_466], %swap3A_469 {strides = array<i32>} : memref<4x8x16384xf32, #tpu.memory_space<vmem>>, vector<1x8x16384xf32>,
    %dma_start3A_470 = arith.constant 0 : i32
    %dma_start3A_471 = arith.constant 0 : i32
    %dma_start3A_472 = tpu.memref_slice %arg10[%dma_start3A_471] : memref<4x!tpu.dma_semaphore, #tpu.memory_space<semaphore_mem>> -> memref<1x!tpu.dma_semaphore, #tpu.memory_space<semaphore_mem>>
    %dma_start3A_473 = tpu.memref_squeeze %dma_start3A_472 : memref<1x!tpu.dma_semaphore, #tpu.memory_space<semaphore_mem>> -> memref<!tpu.dma_semaphore, #tpu.memory_space<semaphore_mem>>
    %dma_start3A_474 = arith.constant 32 : i32
    %dma_start3A_475 = arith.constant 0 : i32
    %dma_start3A_476 = tpu.memref_slice %arg4[%dma_start3A_474, %dma_start3A_475] : memref<256x16384xf32, #tpu.memory_space<any>> -> memref<8x16384xf32, #tpu.memory_space<any>>
    %dma_start3A_477 = arith.constant 0 : i32
    %dma_start3A_478 = arith.constant 0 : i32
    %dma_start3A_479 = tpu.memref_slice %arg7[%dma_start3A_470, %dma_start3A_477, %dma_start3A_478] : memref<4x8x16384xf32, #tpu.memory_space<vmem>> -> memref<1x8x16384xf32, #tpu.memory_space<vmem>>
    %dma_start3A_480 = tpu.memref_squeeze %dma_start3A_479 : memref<1x8x16384xf32, #tpu.memory_space<vmem>> -> memref<8x16384xf32, #tpu.memory_space<vmem>>
    tpu.enqueue_dma source(%dma_start3A_480 : memref<8x16384xf32, #tpu.memory_space<vmem>>) target(%dma_start3A_476 : memref<8x16384xf32, #tpu.memory_space<any>>) target_semaphore(%dma_start3A_473 : memref<!tpu.dma_semaphore, #tpu.memory_space<semaphore_mem>>)
    %dma_start3A_481 = arith.constant 0 : i32
    %dma_start3A_482 = arith.constant 0 : i32
    %dma_start3A_483 = tpu.memref_slice %arg8[%dma_start3A_482] : memref<4x!tpu.dma_semaphore, #tpu.memory_space<semaphore_mem>> -> memref<1x!tpu.dma_semaphore, #tpu.memory_space<semaphore_mem>>
    %dma_start3A_484 = tpu.memref_squeeze %dma_start3A_483 : memref<1x!tpu.dma_semaphore, #tpu.memory_space<semaphore_mem>> -> memref<!tpu.dma_semaphore, #tpu.memory_space<semaphore_mem>>
    %dma_start3A_485 = arith.constant 0 : i32
    %dma_start3A_486 = arith.constant 0 : i32
    %dma_start3A_487 = tpu.memref_slice %arg5[%dma_start3A_481, %dma_start3A_485, %dma_start3A_486] : memref<4x8x16384xf32, #tpu.memory_space<vmem>> -> memref<1x8x16384xf32, #tpu.memory_space<vmem>>
    %dma_start3A_488 = tpu.memref_squeeze %dma_start3A_487 : memref<1x8x16384xf32, #tpu.memory_space<vmem>> -> memref<8x16384xf32, #tpu.memory_space<vmem>>
    %dma_start3A_489 = arith.constant 64 : i32
    %dma_start3A_490 = arith.constant 0 : i32
    %dma_start3A_491 = tpu.memref_slice %arg2[%dma_start3A_489, %dma_start3A_490] : memref<256x16384xf32, #tpu.memory_space<any>> -> memref<8x16384xf32, #tpu.memory_space<any>>
    tpu.enqueue_dma source(%dma_start3A_491 : memref<8x16384xf32, #tpu.memory_space<any>>) target(%dma_start3A_488 : memref<8x16384xf32, #tpu.memory_space<vmem>>) target_semaphore(%dma_start3A_484 : memref<!tpu.dma_semaphore, #tpu.memory_space<semaphore_mem>>)
    %dma_start3A_492 = arith.constant 0 : i32
    %dma_start3A_493 = arith.constant 0 : i32
    %dma_start3A_494 = tpu.memref_slice %arg9[%dma_start3A_493] : memref<4x!tpu.dma_semaphore, #tpu.memory_space<semaphore_mem>> -> memref<1x!tpu.dma_semaphore, #tpu.memory_space<semaphore_mem>>
    %dma_start3A_495 = tpu.memref_squeeze %dma_start3A_494 : memref<1x!tpu.dma_semaphore, #tpu.memory_space<semaphore_mem>> -> memref<!tpu.dma_semaphore, #tpu.memory_space<semaphore_mem>>
    %dma_start3A_496 = arith.constant 0 : i32
    %dma_start3A_497 = arith.constant 0 : i32
    %dma_start3A_498 = tpu.memref_slice %arg6[%dma_start3A_492, %dma_start3A_496, %dma_start3A_497] : memref<4x8x16384xf32, #tpu.memory_space<vmem>> -> memref<1x8x16384xf32, #tpu.memory_space<vmem>>
    %dma_start3A_499 = tpu.memref_squeeze %dma_start3A_498 : memref<1x8x16384xf32, #tpu.memory_space<vmem>> -> memref<8x16384xf32, #tpu.memory_space<vmem>>
    %dma_start3A_500 = arith.constant 64 : i32
    %dma_start3A_501 = arith.constant 0 : i32
    %dma_start3A_502 = tpu.memref_slice %arg3[%dma_start3A_500, %dma_start3A_501] : memref<256x16384xf32, #tpu.memory_space<any>> -> memref<8x16384xf32, #tpu.memory_space<any>>
    tpu.enqueue_dma source(%dma_start3A_502 : memref<8x16384xf32, #tpu.memory_space<any>>) target(%dma_start3A_499 : memref<8x16384xf32, #tpu.memory_space<vmem>>) target_semaphore(%dma_start3A_495 : memref<!tpu.dma_semaphore, #tpu.memory_space<semaphore_mem>>)
    %dma_wait3A_503 = arith.constant 1 : i32
    %dma_wait3A_504 = arith.constant 1 : i32
    %dma_wait3A_505 = tpu.memref_slice %arg8[%dma_wait3A_504] : memref<4x!tpu.dma_semaphore, #tpu.memory_space<semaphore_mem>> -> memref<1x!tpu.dma_semaphore, #tpu.memory_space<semaphore_mem>>
    %dma_wait3A_506 = tpu.memref_squeeze %dma_wait3A_505 : memref<1x!tpu.dma_semaphore, #tpu.memory_space<semaphore_mem>> -> memref<!tpu.dma_semaphore, #tpu.memory_space<semaphore_mem>>
    %dma_wait3A_507 = arith.constant 0 : i32
    %dma_wait3A_508 = arith.constant 0 : i32
    %dma_wait3A_509 = tpu.memref_slice %arg5[%dma_wait3A_503, %dma_wait3A_507, %dma_wait3A_508] : memref<4x8x16384xf32, #tpu.memory_space<vmem>> -> memref<1x8x16384xf32, #tpu.memory_space<vmem>>
    %dma_wait3A_510 = tpu.memref_squeeze %dma_wait3A_509 : memref<1x8x16384xf32, #tpu.memory_space<vmem>> -> memref<8x16384xf32, #tpu.memory_space<vmem>>
    %dma_wait3A_511 = arith.constant 40 : i32
    %dma_wait3A_512 = arith.constant 0 : i32
    %dma_wait3A_513 = tpu.memref_slice %arg2[%dma_wait3A_511, %dma_wait3A_512] : memref<256x16384xf32, #tpu.memory_space<any>> -> memref<8x16384xf32, #tpu.memory_space<any>>
    tpu.wait_dma2 semaphore(%dma_wait3A_506 : memref<!tpu.dma_semaphore, #tpu.memory_space<semaphore_mem>>) src(%dma_wait3A_513 : memref<8x16384xf32, #tpu.memory_space<any>>) dst(%dma_wait3A_510 : memref<8x16384xf32, #tpu.memory_space<vmem>>)
    %dma_wait3A_514 = arith.constant 1 : i32
    %dma_wait3A_515 = arith.constant 1 : i32
    %dma_wait3A_516 = tpu.memref_slice %arg9[%dma_wait3A_515] : memref<4x!tpu.dma_semaphore, #tpu.memory_space<semaphore_mem>> -> memref<1x!tpu.dma_semaphore, #tpu.memory_space<semaphore_mem>>
    %dma_wait3A_517 = tpu.memref_squeeze %dma_wait3A_516 : memref<1x!tpu.dma_semaphore, #tpu.memory_space<semaphore_mem>> -> memref<!tpu.dma_semaphore, #tpu.memory_space<semaphore_mem>>
    %dma_wait3A_518 = arith.constant 0 : i32
    %dma_wait3A_519 = arith.constant 0 : i32
    %dma_wait3A_520 = tpu.memref_slice %arg6[%dma_wait3A_514, %dma_wait3A_518, %dma_wait3A_519] : memref<4x8x16384xf32, #tpu.memory_space<vmem>> -> memref<1x8x16384xf32, #tpu.memory_space<vmem>>
    %dma_wait3A_521 = tpu.memref_squeeze %dma_wait3A_520 : memref<1x8x16384xf32, #tpu.memory_space<vmem>> -> memref<8x16384xf32, #tpu.memory_space<vmem>>
    %dma_wait3A_522 = arith.constant 40 : i32
    %dma_wait3A_523 = arith.constant 0 : i32
    %dma_wait3A_524 = tpu.memref_slice %arg3[%dma_wait3A_522, %dma_wait3A_523] : memref<256x16384xf32, #tpu.memory_space<any>> -> memref<8x16384xf32, #tpu.memory_space<any>>
    tpu.wait_dma2 semaphore(%dma_wait3A_517 : memref<!tpu.dma_semaphore, #tpu.memory_space<semaphore_mem>>) src(%dma_wait3A_524 : memref<8x16384xf32, #tpu.memory_space<any>>) dst(%dma_wait3A_521 : memref<8x16384xf32, #tpu.memory_space<vmem>>)
    %dma_wait3A_525 = arith.constant 1 : i32
    %dma_wait3A_526 = arith.constant 1 : i32
    %dma_wait3A_527 = tpu.memref_slice %arg10[%dma_wait3A_526] : memref<4x!tpu.dma_semaphore, #tpu.memory_space<semaphore_mem>> -> memref<1x!tpu.dma_semaphore, #tpu.memory_space<semaphore_mem>>
    %dma_wait3A_528 = tpu.memref_squeeze %dma_wait3A_527 : memref<1x!tpu.dma_semaphore, #tpu.memory_space<semaphore_mem>> -> memref<!tpu.dma_semaphore, #tpu.memory_space<semaphore_mem>>
    %dma_wait3A_529 = arith.constant 8 : i32
    %dma_wait3A_530 = arith.constant 0 : i32
    %dma_wait3A_531 = tpu.memref_slice %arg4[%dma_wait3A_529, %dma_wait3A_530] : memref<256x16384xf32, #tpu.memory_space<any>> -> memref<8x16384xf32, #tpu.memory_space<any>>
    %dma_wait3A_532 = arith.constant 0 : i32
    %dma_wait3A_533 = arith.constant 0 : i32
    %dma_wait3A_534 = tpu.memref_slice %arg7[%dma_wait3A_525, %dma_wait3A_532, %dma_wait3A_533] : memref<4x8x16384xf32, #tpu.memory_space<vmem>> -> memref<1x8x16384xf32, #tpu.memory_space<vmem>>
    %dma_wait3A_535 = tpu.memref_squeeze %dma_wait3A_534 : memref<1x8x16384xf32, #tpu.memory_space<vmem>> -> memref<8x16384xf32, #tpu.memory_space<vmem>>
    tpu.wait_dma2 semaphore(%dma_wait3A_528 : memref<!tpu.dma_semaphore, #tpu.memory_space<semaphore_mem>>) src(%dma_wait3A_535 : memref<8x16384xf32, #tpu.memory_space<vmem>>) dst(%dma_wait3A_531 : memref<8x16384xf32, #tpu.memory_space<any>>)
    %get3A_536 = arith.constant 40 : index
    %get3A_537 = arith.constant 0 : index
    %get3A_538 = vector.load %arg0[%get3A_536, %get3A_537] : memref<256x1xf32, #tpu.memory_space<vmem>>, vector<8x1xf32>
    %get3A_539 = arith.constant 40 : index
    %get3A_540 = arith.constant 0 : index
    %get3A_541 = vector.load %arg1[%get3A_539, %get3A_540] : memref<256x1xf32, #tpu.memory_space<vmem>>, vector<8x1xf32>
    %get3A_542 = arith.constant 1 : index
    %get3A_543 = arith.constant 0 : index
    %get3A_544 = arith.constant 0 : index
    %get3A_545 = vector.load %arg5[%get3A_542, %get3A_543, %get3A_544] : memref<4x8x16384xf32, #tpu.memory_space<vmem>>, vector<1x8x16384xf32>
    %get3A_546 = vector.shape_cast %get3A_545 : vector<1x8x16384xf32> to vector<8x16384xf32>
    %mul3A_547 = vector.broadcast %get3A_538 : vector<8x1xf32> to vector<8x16384xf32>
    %mul3A_548 = arith.mulf %mul3A_547, %get3A_546 : vector<8x16384xf32>
    %get3A_549 = arith.constant 1 : index
    %get3A_550 = arith.constant 0 : index
    %get3A_551 = arith.constant 0 : index
    %get3A_552 = vector.load %arg6[%get3A_549, %get3A_550, %get3A_551] : memref<4x8x16384xf32, #tpu.memory_space<vmem>>, vector<1x8x16384xf32>
    %get3A_553 = vector.shape_cast %get3A_552 : vector<1x8x16384xf32> to vector<8x16384xf32>
    %mul3A_554 = vector.broadcast %get3A_541 : vector<8x1xf32> to vector<8x16384xf32>
    %mul3A_555 = arith.mulf %mul3A_554, %get3A_553 : vector<8x16384xf32>
    %add3A_556 = arith.addf %mul3A_548, %mul3A_555 : vector<8x16384xf32>
    %swap3A_557 = arith.constant 1 : index
    %swap3A_558 = arith.constant 0 : index
    %swap3A_559 = arith.constant 0 : index
    %swap3A_560 = vector.load %arg7[%swap3A_557, %swap3A_558, %swap3A_559] : memref<4x8x16384xf32, #tpu.memory_space<vmem>>, vector<1x8x16384xf32>
    %swap3A_561 = vector.shape_cast %swap3A_560 : vector<1x8x16384xf32> to vector<8x16384xf32>
    %swap3A_562 = vector.shape_cast %add3A_556 : vector<8x16384xf32> to vector<1x8x16384xf32>
    tpu.vector_store %arg7[%swap3A_557, %swap3A_558, %swap3A_559], %swap3A_562 {strides = array<i32>} : memref<4x8x16384xf32, #tpu.memory_space<vmem>>, vector<1x8x16384xf32>,
    %dma_start3A_563 = arith.constant 1 : i32
    %dma_start3A_564 = arith.constant 1 : i32
    %dma_start3A_565 = tpu.memref_slice %arg10[%dma_start3A_564] : memref<4x!tpu.dma_semaphore, #tpu.memory_space<semaphore_mem>> -> memref<1x!tpu.dma_semaphore, #tpu.memory_space<semaphore_mem>>
    %dma_start3A_566 = tpu.memref_squeeze %dma_start3A_565 : memref<1x!tpu.dma_semaphore, #tpu.memory_space<semaphore_mem>> -> memref<!tpu.dma_semaphore, #tpu.memory_space<semaphore_mem>>
    %dma_start3A_567 = arith.constant 40 : i32
    %dma_start3A_568 = arith.constant 0 : i32
    %dma_start3A_569 = tpu.memref_slice %arg4[%dma_start3A_567, %dma_start3A_568] : memref<256x16384xf32, #tpu.memory_space<any>> -> memref<8x16384xf32, #tpu.memory_space<any>>
    %dma_start3A_570 = arith.constant 0 : i32
    %dma_start3A_571 = arith.constant 0 : i32
    %dma_start3A_572 = tpu.memref_slice %arg7[%dma_start3A_563, %dma_start3A_570, %dma_start3A_571] : memref<4x8x16384xf32, #tpu.memory_space<vmem>> -> memref<1x8x16384xf32, #tpu.memory_space<vmem>>
    %dma_start3A_573 = tpu.memref_squeeze %dma_start3A_572 : memref<1x8x16384xf32, #tpu.memory_space<vmem>> -> memref<8x16384xf32, #tpu.memory_space<vmem>>
    tpu.enqueue_dma source(%dma_start3A_573 : memref<8x16384xf32, #tpu.memory_space<vmem>>) target(%dma_start3A_569 : memref<8x16384xf32, #tpu.memory_space<any>>) target_semaphore(%dma_start3A_566 : memref<!tpu.dma_semaphore, #tpu.memory_space<semaphore_mem>>)
    %dma_start3A_574 = arith.constant 1 : i32
    %dma_start3A_575 = arith.constant 1 : i32
    %dma_start3A_576 = tpu.memref_slice %arg8[%dma_start3A_575] : memref<4x!tpu.dma_semaphore, #tpu.memory_space<semaphore_mem>> -> memref<1x!tpu.dma_semaphore, #tpu.memory_space<semaphore_mem>>
    %dma_start3A_577 = tpu.memref_squeeze %dma_start3A_576 : memref<1x!tpu.dma_semaphore, #tpu.memory_space<semaphore_mem>> -> memref<!tpu.dma_semaphore, #tpu.memory_space<semaphore_mem>>
    %dma_start3A_578 = arith.constant 0 : i32
    %dma_start3A_579 = arith.constant 0 : i32
    %dma_start3A_580 = tpu.memref_slice %arg5[%dma_start3A_574, %dma_start3A_578, %dma_start3A_579] : memref<4x8x16384xf32, #tpu.memory_space<vmem>> -> memref<1x8x16384xf32, #tpu.memory_space<vmem>>
    %dma_start3A_581 = tpu.memref_squeeze %dma_start3A_580 : memref<1x8x16384xf32, #tpu.memory_space<vmem>> -> memref<8x16384xf32, #tpu.memory_space<vmem>>
    %dma_start3A_582 = arith.constant 72 : i32
    %dma_start3A_583 = arith.constant 0 : i32
    %dma_start3A_584 = tpu.memref_slice %arg2[%dma_start3A_582, %dma_start3A_583] : memref<256x16384xf32, #tpu.memory_space<any>> -> memref<8x16384xf32, #tpu.memory_space<any>>
    tpu.enqueue_dma source(%dma_start3A_584 : memref<8x16384xf32, #tpu.memory_space<any>>) target(%dma_start3A_581 : memref<8x16384xf32, #tpu.memory_space<vmem>>) target_semaphore(%dma_start3A_577 : memref<!tpu.dma_semaphore, #tpu.memory_space<semaphore_mem>>)
    %dma_start3A_585 = arith.constant 1 : i32
    %dma_start3A_586 = arith.constant 1 : i32
    %dma_start3A_587 = tpu.memref_slice %arg9[%dma_start3A_586] : memref<4x!tpu.dma_semaphore, #tpu.memory_space<semaphore_mem>> -> memref<1x!tpu.dma_semaphore, #tpu.memory_space<semaphore_mem>>
    %dma_start3A_588 = tpu.memref_squeeze %dma_start3A_587 : memref<1x!tpu.dma_semaphore, #tpu.memory_space<semaphore_mem>> -> memref<!tpu.dma_semaphore, #tpu.memory_space<semaphore_mem>>
    %dma_start3A_589 = arith.constant 0 : i32
    %dma_start3A_590 = arith.constant 0 : i32
    %dma_start3A_591 = tpu.memref_slice %arg6[%dma_start3A_585, %dma_start3A_589, %dma_start3A_590] : memref<4x8x16384xf32, #tpu.memory_space<vmem>> -> memref<1x8x16384xf32, #tpu.memory_space<vmem>>
    %dma_start3A_592 = tpu.memref_squeeze %dma_start3A_591 : memref<1x8x16384xf32, #tpu.memory_space<vmem>> -> memref<8x16384xf32, #tpu.memory_space<vmem>>
    %dma_start3A_593 = arith.constant 72 : i32
    %dma_start3A_594 = arith.constant 0 : i32
    %dma_start3A_595 = tpu.memref_slice %arg3[%dma_start3A_593, %dma_start3A_594] : memref<256x16384xf32, #tpu.memory_space<any>> -> memref<8x16384xf32, #tpu.memory_space<any>>
    tpu.enqueue_dma source(%dma_start3A_595 : memref<8x16384xf32, #tpu.memory_space<any>>) target(%dma_start3A_592 : memref<8x16384xf32, #tpu.memory_space<vmem>>) target_semaphore(%dma_start3A_588 : memref<!tpu.dma_semaphore, #tpu.memory_space<semaphore_mem>>)
    %dma_wait3A_596 = arith.constant 2 : i32
    %dma_wait3A_597 = arith.constant 2 : i32
    %dma_wait3A_598 = tpu.memref_slice %arg8[%dma_wait3A_597] : memref<4x!tpu.dma_semaphore, #tpu.memory_space<semaphore_mem>> -> memref<1x!tpu.dma_semaphore, #tpu.memory_space<semaphore_mem>>
    %dma_wait3A_599 = tpu.memref_squeeze %dma_wait3A_598 : memref<1x!tpu.dma_semaphore, #tpu.memory_space<semaphore_mem>> -> memref<!tpu.dma_semaphore, #tpu.memory_space<semaphore_mem>>
    %dma_wait3A_600 = arith.constant 0 : i32
    %dma_wait3A_601 = arith.constant 0 : i32
    %dma_wait3A_602 = tpu.memref_slice %arg5[%dma_wait3A_596, %dma_wait3A_600, %dma_wait3A_601] : memref<4x8x16384xf32, #tpu.memory_space<vmem>> -> memref<1x8x16384xf32, #tpu.memory_space<vmem>>
    %dma_wait3A_603 = tpu.memref_squeeze %dma_wait3A_602 : memref<1x8x16384xf32, #tpu.memory_space<vmem>> -> memref<8x16384xf32, #tpu.memory_space<vmem>>
    %dma_wait3A_604 = arith.constant 48 : i32
    %dma_wait3A_605 = arith.constant 0 : i32
    %dma_wait3A_606 = tpu.memref_slice %arg2[%dma_wait3A_604, %dma_wait3A_605] : memref<256x16384xf32, #tpu.memory_space<any>> -> memref<8x16384xf32, #tpu.memory_space<any>>
    tpu.wait_dma2 semaphore(%dma_wait3A_599 : memref<!tpu.dma_semaphore, #tpu.memory_space<semaphore_mem>>) src(%dma_wait3A_606 : memref<8x16384xf32, #tpu.memory_space<any>>) dst(%dma_wait3A_603 : memref<8x16384xf32, #tpu.memory_space<vmem>>)
    %dma_wait3A_607 = arith.constant 2 : i32
    %dma_wait3A_608 = arith.constant 2 : i32
    %dma_wait3A_609 = tpu.memref_slice %arg9[%dma_wait3A_608] : memref<4x!tpu.dma_semaphore, #tpu.memory_space<semaphore_mem>> -> memref<1x!tpu.dma_semaphore, #tpu.memory_space<semaphore_mem>>
    %dma_wait3A_610 = tpu.memref_squeeze %dma_wait3A_609 : memref<1x!tpu.dma_semaphore, #tpu.memory_space<semaphore_mem>> -> memref<!tpu.dma_semaphore, #tpu.memory_space<semaphore_mem>>
    %dma_wait3A_611 = arith.constant 0 : i32
    %dma_wait3A_612 = arith.constant 0 : i32
    %dma_wait3A_613 = tpu.memref_slice %arg6[%dma_wait3A_607, %dma_wait3A_611, %dma_wait3A_612] : memref<4x8x16384xf32, #tpu.memory_space<vmem>> -> memref<1x8x16384xf32, #tpu.memory_space<vmem>>
    %dma_wait3A_614 = tpu.memref_squeeze %dma_wait3A_613 : memref<1x8x16384xf32, #tpu.memory_space<vmem>> -> memref<8x16384xf32, #tpu.memory_space<vmem>>
    %dma_wait3A_615 = arith.constant 48 : i32
    %dma_wait3A_616 = arith.constant 0 : i32
    %dma_wait3A_617 = tpu.memref_slice %arg3[%dma_wait3A_615, %dma_wait3A_616] : memref<256x16384xf32, #tpu.memory_space<any>> -> memref<8x16384xf32, #tpu.memory_space<any>>
    tpu.wait_dma2 semaphore(%dma_wait3A_610 : memref<!tpu.dma_semaphore, #tpu.memory_space<semaphore_mem>>) src(%dma_wait3A_617 : memref<8x16384xf32, #tpu.memory_space<any>>) dst(%dma_wait3A_614 : memref<8x16384xf32, #tpu.memory_space<vmem>>)
    %dma_wait3A_618 = arith.constant 2 : i32
    %dma_wait3A_619 = arith.constant 2 : i32
    %dma_wait3A_620 = tpu.memref_slice %arg10[%dma_wait3A_619] : memref<4x!tpu.dma_semaphore, #tpu.memory_space<semaphore_mem>> -> memref<1x!tpu.dma_semaphore, #tpu.memory_space<semaphore_mem>>
    %dma_wait3A_621 = tpu.memref_squeeze %dma_wait3A_620 : memref<1x!tpu.dma_semaphore, #tpu.memory_space<semaphore_mem>> -> memref<!tpu.dma_semaphore, #tpu.memory_space<semaphore_mem>>
    %dma_wait3A_622 = arith.constant 16 : i32
    %dma_wait3A_623 = arith.constant 0 : i32
    %dma_wait3A_624 = tpu.memref_slice %arg4[%dma_wait3A_622, %dma_wait3A_623] : memref<256x16384xf32, #tpu.memory_space<any>> -> memref<8x16384xf32, #tpu.memory_space<any>>
    %dma_wait3A_625 = arith.constant 0 : i32
    %dma_wait3A_626 = arith.constant 0 : i32
    %dma_wait3A_627 = tpu.memref_slice %arg7[%dma_wait3A_618, %dma_wait3A_625, %dma_wait3A_626] : memref<4x8x16384xf32, #tpu.memory_space<vmem>> -> memref<1x8x16384xf32, #tpu.memory_space<vmem>>
    %dma_wait3A_628 = tpu.memref_squeeze %dma_wait3A_627 : memref<1x8x16384xf32, #tpu.memory_space<vmem>> -> memref<8x16384xf32, #tpu.memory_space<vmem>>
    tpu.wait_dma2 semaphore(%dma_wait3A_621 : memref<!tpu.dma_semaphore, #tpu.memory_space<semaphore_mem>>) src(%dma_wait3A_628 : memref<8x16384xf32, #tpu.memory_space<vmem>>) dst(%dma_wait3A_624 : memref<8x16384xf32, #tpu.memory_space<any>>)
    %get3A_629 = arith.constant 48 : index
    %get3A_630 = arith.constant 0 : index
    %get3A_631 = vector.load %arg0[%get3A_629, %get3A_630] : memref<256x1xf32, #tpu.memory_space<vmem>>, vector<8x1xf32>
    %get3A_632 = arith.constant 48 : index
    %get3A_633 = arith.constant 0 : index
    %get3A_634 = vector.load %arg1[%get3A_632, %get3A_633] : memref<256x1xf32, #tpu.memory_space<vmem>>, vector<8x1xf32>
    %get3A_635 = arith.constant 2 : index
    %get3A_636 = arith.constant 0 : index
    %get3A_637 = arith.constant 0 : index
    %get3A_638 = vector.load %arg5[%get3A_635, %get3A_636, %get3A_637] : memref<4x8x16384xf32, #tpu.memory_space<vmem>>, vector<1x8x16384xf32>
    %get3A_639 = vector.shape_cast %get3A_638 : vector<1x8x16384xf32> to vector<8x16384xf32>
    %mul3A_640 = vector.broadcast %get3A_631 : vector<8x1xf32> to vector<8x16384xf32>
    %mul3A_641 = arith.mulf %mul3A_640, %get3A_639 : vector<8x16384xf32>
    %get3A_642 = arith.constant 2 : index
    %get3A_643 = arith.constant 0 : index
    %get3A_644 = arith.constant 0 : index
    %get3A_645 = vector.load %arg6[%get3A_642, %get3A_643, %get3A_644] : memref<4x8x16384xf32, #tpu.memory_space<vmem>>, vector<1x8x16384xf32>
    %get3A_646 = vector.shape_cast %get3A_645 : vector<1x8x16384xf32> to vector<8x16384xf32>
    %mul3A_647 = vector.broadcast %get3A_634 : vector<8x1xf32> to vector<8x16384xf32>
    %mul3A_648 = arith.mulf %mul3A_647, %get3A_646 : vector<8x16384xf32>
    %add3A_649 = arith.addf %mul3A_641, %mul3A_648 : vector<8x16384xf32>
    %swap3A_650 = arith.constant 2 : index
    %swap3A_651 = arith.constant 0 : index
    %swap3A_652 = arith.constant 0 : index
    %swap3A_653 = vector.load %arg7[%swap3A_650, %swap3A_651, %swap3A_652] : memref<4x8x16384xf32, #tpu.memory_space<vmem>>, vector<1x8x16384xf32>
    %swap3A_654 = vector.shape_cast %swap3A_653 : vector<1x8x16384xf32> to vector<8x16384xf32>
    %swap3A_655 = vector.shape_cast %add3A_649 : vector<8x16384xf32> to vector<1x8x16384xf32>
    tpu.vector_store %arg7[%swap3A_650, %swap3A_651, %swap3A_652], %swap3A_655 {strides = array<i32>} : memref<4x8x16384xf32, #tpu.memory_space<vmem>>, vector<1x8x16384xf32>,
    %dma_start3A_656 = arith.constant 2 : i32
    %dma_start3A_657 = arith.constant 2 : i32
    %dma_start3A_658 = tpu.memref_slice %arg10[%dma_start3A_657] : memref<4x!tpu.dma_semaphore, #tpu.memory_space<semaphore_mem>> -> memref<1x!tpu.dma_semaphore, #tpu.memory_space<semaphore_mem>>
    %dma_start3A_659 = tpu.memref_squeeze %dma_start3A_658 : memref<1x!tpu.dma_semaphore, #tpu.memory_space<semaphore_mem>> -> memref<!tpu.dma_semaphore, #tpu.memory_space<semaphore_mem>>
    %dma_start3A_660 = arith.constant 48 : i32
    %dma_start3A_661 = arith.constant 0 : i32
    %dma_start3A_662 = tpu.memref_slice %arg4[%dma_start3A_660, %dma_start3A_661] : memref<256x16384xf32, #tpu.memory_space<any>> -> memref<8x16384xf32, #tpu.memory_space<any>>
    %dma_start3A_663 = arith.constant 0 : i32
    %dma_start3A_664 = arith.constant 0 : i32
    %dma_start3A_665 = tpu.memref_slice %arg7[%dma_start3A_656, %dma_start3A_663, %dma_start3A_664] : memref<4x8x16384xf32, #tpu.memory_space<vmem>> -> memref<1x8x16384xf32, #tpu.memory_space<vmem>>
    %dma_start3A_666 = tpu.memref_squeeze %dma_start3A_665 : memref<1x8x16384xf32, #tpu.memory_space<vmem>> -> memref<8x16384xf32, #tpu.memory_space<vmem>>
    tpu.enqueue_dma source(%dma_start3A_666 : memref<8x16384xf32, #tpu.memory_space<vmem>>) target(%dma_start3A_662 : memref<8x16384xf32, #tpu.memory_space<any>>) target_semaphore(%dma_start3A_659 : memref<!tpu.dma_semaphore, #tpu.memory_space<semaphore_mem>>)
    %dma_start3A_667 = arith.constant 2 : i32
    %dma_start3A_668 = arith.constant 2 : i32
    %dma_start3A_669 = tpu.memref_slice %arg8[%dma_start3A_668] : memref<4x!tpu.dma_semaphore, #tpu.memory_space<semaphore_mem>> -> memref<1x!tpu.dma_semaphore, #tpu.memory_space<semaphore_mem>>
    %dma_start3A_670 = tpu.memref_squeeze %dma_start3A_669 : memref<1x!tpu.dma_semaphore, #tpu.memory_space<semaphore_mem>> -> memref<!tpu.dma_semaphore, #tpu.memory_space<semaphore_mem>>
    %dma_start3A_671 = arith.constant 0 : i32
    %dma_start3A_672 = arith.constant 0 : i32
    %dma_start3A_673 = tpu.memref_slice %arg5[%dma_start3A_667, %dma_start3A_671, %dma_start3A_672] : memref<4x8x16384xf32, #tpu.memory_space<vmem>> -> memref<1x8x16384xf32, #tpu.memory_space<vmem>>
    %dma_start3A_674 = tpu.memref_squeeze %dma_start3A_673 : memref<1x8x16384xf32, #tpu.memory_space<vmem>> -> memref<8x16384xf32, #tpu.memory_space<vmem>>
    %dma_start3A_675 = arith.constant 80 : i32
    %dma_start3A_676 = arith.constant 0 : i32
    %dma_start3A_677 = tpu.memref_slice %arg2[%dma_start3A_675, %dma_start3A_676] : memref<256x16384xf32, #tpu.memory_space<any>> -> memref<8x16384xf32, #tpu.memory_space<any>>
    tpu.enqueue_dma source(%dma_start3A_677 : memref<8x16384xf32, #tpu.memory_space<any>>) target(%dma_start3A_674 : memref<8x16384xf32, #tpu.memory_space<vmem>>) target_semaphore(%dma_start3A_670 : memref<!tpu.dma_semaphore, #tpu.memory_space<semaphore_mem>>)
    %dma_start3A_678 = arith.constant 2 : i32
    %dma_start3A_679 = arith.constant 2 : i32
    %dma_start3A_680 = tpu.memref_slice %arg9[%dma_start3A_679] : memref<4x!tpu.dma_semaphore, #tpu.memory_space<semaphore_mem>> -> memref<1x!tpu.dma_semaphore, #tpu.memory_space<semaphore_mem>>
    %dma_start3A_681 = tpu.memref_squeeze %dma_start3A_680 : memref<1x!tpu.dma_semaphore, #tpu.memory_space<semaphore_mem>> -> memref<!tpu.dma_semaphore, #tpu.memory_space<semaphore_mem>>
    %dma_start3A_682 = arith.constant 0 : i32
    %dma_start3A_683 = arith.constant 0 : i32
    %dma_start3A_684 = tpu.memref_slice %arg6[%dma_start3A_678, %dma_start3A_682, %dma_start3A_683] : memref<4x8x16384xf32, #tpu.memory_space<vmem>> -> memref<1x8x16384xf32, #tpu.memory_space<vmem>>
    %dma_start3A_685 = tpu.memref_squeeze %dma_start3A_684 : memref<1x8x16384xf32, #tpu.memory_space<vmem>> -> memref<8x16384xf32, #tpu.memory_space<vmem>>
    %dma_start3A_686 = arith.constant 80 : i32
    %dma_start3A_687 = arith.constant 0 : i32
    %dma_start3A_688 = tpu.memref_slice %arg3[%dma_start3A_686, %dma_start3A_687] : memref<256x16384xf32, #tpu.memory_space<any>> -> memref<8x16384xf32, #tpu.memory_space<any>>
    tpu.enqueue_dma source(%dma_start3A_688 : memref<8x16384xf32, #tpu.memory_space<any>>) target(%dma_start3A_685 : memref<8x16384xf32, #tpu.memory_space<vmem>>) target_semaphore(%dma_start3A_681 : memref<!tpu.dma_semaphore, #tpu.memory_space<semaphore_mem>>)
    %dma_wait3A_689 = arith.constant 3 : i32
    %dma_wait3A_690 = arith.constant 3 : i32
    %dma_wait3A_691 = tpu.memref_slice %arg8[%dma_wait3A_690] : memref<4x!tpu.dma_semaphore, #tpu.memory_space<semaphore_mem>> -> memref<1x!tpu.dma_semaphore, #tpu.memory_space<semaphore_mem>>
    %dma_wait3A_692 = tpu.memref_squeeze %dma_wait3A_691 : memref<1x!tpu.dma_semaphore, #tpu.memory_space<semaphore_mem>> -> memref<!tpu.dma_semaphore, #tpu.memory_space<semaphore_mem>>
    %dma_wait3A_693 = arith.constant 0 : i32
    %dma_wait3A_694 = arith.constant 0 : i32
    %dma_wait3A_695 = tpu.memref_slice %arg5[%dma_wait3A_689, %dma_wait3A_693, %dma_wait3A_694] : memref<4x8x16384xf32, #tpu.memory_space<vmem>> -> memref<1x8x16384xf32, #tpu.memory_space<vmem>>
    %dma_wait3A_696 = tpu.memref_squeeze %dma_wait3A_695 : memref<1x8x16384xf32, #tpu.memory_space<vmem>> -> memref<8x16384xf32, #tpu.memory_space<vmem>>
    %dma_wait3A_697 = arith.constant 56 : i32
    %dma_wait3A_698 = arith.constant 0 : i32
    %dma_wait3A_699 = tpu.memref_slice %arg2[%dma_wait3A_697, %dma_wait3A_698] : memref<256x16384xf32, #tpu.memory_space<any>> -> memref<8x16384xf32, #tpu.memory_space<any>>
    tpu.wait_dma2 semaphore(%dma_wait3A_692 : memref<!tpu.dma_semaphore, #tpu.memory_space<semaphore_mem>>) src(%dma_wait3A_699 : memref<8x16384xf32, #tpu.memory_space<any>>) dst(%dma_wait3A_696 : memref<8x16384xf32, #tpu.memory_space<vmem>>)
    %dma_wait3A_700 = arith.constant 3 : i32
    %dma_wait3A_701 = arith.constant 3 : i32
    %dma_wait3A_702 = tpu.memref_slice %arg9[%dma_wait3A_701] : memref<4x!tpu.dma_semaphore, #tpu.memory_space<semaphore_mem>> -> memref<1x!tpu.dma_semaphore, #tpu.memory_space<semaphore_mem>>
    %dma_wait3A_703 = tpu.memref_squeeze %dma_wait3A_702 : memref<1x!tpu.dma_semaphore, #tpu.memory_space<semaphore_mem>> -> memref<!tpu.dma_semaphore, #tpu.memory_space<semaphore_mem>>
    %dma_wait3A_704 = arith.constant 0 : i32
    %dma_wait3A_705 = arith.constant 0 : i32
    %dma_wait3A_706 = tpu.memref_slice %arg6[%dma_wait3A_700, %dma_wait3A_704, %dma_wait3A_705] : memref<4x8x16384xf32, #tpu.memory_space<vmem>> -> memref<1x8x16384xf32, #tpu.memory_space<vmem>>
    %dma_wait3A_707 = tpu.memref_squeeze %dma_wait3A_706 : memref<1x8x16384xf32, #tpu.memory_space<vmem>> -> memref<8x16384xf32, #tpu.memory_space<vmem>>
    %dma_wait3A_708 = arith.constant 56 : i32
    %dma_wait3A_709 = arith.constant 0 : i32
    %dma_wait3A_710 = tpu.memref_slice %arg3[%dma_wait3A_708, %dma_wait3A_709] : memref<256x16384xf32, #tpu.memory_space<any>> -> memref<8x16384xf32, #tpu.memory_space<any>>
    tpu.wait_dma2 semaphore(%dma_wait3A_703 : memref<!tpu.dma_semaphore, #tpu.memory_space<semaphore_mem>>) src(%dma_wait3A_710 : memref<8x16384xf32, #tpu.memory_space<any>>) dst(%dma_wait3A_707 : memref<8x16384xf32, #tpu.memory_space<vmem>>)
    %dma_wait3A_711 = arith.constant 3 : i32
    %dma_wait3A_712 = arith.constant 3 : i32
    %dma_wait3A_713 = tpu.memref_slice %arg10[%dma_wait3A_712] : memref<4x!tpu.dma_semaphore, #tpu.memory_space<semaphore_mem>> -> memref<1x!tpu.dma_semaphore, #tpu.memory_space<semaphore_mem>>
    %dma_wait3A_714 = tpu.memref_squeeze %dma_wait3A_713 : memref<1x!tpu.dma_semaphore, #tpu.memory_space<semaphore_mem>> -> memref<!tpu.dma_semaphore, #tpu.memory_space<semaphore_mem>>
    %dma_wait3A_715 = arith.constant 24 : i32
    %dma_wait3A_716 = arith.constant 0 : i32
    %dma_wait3A_717 = tpu.memref_slice %arg4[%dma_wait3A_715, %dma_wait3A_716] : memref<256x16384xf32, #tpu.memory_space<any>> -> memref<8x16384xf32, #tpu.memory_space<any>>
    %dma_wait3A_718 = arith.constant 0 : i32
    %dma_wait3A_719 = arith.constant 0 : i32
    %dma_wait3A_720 = tpu.memref_slice %arg7[%dma_wait3A_711, %dma_wait3A_718, %dma_wait3A_719] : memref<4x8x16384xf32, #tpu.memory_space<vmem>> -> memref<1x8x16384xf32, #tpu.memory_space<vmem>>
    %dma_wait3A_721 = tpu.memref_squeeze %dma_wait3A_720 : memref<1x8x16384xf32, #tpu.memory_space<vmem>> -> memref<8x16384xf32, #tpu.memory_space<vmem>>
    tpu.wait_dma2 semaphore(%dma_wait3A_714 : memref<!tpu.dma_semaphore, #tpu.memory_space<semaphore_mem>>) src(%dma_wait3A_721 : memref<8x16384xf32, #tpu.memory_space<vmem>>) dst(%dma_wait3A_717 : memref<8x16384xf32, #tpu.memory_space<any>>)
    %get3A_722 = arith.constant 56 : index
    %get3A_723 = arith.constant 0 : index
    %get3A_724 = vector.load %arg0[%get3A_722, %get3A_723] : memref<256x1xf32, #tpu.memory_space<vmem>>, vector<8x1xf32>
    %get3A_725 = arith.constant 56 : index
    %get3A_726 = arith.constant 0 : index
    %get3A_727 = vector.load %arg1[%get3A_725, %get3A_726] : memref<256x1xf32, #tpu.memory_space<vmem>>, vector<8x1xf32>
    %get3A_728 = arith.constant 3 : index
    %get3A_729 = arith.constant 0 : index
    %get3A_730 = arith.constant 0 : index
    %get3A_731 = vector.load %arg5[%get3A_728, %get3A_729, %get3A_730] : memref<4x8x16384xf32, #tpu.memory_space<vmem>>, vector<1x8x16384xf32>
    %get3A_732 = vector.shape_cast %get3A_731 : vector<1x8x16384xf32> to vector<8x16384xf32>
    %mul3A_733 = vector.broadcast %get3A_724 : vector<8x1xf32> to vector<8x16384xf32>
    %mul3A_734 = arith.mulf %mul3A_733, %get3A_732 : vector<8x16384xf32>
    %get3A_735 = arith.constant 3 : index
    %get3A_736 = arith.constant 0 : index
    %get3A_737 = arith.constant 0 : index
    %get3A_738 = vector.load %arg6[%get3A_735, %get3A_736, %get3A_737] : memref<4x8x16384xf32, #tpu.memory_space<vmem>>, vector<1x8x16384xf32>
    %get3A_739 = vector.shape_cast %get3A_738 : vector<1x8x16384xf32> to vector<8x16384xf32>
    %mul3A_740 = vector.broadcast %get3A_727 : vector<8x1xf32> to vector<8x16384xf32>
    %mul3A_741 = arith.mulf %mul3A_740, %get3A_739 : vector<8x16384xf32>
    %add3A_742 = arith.addf %mul3A_734, %mul3A_741 : vector<8x16384xf32>
    %swap3A_743 = arith.constant 3 : index
    %swap3A_744 = arith.constant 0 : index
    %swap3A_745 = arith.constant 0 : index
    %swap3A_746 = vector.load %arg7[%swap3A_743, %swap3A_744, %swap3A_745] : memref<4x8x16384xf32, #tpu.memory_space<vmem>>, vector<1x8x16384xf32>
    %swap3A_747 = vector.shape_cast %swap3A_746 : vector<1x8x16384xf32> to vector<8x16384xf32>
    %swap3A_748 = vector.shape_cast %add3A_742 : vector<8x16384xf32> to vector<1x8x16384xf32>
    tpu.vector_store %arg7[%swap3A_743, %swap3A_744, %swap3A_745], %swap3A_748 {strides = array<i32>} : memref<4x8x16384xf32, #tpu.memory_space<vmem>>, vector<1x8x16384xf32>,
    %dma_start3A_749 = arith.constant 3 : i32
    %dma_start3A_750 = arith.constant 3 : i32
    %dma_start3A_751 = tpu.memref_slice %arg10[%dma_start3A_750] : memref<4x!tpu.dma_semaphore, #tpu.memory_space<semaphore_mem>> -> memref<1x!tpu.dma_semaphore, #tpu.memory_space<semaphore_mem>>
    %dma_start3A_752 = tpu.memref_squeeze %dma_start3A_751 : memref<1x!tpu.dma_semaphore, #tpu.memory_space<semaphore_mem>> -> memref<!tpu.dma_semaphore, #tpu.memory_space<semaphore_mem>>
    %dma_start3A_753 = arith.constant 56 : i32
    %dma_start3A_754 = arith.constant 0 : i32
    %dma_start3A_755 = tpu.memref_slice %arg4[%dma_start3A_753, %dma_start3A_754] : memref<256x16384xf32, #tpu.memory_space<any>> -> memref<8x16384xf32, #tpu.memory_space<any>>
    %dma_start3A_756 = arith.constant 0 : i32
    %dma_start3A_757 = arith.constant 0 : i32
    %dma_start3A_758 = tpu.memref_slice %arg7[%dma_start3A_749, %dma_start3A_756, %dma_start3A_757] : memref<4x8x16384xf32, #tpu.memory_space<vmem>> -> memref<1x8x16384xf32, #tpu.memory_space<vmem>>
    %dma_start3A_759 = tpu.memref_squeeze %dma_start3A_758 : memref<1x8x16384xf32, #tpu.memory_space<vmem>> -> memref<8x16384xf32, #tpu.memory_space<vmem>>
    tpu.enqueue_dma source(%dma_start3A_759 : memref<8x16384xf32, #tpu.memory_space<vmem>>) target(%dma_start3A_755 : memref<8x16384xf32, #tpu.memory_space<any>>) target_semaphore(%dma_start3A_752 : memref<!tpu.dma_semaphore, #tpu.memory_space<semaphore_mem>>)
    %dma_start3A_760 = arith.constant 3 : i32
    %dma_start3A_761 = arith.constant 3 : i32
    %dma_start3A_762 = tpu.memref_slice %arg8[%dma_start3A_761] : memref<4x!tpu.dma_semaphore, #tpu.memory_space<semaphore_mem>> -> memref<1x!tpu.dma_semaphore, #tpu.memory_space<semaphore_mem>>
    %dma_start3A_763 = tpu.memref_squeeze %dma_start3A_762 : memref<1x!tpu.dma_semaphore, #tpu.memory_space<semaphore_mem>> -> memref<!tpu.dma_semaphore, #tpu.memory_space<semaphore_mem>>
    %dma_start3A_764 = arith.constant 0 : i32
    %dma_start3A_765 = arith.constant 0 : i32
    %dma_start3A_766 = tpu.memref_slice %arg5[%dma_start3A_760, %dma_start3A_764, %dma_start3A_765] : memref<4x8x16384xf32, #tpu.memory_space<vmem>> -> memref<1x8x16384xf32, #tpu.memory_space<vmem>>
    %dma_start3A_767 = tpu.memref_squeeze %dma_start3A_766 : memref<1x8x16384xf32, #tpu.memory_space<vmem>> -> memref<8x16384xf32, #tpu.memory_space<vmem>>
    %dma_start3A_768 = arith.constant 88 : i32
    %dma_start3A_769 = arith.constant 0 : i32
    %dma_start3A_770 = tpu.memref_slice %arg2[%dma_start3A_768, %dma_start3A_769] : memref<256x16384xf32, #tpu.memory_space<any>> -> memref<8x16384xf32, #tpu.memory_space<any>>
    tpu.enqueue_dma source(%dma_start3A_770 : memref<8x16384xf32, #tpu.memory_space<any>>) target(%dma_start3A_767 : memref<8x16384xf32, #tpu.memory_space<vmem>>) target_semaphore(%dma_start3A_763 : memref<!tpu.dma_semaphore, #tpu.memory_space<semaphore_mem>>)
    %dma_start3A_771 = arith.constant 3 : i32
    %dma_start3A_772 = arith.constant 3 : i32
    %dma_start3A_773 = tpu.memref_slice %arg9[%dma_start3A_772] : memref<4x!tpu.dma_semaphore, #tpu.memory_space<semaphore_mem>> -> memref<1x!tpu.dma_semaphore, #tpu.memory_space<semaphore_mem>>
    %dma_start3A_774 = tpu.memref_squeeze %dma_start3A_773 : memref<1x!tpu.dma_semaphore, #tpu.memory_space<semaphore_mem>> -> memref<!tpu.dma_semaphore, #tpu.memory_space<semaphore_mem>>
    %dma_start3A_775 = arith.constant 0 : i32
    %dma_start3A_776 = arith.constant 0 : i32
    %dma_start3A_777 = tpu.memref_slice %arg6[%dma_start3A_771, %dma_start3A_775, %dma_start3A_776] : memref<4x8x16384xf32, #tpu.memory_space<vmem>> -> memref<1x8x16384xf32, #tpu.memory_space<vmem>>
    %dma_start3A_778 = tpu.memref_squeeze %dma_start3A_777 : memref<1x8x16384xf32, #tpu.memory_space<vmem>> -> memref<8x16384xf32, #tpu.memory_space<vmem>>
    %dma_start3A_779 = arith.constant 88 : i32
    %dma_start3A_780 = arith.constant 0 : i32
    %dma_start3A_781 = tpu.memref_slice %arg3[%dma_start3A_779, %dma_start3A_780] : memref<256x16384xf32, #tpu.memory_space<any>> -> memref<8x16384xf32, #tpu.memory_space<any>>
    tpu.enqueue_dma source(%dma_start3A_781 : memref<8x16384xf32, #tpu.memory_space<any>>) target(%dma_start3A_778 : memref<8x16384xf32, #tpu.memory_space<vmem>>) target_semaphore(%dma_start3A_774 : memref<!tpu.dma_semaphore, #tpu.memory_space<semaphore_mem>>)
    %dma_wait3A_782 = arith.constant 0 : i32
    %dma_wait3A_783 = arith.constant 0 : i32
    %dma_wait3A_784 = tpu.memref_slice %arg8[%dma_wait3A_783] : memref<4x!tpu.dma_semaphore, #tpu.memory_space<semaphore_mem>> -> memref<1x!tpu.dma_semaphore, #tpu.memory_space<semaphore_mem>>
    %dma_wait3A_785 = tpu.memref_squeeze %dma_wait3A_784 : memref<1x!tpu.dma_semaphore, #tpu.memory_space<semaphore_mem>> -> memref<!tpu.dma_semaphore, #tpu.memory_space<semaphore_mem>>
    %dma_wait3A_786 = arith.constant 0 : i32
    %dma_wait3A_787 = arith.constant 0 : i32
    %dma_wait3A_788 = tpu.memref_slice %arg5[%dma_wait3A_782, %dma_wait3A_786, %dma_wait3A_787] : memref<4x8x16384xf32, #tpu.memory_space<vmem>> -> memref<1x8x16384xf32, #tpu.memory_space<vmem>>
    %dma_wait3A_789 = tpu.memref_squeeze %dma_wait3A_788 : memref<1x8x16384xf32, #tpu.memory_space<vmem>> -> memref<8x16384xf32, #tpu.memory_space<vmem>>
    %dma_wait3A_790 = arith.constant 64 : i32
    %dma_wait3A_791 = arith.constant 0 : i32
    %dma_wait3A_792 = tpu.memref_slice %arg2[%dma_wait3A_790, %dma_wait3A_791] : memref<256x16384xf32, #tpu.memory_space<any>> -> memref<8x16384xf32, #tpu.memory_space<any>>
    tpu.wait_dma2 semaphore(%dma_wait3A_785 : memref<!tpu.dma_semaphore, #tpu.memory_space<semaphore_mem>>) src(%dma_wait3A_792 : memref<8x16384xf32, #tpu.memory_space<any>>) dst(%dma_wait3A_789 : memref<8x16384xf32, #tpu.memory_space<vmem>>)
    %dma_wait3A_793 = arith.constant 0 : i32
    %dma_wait3A_794 = arith.constant 0 : i32
    %dma_wait3A_795 = tpu.memref_slice %arg9[%dma_wait3A_794] : memref<4x!tpu.dma_semaphore, #tpu.memory_space<semaphore_mem>> -> memref<1x!tpu.dma_semaphore, #tpu.memory_space<semaphore_mem>>
    %dma_wait3A_796 = tpu.memref_squeeze %dma_wait3A_795 : memref<1x!tpu.dma_semaphore, #tpu.memory_space<semaphore_mem>> -> memref<!tpu.dma_semaphore, #tpu.memory_space<semaphore_mem>>
    %dma_wait3A_797 = arith.constant 0 : i32
    %dma_wait3A_798 = arith.constant 0 : i32
    %dma_wait3A_799 = tpu.memref_slice %arg6[%dma_wait3A_793, %dma_wait3A_797, %dma_wait3A_798] : memref<4x8x16384xf32, #tpu.memory_space<vmem>> -> memref<1x8x16384xf32, #tpu.memory_space<vmem>>
    %dma_wait3A_800 = tpu.memref_squeeze %dma_wait3A_799 : memref<1x8x16384xf32, #tpu.memory_space<vmem>> -> memref<8x16384xf32, #tpu.memory_space<vmem>>
    %dma_wait3A_801 = arith.constant 64 : i32
    %dma_wait3A_802 = arith.constant 0 : i32
    %dma_wait3A_803 = tpu.memref_slice %arg3[%dma_wait3A_801, %dma_wait3A_802] : memref<256x16384xf32, #tpu.memory_space<any>> -> memref<8x16384xf32, #tpu.memory_space<any>>
    tpu.wait_dma2 semaphore(%dma_wait3A_796 : memref<!tpu.dma_semaphore, #tpu.memory_space<semaphore_mem>>) src(%dma_wait3A_803 : memref<8x16384xf32, #tpu.memory_space<any>>) dst(%dma_wait3A_800 : memref<8x16384xf32, #tpu.memory_space<vmem>>)
    %dma_wait3A_804 = arith.constant 0 : i32
    %dma_wait3A_805 = arith.constant 0 : i32
    %dma_wait3A_806 = tpu.memref_slice %arg10[%dma_wait3A_805] : memref<4x!tpu.dma_semaphore, #tpu.memory_space<semaphore_mem>> -> memref<1x!tpu.dma_semaphore, #tpu.memory_space<semaphore_mem>>
    %dma_wait3A_807 = tpu.memref_squeeze %dma_wait3A_806 : memref<1x!tpu.dma_semaphore, #tpu.memory_space<semaphore_mem>> -> memref<!tpu.dma_semaphore, #tpu.memory_space<semaphore_mem>>
    %dma_wait3A_808 = arith.constant 32 : i32
    %dma_wait3A_809 = arith.constant 0 : i32
    %dma_wait3A_810 = tpu.memref_slice %arg4[%dma_wait3A_808, %dma_wait3A_809] : memref<256x16384xf32, #tpu.memory_space<any>> -> memref<8x16384xf32, #tpu.memory_space<any>>
    %dma_wait3A_811 = arith.constant 0 : i32
    %dma_wait3A_812 = arith.constant 0 : i32
    %dma_wait3A_813 = tpu.memref_slice %arg7[%dma_wait3A_804, %dma_wait3A_811, %dma_wait3A_812] : memref<4x8x16384xf32, #tpu.memory_space<vmem>> -> memref<1x8x16384xf32, #tpu.memory_space<vmem>>
    %dma_wait3A_814 = tpu.memref_squeeze %dma_wait3A_813 : memref<1x8x16384xf32, #tpu.memory_space<vmem>> -> memref<8x16384xf32, #tpu.memory_space<vmem>>
    tpu.wait_dma2 semaphore(%dma_wait3A_807 : memref<!tpu.dma_semaphore, #tpu.memory_space<semaphore_mem>>) src(%dma_wait3A_814 : memref<8x16384xf32, #tpu.memory_space<vmem>>) dst(%dma_wait3A_810 : memref<8x16384xf32, #tpu.memory_space<any>>)
    %get3A_815 = arith.constant 64 : index
    %get3A_816 = arith.constant 0 : index
    %get3A_817 = vector.load %arg0[%get3A_815, %get3A_816] : memref<256x1xf32, #tpu.memory_space<vmem>>, vector<8x1xf32>
    %get3A_818 = arith.constant 64 : index
    %get3A_819 = arith.constant 0 : index
    %get3A_820 = vector.load %arg1[%get3A_818, %get3A_819] : memref<256x1xf32, #tpu.memory_space<vmem>>, vector<8x1xf32>
    %get3A_821 = arith.constant 0 : index
    %get3A_822 = arith.constant 0 : index
    %get3A_823 = arith.constant 0 : index
    %get3A_824 = vector.load %arg5[%get3A_821, %get3A_822, %get3A_823] : memref<4x8x16384xf32, #tpu.memory_space<vmem>>, vector<1x8x16384xf32>
    %get3A_825 = vector.shape_cast %get3A_824 : vector<1x8x16384xf32> to vector<8x16384xf32>
    %mul3A_826 = vector.broadcast %get3A_817 : vector<8x1xf32> to vector<8x16384xf32>
    %mul3A_827 = arith.mulf %mul3A_826, %get3A_825 : vector<8x16384xf32>
    %get3A_828 = arith.constant 0 : index
    %get3A_829 = arith.constant 0 : index
    %get3A_830 = arith.constant 0 : index
    %get3A_831 = vector.load %arg6[%get3A_828, %get3A_829, %get3A_830] : memref<4x8x16384xf32, #tpu.memory_space<vmem>>, vector<1x8x16384xf32>
    %get3A_832 = vector.shape_cast %get3A_831 : vector<1x8x16384xf32> to vector<8x16384xf32>
    %mul3A_833 = vector.broadcast %get3A_820 : vector<8x1xf32> to vector<8x16384xf32>
    %mul3A_834 = arith.mulf %mul3A_833, %get3A_832 : vector<8x16384xf32>
    %add3A_835 = arith.addf %mul3A_827, %mul3A_834 : vector<8x16384xf32>
    %swap3A_836 = arith.constant 0 : index
    %swap3A_837 = arith.constant 0 : index
    %swap3A_838 = arith.constant 0 : index
    %swap3A_839 = vector.load %arg7[%swap3A_836, %swap3A_837, %swap3A_838] : memref<4x8x16384xf32, #tpu.memory_space<vmem>>, vector<1x8x16384xf32>
    %swap3A_840 = vector.shape_cast %swap3A_839 : vector<1x8x16384xf32> to vector<8x16384xf32>
    %swap3A_841 = vector.shape_cast %add3A_835 : vector<8x16384xf32> to vector<1x8x16384xf32>
    tpu.vector_store %arg7[%swap3A_836, %swap3A_837, %swap3A_838], %swap3A_841 {strides = array<i32>} : memref<4x8x16384xf32, #tpu.memory_space<vmem>>, vector<1x8x16384xf32>,
    %dma_start3A_842 = arith.constant 0 : i32
    %dma_start3A_843 = arith.constant 0 : i32
    %dma_start3A_844 = tpu.memref_slice %arg10[%dma_start3A_843] : memref<4x!tpu.dma_semaphore, #tpu.memory_space<semaphore_mem>> -> memref<1x!tpu.dma_semaphore, #tpu.memory_space<semaphore_mem>>
    %dma_start3A_845 = tpu.memref_squeeze %dma_start3A_844 : memref<1x!tpu.dma_semaphore, #tpu.memory_space<semaphore_mem>> -> memref<!tpu.dma_semaphore, #tpu.memory_space<semaphore_mem>>
    %dma_start3A_846 = arith.constant 64 : i32
    %dma_start3A_847 = arith.constant 0 : i32
    %dma_start3A_848 = tpu.memref_slice %arg4[%dma_start3A_846, %dma_start3A_847] : memref<256x16384xf32, #tpu.memory_space<any>> -> memref<8x16384xf32, #tpu.memory_space<any>>
    %dma_start3A_849 = arith.constant 0 : i32
    %dma_start3A_850 = arith.constant 0 : i32
    %dma_start3A_851 = tpu.memref_slice %arg7[%dma_start3A_842, %dma_start3A_849, %dma_start3A_850] : memref<4x8x16384xf32, #tpu.memory_space<vmem>> -> memref<1x8x16384xf32, #tpu.memory_space<vmem>>
    %dma_start3A_852 = tpu.memref_squeeze %dma_start3A_851 : memref<1x8x16384xf32, #tpu.memory_space<vmem>> -> memref<8x16384xf32, #tpu.memory_space<vmem>>
    tpu.enqueue_dma source(%dma_start3A_852 : memref<8x16384xf32, #tpu.memory_space<vmem>>) target(%dma_start3A_848 : memref<8x16384xf32, #tpu.memory_space<any>>) target_semaphore(%dma_start3A_845 : memref<!tpu.dma_semaphore, #tpu.memory_space<semaphore_mem>>)
    %dma_start3A_853 = arith.constant 0 : i32
    %dma_start3A_854 = arith.constant 0 : i32
    %dma_start3A_855 = tpu.memref_slice %arg8[%dma_start3A_854] : memref<4x!tpu.dma_semaphore, #tpu.memory_space<semaphore_mem>> -> memref<1x!tpu.dma_semaphore, #tpu.memory_space<semaphore_mem>>
    %dma_start3A_856 = tpu.memref_squeeze %dma_start3A_855 : memref<1x!tpu.dma_semaphore, #tpu.memory_space<semaphore_mem>> -> memref<!tpu.dma_semaphore, #tpu.memory_space<semaphore_mem>>
    %dma_start3A_857 = arith.constant 0 : i32
    %dma_start3A_858 = arith.constant 0 : i32
    %dma_start3A_859 = tpu.memref_slice %arg5[%dma_start3A_853, %dma_start3A_857, %dma_start3A_858] : memref<4x8x16384xf32, #tpu.memory_space<vmem>> -> memref<1x8x16384xf32, #tpu.memory_space<vmem>>
    %dma_start3A_860 = tpu.memref_squeeze %dma_start3A_859 : memref<1x8x16384xf32, #tpu.memory_space<vmem>> -> memref<8x16384xf32, #tpu.memory_space<vmem>>
    %dma_start3A_861 = arith.constant 96 : i32
    %dma_start3A_862 = arith.constant 0 : i32
    %dma_start3A_863 = tpu.memref_slice %arg2[%dma_start3A_861, %dma_start3A_862] : memref<256x16384xf32, #tpu.memory_space<any>> -> memref<8x16384xf32, #tpu.memory_space<any>>
    tpu.enqueue_dma source(%dma_start3A_863 : memref<8x16384xf32, #tpu.memory_space<any>>) target(%dma_start3A_860 : memref<8x16384xf32, #tpu.memory_space<vmem>>) target_semaphore(%dma_start3A_856 : memref<!tpu.dma_semaphore, #tpu.memory_space<semaphore_mem>>)
    %dma_start3A_864 = arith.constant 0 : i32
    %dma_start3A_865 = arith.constant 0 : i32
    %dma_start3A_866 = tpu.memref_slice %arg9[%dma_start3A_865] : memref<4x!tpu.dma_semaphore, #tpu.memory_space<semaphore_mem>> -> memref<1x!tpu.dma_semaphore, #tpu.memory_space<semaphore_mem>>
    %dma_start3A_867 = tpu.memref_squeeze %dma_start3A_866 : memref<1x!tpu.dma_semaphore, #tpu.memory_space<semaphore_mem>> -> memref<!tpu.dma_semaphore, #tpu.memory_space<semaphore_mem>>
    %dma_start3A_868 = arith.constant 0 : i32
    %dma_start3A_869 = arith.constant 0 : i32
    %dma_start3A_870 = tpu.memref_slice %arg6[%dma_start3A_864, %dma_start3A_868, %dma_start3A_869] : memref<4x8x16384xf32, #tpu.memory_space<vmem>> -> memref<1x8x16384xf32, #tpu.memory_space<vmem>>
    %dma_start3A_871 = tpu.memref_squeeze %dma_start3A_870 : memref<1x8x16384xf32, #tpu.memory_space<vmem>> -> memref<8x16384xf32, #tpu.memory_space<vmem>>
    %dma_start3A_872 = arith.constant 96 : i32
    %dma_start3A_873 = arith.constant 0 : i32
    %dma_start3A_874 = tpu.memref_slice %arg3[%dma_start3A_872, %dma_start3A_873] : memref<256x16384xf32, #tpu.memory_space<any>> -> memref<8x16384xf32, #tpu.memory_space<any>>
    tpu.enqueue_dma source(%dma_start3A_874 : memref<8x16384xf32, #tpu.memory_space<any>>) target(%dma_start3A_871 : memref<8x16384xf32, #tpu.memory_space<vmem>>) target_semaphore(%dma_start3A_867 : memref<!tpu.dma_semaphore, #tpu.memory_space<semaphore_mem>>)
    %dma_wait3A_875 = arith.constant 1 : i32
    %dma_wait3A_876 = arith.constant 1 : i32
    %dma_wait3A_877 = tpu.memref_slice %arg8[%dma_wait3A_876] : memref<4x!tpu.dma_semaphore, #tpu.memory_space<semaphore_mem>> -> memref<1x!tpu.dma_semaphore, #tpu.memory_space<semaphore_mem>>
    %dma_wait3A_878 = tpu.memref_squeeze %dma_wait3A_877 : memref<1x!tpu.dma_semaphore, #tpu.memory_space<semaphore_mem>> -> memref<!tpu.dma_semaphore, #tpu.memory_space<semaphore_mem>>
    %dma_wait3A_879 = arith.constant 0 : i32
    %dma_wait3A_880 = arith.constant 0 : i32
    %dma_wait3A_881 = tpu.memref_slice %arg5[%dma_wait3A_875, %dma_wait3A_879, %dma_wait3A_880] : memref<4x8x16384xf32, #tpu.memory_space<vmem>> -> memref<1x8x16384xf32, #tpu.memory_space<vmem>>
    %dma_wait3A_882 = tpu.memref_squeeze %dma_wait3A_881 : memref<1x8x16384xf32, #tpu.memory_space<vmem>> -> memref<8x16384xf32, #tpu.memory_space<vmem>>
    %dma_wait3A_883 = arith.constant 72 : i32
    %dma_wait3A_884 = arith.constant 0 : i32
    %dma_wait3A_885 = tpu.memref_slice %arg2[%dma_wait3A_883, %dma_wait3A_884] : memref<256x16384xf32, #tpu.memory_space<any>> -> memref<8x16384xf32, #tpu.memory_space<any>>
    tpu.wait_dma2 semaphore(%dma_wait3A_878 : memref<!tpu.dma_semaphore, #tpu.memory_space<semaphore_mem>>) src(%dma_wait3A_885 : memref<8x16384xf32, #tpu.memory_space<any>>) dst(%dma_wait3A_882 : memref<8x16384xf32, #tpu.memory_space<vmem>>)
    %dma_wait3A_886 = arith.constant 1 : i32
    %dma_wait3A_887 = arith.constant 1 : i32
    %dma_wait3A_888 = tpu.memref_slice %arg9[%dma_wait3A_887] : memref<4x!tpu.dma_semaphore, #tpu.memory_space<semaphore_mem>> -> memref<1x!tpu.dma_semaphore, #tpu.memory_space<semaphore_mem>>
    %dma_wait3A_889 = tpu.memref_squeeze %dma_wait3A_888 : memref<1x!tpu.dma_semaphore, #tpu.memory_space<semaphore_mem>> -> memref<!tpu.dma_semaphore, #tpu.memory_space<semaphore_mem>>
    %dma_wait3A_890 = arith.constant 0 : i32
    %dma_wait3A_891 = arith.constant 0 : i32
    %dma_wait3A_892 = tpu.memref_slice %arg6[%dma_wait3A_886, %dma_wait3A_890, %dma_wait3A_891] : memref<4x8x16384xf32, #tpu.memory_space<vmem>> -> memref<1x8x16384xf32, #tpu.memory_space<vmem>>
    %dma_wait3A_893 = tpu.memref_squeeze %dma_wait3A_892 : memref<1x8x16384xf32, #tpu.memory_space<vmem>> -> memref<8x16384xf32, #tpu.memory_space<vmem>>
    %dma_wait3A_894 = arith.constant 72 : i32
    %dma_wait3A_895 = arith.constant 0 : i32
    %dma_wait3A_896 = tpu.memref_slice %arg3[%dma_wait3A_894, %dma_wait3A_895] : memref<256x16384xf32, #tpu.memory_space<any>> -> memref<8x16384xf32, #tpu.memory_space<any>>
    tpu.wait_dma2 semaphore(%dma_wait3A_889 : memref<!tpu.dma_semaphore, #tpu.memory_space<semaphore_mem>>) src(%dma_wait3A_896 : memref<8x16384xf32, #tpu.memory_space<any>>) dst(%dma_wait3A_893 : memref<8x16384xf32, #tpu.memory_space<vmem>>)
    %dma_wait3A_897 = arith.constant 1 : i32
    %dma_wait3A_898 = arith.constant 1 : i32
    %dma_wait3A_899 = tpu.memref_slice %arg10[%dma_wait3A_898] : memref<4x!tpu.dma_semaphore, #tpu.memory_space<semaphore_mem>> -> memref<1x!tpu.dma_semaphore, #tpu.memory_space<semaphore_mem>>
    %dma_wait3A_900 = tpu.memref_squeeze %dma_wait3A_899 : memref<1x!tpu.dma_semaphore, #tpu.memory_space<semaphore_mem>> -> memref<!tpu.dma_semaphore, #tpu.memory_space<semaphore_mem>>
    %dma_wait3A_901 = arith.constant 40 : i32
    %dma_wait3A_902 = arith.constant 0 : i32
    %dma_wait3A_903 = tpu.memref_slice %arg4[%dma_wait3A_901, %dma_wait3A_902] : memref<256x16384xf32, #tpu.memory_space<any>> -> memref<8x16384xf32, #tpu.memory_space<any>>
    %dma_wait3A_904 = arith.constant 0 : i32
    %dma_wait3A_905 = arith.constant 0 : i32
    %dma_wait3A_906 = tpu.memref_slice %arg7[%dma_wait3A_897, %dma_wait3A_904, %dma_wait3A_905] : memref<4x8x16384xf32, #tpu.memory_space<vmem>> -> memref<1x8x16384xf32, #tpu.memory_space<vmem>>
    %dma_wait3A_907 = tpu.memref_squeeze %dma_wait3A_906 : memref<1x8x16384xf32, #tpu.memory_space<vmem>> -> memref<8x16384xf32, #tpu.memory_space<vmem>>
    tpu.wait_dma2 semaphore(%dma_wait3A_900 : memref<!tpu.dma_semaphore, #tpu.memory_space<semaphore_mem>>) src(%dma_wait3A_907 : memref<8x16384xf32, #tpu.memory_space<vmem>>) dst(%dma_wait3A_903 : memref<8x16384xf32, #tpu.memory_space<any>>)
    %get3A_908 = arith.constant 72 : index
    %get3A_909 = arith.constant 0 : index
    %get3A_910 = vector.load %arg0[%get3A_908, %get3A_909] : memref<256x1xf32, #tpu.memory_space<vmem>>, vector<8x1xf32>
    %get3A_911 = arith.constant 72 : index
    %get3A_912 = arith.constant 0 : index
    %get3A_913 = vector.load %arg1[%get3A_911, %get3A_912] : memref<256x1xf32, #tpu.memory_space<vmem>>, vector<8x1xf32>
    %get3A_914 = arith.constant 1 : index
    %get3A_915 = arith.constant 0 : index
    %get3A_916 = arith.constant 0 : index
    %get3A_917 = vector.load %arg5[%get3A_914, %get3A_915, %get3A_916] : memref<4x8x16384xf32, #tpu.memory_space<vmem>>, vector<1x8x16384xf32>
    %get3A_918 = vector.shape_cast %get3A_917 : vector<1x8x16384xf32> to vector<8x16384xf32>
    %mul3A_919 = vector.broadcast %get3A_910 : vector<8x1xf32> to vector<8x16384xf32>
    %mul3A_920 = arith.mulf %mul3A_919, %get3A_918 : vector<8x16384xf32>
    %get3A_921 = arith.constant 1 : index
    %get3A_922 = arith.constant 0 : index
    %get3A_923 = arith.constant 0 : index
    %get3A_924 = vector.load %arg6[%get3A_921, %get3A_922, %get3A_923] : memref<4x8x16384xf32, #tpu.memory_space<vmem>>, vector<1x8x16384xf32>
    %get3A_925 = vector.shape_cast %get3A_924 : vector<1x8x16384xf32> to vector<8x16384xf32>
    %mul3A_926 = vector.broadcast %get3A_913 : vector<8x1xf32> to vector<8x16384xf32>
    %mul3A_927 = arith.mulf %mul3A_926, %get3A_925 : vector<8x16384xf32>
    %add3A_928 = arith.addf %mul3A_920, %mul3A_927 : vector<8x16384xf32>
    %swap3A_929 = arith.constant 1 : index
    %swap3A_930 = arith.constant 0 : index
    %swap3A_931 = arith.constant 0 : index
    %swap3A_932 = vector.load %arg7[%swap3A_929, %swap3A_930, %swap3A_931] : memref<4x8x16384xf32, #tpu.memory_space<vmem>>, vector<1x8x16384xf32>
    %swap3A_933 = vector.shape_cast %swap3A_932 : vector<1x8x16384xf32> to vector<8x16384xf32>
    %swap3A_934 = vector.shape_cast %add3A_928 : vector<8x16384xf32> to vector<1x8x16384xf32>
    tpu.vector_store %arg7[%swap3A_929, %swap3A_930, %swap3A_931], %swap3A_934 {strides = array<i32>} : memref<4x8x16384xf32, #tpu.memory_space<vmem>>, vector<1x8x16384xf32>,
    %dma_start3A_935 = arith.constant 1 : i32
    %dma_start3A_936 = arith.constant 1 : i32
    %dma_start3A_937 = tpu.memref_slice %arg10[%dma_start3A_936] : memref<4x!tpu.dma_semaphore, #tpu.memory_space<semaphore_mem>> -> memref<1x!tpu.dma_semaphore, #tpu.memory_space<semaphore_mem>>
    %dma_start3A_938 = tpu.memref_squeeze %dma_start3A_937 : memref<1x!tpu.dma_semaphore, #tpu.memory_space<semaphore_mem>> -> memref<!tpu.dma_semaphore, #tpu.memory_space<semaphore_mem>>
    %dma_start3A_939 = arith.constant 72 : i32
    %dma_start3A_940 = arith.constant 0 : i32
    %dma_start3A_941 = tpu.memref_slice %arg4[%dma_start3A_939, %dma_start3A_940] : memref<256x16384xf32, #tpu.memory_space<any>> -> memref<8x16384xf32, #tpu.memory_space<any>>
    %dma_start3A_942 = arith.constant 0 : i32
    %dma_start3A_943 = arith.constant 0 : i32
    %dma_start3A_944 = tpu.memref_slice %arg7[%dma_start3A_935, %dma_start3A_942, %dma_start3A_943] : memref<4x8x16384xf32, #tpu.memory_space<vmem>> -> memref<1x8x16384xf32, #tpu.memory_space<vmem>>
    %dma_start3A_945 = tpu.memref_squeeze %dma_start3A_944 : memref<1x8x16384xf32, #tpu.memory_space<vmem>> -> memref<8x16384xf32, #tpu.memory_space<vmem>>
    tpu.enqueue_dma source(%dma_start3A_945 : memref<8x16384xf32, #tpu.memory_space<vmem>>) target(%dma_start3A_941 : memref<8x16384xf32, #tpu.memory_space<any>>) target_semaphore(%dma_start3A_938 : memref<!tpu.dma_semaphore, #tpu.memory_space<semaphore_mem>>)
    %dma_start3A_946 = arith.constant 1 : i32
    %dma_start3A_947 = arith.constant 1 : i32
    %dma_start3A_948 = tpu.memref_slice %arg8[%dma_start3A_947] : memref<4x!tpu.dma_semaphore, #tpu.memory_space<semaphore_mem>> -> memref<1x!tpu.dma_semaphore, #tpu.memory_space<semaphore_mem>>
    %dma_start3A_949 = tpu.memref_squeeze %dma_start3A_948 : memref<1x!tpu.dma_semaphore, #tpu.memory_space<semaphore_mem>> -> memref<!tpu.dma_semaphore, #tpu.memory_space<semaphore_mem>>
    %dma_start3A_950 = arith.constant 0 : i32
    %dma_start3A_951 = arith.constant 0 : i32
    %dma_start3A_952 = tpu.memref_slice %arg5[%dma_start3A_946, %dma_start3A_950, %dma_start3A_951] : memref<4x8x16384xf32, #tpu.memory_space<vmem>> -> memref<1x8x16384xf32, #tpu.memory_space<vmem>>
    %dma_start3A_953 = tpu.memref_squeeze %dma_start3A_952 : memref<1x8x16384xf32, #tpu.memory_space<vmem>> -> memref<8x16384xf32, #tpu.memory_space<vmem>>
    %dma_start3A_954 = arith.constant 104 : i32
    %dma_start3A_955 = arith.constant 0 : i32
    %dma_start3A_956 = tpu.memref_slice %arg2[%dma_start3A_954, %dma_start3A_955] : memref<256x16384xf32, #tpu.memory_space<any>> -> memref<8x16384xf32, #tpu.memory_space<any>>
    tpu.enqueue_dma source(%dma_start3A_956 : memref<8x16384xf32, #tpu.memory_space<any>>) target(%dma_start3A_953 : memref<8x16384xf32, #tpu.memory_space<vmem>>) target_semaphore(%dma_start3A_949 : memref<!tpu.dma_semaphore, #tpu.memory_space<semaphore_mem>>)
    %dma_start3A_957 = arith.constant 1 : i32
    %dma_start3A_958 = arith.constant 1 : i32
    %dma_start3A_959 = tpu.memref_slice %arg9[%dma_start3A_958] : memref<4x!tpu.dma_semaphore, #tpu.memory_space<semaphore_mem>> -> memref<1x!tpu.dma_semaphore, #tpu.memory_space<semaphore_mem>>
    %dma_start3A_960 = tpu.memref_squeeze %dma_start3A_959 : memref<1x!tpu.dma_semaphore, #tpu.memory_space<semaphore_mem>> -> memref<!tpu.dma_semaphore, #tpu.memory_space<semaphore_mem>>
    %dma_start3A_961 = arith.constant 0 : i32
    %dma_start3A_962 = arith.constant 0 : i32
    %dma_start3A_963 = tpu.memref_slice %arg6[%dma_start3A_957, %dma_start3A_961, %dma_start3A_962] : memref<4x8x16384xf32, #tpu.memory_space<vmem>> -> memref<1x8x16384xf32, #tpu.memory_space<vmem>>
    %dma_start3A_964 = tpu.memref_squeeze %dma_start3A_963 : memref<1x8x16384xf32, #tpu.memory_space<vmem>> -> memref<8x16384xf32, #tpu.memory_space<vmem>>
    %dma_start3A_965 = arith.constant 104 : i32
    %dma_start3A_966 = arith.constant 0 : i32
    %dma_start3A_967 = tpu.memref_slice %arg3[%dma_start3A_965, %dma_start3A_966] : memref<256x16384xf32, #tpu.memory_space<any>> -> memref<8x16384xf32, #tpu.memory_space<any>>
    tpu.enqueue_dma source(%dma_start3A_967 : memref<8x16384xf32, #tpu.memory_space<any>>) target(%dma_start3A_964 : memref<8x16384xf32, #tpu.memory_space<vmem>>) target_semaphore(%dma_start3A_960 : memref<!tpu.dma_semaphore, #tpu.memory_space<semaphore_mem>>)
    %dma_wait3A_968 = arith.constant 2 : i32
    %dma_wait3A_969 = arith.constant 2 : i32
    %dma_wait3A_970 = tpu.memref_slice %arg8[%dma_wait3A_969] : memref<4x!tpu.dma_semaphore, #tpu.memory_space<semaphore_mem>> -> memref<1x!tpu.dma_semaphore, #tpu.memory_space<semaphore_mem>>
    %dma_wait3A_971 = tpu.memref_squeeze %dma_wait3A_970 : memref<1x!tpu.dma_semaphore, #tpu.memory_space<semaphore_mem>> -> memref<!tpu.dma_semaphore, #tpu.memory_space<semaphore_mem>>
    %dma_wait3A_972 = arith.constant 0 : i32
    %dma_wait3A_973 = arith.constant 0 : i32
    %dma_wait3A_974 = tpu.memref_slice %arg5[%dma_wait3A_968, %dma_wait3A_972, %dma_wait3A_973] : memref<4x8x16384xf32, #tpu.memory_space<vmem>> -> memref<1x8x16384xf32, #tpu.memory_space<vmem>>
    %dma_wait3A_975 = tpu.memref_squeeze %dma_wait3A_974 : memref<1x8x16384xf32, #tpu.memory_space<vmem>> -> memref<8x16384xf32, #tpu.memory_space<vmem>>
    %dma_wait3A_976 = arith.constant 80 : i32
    %dma_wait3A_977 = arith.constant 0 : i32
    %dma_wait3A_978 = tpu.memref_slice %arg2[%dma_wait3A_976, %dma_wait3A_977] : memref<256x16384xf32, #tpu.memory_space<any>> -> memref<8x16384xf32, #tpu.memory_space<any>>
    tpu.wait_dma2 semaphore(%dma_wait3A_971 : memref<!tpu.dma_semaphore, #tpu.memory_space<semaphore_mem>>) src(%dma_wait3A_978 : memref<8x16384xf32, #tpu.memory_space<any>>) dst(%dma_wait3A_975 : memref<8x16384xf32, #tpu.memory_space<vmem>>)
    %dma_wait3A_979 = arith.constant 2 : i32
    %dma_wait3A_980 = arith.constant 2 : i32
    %dma_wait3A_981 = tpu.memref_slice %arg9[%dma_wait3A_980] : memref<4x!tpu.dma_semaphore, #tpu.memory_space<semaphore_mem>> -> memref<1x!tpu.dma_semaphore, #tpu.memory_space<semaphore_mem>>
    %dma_wait3A_982 = tpu.memref_squeeze %dma_wait3A_981 : memref<1x!tpu.dma_semaphore, #tpu.memory_space<semaphore_mem>> -> memref<!tpu.dma_semaphore, #tpu.memory_space<semaphore_mem>>
    %dma_wait3A_983 = arith.constant 0 : i32
    %dma_wait3A_984 = arith.constant 0 : i32
    %dma_wait3A_985 = tpu.memref_slice %arg6[%dma_wait3A_979, %dma_wait3A_983, %dma_wait3A_984] : memref<4x8x16384xf32, #tpu.memory_space<vmem>> -> memref<1x8x16384xf32, #tpu.memory_space<vmem>>
    %dma_wait3A_986 = tpu.memref_squeeze %dma_wait3A_985 : memref<1x8x16384xf32, #tpu.memory_space<vmem>> -> memref<8x16384xf32, #tpu.memory_space<vmem>>
    %dma_wait3A_987 = arith.constant 80 : i32
    %dma_wait3A_988 = arith.constant 0 : i32
    %dma_wait3A_989 = tpu.memref_slice %arg3[%dma_wait3A_987, %dma_wait3A_988] : memref<256x16384xf32, #tpu.memory_space<any>> -> memref<8x16384xf32, #tpu.memory_space<any>>
    tpu.wait_dma2 semaphore(%dma_wait3A_982 : memref<!tpu.dma_semaphore, #tpu.memory_space<semaphore_mem>>) src(%dma_wait3A_989 : memref<8x16384xf32, #tpu.memory_space<any>>) dst(%dma_wait3A_986 : memref<8x16384xf32, #tpu.memory_space<vmem>>)
    %dma_wait3A_990 = arith.constant 2 : i32
    %dma_wait3A_991 = arith.constant 2 : i32
    %dma_wait3A_992 = tpu.memref_slice %arg10[%dma_wait3A_991] : memref<4x!tpu.dma_semaphore, #tpu.memory_space<semaphore_mem>> -> memref<1x!tpu.dma_semaphore, #tpu.memory_space<semaphore_mem>>
    %dma_wait3A_993 = tpu.memref_squeeze %dma_wait3A_992 : memref<1x!tpu.dma_semaphore, #tpu.memory_space<semaphore_mem>> -> memref<!tpu.dma_semaphore, #tpu.memory_space<semaphore_mem>>
    %dma_wait3A_994 = arith.constant 48 : i32
    %dma_wait3A_995 = arith.constant 0 : i32
    %dma_wait3A_996 = tpu.memref_slice %arg4[%dma_wait3A_994, %dma_wait3A_995] : memref<256x16384xf32, #tpu.memory_space<any>> -> memref<8x16384xf32, #tpu.memory_space<any>>
    %dma_wait3A_997 = arith.constant 0 : i32
    %dma_wait3A_998 = arith.constant 0 : i32
    %dma_wait3A_999 = tpu.memref_slice %arg7[%dma_wait3A_990, %dma_wait3A_997, %dma_wait3A_998] : memref<4x8x16384xf32, #tpu.memory_space<vmem>> -> memref<1x8x16384xf32, #tpu.memory_space<vmem>>
    %dma_wait3A_1000 = tpu.memref_squeeze %dma_wait3A_999 : memref<1x8x16384xf32, #tpu.memory_space<vmem>> -> memref<8x16384xf32, #tpu.memory_space<vmem>>
    tpu.wait_dma2 semaphore(%dma_wait3A_993 : memref<!tpu.dma_semaphore, #tpu.memory_space<semaphore_mem>>) src(%dma_wait3A_1000 : memref<8x16384xf32, #tpu.memory_space<vmem>>) dst(%dma_wait3A_996 : memref<8x16384xf32, #tpu.memory_space<any>>)
    %get3A_1001 = arith.constant 80 : index
    %get3A_1002 = arith.constant 0 : index
    %get3A_1003 = vector.load %arg0[%get3A_1001, %get3A_1002] : memref<256x1xf32, #tpu.memory_space<vmem>>, vector<8x1xf32>
    %get3A_1004 = arith.constant 80 : index
    %get3A_1005 = arith.constant 0 : index
    %get3A_1006 = vector.load %arg1[%get3A_1004, %get3A_1005] : memref<256x1xf32, #tpu.memory_space<vmem>>, vector<8x1xf32>
    %get3A_1007 = arith.constant 2 : index
    %get3A_1008 = arith.constant 0 : index
    %get3A_1009 = arith.constant 0 : index
    %get3A_1010 = vector.load %arg5[%get3A_1007, %get3A_1008, %get3A_1009] : memref<4x8x16384xf32, #tpu.memory_space<vmem>>, vector<1x8x16384xf32>
    %get3A_1011 = vector.shape_cast %get3A_1010 : vector<1x8x16384xf32> to vector<8x16384xf32>
    %mul3A_1012 = vector.broadcast %get3A_1003 : vector<8x1xf32> to vector<8x16384xf32>
    %mul3A_1013 = arith.mulf %mul3A_1012, %get3A_1011 : vector<8x16384xf32>
    %get3A_1014 = arith.constant 2 : index
    %get3A_1015 = arith.constant 0 : index
    %get3A_1016 = arith.constant 0 : index
    %get3A_1017 = vector.load %arg6[%get3A_1014, %get3A_1015, %get3A_1016] : memref<4x8x16384xf32, #tpu.memory_space<vmem>>, vector<1x8x16384xf32>
    %get3A_1018 = vector.shape_cast %get3A_1017 : vector<1x8x16384xf32> to vector<8x16384xf32>
    %mul3A_1019 = vector.broadcast %get3A_1006 : vector<8x1xf32> to vector<8x16384xf32>
    %mul3A_1020 = arith.mulf %mul3A_1019, %get3A_1018 : vector<8x16384xf32>
    %add3A_1021 = arith.addf %mul3A_1013, %mul3A_1020 : vector<8x16384xf32>
    %swap3A_1022 = arith.constant 2 : index
    %swap3A_1023 = arith.constant 0 : index
    %swap3A_1024 = arith.constant 0 : index
    %swap3A_1025 = vector.load %arg7[%swap3A_1022, %swap3A_1023, %swap3A_1024] : memref<4x8x16384xf32, #tpu.memory_space<vmem>>, vector<1x8x16384xf32>
    %swap3A_1026 = vector.shape_cast %swap3A_1025 : vector<1x8x16384xf32> to vector<8x16384xf32>
    %swap3A_1027 = vector.shape_cast %add3A_1021 : vector<8x16384xf32> to vector<1x8x16384xf32>
    tpu.vector_store %arg7[%swap3A_1022, %swap3A_1023, %swap3A_1024], %swap3A_1027 {strides = array<i32>} : memref<4x8x16384xf32, #tpu.memory_space<vmem>>, vector<1x8x16384xf32>,
    %dma_start3A_1028 = arith.constant 2 : i32
    %dma_start3A_1029 = arith.constant 2 : i32
    %dma_start3A_1030 = tpu.memref_slice %arg10[%dma_start3A_1029] : memref<4x!tpu.dma_semaphore, #tpu.memory_space<semaphore_mem>> -> memref<1x!tpu.dma_semaphore, #tpu.memory_space<semaphore_mem>>
    %dma_start3A_1031 = tpu.memref_squeeze %dma_start3A_1030 : memref<1x!tpu.dma_semaphore, #tpu.memory_space<semaphore_mem>> -> memref<!tpu.dma_semaphore, #tpu.memory_space<semaphore_mem>>
    %dma_start3A_1032 = arith.constant 80 : i32
    %dma_start3A_1033 = arith.constant 0 : i32
    %dma_start3A_1034 = tpu.memref_slice %arg4[%dma_start3A_1032, %dma_start3A_1033] : memref<256x16384xf32, #tpu.memory_space<any>> -> memref<8x16384xf32, #tpu.memory_space<any>>
    %dma_start3A_1035 = arith.constant 0 : i32
    %dma_start3A_1036 = arith.constant 0 : i32
    %dma_start3A_1037 = tpu.memref_slice %arg7[%dma_start3A_1028, %dma_start3A_1035, %dma_start3A_1036] : memref<4x8x16384xf32, #tpu.memory_space<vmem>> -> memref<1x8x16384xf32, #tpu.memory_space<vmem>>
    %dma_start3A_1038 = tpu.memref_squeeze %dma_start3A_1037 : memref<1x8x16384xf32, #tpu.memory_space<vmem>> -> memref<8x16384xf32, #tpu.memory_space<vmem>>
    tpu.enqueue_dma source(%dma_start3A_1038 : memref<8x16384xf32, #tpu.memory_space<vmem>>) target(%dma_start3A_1034 : memref<8x16384xf32, #tpu.memory_space<any>>) target_semaphore(%dma_start3A_1031 : memref<!tpu.dma_semaphore, #tpu.memory_space<semaphore_mem>>)
    %dma_start3A_1039 = arith.constant 2 : i32
    %dma_start3A_1040 = arith.constant 2 : i32
    %dma_start3A_1041 = tpu.memref_slice %arg8[%dma_start3A_1040] : memref<4x!tpu.dma_semaphore, #tpu.memory_space<semaphore_mem>> -> memref<1x!tpu.dma_semaphore, #tpu.memory_space<semaphore_mem>>
    %dma_start3A_1042 = tpu.memref_squeeze %dma_start3A_1041 : memref<1x!tpu.dma_semaphore, #tpu.memory_space<semaphore_mem>> -> memref<!tpu.dma_semaphore, #tpu.memory_space<semaphore_mem>>
    %dma_start3A_1043 = arith.constant 0 : i32
    %dma_start3A_1044 = arith.constant 0 : i32
    %dma_start3A_1045 = tpu.memref_slice %arg5[%dma_start3A_1039, %dma_start3A_1043, %dma_start3A_1044] : memref<4x8x16384xf32, #tpu.memory_space<vmem>> -> memref<1x8x16384xf32, #tpu.memory_space<vmem>>
    %dma_start3A_1046 = tpu.memref_squeeze %dma_start3A_1045 : memref<1x8x16384xf32, #tpu.memory_space<vmem>> -> memref<8x16384xf32, #tpu.memory_space<vmem>>
    %dma_start3A_1047 = arith.constant 112 : i32
    %dma_start3A_1048 = arith.constant 0 : i32
    %dma_start3A_1049 = tpu.memref_slice %arg2[%dma_start3A_1047, %dma_start3A_1048] : memref<256x16384xf32, #tpu.memory_space<any>> -> memref<8x16384xf32, #tpu.memory_space<any>>
    tpu.enqueue_dma source(%dma_start3A_1049 : memref<8x16384xf32, #tpu.memory_space<any>>) target(%dma_start3A_1046 : memref<8x16384xf32, #tpu.memory_space<vmem>>) target_semaphore(%dma_start3A_1042 : memref<!tpu.dma_semaphore, #tpu.memory_space<semaphore_mem>>)
    %dma_start3A_1050 = arith.constant 2 : i32
    %dma_start3A_1051 = arith.constant 2 : i32
    %dma_start3A_1052 = tpu.memref_slice %arg9[%dma_start3A_1051] : memref<4x!tpu.dma_semaphore, #tpu.memory_space<semaphore_mem>> -> memref<1x!tpu.dma_semaphore, #tpu.memory_space<semaphore_mem>>
    %dma_start3A_1053 = tpu.memref_squeeze %dma_start3A_1052 : memref<1x!tpu.dma_semaphore, #tpu.memory_space<semaphore_mem>> -> memref<!tpu.dma_semaphore, #tpu.memory_space<semaphore_mem>>
    %dma_start3A_1054 = arith.constant 0 : i32
    %dma_start3A_1055 = arith.constant 0 : i32
    %dma_start3A_1056 = tpu.memref_slice %arg6[%dma_start3A_1050, %dma_start3A_1054, %dma_start3A_1055] : memref<4x8x16384xf32, #tpu.memory_space<vmem>> -> memref<1x8x16384xf32, #tpu.memory_space<vmem>>
    %dma_start3A_1057 = tpu.memref_squeeze %dma_start3A_1056 : memref<1x8x16384xf32, #tpu.memory_space<vmem>> -> memref<8x16384xf32, #tpu.memory_space<vmem>>
    %dma_start3A_1058 = arith.constant 112 : i32
    %dma_start3A_1059 = arith.constant 0 : i32
    %dma_start3A_1060 = tpu.memref_slice %arg3[%dma_start3A_1058, %dma_start3A_1059] : memref<256x16384xf32, #tpu.memory_space<any>> -> memref<8x16384xf32, #tpu.memory_space<any>>
    tpu.enqueue_dma source(%dma_start3A_1060 : memref<8x16384xf32, #tpu.memory_space<any>>) target(%dma_start3A_1057 : memref<8x16384xf32, #tpu.memory_space<vmem>>) target_semaphore(%dma_start3A_1053 : memref<!tpu.dma_semaphore, #tpu.memory_space<semaphore_mem>>)
    %dma_wait3A_1061 = arith.constant 3 : i32
    %dma_wait3A_1062 = arith.constant 3 : i32
    %dma_wait3A_1063 = tpu.memref_slice %arg8[%dma_wait3A_1062] : memref<4x!tpu.dma_semaphore, #tpu.memory_space<semaphore_mem>> -> memref<1x!tpu.dma_semaphore, #tpu.memory_space<semaphore_mem>>
    %dma_wait3A_1064 = tpu.memref_squeeze %dma_wait3A_1063 : memref<1x!tpu.dma_semaphore, #tpu.memory_space<semaphore_mem>> -> memref<!tpu.dma_semaphore, #tpu.memory_space<semaphore_mem>>
    %dma_wait3A_1065 = arith.constant 0 : i32
    %dma_wait3A_1066 = arith.constant 0 : i32
    %dma_wait3A_1067 = tpu.memref_slice %arg5[%dma_wait3A_1061, %dma_wait3A_1065, %dma_wait3A_1066] : memref<4x8x16384xf32, #tpu.memory_space<vmem>> -> memref<1x8x16384xf32, #tpu.memory_space<vmem>>
    %dma_wait3A_1068 = tpu.memref_squeeze %dma_wait3A_1067 : memref<1x8x16384xf32, #tpu.memory_space<vmem>> -> memref<8x16384xf32, #tpu.memory_space<vmem>>
    %dma_wait3A_1069 = arith.constant 88 : i32
    %dma_wait3A_1070 = arith.constant 0 : i32
    %dma_wait3A_1071 = tpu.memref_slice %arg2[%dma_wait3A_1069, %dma_wait3A_1070] : memref<256x16384xf32, #tpu.memory_space<any>> -> memref<8x16384xf32, #tpu.memory_space<any>>
    tpu.wait_dma2 semaphore(%dma_wait3A_1064 : memref<!tpu.dma_semaphore, #tpu.memory_space<semaphore_mem>>) src(%dma_wait3A_1071 : memref<8x16384xf32, #tpu.memory_space<any>>) dst(%dma_wait3A_1068 : memref<8x16384xf32, #tpu.memory_space<vmem>>)
    %dma_wait3A_1072 = arith.constant 3 : i32
    %dma_wait3A_1073 = arith.constant 3 : i32
    %dma_wait3A_1074 = tpu.memref_slice %arg9[%dma_wait3A_1073] : memref<4x!tpu.dma_semaphore, #tpu.memory_space<semaphore_mem>> -> memref<1x!tpu.dma_semaphore, #tpu.memory_space<semaphore_mem>>
    %dma_wait3A_1075 = tpu.memref_squeeze %dma_wait3A_1074 : memref<1x!tpu.dma_semaphore, #tpu.memory_space<semaphore_mem>> -> memref<!tpu.dma_semaphore, #tpu.memory_space<semaphore_mem>>
    %dma_wait3A_1076 = arith.constant 0 : i32
    %dma_wait3A_1077 = arith.constant 0 : i32
    %dma_wait3A_1078 = tpu.memref_slice %arg6[%dma_wait3A_1072, %dma_wait3A_1076, %dma_wait3A_1077] : memref<4x8x16384xf32, #tpu.memory_space<vmem>> -> memref<1x8x16384xf32, #tpu.memory_space<vmem>>
    %dma_wait3A_1079 = tpu.memref_squeeze %dma_wait3A_1078 : memref<1x8x16384xf32, #tpu.memory_space<vmem>> -> memref<8x16384xf32, #tpu.memory_space<vmem>>
    %dma_wait3A_1080 = arith.constant 88 : i32
    %dma_wait3A_1081 = arith.constant 0 : i32
    %dma_wait3A_1082 = tpu.memref_slice %arg3[%dma_wait3A_1080, %dma_wait3A_1081] : memref<256x16384xf32, #tpu.memory_space<any>> -> memref<8x16384xf32, #tpu.memory_space<any>>
    tpu.wait_dma2 semaphore(%dma_wait3A_1075 : memref<!tpu.dma_semaphore, #tpu.memory_space<semaphore_mem>>) src(%dma_wait3A_1082 : memref<8x16384xf32, #tpu.memory_space<any>>) dst(%dma_wait3A_1079 : memref<8x16384xf32, #tpu.memory_space<vmem>>)
    %dma_wait3A_1083 = arith.constant 3 : i32
    %dma_wait3A_1084 = arith.constant 3 : i32
    %dma_wait3A_1085 = tpu.memref_slice %arg10[%dma_wait3A_1084] : memref<4x!tpu.dma_semaphore, #tpu.memory_space<semaphore_mem>> -> memref<1x!tpu.dma_semaphore, #tpu.memory_space<semaphore_mem>>
    %dma_wait3A_1086 = tpu.memref_squeeze %dma_wait3A_1085 : memref<1x!tpu.dma_semaphore, #tpu.memory_space<semaphore_mem>> -> memref<!tpu.dma_semaphore, #tpu.memory_space<semaphore_mem>>
    %dma_wait3A_1087 = arith.constant 56 : i32
    %dma_wait3A_1088 = arith.constant 0 : i32
    %dma_wait3A_1089 = tpu.memref_slice %arg4[%dma_wait3A_1087, %dma_wait3A_1088] : memref<256x16384xf32, #tpu.memory_space<any>> -> memref<8x16384xf32, #tpu.memory_space<any>>
    %dma_wait3A_1090 = arith.constant 0 : i32
    %dma_wait3A_1091 = arith.constant 0 : i32
    %dma_wait3A_1092 = tpu.memref_slice %arg7[%dma_wait3A_1083, %dma_wait3A_1090, %dma_wait3A_1091] : memref<4x8x16384xf32, #tpu.memory_space<vmem>> -> memref<1x8x16384xf32, #tpu.memory_space<vmem>>
    %dma_wait3A_1093 = tpu.memref_squeeze %dma_wait3A_1092 : memref<1x8x16384xf32, #tpu.memory_space<vmem>> -> memref<8x16384xf32, #tpu.memory_space<vmem>>
    tpu.wait_dma2 semaphore(%dma_wait3A_1086 : memref<!tpu.dma_semaphore, #tpu.memory_space<semaphore_mem>>) src(%dma_wait3A_1093 : memref<8x16384xf32, #tpu.memory_space<vmem>>) dst(%dma_wait3A_1089 : memref<8x16384xf32, #tpu.memory_space<any>>)
    %get3A_1094 = arith.constant 88 : index
    %get3A_1095 = arith.constant 0 : index
    %get3A_1096 = vector.load %arg0[%get3A_1094, %get3A_1095] : memref<256x1xf32, #tpu.memory_space<vmem>>, vector<8x1xf32>
    %get3A_1097 = arith.constant 88 : index
    %get3A_1098 = arith.constant 0 : index
    %get3A_1099 = vector.load %arg1[%get3A_1097, %get3A_1098] : memref<256x1xf32, #tpu.memory_space<vmem>>, vector<8x1xf32>
    %get3A_1100 = arith.constant 3 : index
    %get3A_1101 = arith.constant 0 : index
    %get3A_1102 = arith.constant 0 : index
    %get3A_1103 = vector.load %arg5[%get3A_1100, %get3A_1101, %get3A_1102] : memref<4x8x16384xf32, #tpu.memory_space<vmem>>, vector<1x8x16384xf32>
    %get3A_1104 = vector.shape_cast %get3A_1103 : vector<1x8x16384xf32> to vector<8x16384xf32>
    %mul3A_1105 = vector.broadcast %get3A_1096 : vector<8x1xf32> to vector<8x16384xf32>
    %mul3A_1106 = arith.mulf %mul3A_1105, %get3A_1104 : vector<8x16384xf32>
    %get3A_1107 = arith.constant 3 : index
    %get3A_1108 = arith.constant 0 : index
    %get3A_1109 = arith.constant 0 : index
    %get3A_1110 = vector.load %arg6[%get3A_1107, %get3A_1108, %get3A_1109] : memref<4x8x16384xf32, #tpu.memory_space<vmem>>, vector<1x8x16384xf32>
    %get3A_1111 = vector.shape_cast %get3A_1110 : vector<1x8x16384xf32> to vector<8x16384xf32>
    %mul3A_1112 = vector.broadcast %get3A_1099 : vector<8x1xf32> to vector<8x16384xf32>
    %mul3A_1113 = arith.mulf %mul3A_1112, %get3A_1111 : vector<8x16384xf32>
    %add3A_1114 = arith.addf %mul3A_1106, %mul3A_1113 : vector<8x16384xf32>
    %swap3A_1115 = arith.constant 3 : index
    %swap3A_1116 = arith.constant 0 : index
    %swap3A_1117 = arith.constant 0 : index
    %swap3A_1118 = vector.load %arg7[%swap3A_1115, %swap3A_1116, %swap3A_1117] : memref<4x8x16384xf32, #tpu.memory_space<vmem>>, vector<1x8x16384xf32>
    %swap3A_1119 = vector.shape_cast %swap3A_1118 : vector<1x8x16384xf32> to vector<8x16384xf32>
    %swap3A_1120 = vector.shape_cast %add3A_1114 : vector<8x16384xf32> to vector<1x8x16384xf32>
    tpu.vector_store %arg7[%swap3A_1115, %swap3A_1116, %swap3A_1117], %swap3A_1120 {strides = array<i32>} : memref<4x8x16384xf32, #tpu.memory_space<vmem>>, vector<1x8x16384xf32>,
    %dma_start3A_1121 = arith.constant 3 : i32
    %dma_start3A_1122 = arith.constant 3 : i32
    %dma_start3A_1123 = tpu.memref_slice %arg10[%dma_start3A_1122] : memref<4x!tpu.dma_semaphore, #tpu.memory_space<semaphore_mem>> -> memref<1x!tpu.dma_semaphore, #tpu.memory_space<semaphore_mem>>
    %dma_start3A_1124 = tpu.memref_squeeze %dma_start3A_1123 : memref<1x!tpu.dma_semaphore, #tpu.memory_space<semaphore_mem>> -> memref<!tpu.dma_semaphore, #tpu.memory_space<semaphore_mem>>
    %dma_start3A_1125 = arith.constant 88 : i32
    %dma_start3A_1126 = arith.constant 0 : i32
    %dma_start3A_1127 = tpu.memref_slice %arg4[%dma_start3A_1125, %dma_start3A_1126] : memref<256x16384xf32, #tpu.memory_space<any>> -> memref<8x16384xf32, #tpu.memory_space<any>>
    %dma_start3A_1128 = arith.constant 0 : i32
    %dma_start3A_1129 = arith.constant 0 : i32
    %dma_start3A_1130 = tpu.memref_slice %arg7[%dma_start3A_1121, %dma_start3A_1128, %dma_start3A_1129] : memref<4x8x16384xf32, #tpu.memory_space<vmem>> -> memref<1x8x16384xf32, #tpu.memory_space<vmem>>
    %dma_start3A_1131 = tpu.memref_squeeze %dma_start3A_1130 : memref<1x8x16384xf32, #tpu.memory_space<vmem>> -> memref<8x16384xf32, #tpu.memory_space<vmem>>
    tpu.enqueue_dma source(%dma_start3A_1131 : memref<8x16384xf32, #tpu.memory_space<vmem>>) target(%dma_start3A_1127 : memref<8x16384xf32, #tpu.memory_space<any>>) target_semaphore(%dma_start3A_1124 : memref<!tpu.dma_semaphore, #tpu.memory_space<semaphore_mem>>)
    %dma_start3A_1132 = arith.constant 3 : i32
    %dma_start3A_1133 = arith.constant 3 : i32
    %dma_start3A_1134 = tpu.memref_slice %arg8[%dma_start3A_1133] : memref<4x!tpu.dma_semaphore, #tpu.memory_space<semaphore_mem>> -> memref<1x!tpu.dma_semaphore, #tpu.memory_space<semaphore_mem>>
    %dma_start3A_1135 = tpu.memref_squeeze %dma_start3A_1134 : memref<1x!tpu.dma_semaphore, #tpu.memory_space<semaphore_mem>> -> memref<!tpu.dma_semaphore, #tpu.memory_space<semaphore_mem>>
    %dma_start3A_1136 = arith.constant 0 : i32
    %dma_start3A_1137 = arith.constant 0 : i32
    %dma_start3A_1138 = tpu.memref_slice %arg5[%dma_start3A_1132, %dma_start3A_1136, %dma_start3A_1137] : memref<4x8x16384xf32, #tpu.memory_space<vmem>> -> memref<1x8x16384xf32, #tpu.memory_space<vmem>>
    %dma_start3A_1139 = tpu.memref_squeeze %dma_start3A_1138 : memref<1x8x16384xf32, #tpu.memory_space<vmem>> -> memref<8x16384xf32, #tpu.memory_space<vmem>>
    %dma_start3A_1140 = arith.constant 120 : i32
    %dma_start3A_1141 = arith.constant 0 : i32
    %dma_start3A_1142 = tpu.memref_slice %arg2[%dma_start3A_1140, %dma_start3A_1141] : memref<256x16384xf32, #tpu.memory_space<any>> -> memref<8x16384xf32, #tpu.memory_space<any>>
    tpu.enqueue_dma source(%dma_start3A_1142 : memref<8x16384xf32, #tpu.memory_space<any>>) target(%dma_start3A_1139 : memref<8x16384xf32, #tpu.memory_space<vmem>>) target_semaphore(%dma_start3A_1135 : memref<!tpu.dma_semaphore, #tpu.memory_space<semaphore_mem>>)
    %dma_start3A_1143 = arith.constant 3 : i32
    %dma_start3A_1144 = arith.constant 3 : i32
    %dma_start3A_1145 = tpu.memref_slice %arg9[%dma_start3A_1144] : memref<4x!tpu.dma_semaphore, #tpu.memory_space<semaphore_mem>> -> memref<1x!tpu.dma_semaphore, #tpu.memory_space<semaphore_mem>>
    %dma_start3A_1146 = tpu.memref_squeeze %dma_start3A_1145 : memref<1x!tpu.dma_semaphore, #tpu.memory_space<semaphore_mem>> -> memref<!tpu.dma_semaphore, #tpu.memory_space<semaphore_mem>>
    %dma_start3A_1147 = arith.constant 0 : i32
    %dma_start3A_1148 = arith.constant 0 : i32
    %dma_start3A_1149 = tpu.memref_slice %arg6[%dma_start3A_1143, %dma_start3A_1147, %dma_start3A_1148] : memref<4x8x16384xf32, #tpu.memory_space<vmem>> -> memref<1x8x16384xf32, #tpu.memory_space<vmem>>
    %dma_start3A_1150 = tpu.memref_squeeze %dma_start3A_1149 : memref<1x8x16384xf32, #tpu.memory_space<vmem>> -> memref<8x16384xf32, #tpu.memory_space<vmem>>
    %dma_start3A_1151 = arith.constant 120 : i32
    %dma_start3A_1152 = arith.constant 0 : i32
    %dma_start3A_1153 = tpu.memref_slice %arg3[%dma_start3A_1151, %dma_start3A_1152] : memref<256x16384xf32, #tpu.memory_space<any>> -> memref<8x16384xf32, #tpu.memory_space<any>>
    tpu.enqueue_dma source(%dma_start3A_1153 : memref<8x16384xf32, #tpu.memory_space<any>>) target(%dma_start3A_1150 : memref<8x16384xf32, #tpu.memory_space<vmem>>) target_semaphore(%dma_start3A_1146 : memref<!tpu.dma_semaphore, #tpu.memory_space<semaphore_mem>>)
    %dma_wait3A_1154 = arith.constant 0 : i32
    %dma_wait3A_1155 = arith.constant 0 : i32
    %dma_wait3A_1156 = tpu.memref_slice %arg8[%dma_wait3A_1155] : memref<4x!tpu.dma_semaphore, #tpu.memory_space<semaphore_mem>> -> memref<1x!tpu.dma_semaphore, #tpu.memory_space<semaphore_mem>>
    %dma_wait3A_1157 = tpu.memref_squeeze %dma_wait3A_1156 : memref<1x!tpu.dma_semaphore, #tpu.memory_space<semaphore_mem>> -> memref<!tpu.dma_semaphore, #tpu.memory_space<semaphore_mem>>
    %dma_wait3A_1158 = arith.constant 0 : i32
    %dma_wait3A_1159 = arith.constant 0 : i32
    %dma_wait3A_1160 = tpu.memref_slice %arg5[%dma_wait3A_1154, %dma_wait3A_1158, %dma_wait3A_1159] : memref<4x8x16384xf32, #tpu.memory_space<vmem>> -> memref<1x8x16384xf32, #tpu.memory_space<vmem>>
    %dma_wait3A_1161 = tpu.memref_squeeze %dma_wait3A_1160 : memref<1x8x16384xf32, #tpu.memory_space<vmem>> -> memref<8x16384xf32, #tpu.memory_space<vmem>>
    %dma_wait3A_1162 = arith.constant 96 : i32
    %dma_wait3A_1163 = arith.constant 0 : i32
    %dma_wait3A_1164 = tpu.memref_slice %arg2[%dma_wait3A_1162, %dma_wait3A_1163] : memref<256x16384xf32, #tpu.memory_space<any>> -> memref<8x16384xf32, #tpu.memory_space<any>>
    tpu.wait_dma2 semaphore(%dma_wait3A_1157 : memref<!tpu.dma_semaphore, #tpu.memory_space<semaphore_mem>>) src(%dma_wait3A_1164 : memref<8x16384xf32, #tpu.memory_space<any>>) dst(%dma_wait3A_1161 : memref<8x16384xf32, #tpu.memory_space<vmem>>)
    %dma_wait3A_1165 = arith.constant 0 : i32
    %dma_wait3A_1166 = arith.constant 0 : i32
    %dma_wait3A_1167 = tpu.memref_slice %arg9[%dma_wait3A_1166] : memref<4x!tpu.dma_semaphore, #tpu.memory_space<semaphore_mem>> -> memref<1x!tpu.dma_semaphore, #tpu.memory_space<semaphore_mem>>
    %dma_wait3A_1168 = tpu.memref_squeeze %dma_wait3A_1167 : memref<1x!tpu.dma_semaphore, #tpu.memory_space<semaphore_mem>> -> memref<!tpu.dma_semaphore, #tpu.memory_space<semaphore_mem>>
    %dma_wait3A_1169 = arith.constant 0 : i32
    %dma_wait3A_1170 = arith.constant 0 : i32
    %dma_wait3A_1171 = tpu.memref_slice %arg6[%dma_wait3A_1165, %dma_wait3A_1169, %dma_wait3A_1170] : memref<4x8x16384xf32, #tpu.memory_space<vmem>> -> memref<1x8x16384xf32, #tpu.memory_space<vmem>>
    %dma_wait3A_1172 = tpu.memref_squeeze %dma_wait3A_1171 : memref<1x8x16384xf32, #tpu.memory_space<vmem>> -> memref<8x16384xf32, #tpu.memory_space<vmem>>
    %dma_wait3A_1173 = arith.constant 96 : i32
    %dma_wait3A_1174 = arith.constant 0 : i32
    %dma_wait3A_1175 = tpu.memref_slice %arg3[%dma_wait3A_1173, %dma_wait3A_1174] : memref<256x16384xf32, #tpu.memory_space<any>> -> memref<8x16384xf32, #tpu.memory_space<any>>
    tpu.wait_dma2 semaphore(%dma_wait3A_1168 : memref<!tpu.dma_semaphore, #tpu.memory_space<semaphore_mem>>) src(%dma_wait3A_1175 : memref<8x16384xf32, #tpu.memory_space<any>>) dst(%dma_wait3A_1172 : memref<8x16384xf32, #tpu.memory_space<vmem>>)
    %dma_wait3A_1176 = arith.constant 0 : i32
    %dma_wait3A_1177 = arith.constant 0 : i32
    %dma_wait3A_1178 = tpu.memref_slice %arg10[%dma_wait3A_1177] : memref<4x!tpu.dma_semaphore, #tpu.memory_space<semaphore_mem>> -> memref<1x!tpu.dma_semaphore, #tpu.memory_space<semaphore_mem>>
    %dma_wait3A_1179 = tpu.memref_squeeze %dma_wait3A_1178 : memref<1x!tpu.dma_semaphore, #tpu.memory_space<semaphore_mem>> -> memref<!tpu.dma_semaphore, #tpu.memory_space<semaphore_mem>>
    %dma_wait3A_1180 = arith.constant 64 : i32
    %dma_wait3A_1181 = arith.constant 0 : i32
    %dma_wait3A_1182 = tpu.memref_slice %arg4[%dma_wait3A_1180, %dma_wait3A_1181] : memref<256x16384xf32, #tpu.memory_space<any>> -> memref<8x16384xf32, #tpu.memory_space<any>>
    %dma_wait3A_1183 = arith.constant 0 : i32
    %dma_wait3A_1184 = arith.constant 0 : i32
    %dma_wait3A_1185 = tpu.memref_slice %arg7[%dma_wait3A_1176, %dma_wait3A_1183, %dma_wait3A_1184] : memref<4x8x16384xf32, #tpu.memory_space<vmem>> -> memref<1x8x16384xf32, #tpu.memory_space<vmem>>
    %dma_wait3A_1186 = tpu.memref_squeeze %dma_wait3A_1185 : memref<1x8x16384xf32, #tpu.memory_space<vmem>> -> memref<8x16384xf32, #tpu.memory_space<vmem>>
    tpu.wait_dma2 semaphore(%dma_wait3A_1179 : memref<!tpu.dma_semaphore, #tpu.memory_space<semaphore_mem>>) src(%dma_wait3A_1186 : memref<8x16384xf32, #tpu.memory_space<vmem>>) dst(%dma_wait3A_1182 : memref<8x16384xf32, #tpu.memory_space<any>>)
    %get3A_1187 = arith.constant 96 : index
    %get3A_1188 = arith.constant 0 : index
    %get3A_1189 = vector.load %arg0[%get3A_1187, %get3A_1188] : memref<256x1xf32, #tpu.memory_space<vmem>>, vector<8x1xf32>
    %get3A_1190 = arith.constant 96 : index
    %get3A_1191 = arith.constant 0 : index
    %get3A_1192 = vector.load %arg1[%get3A_1190, %get3A_1191] : memref<256x1xf32, #tpu.memory_space<vmem>>, vector<8x1xf32>
    %get3A_1193 = arith.constant 0 : index
    %get3A_1194 = arith.constant 0 : index
    %get3A_1195 = arith.constant 0 : index
    %get3A_1196 = vector.load %arg5[%get3A_1193, %get3A_1194, %get3A_1195] : memref<4x8x16384xf32, #tpu.memory_space<vmem>>, vector<1x8x16384xf32>
    %get3A_1197 = vector.shape_cast %get3A_1196 : vector<1x8x16384xf32> to vector<8x16384xf32>
    %mul3A_1198 = vector.broadcast %get3A_1189 : vector<8x1xf32> to vector<8x16384xf32>
    %mul3A_1199 = arith.mulf %mul3A_1198, %get3A_1197 : vector<8x16384xf32>
    %get3A_1200 = arith.constant 0 : index
    %get3A_1201 = arith.constant 0 : index
    %get3A_1202 = arith.constant 0 : index
    %get3A_1203 = vector.load %arg6[%get3A_1200, %get3A_1201, %get3A_1202] : memref<4x8x16384xf32, #tpu.memory_space<vmem>>, vector<1x8x16384xf32>
    %get3A_1204 = vector.shape_cast %get3A_1203 : vector<1x8x16384xf32> to vector<8x16384xf32>
    %mul3A_1205 = vector.broadcast %get3A_1192 : vector<8x1xf32> to vector<8x16384xf32>
    %mul3A_1206 = arith.mulf %mul3A_1205, %get3A_1204 : vector<8x16384xf32>
    %add3A_1207 = arith.addf %mul3A_1199, %mul3A_1206 : vector<8x16384xf32>
    %swap3A_1208 = arith.constant 0 : index
    %swap3A_1209 = arith.constant 0 : index
    %swap3A_1210 = arith.constant 0 : index
    %swap3A_1211 = vector.load %arg7[%swap3A_1208, %swap3A_1209, %swap3A_1210] : memref<4x8x16384xf32, #tpu.memory_space<vmem>>, vector<1x8x16384xf32>
    %swap3A_1212 = vector.shape_cast %swap3A_1211 : vector<1x8x16384xf32> to vector<8x16384xf32>
    %swap3A_1213 = vector.shape_cast %add3A_1207 : vector<8x16384xf32> to vector<1x8x16384xf32>
    tpu.vector_store %arg7[%swap3A_1208, %swap3A_1209, %swap3A_1210], %swap3A_1213 {strides = array<i32>} : memref<4x8x16384xf32, #tpu.memory_space<vmem>>, vector<1x8x16384xf32>,
    %dma_start3A_1214 = arith.constant 0 : i32
    %dma_start3A_1215 = arith.constant 0 : i32
    %dma_start3A_1216 = tpu.memref_slice %arg10[%dma_start3A_1215] : memref<4x!tpu.dma_semaphore, #tpu.memory_space<semaphore_mem>> -> memref<1x!tpu.dma_semaphore, #tpu.memory_space<semaphore_mem>>
    %dma_start3A_1217 = tpu.memref_squeeze %dma_start3A_1216 : memref<1x!tpu.dma_semaphore, #tpu.memory_space<semaphore_mem>> -> memref<!tpu.dma_semaphore, #tpu.memory_space<semaphore_mem>>
    %dma_start3A_1218 = arith.constant 96 : i32
    %dma_start3A_1219 = arith.constant 0 : i32
    %dma_start3A_1220 = tpu.memref_slice %arg4[%dma_start3A_1218, %dma_start3A_1219] : memref<256x16384xf32, #tpu.memory_space<any>> -> memref<8x16384xf32, #tpu.memory_space<any>>
    %dma_start3A_1221 = arith.constant 0 : i32
    %dma_start3A_1222 = arith.constant 0 : i32
    %dma_start3A_1223 = tpu.memref_slice %arg7[%dma_start3A_1214, %dma_start3A_1221, %dma_start3A_1222] : memref<4x8x16384xf32, #tpu.memory_space<vmem>> -> memref<1x8x16384xf32, #tpu.memory_space<vmem>>
    %dma_start3A_1224 = tpu.memref_squeeze %dma_start3A_1223 : memref<1x8x16384xf32, #tpu.memory_space<vmem>> -> memref<8x16384xf32, #tpu.memory_space<vmem>>
    tpu.enqueue_dma source(%dma_start3A_1224 : memref<8x16384xf32, #tpu.memory_space<vmem>>) target(%dma_start3A_1220 : memref<8x16384xf32, #tpu.memory_space<any>>) target_semaphore(%dma_start3A_1217 : memref<!tpu.dma_semaphore, #tpu.memory_space<semaphore_mem>>)
    %dma_start3A_1225 = arith.constant 0 : i32
    %dma_start3A_1226 = arith.constant 0 : i32
    %dma_start3A_1227 = tpu.memref_slice %arg8[%dma_start3A_1226] : memref<4x!tpu.dma_semaphore, #tpu.memory_space<semaphore_mem>> -> memref<1x!tpu.dma_semaphore, #tpu.memory_space<semaphore_mem>>
    %dma_start3A_1228 = tpu.memref_squeeze %dma_start3A_1227 : memref<1x!tpu.dma_semaphore, #tpu.memory_space<semaphore_mem>> -> memref<!tpu.dma_semaphore, #tpu.memory_space<semaphore_mem>>
    %dma_start3A_1229 = arith.constant 0 : i32
    %dma_start3A_1230 = arith.constant 0 : i32
    %dma_start3A_1231 = tpu.memref_slice %arg5[%dma_start3A_1225, %dma_start3A_1229, %dma_start3A_1230] : memref<4x8x16384xf32, #tpu.memory_space<vmem>> -> memref<1x8x16384xf32, #tpu.memory_space<vmem>>
    %dma_start3A_1232 = tpu.memref_squeeze %dma_start3A_1231 : memref<1x8x16384xf32, #tpu.memory_space<vmem>> -> memref<8x16384xf32, #tpu.memory_space<vmem>>
    %dma_start3A_1233 = arith.constant 128 : i32
    %dma_start3A_1234 = arith.constant 0 : i32
    %dma_start3A_1235 = tpu.memref_slice %arg2[%dma_start3A_1233, %dma_start3A_1234] : memref<256x16384xf32, #tpu.memory_space<any>> -> memref<8x16384xf32, #tpu.memory_space<any>>
    tpu.enqueue_dma source(%dma_start3A_1235 : memref<8x16384xf32, #tpu.memory_space<any>>) target(%dma_start3A_1232 : memref<8x16384xf32, #tpu.memory_space<vmem>>) target_semaphore(%dma_start3A_1228 : memref<!tpu.dma_semaphore, #tpu.memory_space<semaphore_mem>>)
    %dma_start3A_1236 = arith.constant 0 : i32
    %dma_start3A_1237 = arith.constant 0 : i32
    %dma_start3A_1238 = tpu.memref_slice %arg9[%dma_start3A_1237] : memref<4x!tpu.dma_semaphore, #tpu.memory_space<semaphore_mem>> -> memref<1x!tpu.dma_semaphore, #tpu.memory_space<semaphore_mem>>
    %dma_start3A_1239 = tpu.memref_squeeze %dma_start3A_1238 : memref<1x!tpu.dma_semaphore, #tpu.memory_space<semaphore_mem>> -> memref<!tpu.dma_semaphore, #tpu.memory_space<semaphore_mem>>
    %dma_start3A_1240 = arith.constant 0 : i32
    %dma_start3A_1241 = arith.constant 0 : i32
    %dma_start3A_1242 = tpu.memref_slice %arg6[%dma_start3A_1236, %dma_start3A_1240, %dma_start3A_1241] : memref<4x8x16384xf32, #tpu.memory_space<vmem>> -> memref<1x8x16384xf32, #tpu.memory_space<vmem>>
    %dma_start3A_1243 = tpu.memref_squeeze %dma_start3A_1242 : memref<1x8x16384xf32, #tpu.memory_space<vmem>> -> memref<8x16384xf32, #tpu.memory_space<vmem>>
    %dma_start3A_1244 = arith.constant 128 : i32
    %dma_start3A_1245 = arith.constant 0 : i32
    %dma_start3A_1246 = tpu.memref_slice %arg3[%dma_start3A_1244, %dma_start3A_1245] : memref<256x16384xf32, #tpu.memory_space<any>> -> memref<8x16384xf32, #tpu.memory_space<any>>
    tpu.enqueue_dma source(%dma_start3A_1246 : memref<8x16384xf32, #tpu.memory_space<any>>) target(%dma_start3A_1243 : memref<8x16384xf32, #tpu.memory_space<vmem>>) target_semaphore(%dma_start3A_1239 : memref<!tpu.dma_semaphore, #tpu.memory_space<semaphore_mem>>)
    %dma_wait3A_1247 = arith.constant 1 : i32
    %dma_wait3A_1248 = arith.constant 1 : i32
    %dma_wait3A_1249 = tpu.memref_slice %arg8[%dma_wait3A_1248] : memref<4x!tpu.dma_semaphore, #tpu.memory_space<semaphore_mem>> -> memref<1x!tpu.dma_semaphore, #tpu.memory_space<semaphore_mem>>
    %dma_wait3A_1250 = tpu.memref_squeeze %dma_wait3A_1249 : memref<1x!tpu.dma_semaphore, #tpu.memory_space<semaphore_mem>> -> memref<!tpu.dma_semaphore, #tpu.memory_space<semaphore_mem>>
    %dma_wait3A_1251 = arith.constant 0 : i32
    %dma_wait3A_1252 = arith.constant 0 : i32
    %dma_wait3A_1253 = tpu.memref_slice %arg5[%dma_wait3A_1247, %dma_wait3A_1251, %dma_wait3A_1252] : memref<4x8x16384xf32, #tpu.memory_space<vmem>> -> memref<1x8x16384xf32, #tpu.memory_space<vmem>>
    %dma_wait3A_1254 = tpu.memref_squeeze %dma_wait3A_1253 : memref<1x8x16384xf32, #tpu.memory_space<vmem>> -> memref<8x16384xf32, #tpu.memory_space<vmem>>
    %dma_wait3A_1255 = arith.constant 104 : i32
    %dma_wait3A_1256 = arith.constant 0 : i32
    %dma_wait3A_1257 = tpu.memref_slice %arg2[%dma_wait3A_1255, %dma_wait3A_1256] : memref<256x16384xf32, #tpu.memory_space<any>> -> memref<8x16384xf32, #tpu.memory_space<any>>
    tpu.wait_dma2 semaphore(%dma_wait3A_1250 : memref<!tpu.dma_semaphore, #tpu.memory_space<semaphore_mem>>) src(%dma_wait3A_1257 : memref<8x16384xf32, #tpu.memory_space<any>>) dst(%dma_wait3A_1254 : memref<8x16384xf32, #tpu.memory_space<vmem>>)
    %dma_wait3A_1258 = arith.constant 1 : i32
    %dma_wait3A_1259 = arith.constant 1 : i32
    %dma_wait3A_1260 = tpu.memref_slice %arg9[%dma_wait3A_1259] : memref<4x!tpu.dma_semaphore, #tpu.memory_space<semaphore_mem>> -> memref<1x!tpu.dma_semaphore, #tpu.memory_space<semaphore_mem>>
    %dma_wait3A_1261 = tpu.memref_squeeze %dma_wait3A_1260 : memref<1x!tpu.dma_semaphore, #tpu.memory_space<semaphore_mem>> -> memref<!tpu.dma_semaphore, #tpu.memory_space<semaphore_mem>>
    %dma_wait3A_1262 = arith.constant 0 : i32
    %dma_wait3A_1263 = arith.constant 0 : i32
    %dma_wait3A_1264 = tpu.memref_slice %arg6[%dma_wait3A_1258, %dma_wait3A_1262, %dma_wait3A_1263] : memref<4x8x16384xf32, #tpu.memory_space<vmem>> -> memref<1x8x16384xf32, #tpu.memory_space<vmem>>
    %dma_wait3A_1265 = tpu.memref_squeeze %dma_wait3A_1264 : memref<1x8x16384xf32, #tpu.memory_space<vmem>> -> memref<8x16384xf32, #tpu.memory_space<vmem>>
    %dma_wait3A_1266 = arith.constant 104 : i32
    %dma_wait3A_1267 = arith.constant 0 : i32
    %dma_wait3A_1268 = tpu.memref_slice %arg3[%dma_wait3A_1266, %dma_wait3A_1267] : memref<256x16384xf32, #tpu.memory_space<any>> -> memref<8x16384xf32, #tpu.memory_space<any>>
    tpu.wait_dma2 semaphore(%dma_wait3A_1261 : memref<!tpu.dma_semaphore, #tpu.memory_space<semaphore_mem>>) src(%dma_wait3A_1268 : memref<8x16384xf32, #tpu.memory_space<any>>) dst(%dma_wait3A_1265 : memref<8x16384xf32, #tpu.memory_space<vmem>>)
    %dma_wait3A_1269 = arith.constant 1 : i32
    %dma_wait3A_1270 = arith.constant 1 : i32
    %dma_wait3A_1271 = tpu.memref_slice %arg10[%dma_wait3A_1270] : memref<4x!tpu.dma_semaphore, #tpu.memory_space<semaphore_mem>> -> memref<1x!tpu.dma_semaphore, #tpu.memory_space<semaphore_mem>>
    %dma_wait3A_1272 = tpu.memref_squeeze %dma_wait3A_1271 : memref<1x!tpu.dma_semaphore, #tpu.memory_space<semaphore_mem>> -> memref<!tpu.dma_semaphore, #tpu.memory_space<semaphore_mem>>
    %dma_wait3A_1273 = arith.constant 72 : i32
    %dma_wait3A_1274 = arith.constant 0 : i32
    %dma_wait3A_1275 = tpu.memref_slice %arg4[%dma_wait3A_1273, %dma_wait3A_1274] : memref<256x16384xf32, #tpu.memory_space<any>> -> memref<8x16384xf32, #tpu.memory_space<any>>
    %dma_wait3A_1276 = arith.constant 0 : i32
    %dma_wait3A_1277 = arith.constant 0 : i32
    %dma_wait3A_1278 = tpu.memref_slice %arg7[%dma_wait3A_1269, %dma_wait3A_1276, %dma_wait3A_1277] : memref<4x8x16384xf32, #tpu.memory_space<vmem>> -> memref<1x8x16384xf32, #tpu.memory_space<vmem>>
    %dma_wait3A_1279 = tpu.memref_squeeze %dma_wait3A_1278 : memref<1x8x16384xf32, #tpu.memory_space<vmem>> -> memref<8x16384xf32, #tpu.memory_space<vmem>>
    tpu.wait_dma2 semaphore(%dma_wait3A_1272 : memref<!tpu.dma_semaphore, #tpu.memory_space<semaphore_mem>>) src(%dma_wait3A_1279 : memref<8x16384xf32, #tpu.memory_space<vmem>>) dst(%dma_wait3A_1275 : memref<8x16384xf32, #tpu.memory_space<any>>)
    %get3A_1280 = arith.constant 104 : index
    %get3A_1281 = arith.constant 0 : index
    %get3A_1282 = vector.load %arg0[%get3A_1280, %get3A_1281] : memref<256x1xf32, #tpu.memory_space<vmem>>, vector<8x1xf32>
    %get3A_1283 = arith.constant 104 : index
    %get3A_1284 = arith.constant 0 : index
    %get3A_1285 = vector.load %arg1[%get3A_1283, %get3A_1284] : memref<256x1xf32, #tpu.memory_space<vmem>>, vector<8x1xf32>
    %get3A_1286 = arith.constant 1 : index
    %get3A_1287 = arith.constant 0 : index
    %get3A_1288 = arith.constant 0 : index
    %get3A_1289 = vector.load %arg5[%get3A_1286, %get3A_1287, %get3A_1288] : memref<4x8x16384xf32, #tpu.memory_space<vmem>>, vector<1x8x16384xf32>
    %get3A_1290 = vector.shape_cast %get3A_1289 : vector<1x8x16384xf32> to vector<8x16384xf32>
    %mul3A_1291 = vector.broadcast %get3A_1282 : vector<8x1xf32> to vector<8x16384xf32>
    %mul3A_1292 = arith.mulf %mul3A_1291, %get3A_1290 : vector<8x16384xf32>
    %get3A_1293 = arith.constant 1 : index
    %get3A_1294 = arith.constant 0 : index
    %get3A_1295 = arith.constant 0 : index
    %get3A_1296 = vector.load %arg6[%get3A_1293, %get3A_1294, %get3A_1295] : memref<4x8x16384xf32, #tpu.memory_space<vmem>>, vector<1x8x16384xf32>
    %get3A_1297 = vector.shape_cast %get3A_1296 : vector<1x8x16384xf32> to vector<8x16384xf32>
    %mul3A_1298 = vector.broadcast %get3A_1285 : vector<8x1xf32> to vector<8x16384xf32>
    %mul3A_1299 = arith.mulf %mul3A_1298, %get3A_1297 : vector<8x16384xf32>
    %add3A_1300 = arith.addf %mul3A_1292, %mul3A_1299 : vector<8x16384xf32>
    %swap3A_1301 = arith.constant 1 : index
    %swap3A_1302 = arith.constant 0 : index
    %swap3A_1303 = arith.constant 0 : index
    %swap3A_1304 = vector.load %arg7[%swap3A_1301, %swap3A_1302, %swap3A_1303] : memref<4x8x16384xf32, #tpu.memory_space<vmem>>, vector<1x8x16384xf32>
    %swap3A_1305 = vector.shape_cast %swap3A_1304 : vector<1x8x16384xf32> to vector<8x16384xf32>
    %swap3A_1306 = vector.shape_cast %add3A_1300 : vector<8x16384xf32> to vector<1x8x16384xf32>
    tpu.vector_store %arg7[%swap3A_1301, %swap3A_1302, %swap3A_1303], %swap3A_1306 {strides = array<i32>} : memref<4x8x16384xf32, #tpu.memory_space<vmem>>, vector<1x8x16384xf32>,
    %dma_start3A_1307 = arith.constant 1 : i32
    %dma_start3A_1308 = arith.constant 1 : i32
    %dma_start3A_1309 = tpu.memref_slice %arg10[%dma_start3A_1308] : memref<4x!tpu.dma_semaphore, #tpu.memory_space<semaphore_mem>> -> memref<1x!tpu.dma_semaphore, #tpu.memory_space<semaphore_mem>>
    %dma_start3A_1310 = tpu.memref_squeeze %dma_start3A_1309 : memref<1x!tpu.dma_semaphore, #tpu.memory_space<semaphore_mem>> -> memref<!tpu.dma_semaphore, #tpu.memory_space<semaphore_mem>>
    %dma_start3A_1311 = arith.constant 104 : i32
    %dma_start3A_1312 = arith.constant 0 : i32
    %dma_start3A_1313 = tpu.memref_slice %arg4[%dma_start3A_1311, %dma_start3A_1312] : memref<256x16384xf32, #tpu.memory_space<any>> -> memref<8x16384xf32, #tpu.memory_space<any>>
    %dma_start3A_1314 = arith.constant 0 : i32
    %dma_start3A_1315 = arith.constant 0 : i32
    %dma_start3A_1316 = tpu.memref_slice %arg7[%dma_start3A_1307, %dma_start3A_1314, %dma_start3A_1315] : memref<4x8x16384xf32, #tpu.memory_space<vmem>> -> memref<1x8x16384xf32, #tpu.memory_space<vmem>>
    %dma_start3A_1317 = tpu.memref_squeeze %dma_start3A_1316 : memref<1x8x16384xf32, #tpu.memory_space<vmem>> -> memref<8x16384xf32, #tpu.memory_space<vmem>>
    tpu.enqueue_dma source(%dma_start3A_1317 : memref<8x16384xf32, #tpu.memory_space<vmem>>) target(%dma_start3A_1313 : memref<8x16384xf32, #tpu.memory_space<any>>) target_semaphore(%dma_start3A_1310 : memref<!tpu.dma_semaphore, #tpu.memory_space<semaphore_mem>>)
    %dma_start3A_1318 = arith.constant 1 : i32
    %dma_start3A_1319 = arith.constant 1 : i32
    %dma_start3A_1320 = tpu.memref_slice %arg8[%dma_start3A_1319] : memref<4x!tpu.dma_semaphore, #tpu.memory_space<semaphore_mem>> -> memref<1x!tpu.dma_semaphore, #tpu.memory_space<semaphore_mem>>
    %dma_start3A_1321 = tpu.memref_squeeze %dma_start3A_1320 : memref<1x!tpu.dma_semaphore, #tpu.memory_space<semaphore_mem>> -> memref<!tpu.dma_semaphore, #tpu.memory_space<semaphore_mem>>
    %dma_start3A_1322 = arith.constant 0 : i32
    %dma_start3A_1323 = arith.constant 0 : i32
    %dma_start3A_1324 = tpu.memref_slice %arg5[%dma_start3A_1318, %dma_start3A_1322, %dma_start3A_1323] : memref<4x8x16384xf32, #tpu.memory_space<vmem>> -> memref<1x8x16384xf32, #tpu.memory_space<vmem>>
    %dma_start3A_1325 = tpu.memref_squeeze %dma_start3A_1324 : memref<1x8x16384xf32, #tpu.memory_space<vmem>> -> memref<8x16384xf32, #tpu.memory_space<vmem>>
    %dma_start3A_1326 = arith.constant 136 : i32
    %dma_start3A_1327 = arith.constant 0 : i32
    %dma_start3A_1328 = tpu.memref_slice %arg2[%dma_start3A_1326, %dma_start3A_1327] : memref<256x16384xf32, #tpu.memory_space<any>> -> memref<8x16384xf32, #tpu.memory_space<any>>
    tpu.enqueue_dma source(%dma_start3A_1328 : memref<8x16384xf32, #tpu.memory_space<any>>) target(%dma_start3A_1325 : memref<8x16384xf32, #tpu.memory_space<vmem>>) target_semaphore(%dma_start3A_1321 : memref<!tpu.dma_semaphore, #tpu.memory_space<semaphore_mem>>)
    %dma_start3A_1329 = arith.constant 1 : i32
    %dma_start3A_1330 = arith.constant 1 : i32
    %dma_start3A_1331 = tpu.memref_slice %arg9[%dma_start3A_1330] : memref<4x!tpu.dma_semaphore, #tpu.memory_space<semaphore_mem>> -> memref<1x!tpu.dma_semaphore, #tpu.memory_space<semaphore_mem>>
    %dma_start3A_1332 = tpu.memref_squeeze %dma_start3A_1331 : memref<1x!tpu.dma_semaphore, #tpu.memory_space<semaphore_mem>> -> memref<!tpu.dma_semaphore, #tpu.memory_space<semaphore_mem>>
    %dma_start3A_1333 = arith.constant 0 : i32
    %dma_start3A_1334 = arith.constant 0 : i32
    %dma_start3A_1335 = tpu.memref_slice %arg6[%dma_start3A_1329, %dma_start3A_1333, %dma_start3A_1334] : memref<4x8x16384xf32, #tpu.memory_space<vmem>> -> memref<1x8x16384xf32, #tpu.memory_space<vmem>>
    %dma_start3A_1336 = tpu.memref_squeeze %dma_start3A_1335 : memref<1x8x16384xf32, #tpu.memory_space<vmem>> -> memref<8x16384xf32, #tpu.memory_space<vmem>>
    %dma_start3A_1337 = arith.constant 136 : i32
    %dma_start3A_1338 = arith.constant 0 : i32
    %dma_start3A_1339 = tpu.memref_slice %arg3[%dma_start3A_1337, %dma_start3A_1338] : memref<256x16384xf32, #tpu.memory_space<any>> -> memref<8x16384xf32, #tpu.memory_space<any>>
    tpu.enqueue_dma source(%dma_start3A_1339 : memref<8x16384xf32, #tpu.memory_space<any>>) target(%dma_start3A_1336 : memref<8x16384xf32, #tpu.memory_space<vmem>>) target_semaphore(%dma_start3A_1332 : memref<!tpu.dma_semaphore, #tpu.memory_space<semaphore_mem>>)
    %dma_wait3A_1340 = arith.constant 2 : i32
    %dma_wait3A_1341 = arith.constant 2 : i32
    %dma_wait3A_1342 = tpu.memref_slice %arg8[%dma_wait3A_1341] : memref<4x!tpu.dma_semaphore, #tpu.memory_space<semaphore_mem>> -> memref<1x!tpu.dma_semaphore, #tpu.memory_space<semaphore_mem>>
    %dma_wait3A_1343 = tpu.memref_squeeze %dma_wait3A_1342 : memref<1x!tpu.dma_semaphore, #tpu.memory_space<semaphore_mem>> -> memref<!tpu.dma_semaphore, #tpu.memory_space<semaphore_mem>>
    %dma_wait3A_1344 = arith.constant 0 : i32
    %dma_wait3A_1345 = arith.constant 0 : i32
    %dma_wait3A_1346 = tpu.memref_slice %arg5[%dma_wait3A_1340, %dma_wait3A_1344, %dma_wait3A_1345] : memref<4x8x16384xf32, #tpu.memory_space<vmem>> -> memref<1x8x16384xf32, #tpu.memory_space<vmem>>
    %dma_wait3A_1347 = tpu.memref_squeeze %dma_wait3A_1346 : memref<1x8x16384xf32, #tpu.memory_space<vmem>> -> memref<8x16384xf32, #tpu.memory_space<vmem>>
    %dma_wait3A_1348 = arith.constant 112 : i32
    %dma_wait3A_1349 = arith.constant 0 : i32
    %dma_wait3A_1350 = tpu.memref_slice %arg2[%dma_wait3A_1348, %dma_wait3A_1349] : memref<256x16384xf32, #tpu.memory_space<any>> -> memref<8x16384xf32, #tpu.memory_space<any>>
    tpu.wait_dma2 semaphore(%dma_wait3A_1343 : memref<!tpu.dma_semaphore, #tpu.memory_space<semaphore_mem>>) src(%dma_wait3A_1350 : memref<8x16384xf32, #tpu.memory_space<any>>) dst(%dma_wait3A_1347 : memref<8x16384xf32, #tpu.memory_space<vmem>>)
    %dma_wait3A_1351 = arith.constant 2 : i32
    %dma_wait3A_1352 = arith.constant 2 : i32
    %dma_wait3A_1353 = tpu.memref_slice %arg9[%dma_wait3A_1352] : memref<4x!tpu.dma_semaphore, #tpu.memory_space<semaphore_mem>> -> memref<1x!tpu.dma_semaphore, #tpu.memory_space<semaphore_mem>>
    %dma_wait3A_1354 = tpu.memref_squeeze %dma_wait3A_1353 : memref<1x!tpu.dma_semaphore, #tpu.memory_space<semaphore_mem>> -> memref<!tpu.dma_semaphore, #tpu.memory_space<semaphore_mem>>
    %dma_wait3A_1355 = arith.constant 0 : i32
    %dma_wait3A_1356 = arith.constant 0 : i32
    %dma_wait3A_1357 = tpu.memref_slice %arg6[%dma_wait3A_1351, %dma_wait3A_1355, %dma_wait3A_1356] : memref<4x8x16384xf32, #tpu.memory_space<vmem>> -> memref<1x8x16384xf32, #tpu.memory_space<vmem>>
    %dma_wait3A_1358 = tpu.memref_squeeze %dma_wait3A_1357 : memref<1x8x16384xf32, #tpu.memory_space<vmem>> -> memref<8x16384xf32, #tpu.memory_space<vmem>>
    %dma_wait3A_1359 = arith.constant 112 : i32
    %dma_wait3A_1360 = arith.constant 0 : i32
    %dma_wait3A_1361 = tpu.memref_slice %arg3[%dma_wait3A_1359, %dma_wait3A_1360] : memref<256x16384xf32, #tpu.memory_space<any>> -> memref<8x16384xf32, #tpu.memory_space<any>>
    tpu.wait_dma2 semaphore(%dma_wait3A_1354 : memref<!tpu.dma_semaphore, #tpu.memory_space<semaphore_mem>>) src(%dma_wait3A_1361 : memref<8x16384xf32, #tpu.memory_space<any>>) dst(%dma_wait3A_1358 : memref<8x16384xf32, #tpu.memory_space<vmem>>)
    %dma_wait3A_1362 = arith.constant 2 : i32
    %dma_wait3A_1363 = arith.constant 2 : i32
    %dma_wait3A_1364 = tpu.memref_slice %arg10[%dma_wait3A_1363] : memref<4x!tpu.dma_semaphore, #tpu.memory_space<semaphore_mem>> -> memref<1x!tpu.dma_semaphore, #tpu.memory_space<semaphore_mem>>
    %dma_wait3A_1365 = tpu.memref_squeeze %dma_wait3A_1364 : memref<1x!tpu.dma_semaphore, #tpu.memory_space<semaphore_mem>> -> memref<!tpu.dma_semaphore, #tpu.memory_space<semaphore_mem>>
    %dma_wait3A_1366 = arith.constant 80 : i32
    %dma_wait3A_1367 = arith.constant 0 : i32
    %dma_wait3A_1368 = tpu.memref_slice %arg4[%dma_wait3A_1366, %dma_wait3A_1367] : memref<256x16384xf32, #tpu.memory_space<any>> -> memref<8x16384xf32, #tpu.memory_space<any>>
    %dma_wait3A_1369 = arith.constant 0 : i32
    %dma_wait3A_1370 = arith.constant 0 : i32
    %dma_wait3A_1371 = tpu.memref_slice %arg7[%dma_wait3A_1362, %dma_wait3A_1369, %dma_wait3A_1370] : memref<4x8x16384xf32, #tpu.memory_space<vmem>> -> memref<1x8x16384xf32, #tpu.memory_space<vmem>>
    %dma_wait3A_1372 = tpu.memref_squeeze %dma_wait3A_1371 : memref<1x8x16384xf32, #tpu.memory_space<vmem>> -> memref<8x16384xf32, #tpu.memory_space<vmem>>
    tpu.wait_dma2 semaphore(%dma_wait3A_1365 : memref<!tpu.dma_semaphore, #tpu.memory_space<semaphore_mem>>) src(%dma_wait3A_1372 : memref<8x16384xf32, #tpu.memory_space<vmem>>) dst(%dma_wait3A_1368 : memref<8x16384xf32, #tpu.memory_space<any>>)
    %get3A_1373 = arith.constant 112 : index
    %get3A_1374 = arith.constant 0 : index
    %get3A_1375 = vector.load %arg0[%get3A_1373, %get3A_1374] : memref<256x1xf32, #tpu.memory_space<vmem>>, vector<8x1xf32>
    %get3A_1376 = arith.constant 112 : index
    %get3A_1377 = arith.constant 0 : index
    %get3A_1378 = vector.load %arg1[%get3A_1376, %get3A_1377] : memref<256x1xf32, #tpu.memory_space<vmem>>, vector<8x1xf32>
    %get3A_1379 = arith.constant 2 : index
    %get3A_1380 = arith.constant 0 : index
    %get3A_1381 = arith.constant 0 : index
    %get3A_1382 = vector.load %arg5[%get3A_1379, %get3A_1380, %get3A_1381] : memref<4x8x16384xf32, #tpu.memory_space<vmem>>, vector<1x8x16384xf32>
    %get3A_1383 = vector.shape_cast %get3A_1382 : vector<1x8x16384xf32> to vector<8x16384xf32>
    %mul3A_1384 = vector.broadcast %get3A_1375 : vector<8x1xf32> to vector<8x16384xf32>
    %mul3A_1385 = arith.mulf %mul3A_1384, %get3A_1383 : vector<8x16384xf32>
    %get3A_1386 = arith.constant 2 : index
    %get3A_1387 = arith.constant 0 : index
    %get3A_1388 = arith.constant 0 : index
    %get3A_1389 = vector.load %arg6[%get3A_1386, %get3A_1387, %get3A_1388] : memref<4x8x16384xf32, #tpu.memory_space<vmem>>, vector<1x8x16384xf32>
    %get3A_1390 = vector.shape_cast %get3A_1389 : vector<1x8x16384xf32> to vector<8x16384xf32>
    %mul3A_1391 = vector.broadcast %get3A_1378 : vector<8x1xf32> to vector<8x16384xf32>
    %mul3A_1392 = arith.mulf %mul3A_1391, %get3A_1390 : vector<8x16384xf32>
    %add3A_1393 = arith.addf %mul3A_1385, %mul3A_1392 : vector<8x16384xf32>
    %swap3A_1394 = arith.constant 2 : index
    %swap3A_1395 = arith.constant 0 : index
    %swap3A_1396 = arith.constant 0 : index
    %swap3A_1397 = vector.load %arg7[%swap3A_1394, %swap3A_1395, %swap3A_1396] : memref<4x8x16384xf32, #tpu.memory_space<vmem>>, vector<1x8x16384xf32>
    %swap3A_1398 = vector.shape_cast %swap3A_1397 : vector<1x8x16384xf32> to vector<8x16384xf32>
    %swap3A_1399 = vector.shape_cast %add3A_1393 : vector<8x16384xf32> to vector<1x8x16384xf32>
    tpu.vector_store %arg7[%swap3A_1394, %swap3A_1395, %swap3A_1396], %swap3A_1399 {strides = array<i32>} : memref<4x8x16384xf32, #tpu.memory_space<vmem>>, vector<1x8x16384xf32>,
    %dma_start3A_1400 = arith.constant 2 : i32
    %dma_start3A_1401 = arith.constant 2 : i32
    %dma_start3A_1402 = tpu.memref_slice %arg10[%dma_start3A_1401] : memref<4x!tpu.dma_semaphore, #tpu.memory_space<semaphore_mem>> -> memref<1x!tpu.dma_semaphore, #tpu.memory_space<semaphore_mem>>
    %dma_start3A_1403 = tpu.memref_squeeze %dma_start3A_1402 : memref<1x!tpu.dma_semaphore, #tpu.memory_space<semaphore_mem>> -> memref<!tpu.dma_semaphore, #tpu.memory_space<semaphore_mem>>
    %dma_start3A_1404 = arith.constant 112 : i32
    %dma_start3A_1405 = arith.constant 0 : i32
    %dma_start3A_1406 = tpu.memref_slice %arg4[%dma_start3A_1404, %dma_start3A_1405] : memref<256x16384xf32, #tpu.memory_space<any>> -> memref<8x16384xf32, #tpu.memory_space<any>>
    %dma_start3A_1407 = arith.constant 0 : i32
    %dma_start3A_1408 = arith.constant 0 : i32
    %dma_start3A_1409 = tpu.memref_slice %arg7[%dma_start3A_1400, %dma_start3A_1407, %dma_start3A_1408] : memref<4x8x16384xf32, #tpu.memory_space<vmem>> -> memref<1x8x16384xf32, #tpu.memory_space<vmem>>
    %dma_start3A_1410 = tpu.memref_squeeze %dma_start3A_1409 : memref<1x8x16384xf32, #tpu.memory_space<vmem>> -> memref<8x16384xf32, #tpu.memory_space<vmem>>
    tpu.enqueue_dma source(%dma_start3A_1410 : memref<8x16384xf32, #tpu.memory_space<vmem>>) target(%dma_start3A_1406 : memref<8x16384xf32, #tpu.memory_space<any>>) target_semaphore(%dma_start3A_1403 : memref<!tpu.dma_semaphore, #tpu.memory_space<semaphore_mem>>)
    %dma_start3A_1411 = arith.constant 2 : i32
    %dma_start3A_1412 = arith.constant 2 : i32
    %dma_start3A_1413 = tpu.memref_slice %arg8[%dma_start3A_1412] : memref<4x!tpu.dma_semaphore, #tpu.memory_space<semaphore_mem>> -> memref<1x!tpu.dma_semaphore, #tpu.memory_space<semaphore_mem>>
    %dma_start3A_1414 = tpu.memref_squeeze %dma_start3A_1413 : memref<1x!tpu.dma_semaphore, #tpu.memory_space<semaphore_mem>> -> memref<!tpu.dma_semaphore, #tpu.memory_space<semaphore_mem>>
    %dma_start3A_1415 = arith.constant 0 : i32
    %dma_start3A_1416 = arith.constant 0 : i32
    %dma_start3A_1417 = tpu.memref_slice %arg5[%dma_start3A_1411, %dma_start3A_1415, %dma_start3A_1416] : memref<4x8x16384xf32, #tpu.memory_space<vmem>> -> memref<1x8x16384xf32, #tpu.memory_space<vmem>>
    %dma_start3A_1418 = tpu.memref_squeeze %dma_start3A_1417 : memref<1x8x16384xf32, #tpu.memory_space<vmem>> -> memref<8x16384xf32, #tpu.memory_space<vmem>>
    %dma_start3A_1419 = arith.constant 144 : i32
    %dma_start3A_1420 = arith.constant 0 : i32
    %dma_start3A_1421 = tpu.memref_slice %arg2[%dma_start3A_1419, %dma_start3A_1420] : memref<256x16384xf32, #tpu.memory_space<any>> -> memref<8x16384xf32, #tpu.memory_space<any>>
    tpu.enqueue_dma source(%dma_start3A_1421 : memref<8x16384xf32, #tpu.memory_space<any>>) target(%dma_start3A_1418 : memref<8x16384xf32, #tpu.memory_space<vmem>>) target_semaphore(%dma_start3A_1414 : memref<!tpu.dma_semaphore, #tpu.memory_space<semaphore_mem>>)
    %dma_start3A_1422 = arith.constant 2 : i32
    %dma_start3A_1423 = arith.constant 2 : i32
    %dma_start3A_1424 = tpu.memref_slice %arg9[%dma_start3A_1423] : memref<4x!tpu.dma_semaphore, #tpu.memory_space<semaphore_mem>> -> memref<1x!tpu.dma_semaphore, #tpu.memory_space<semaphore_mem>>
    %dma_start3A_1425 = tpu.memref_squeeze %dma_start3A_1424 : memref<1x!tpu.dma_semaphore, #tpu.memory_space<semaphore_mem>> -> memref<!tpu.dma_semaphore, #tpu.memory_space<semaphore_mem>>
    %dma_start3A_1426 = arith.constant 0 : i32
    %dma_start3A_1427 = arith.constant 0 : i32
    %dma_start3A_1428 = tpu.memref_slice %arg6[%dma_start3A_1422, %dma_start3A_1426, %dma_start3A_1427] : memref<4x8x16384xf32, #tpu.memory_space<vmem>> -> memref<1x8x16384xf32, #tpu.memory_space<vmem>>
    %dma_start3A_1429 = tpu.memref_squeeze %dma_start3A_1428 : memref<1x8x16384xf32, #tpu.memory_space<vmem>> -> memref<8x16384xf32, #tpu.memory_space<vmem>>
    %dma_start3A_1430 = arith.constant 144 : i32
    %dma_start3A_1431 = arith.constant 0 : i32
    %dma_start3A_1432 = tpu.memref_slice %arg3[%dma_start3A_1430, %dma_start3A_1431] : memref<256x16384xf32, #tpu.memory_space<any>> -> memref<8x16384xf32, #tpu.memory_space<any>>
    tpu.enqueue_dma source(%dma_start3A_1432 : memref<8x16384xf32, #tpu.memory_space<any>>) target(%dma_start3A_1429 : memref<8x16384xf32, #tpu.memory_space<vmem>>) target_semaphore(%dma_start3A_1425 : memref<!tpu.dma_semaphore, #tpu.memory_space<semaphore_mem>>)
    %dma_wait3A_1433 = arith.constant 3 : i32
    %dma_wait3A_1434 = arith.constant 3 : i32
    %dma_wait3A_1435 = tpu.memref_slice %arg8[%dma_wait3A_1434] : memref<4x!tpu.dma_semaphore, #tpu.memory_space<semaphore_mem>> -> memref<1x!tpu.dma_semaphore, #tpu.memory_space<semaphore_mem>>
    %dma_wait3A_1436 = tpu.memref_squeeze %dma_wait3A_1435 : memref<1x!tpu.dma_semaphore, #tpu.memory_space<semaphore_mem>> -> memref<!tpu.dma_semaphore, #tpu.memory_space<semaphore_mem>>
    %dma_wait3A_1437 = arith.constant 0 : i32
    %dma_wait3A_1438 = arith.constant 0 : i32
    %dma_wait3A_1439 = tpu.memref_slice %arg5[%dma_wait3A_1433, %dma_wait3A_1437, %dma_wait3A_1438] : memref<4x8x16384xf32, #tpu.memory_space<vmem>> -> memref<1x8x16384xf32, #tpu.memory_space<vmem>>
    %dma_wait3A_1440 = tpu.memref_squeeze %dma_wait3A_1439 : memref<1x8x16384xf32, #tpu.memory_space<vmem>> -> memref<8x16384xf32, #tpu.memory_space<vmem>>
    %dma_wait3A_1441 = arith.constant 120 : i32
    %dma_wait3A_1442 = arith.constant 0 : i32
    %dma_wait3A_1443 = tpu.memref_slice %arg2[%dma_wait3A_1441, %dma_wait3A_1442] : memref<256x16384xf32, #tpu.memory_space<any>> -> memref<8x16384xf32, #tpu.memory_space<any>>
    tpu.wait_dma2 semaphore(%dma_wait3A_1436 : memref<!tpu.dma_semaphore, #tpu.memory_space<semaphore_mem>>) src(%dma_wait3A_1443 : memref<8x16384xf32, #tpu.memory_space<any>>) dst(%dma_wait3A_1440 : memref<8x16384xf32, #tpu.memory_space<vmem>>)
    %dma_wait3A_1444 = arith.constant 3 : i32
    %dma_wait3A_1445 = arith.constant 3 : i32
    %dma_wait3A_1446 = tpu.memref_slice %arg9[%dma_wait3A_1445] : memref<4x!tpu.dma_semaphore, #tpu.memory_space<semaphore_mem>> -> memref<1x!tpu.dma_semaphore, #tpu.memory_space<semaphore_mem>>
    %dma_wait3A_1447 = tpu.memref_squeeze %dma_wait3A_1446 : memref<1x!tpu.dma_semaphore, #tpu.memory_space<semaphore_mem>> -> memref<!tpu.dma_semaphore, #tpu.memory_space<semaphore_mem>>
    %dma_wait3A_1448 = arith.constant 0 : i32
    %dma_wait3A_1449 = arith.constant 0 : i32
    %dma_wait3A_1450 = tpu.memref_slice %arg6[%dma_wait3A_1444, %dma_wait3A_1448, %dma_wait3A_1449] : memref<4x8x16384xf32, #tpu.memory_space<vmem>> -> memref<1x8x16384xf32, #tpu.memory_space<vmem>>
    %dma_wait3A_1451 = tpu.memref_squeeze %dma_wait3A_1450 : memref<1x8x16384xf32, #tpu.memory_space<vmem>> -> memref<8x16384xf32, #tpu.memory_space<vmem>>
    %dma_wait3A_1452 = arith.constant 120 : i32
    %dma_wait3A_1453 = arith.constant 0 : i32
    %dma_wait3A_1454 = tpu.memref_slice %arg3[%dma_wait3A_1452, %dma_wait3A_1453] : memref<256x16384xf32, #tpu.memory_space<any>> -> memref<8x16384xf32, #tpu.memory_space<any>>
    tpu.wait_dma2 semaphore(%dma_wait3A_1447 : memref<!tpu.dma_semaphore, #tpu.memory_space<semaphore_mem>>) src(%dma_wait3A_1454 : memref<8x16384xf32, #tpu.memory_space<any>>) dst(%dma_wait3A_1451 : memref<8x16384xf32, #tpu.memory_space<vmem>>)
    %dma_wait3A_1455 = arith.constant 3 : i32
    %dma_wait3A_1456 = arith.constant 3 : i32
    %dma_wait3A_1457 = tpu.memref_slice %arg10[%dma_wait3A_1456] : memref<4x!tpu.dma_semaphore, #tpu.memory_space<semaphore_mem>> -> memref<1x!tpu.dma_semaphore, #tpu.memory_space<semaphore_mem>>
    %dma_wait3A_1458 = tpu.memref_squeeze %dma_wait3A_1457 : memref<1x!tpu.dma_semaphore, #tpu.memory_space<semaphore_mem>> -> memref<!tpu.dma_semaphore, #tpu.memory_space<semaphore_mem>>
    %dma_wait3A_1459 = arith.constant 88 : i32
    %dma_wait3A_1460 = arith.constant 0 : i32
    %dma_wait3A_1461 = tpu.memref_slice %arg4[%dma_wait3A_1459, %dma_wait3A_1460] : memref<256x16384xf32, #tpu.memory_space<any>> -> memref<8x16384xf32, #tpu.memory_space<any>>
    %dma_wait3A_1462 = arith.constant 0 : i32
    %dma_wait3A_1463 = arith.constant 0 : i32
    %dma_wait3A_1464 = tpu.memref_slice %arg7[%dma_wait3A_1455, %dma_wait3A_1462, %dma_wait3A_1463] : memref<4x8x16384xf32, #tpu.memory_space<vmem>> -> memref<1x8x16384xf32, #tpu.memory_space<vmem>>
    %dma_wait3A_1465 = tpu.memref_squeeze %dma_wait3A_1464 : memref<1x8x16384xf32, #tpu.memory_space<vmem>> -> memref<8x16384xf32, #tpu.memory_space<vmem>>
    tpu.wait_dma2 semaphore(%dma_wait3A_1458 : memref<!tpu.dma_semaphore, #tpu.memory_space<semaphore_mem>>) src(%dma_wait3A_1465 : memref<8x16384xf32, #tpu.memory_space<vmem>>) dst(%dma_wait3A_1461 : memref<8x16384xf32, #tpu.memory_space<any>>)
    %get3A_1466 = arith.constant 120 : index
    %get3A_1467 = arith.constant 0 : index
    %get3A_1468 = vector.load %arg0[%get3A_1466, %get3A_1467] : memref<256x1xf32, #tpu.memory_space<vmem>>, vector<8x1xf32>
    %get3A_1469 = arith.constant 120 : index
    %get3A_1470 = arith.constant 0 : index
    %get3A_1471 = vector.load %arg1[%get3A_1469, %get3A_1470] : memref<256x1xf32, #tpu.memory_space<vmem>>, vector<8x1xf32>
    %get3A_1472 = arith.constant 3 : index
    %get3A_1473 = arith.constant 0 : index
    %get3A_1474 = arith.constant 0 : index
    %get3A_1475 = vector.load %arg5[%get3A_1472, %get3A_1473, %get3A_1474] : memref<4x8x16384xf32, #tpu.memory_space<vmem>>, vector<1x8x16384xf32>
    %get3A_1476 = vector.shape_cast %get3A_1475 : vector<1x8x16384xf32> to vector<8x16384xf32>
    %mul3A_1477 = vector.broadcast %get3A_1468 : vector<8x1xf32> to vector<8x16384xf32>
    %mul3A_1478 = arith.mulf %mul3A_1477, %get3A_1476 : vector<8x16384xf32>
    %get3A_1479 = arith.constant 3 : index
    %get3A_1480 = arith.constant 0 : index
    %get3A_1481 = arith.constant 0 : index
    %get3A_1482 = vector.load %arg6[%get3A_1479, %get3A_1480, %get3A_1481] : memref<4x8x16384xf32, #tpu.memory_space<vmem>>, vector<1x8x16384xf32>
    %get3A_1483 = vector.shape_cast %get3A_1482 : vector<1x8x16384xf32> to vector<8x16384xf32>
    %mul3A_1484 = vector.broadcast %get3A_1471 : vector<8x1xf32> to vector<8x16384xf32>
    %mul3A_1485 = arith.mulf %mul3A_1484, %get3A_1483 : vector<8x16384xf32>
    %add3A_1486 = arith.addf %mul3A_1478, %mul3A_1485 : vector<8x16384xf32>
    %swap3A_1487 = arith.constant 3 : index
    %swap3A_1488 = arith.constant 0 : index
    %swap3A_1489 = arith.constant 0 : index
    %swap3A_1490 = vector.load %arg7[%swap3A_1487, %swap3A_1488, %swap3A_1489] : memref<4x8x16384xf32, #tpu.memory_space<vmem>>, vector<1x8x16384xf32>
    %swap3A_1491 = vector.shape_cast %swap3A_1490 : vector<1x8x16384xf32> to vector<8x16384xf32>
    %swap3A_1492 = vector.shape_cast %add3A_1486 : vector<8x16384xf32> to vector<1x8x16384xf32>
    tpu.vector_store %arg7[%swap3A_1487, %swap3A_1488, %swap3A_1489], %swap3A_1492 {strides = array<i32>} : memref<4x8x16384xf32, #tpu.memory_space<vmem>>, vector<1x8x16384xf32>,
    %dma_start3A_1493 = arith.constant 3 : i32
    %dma_start3A_1494 = arith.constant 3 : i32
    %dma_start3A_1495 = tpu.memref_slice %arg10[%dma_start3A_1494] : memref<4x!tpu.dma_semaphore, #tpu.memory_space<semaphore_mem>> -> memref<1x!tpu.dma_semaphore, #tpu.memory_space<semaphore_mem>>
    %dma_start3A_1496 = tpu.memref_squeeze %dma_start3A_1495 : memref<1x!tpu.dma_semaphore, #tpu.memory_space<semaphore_mem>> -> memref<!tpu.dma_semaphore, #tpu.memory_space<semaphore_mem>>
    %dma_start3A_1497 = arith.constant 120 : i32
    %dma_start3A_1498 = arith.constant 0 : i32
    %dma_start3A_1499 = tpu.memref_slice %arg4[%dma_start3A_1497, %dma_start3A_1498] : memref<256x16384xf32, #tpu.memory_space<any>> -> memref<8x16384xf32, #tpu.memory_space<any>>
    %dma_start3A_1500 = arith.constant 0 : i32
    %dma_start3A_1501 = arith.constant 0 : i32
    %dma_start3A_1502 = tpu.memref_slice %arg7[%dma_start3A_1493, %dma_start3A_1500, %dma_start3A_1501] : memref<4x8x16384xf32, #tpu.memory_space<vmem>> -> memref<1x8x16384xf32, #tpu.memory_space<vmem>>
    %dma_start3A_1503 = tpu.memref_squeeze %dma_start3A_1502 : memref<1x8x16384xf32, #tpu.memory_space<vmem>> -> memref<8x16384xf32, #tpu.memory_space<vmem>>
    tpu.enqueue_dma source(%dma_start3A_1503 : memref<8x16384xf32, #tpu.memory_space<vmem>>) target(%dma_start3A_1499 : memref<8x16384xf32, #tpu.memory_space<any>>) target_semaphore(%dma_start3A_1496 : memref<!tpu.dma_semaphore, #tpu.memory_space<semaphore_mem>>)
    %dma_start3A_1504 = arith.constant 3 : i32
    %dma_start3A_1505 = arith.constant 3 : i32
    %dma_start3A_1506 = tpu.memref_slice %arg8[%dma_start3A_1505] : memref<4x!tpu.dma_semaphore, #tpu.memory_space<semaphore_mem>> -> memref<1x!tpu.dma_semaphore, #tpu.memory_space<semaphore_mem>>
    %dma_start3A_1507 = tpu.memref_squeeze %dma_start3A_1506 : memref<1x!tpu.dma_semaphore, #tpu.memory_space<semaphore_mem>> -> memref<!tpu.dma_semaphore, #tpu.memory_space<semaphore_mem>>
    %dma_start3A_1508 = arith.constant 0 : i32
    %dma_start3A_1509 = arith.constant 0 : i32
    %dma_start3A_1510 = tpu.memref_slice %arg5[%dma_start3A_1504, %dma_start3A_1508, %dma_start3A_1509] : memref<4x8x16384xf32, #tpu.memory_space<vmem>> -> memref<1x8x16384xf32, #tpu.memory_space<vmem>>
    %dma_start3A_1511 = tpu.memref_squeeze %dma_start3A_1510 : memref<1x8x16384xf32, #tpu.memory_space<vmem>> -> memref<8x16384xf32, #tpu.memory_space<vmem>>
    %dma_start3A_1512 = arith.constant 152 : i32
    %dma_start3A_1513 = arith.constant 0 : i32
    %dma_start3A_1514 = tpu.memref_slice %arg2[%dma_start3A_1512, %dma_start3A_1513] : memref<256x16384xf32, #tpu.memory_space<any>> -> memref<8x16384xf32, #tpu.memory_space<any>>
    tpu.enqueue_dma source(%dma_start3A_1514 : memref<8x16384xf32, #tpu.memory_space<any>>) target(%dma_start3A_1511 : memref<8x16384xf32, #tpu.memory_space<vmem>>) target_semaphore(%dma_start3A_1507 : memref<!tpu.dma_semaphore, #tpu.memory_space<semaphore_mem>>)
    %dma_start3A_1515 = arith.constant 3 : i32
    %dma_start3A_1516 = arith.constant 3 : i32
    %dma_start3A_1517 = tpu.memref_slice %arg9[%dma_start3A_1516] : memref<4x!tpu.dma_semaphore, #tpu.memory_space<semaphore_mem>> -> memref<1x!tpu.dma_semaphore, #tpu.memory_space<semaphore_mem>>
    %dma_start3A_1518 = tpu.memref_squeeze %dma_start3A_1517 : memref<1x!tpu.dma_semaphore, #tpu.memory_space<semaphore_mem>> -> memref<!tpu.dma_semaphore, #tpu.memory_space<semaphore_mem>>
    %dma_start3A_1519 = arith.constant 0 : i32
    %dma_start3A_1520 = arith.constant 0 : i32
    %dma_start3A_1521 = tpu.memref_slice %arg6[%dma_start3A_1515, %dma_start3A_1519, %dma_start3A_1520] : memref<4x8x16384xf32, #tpu.memory_space<vmem>> -> memref<1x8x16384xf32, #tpu.memory_space<vmem>>
    %dma_start3A_1522 = tpu.memref_squeeze %dma_start3A_1521 : memref<1x8x16384xf32, #tpu.memory_space<vmem>> -> memref<8x16384xf32, #tpu.memory_space<vmem>>
    %dma_start3A_1523 = arith.constant 152 : i32
    %dma_start3A_1524 = arith.constant 0 : i32
    %dma_start3A_1525 = tpu.memref_slice %arg3[%dma_start3A_1523, %dma_start3A_1524] : memref<256x16384xf32, #tpu.memory_space<any>> -> memref<8x16384xf32, #tpu.memory_space<any>>
    tpu.enqueue_dma source(%dma_start3A_1525 : memref<8x16384xf32, #tpu.memory_space<any>>) target(%dma_start3A_1522 : memref<8x16384xf32, #tpu.memory_space<vmem>>) target_semaphore(%dma_start3A_1518 : memref<!tpu.dma_semaphore, #tpu.memory_space<semaphore_mem>>)
    %dma_wait3A_1526 = arith.constant 0 : i32
    %dma_wait3A_1527 = arith.constant 0 : i32
    %dma_wait3A_1528 = tpu.memref_slice %arg8[%dma_wait3A_1527] : memref<4x!tpu.dma_semaphore, #tpu.memory_space<semaphore_mem>> -> memref<1x!tpu.dma_semaphore, #tpu.memory_space<semaphore_mem>>
    %dma_wait3A_1529 = tpu.memref_squeeze %dma_wait3A_1528 : memref<1x!tpu.dma_semaphore, #tpu.memory_space<semaphore_mem>> -> memref<!tpu.dma_semaphore, #tpu.memory_space<semaphore_mem>>
    %dma_wait3A_1530 = arith.constant 0 : i32
    %dma_wait3A_1531 = arith.constant 0 : i32
    %dma_wait3A_1532 = tpu.memref_slice %arg5[%dma_wait3A_1526, %dma_wait3A_1530, %dma_wait3A_1531] : memref<4x8x16384xf32, #tpu.memory_space<vmem>> -> memref<1x8x16384xf32, #tpu.memory_space<vmem>>
    %dma_wait3A_1533 = tpu.memref_squeeze %dma_wait3A_1532 : memref<1x8x16384xf32, #tpu.memory_space<vmem>> -> memref<8x16384xf32, #tpu.memory_space<vmem>>
    %dma_wait3A_1534 = arith.constant 128 : i32
    %dma_wait3A_1535 = arith.constant 0 : i32
    %dma_wait3A_1536 = tpu.memref_slice %arg2[%dma_wait3A_1534, %dma_wait3A_1535] : memref<256x16384xf32, #tpu.memory_space<any>> -> memref<8x16384xf32, #tpu.memory_space<any>>
    tpu.wait_dma2 semaphore(%dma_wait3A_1529 : memref<!tpu.dma_semaphore, #tpu.memory_space<semaphore_mem>>) src(%dma_wait3A_1536 : memref<8x16384xf32, #tpu.memory_space<any>>) dst(%dma_wait3A_1533 : memref<8x16384xf32, #tpu.memory_space<vmem>>)
    %dma_wait3A_1537 = arith.constant 0 : i32
    %dma_wait3A_1538 = arith.constant 0 : i32
    %dma_wait3A_1539 = tpu.memref_slice %arg9[%dma_wait3A_1538] : memref<4x!tpu.dma_semaphore, #tpu.memory_space<semaphore_mem>> -> memref<1x!tpu.dma_semaphore, #tpu.memory_space<semaphore_mem>>
    %dma_wait3A_1540 = tpu.memref_squeeze %dma_wait3A_1539 : memref<1x!tpu.dma_semaphore, #tpu.memory_space<semaphore_mem>> -> memref<!tpu.dma_semaphore, #tpu.memory_space<semaphore_mem>>
    %dma_wait3A_1541 = arith.constant 0 : i32
    %dma_wait3A_1542 = arith.constant 0 : i32
    %dma_wait3A_1543 = tpu.memref_slice %arg6[%dma_wait3A_1537, %dma_wait3A_1541, %dma_wait3A_1542] : memref<4x8x16384xf32, #tpu.memory_space<vmem>> -> memref<1x8x16384xf32, #tpu.memory_space<vmem>>
    %dma_wait3A_1544 = tpu.memref_squeeze %dma_wait3A_1543 : memref<1x8x16384xf32, #tpu.memory_space<vmem>> -> memref<8x16384xf32, #tpu.memory_space<vmem>>
    %dma_wait3A_1545 = arith.constant 128 : i32
    %dma_wait3A_1546 = arith.constant 0 : i32
    %dma_wait3A_1547 = tpu.memref_slice %arg3[%dma_wait3A_1545, %dma_wait3A_1546] : memref<256x16384xf32, #tpu.memory_space<any>> -> memref<8x16384xf32, #tpu.memory_space<any>>
    tpu.wait_dma2 semaphore(%dma_wait3A_1540 : memref<!tpu.dma_semaphore, #tpu.memory_space<semaphore_mem>>) src(%dma_wait3A_1547 : memref<8x16384xf32, #tpu.memory_space<any>>) dst(%dma_wait3A_1544 : memref<8x16384xf32, #tpu.memory_space<vmem>>)
    %dma_wait3A_1548 = arith.constant 0 : i32
    %dma_wait3A_1549 = arith.constant 0 : i32
    %dma_wait3A_1550 = tpu.memref_slice %arg10[%dma_wait3A_1549] : memref<4x!tpu.dma_semaphore, #tpu.memory_space<semaphore_mem>> -> memref<1x!tpu.dma_semaphore, #tpu.memory_space<semaphore_mem>>
    %dma_wait3A_1551 = tpu.memref_squeeze %dma_wait3A_1550 : memref<1x!tpu.dma_semaphore, #tpu.memory_space<semaphore_mem>> -> memref<!tpu.dma_semaphore, #tpu.memory_space<semaphore_mem>>
    %dma_wait3A_1552 = arith.constant 96 : i32
    %dma_wait3A_1553 = arith.constant 0 : i32
    %dma_wait3A_1554 = tpu.memref_slice %arg4[%dma_wait3A_1552, %dma_wait3A_1553] : memref<256x16384xf32, #tpu.memory_space<any>> -> memref<8x16384xf32, #tpu.memory_space<any>>
    %dma_wait3A_1555 = arith.constant 0 : i32
    %dma_wait3A_1556 = arith.constant 0 : i32
    %dma_wait3A_1557 = tpu.memref_slice %arg7[%dma_wait3A_1548, %dma_wait3A_1555, %dma_wait3A_1556] : memref<4x8x16384xf32, #tpu.memory_space<vmem>> -> memref<1x8x16384xf32, #tpu.memory_space<vmem>>
    %dma_wait3A_1558 = tpu.memref_squeeze %dma_wait3A_1557 : memref<1x8x16384xf32, #tpu.memory_space<vmem>> -> memref<8x16384xf32, #tpu.memory_space<vmem>>
    tpu.wait_dma2 semaphore(%dma_wait3A_1551 : memref<!tpu.dma_semaphore, #tpu.memory_space<semaphore_mem>>) src(%dma_wait3A_1558 : memref<8x16384xf32, #tpu.memory_space<vmem>>) dst(%dma_wait3A_1554 : memref<8x16384xf32, #tpu.memory_space<any>>)
    %get3A_1559 = arith.constant 128 : index
    %get3A_1560 = arith.constant 0 : index
    %get3A_1561 = vector.load %arg0[%get3A_1559, %get3A_1560] : memref<256x1xf32, #tpu.memory_space<vmem>>, vector<8x1xf32>
    %get3A_1562 = arith.constant 128 : index
    %get3A_1563 = arith.constant 0 : index
    %get3A_1564 = vector.load %arg1[%get3A_1562, %get3A_1563] : memref<256x1xf32, #tpu.memory_space<vmem>>, vector<8x1xf32>
    %get3A_1565 = arith.constant 0 : index
    %get3A_1566 = arith.constant 0 : index
    %get3A_1567 = arith.constant 0 : index
    %get3A_1568 = vector.load %arg5[%get3A_1565, %get3A_1566, %get3A_1567] : memref<4x8x16384xf32, #tpu.memory_space<vmem>>, vector<1x8x16384xf32>
    %get3A_1569 = vector.shape_cast %get3A_1568 : vector<1x8x16384xf32> to vector<8x16384xf32>
    %mul3A_1570 = vector.broadcast %get3A_1561 : vector<8x1xf32> to vector<8x16384xf32>
    %mul3A_1571 = arith.mulf %mul3A_1570, %get3A_1569 : vector<8x16384xf32>
    %get3A_1572 = arith.constant 0 : index
    %get3A_1573 = arith.constant 0 : index
    %get3A_1574 = arith.constant 0 : index
    %get3A_1575 = vector.load %arg6[%get3A_1572, %get3A_1573, %get3A_1574] : memref<4x8x16384xf32, #tpu.memory_space<vmem>>, vector<1x8x16384xf32>
    %get3A_1576 = vector.shape_cast %get3A_1575 : vector<1x8x16384xf32> to vector<8x16384xf32>
    %mul3A_1577 = vector.broadcast %get3A_1564 : vector<8x1xf32> to vector<8x16384xf32>
    %mul3A_1578 = arith.mulf %mul3A_1577, %get3A_1576 : vector<8x16384xf32>
    %add3A_1579 = arith.addf %mul3A_1571, %mul3A_1578 : vector<8x16384xf32>
    %swap3A_1580 = arith.constant 0 : index
    %swap3A_1581 = arith.constant 0 : index
    %swap3A_1582 = arith.constant 0 : index
    %swap3A_1583 = vector.load %arg7[%swap3A_1580, %swap3A_1581, %swap3A_1582] : memref<4x8x16384xf32, #tpu.memory_space<vmem>>, vector<1x8x16384xf32>
    %swap3A_1584 = vector.shape_cast %swap3A_1583 : vector<1x8x16384xf32> to vector<8x16384xf32>
    %swap3A_1585 = vector.shape_cast %add3A_1579 : vector<8x16384xf32> to vector<1x8x16384xf32>
    tpu.vector_store %arg7[%swap3A_1580, %swap3A_1581, %swap3A_1582], %swap3A_1585 {strides = array<i32>} : memref<4x8x16384xf32, #tpu.memory_space<vmem>>, vector<1x8x16384xf32>,
    %dma_start3A_1586 = arith.constant 0 : i32
    %dma_start3A_1587 = arith.constant 0 : i32
    %dma_start3A_1588 = tpu.memref_slice %arg10[%dma_start3A_1587] : memref<4x!tpu.dma_semaphore, #tpu.memory_space<semaphore_mem>> -> memref<1x!tpu.dma_semaphore, #tpu.memory_space<semaphore_mem>>
    %dma_start3A_1589 = tpu.memref_squeeze %dma_start3A_1588 : memref<1x!tpu.dma_semaphore, #tpu.memory_space<semaphore_mem>> -> memref<!tpu.dma_semaphore, #tpu.memory_space<semaphore_mem>>
    %dma_start3A_1590 = arith.constant 128 : i32
    %dma_start3A_1591 = arith.constant 0 : i32
    %dma_start3A_1592 = tpu.memref_slice %arg4[%dma_start3A_1590, %dma_start3A_1591] : memref<256x16384xf32, #tpu.memory_space<any>> -> memref<8x16384xf32, #tpu.memory_space<any>>
    %dma_start3A_1593 = arith.constant 0 : i32
    %dma_start3A_1594 = arith.constant 0 : i32
    %dma_start3A_1595 = tpu.memref_slice %arg7[%dma_start3A_1586, %dma_start3A_1593, %dma_start3A_1594] : memref<4x8x16384xf32, #tpu.memory_space<vmem>> -> memref<1x8x16384xf32, #tpu.memory_space<vmem>>
    %dma_start3A_1596 = tpu.memref_squeeze %dma_start3A_1595 : memref<1x8x16384xf32, #tpu.memory_space<vmem>> -> memref<8x16384xf32, #tpu.memory_space<vmem>>
    tpu.enqueue_dma source(%dma_start3A_1596 : memref<8x16384xf32, #tpu.memory_space<vmem>>) target(%dma_start3A_1592 : memref<8x16384xf32, #tpu.memory_space<any>>) target_semaphore(%dma_start3A_1589 : memref<!tpu.dma_semaphore, #tpu.memory_space<semaphore_mem>>)
    %dma_start3A_1597 = arith.constant 0 : i32
    %dma_start3A_1598 = arith.constant 0 : i32
    %dma_start3A_1599 = tpu.memref_slice %arg8[%dma_start3A_1598] : memref<4x!tpu.dma_semaphore, #tpu.memory_space<semaphore_mem>> -> memref<1x!tpu.dma_semaphore, #tpu.memory_space<semaphore_mem>>
    %dma_start3A_1600 = tpu.memref_squeeze %dma_start3A_1599 : memref<1x!tpu.dma_semaphore, #tpu.memory_space<semaphore_mem>> -> memref<!tpu.dma_semaphore, #tpu.memory_space<semaphore_mem>>
    %dma_start3A_1601 = arith.constant 0 : i32
    %dma_start3A_1602 = arith.constant 0 : i32
    %dma_start3A_1603 = tpu.memref_slice %arg5[%dma_start3A_1597, %dma_start3A_1601, %dma_start3A_1602] : memref<4x8x16384xf32, #tpu.memory_space<vmem>> -> memref<1x8x16384xf32, #tpu.memory_space<vmem>>
    %dma_start3A_1604 = tpu.memref_squeeze %dma_start3A_1603 : memref<1x8x16384xf32, #tpu.memory_space<vmem>> -> memref<8x16384xf32, #tpu.memory_space<vmem>>
    %dma_start3A_1605 = arith.constant 160 : i32
    %dma_start3A_1606 = arith.constant 0 : i32
    %dma_start3A_1607 = tpu.memref_slice %arg2[%dma_start3A_1605, %dma_start3A_1606] : memref<256x16384xf32, #tpu.memory_space<any>> -> memref<8x16384xf32, #tpu.memory_space<any>>
    tpu.enqueue_dma source(%dma_start3A_1607 : memref<8x16384xf32, #tpu.memory_space<any>>) target(%dma_start3A_1604 : memref<8x16384xf32, #tpu.memory_space<vmem>>) target_semaphore(%dma_start3A_1600 : memref<!tpu.dma_semaphore, #tpu.memory_space<semaphore_mem>>)
    %dma_start3A_1608 = arith.constant 0 : i32
    %dma_start3A_1609 = arith.constant 0 : i32
    %dma_start3A_1610 = tpu.memref_slice %arg9[%dma_start3A_1609] : memref<4x!tpu.dma_semaphore, #tpu.memory_space<semaphore_mem>> -> memref<1x!tpu.dma_semaphore, #tpu.memory_space<semaphore_mem>>
    %dma_start3A_1611 = tpu.memref_squeeze %dma_start3A_1610 : memref<1x!tpu.dma_semaphore, #tpu.memory_space<semaphore_mem>> -> memref<!tpu.dma_semaphore, #tpu.memory_space<semaphore_mem>>
    %dma_start3A_1612 = arith.constant 0 : i32
    %dma_start3A_1613 = arith.constant 0 : i32
    %dma_start3A_1614 = tpu.memref_slice %arg6[%dma_start3A_1608, %dma_start3A_1612, %dma_start3A_1613] : memref<4x8x16384xf32, #tpu.memory_space<vmem>> -> memref<1x8x16384xf32, #tpu.memory_space<vmem>>
    %dma_start3A_1615 = tpu.memref_squeeze %dma_start3A_1614 : memref<1x8x16384xf32, #tpu.memory_space<vmem>> -> memref<8x16384xf32, #tpu.memory_space<vmem>>
    %dma_start3A_1616 = arith.constant 160 : i32
    %dma_start3A_1617 = arith.constant 0 : i32
    %dma_start3A_1618 = tpu.memref_slice %arg3[%dma_start3A_1616, %dma_start3A_1617] : memref<256x16384xf32, #tpu.memory_space<any>> -> memref<8x16384xf32, #tpu.memory_space<any>>
    tpu.enqueue_dma source(%dma_start3A_1618 : memref<8x16384xf32, #tpu.memory_space<any>>) target(%dma_start3A_1615 : memref<8x16384xf32, #tpu.memory_space<vmem>>) target_semaphore(%dma_start3A_1611 : memref<!tpu.dma_semaphore, #tpu.memory_space<semaphore_mem>>)
    %dma_wait3A_1619 = arith.constant 1 : i32
    %dma_wait3A_1620 = arith.constant 1 : i32
    %dma_wait3A_1621 = tpu.memref_slice %arg8[%dma_wait3A_1620] : memref<4x!tpu.dma_semaphore, #tpu.memory_space<semaphore_mem>> -> memref<1x!tpu.dma_semaphore, #tpu.memory_space<semaphore_mem>>
    %dma_wait3A_1622 = tpu.memref_squeeze %dma_wait3A_1621 : memref<1x!tpu.dma_semaphore, #tpu.memory_space<semaphore_mem>> -> memref<!tpu.dma_semaphore, #tpu.memory_space<semaphore_mem>>
    %dma_wait3A_1623 = arith.constant 0 : i32
    %dma_wait3A_1624 = arith.constant 0 : i32
    %dma_wait3A_1625 = tpu.memref_slice %arg5[%dma_wait3A_1619, %dma_wait3A_1623, %dma_wait3A_1624] : memref<4x8x16384xf32, #tpu.memory_space<vmem>> -> memref<1x8x16384xf32, #tpu.memory_space<vmem>>
    %dma_wait3A_1626 = tpu.memref_squeeze %dma_wait3A_1625 : memref<1x8x16384xf32, #tpu.memory_space<vmem>> -> memref<8x16384xf32, #tpu.memory_space<vmem>>
    %dma_wait3A_1627 = arith.constant 136 : i32
    %dma_wait3A_1628 = arith.constant 0 : i32
    %dma_wait3A_1629 = tpu.memref_slice %arg2[%dma_wait3A_1627, %dma_wait3A_1628] : memref<256x16384xf32, #tpu.memory_space<any>> -> memref<8x16384xf32, #tpu.memory_space<any>>
    tpu.wait_dma2 semaphore(%dma_wait3A_1622 : memref<!tpu.dma_semaphore, #tpu.memory_space<semaphore_mem>>) src(%dma_wait3A_1629 : memref<8x16384xf32, #tpu.memory_space<any>>) dst(%dma_wait3A_1626 : memref<8x16384xf32, #tpu.memory_space<vmem>>)
    %dma_wait3A_1630 = arith.constant 1 : i32
    %dma_wait3A_1631 = arith.constant 1 : i32
    %dma_wait3A_1632 = tpu.memref_slice %arg9[%dma_wait3A_1631] : memref<4x!tpu.dma_semaphore, #tpu.memory_space<semaphore_mem>> -> memref<1x!tpu.dma_semaphore, #tpu.memory_space<semaphore_mem>>
    %dma_wait3A_1633 = tpu.memref_squeeze %dma_wait3A_1632 : memref<1x!tpu.dma_semaphore, #tpu.memory_space<semaphore_mem>> -> memref<!tpu.dma_semaphore, #tpu.memory_space<semaphore_mem>>
    %dma_wait3A_1634 = arith.constant 0 : i32
    %dma_wait3A_1635 = arith.constant 0 : i32
    %dma_wait3A_1636 = tpu.memref_slice %arg6[%dma_wait3A_1630, %dma_wait3A_1634, %dma_wait3A_1635] : memref<4x8x16384xf32, #tpu.memory_space<vmem>> -> memref<1x8x16384xf32, #tpu.memory_space<vmem>>
    %dma_wait3A_1637 = tpu.memref_squeeze %dma_wait3A_1636 : memref<1x8x16384xf32, #tpu.memory_space<vmem>> -> memref<8x16384xf32, #tpu.memory_space<vmem>>
    %dma_wait3A_1638 = arith.constant 136 : i32
    %dma_wait3A_1639 = arith.constant 0 : i32
    %dma_wait3A_1640 = tpu.memref_slice %arg3[%dma_wait3A_1638, %dma_wait3A_1639] : memref<256x16384xf32, #tpu.memory_space<any>> -> memref<8x16384xf32, #tpu.memory_space<any>>
    tpu.wait_dma2 semaphore(%dma_wait3A_1633 : memref<!tpu.dma_semaphore, #tpu.memory_space<semaphore_mem>>) src(%dma_wait3A_1640 : memref<8x16384xf32, #tpu.memory_space<any>>) dst(%dma_wait3A_1637 : memref<8x16384xf32, #tpu.memory_space<vmem>>)
    %dma_wait3A_1641 = arith.constant 1 : i32
    %dma_wait3A_1642 = arith.constant 1 : i32
    %dma_wait3A_1643 = tpu.memref_slice %arg10[%dma_wait3A_1642] : memref<4x!tpu.dma_semaphore, #tpu.memory_space<semaphore_mem>> -> memref<1x!tpu.dma_semaphore, #tpu.memory_space<semaphore_mem>>
    %dma_wait3A_1644 = tpu.memref_squeeze %dma_wait3A_1643 : memref<1x!tpu.dma_semaphore, #tpu.memory_space<semaphore_mem>> -> memref<!tpu.dma_semaphore, #tpu.memory_space<semaphore_mem>>
    %dma_wait3A_1645 = arith.constant 104 : i32
    %dma_wait3A_1646 = arith.constant 0 : i32
    %dma_wait3A_1647 = tpu.memref_slice %arg4[%dma_wait3A_1645, %dma_wait3A_1646] : memref<256x16384xf32, #tpu.memory_space<any>> -> memref<8x16384xf32, #tpu.memory_space<any>>
    %dma_wait3A_1648 = arith.constant 0 : i32
    %dma_wait3A_1649 = arith.constant 0 : i32
    %dma_wait3A_1650 = tpu.memref_slice %arg7[%dma_wait3A_1641, %dma_wait3A_1648, %dma_wait3A_1649] : memref<4x8x16384xf32, #tpu.memory_space<vmem>> -> memref<1x8x16384xf32, #tpu.memory_space<vmem>>
    %dma_wait3A_1651 = tpu.memref_squeeze %dma_wait3A_1650 : memref<1x8x16384xf32, #tpu.memory_space<vmem>> -> memref<8x16384xf32, #tpu.memory_space<vmem>>
    tpu.wait_dma2 semaphore(%dma_wait3A_1644 : memref<!tpu.dma_semaphore, #tpu.memory_space<semaphore_mem>>) src(%dma_wait3A_1651 : memref<8x16384xf32, #tpu.memory_space<vmem>>) dst(%dma_wait3A_1647 : memref<8x16384xf32, #tpu.memory_space<any>>)
    %get3A_1652 = arith.constant 136 : index
    %get3A_1653 = arith.constant 0 : index
    %get3A_1654 = vector.load %arg0[%get3A_1652, %get3A_1653] : memref<256x1xf32, #tpu.memory_space<vmem>>, vector<8x1xf32>
    %get3A_1655 = arith.constant 136 : index
    %get3A_1656 = arith.constant 0 : index
    %get3A_1657 = vector.load %arg1[%get3A_1655, %get3A_1656] : memref<256x1xf32, #tpu.memory_space<vmem>>, vector<8x1xf32>
    %get3A_1658 = arith.constant 1 : index
    %get3A_1659 = arith.constant 0 : index
    %get3A_1660 = arith.constant 0 : index
    %get3A_1661 = vector.load %arg5[%get3A_1658, %get3A_1659, %get3A_1660] : memref<4x8x16384xf32, #tpu.memory_space<vmem>>, vector<1x8x16384xf32>
    %get3A_1662 = vector.shape_cast %get3A_1661 : vector<1x8x16384xf32> to vector<8x16384xf32>
    %mul3A_1663 = vector.broadcast %get3A_1654 : vector<8x1xf32> to vector<8x16384xf32>
    %mul3A_1664 = arith.mulf %mul3A_1663, %get3A_1662 : vector<8x16384xf32>
    %get3A_1665 = arith.constant 1 : index
    %get3A_1666 = arith.constant 0 : index
    %get3A_1667 = arith.constant 0 : index
    %get3A_1668 = vector.load %arg6[%get3A_1665, %get3A_1666, %get3A_1667] : memref<4x8x16384xf32, #tpu.memory_space<vmem>>, vector<1x8x16384xf32>
    %get3A_1669 = vector.shape_cast %get3A_1668 : vector<1x8x16384xf32> to vector<8x16384xf32>
    %mul3A_1670 = vector.broadcast %get3A_1657 : vector<8x1xf32> to vector<8x16384xf32>
    %mul3A_1671 = arith.mulf %mul3A_1670, %get3A_1669 : vector<8x16384xf32>
    %add3A_1672 = arith.addf %mul3A_1664, %mul3A_1671 : vector<8x16384xf32>
    %swap3A_1673 = arith.constant 1 : index
    %swap3A_1674 = arith.constant 0 : index
    %swap3A_1675 = arith.constant 0 : index
    %swap3A_1676 = vector.load %arg7[%swap3A_1673, %swap3A_1674, %swap3A_1675] : memref<4x8x16384xf32, #tpu.memory_space<vmem>>, vector<1x8x16384xf32>
    %swap3A_1677 = vector.shape_cast %swap3A_1676 : vector<1x8x16384xf32> to vector<8x16384xf32>
    %swap3A_1678 = vector.shape_cast %add3A_1672 : vector<8x16384xf32> to vector<1x8x16384xf32>
    tpu.vector_store %arg7[%swap3A_1673, %swap3A_1674, %swap3A_1675], %swap3A_1678 {strides = array<i32>} : memref<4x8x16384xf32, #tpu.memory_space<vmem>>, vector<1x8x16384xf32>,
    %dma_start3A_1679 = arith.constant 1 : i32
    %dma_start3A_1680 = arith.constant 1 : i32
    %dma_start3A_1681 = tpu.memref_slice %arg10[%dma_start3A_1680] : memref<4x!tpu.dma_semaphore, #tpu.memory_space<semaphore_mem>> -> memref<1x!tpu.dma_semaphore, #tpu.memory_space<semaphore_mem>>
    %dma_start3A_1682 = tpu.memref_squeeze %dma_start3A_1681 : memref<1x!tpu.dma_semaphore, #tpu.memory_space<semaphore_mem>> -> memref<!tpu.dma_semaphore, #tpu.memory_space<semaphore_mem>>
    %dma_start3A_1683 = arith.constant 136 : i32
    %dma_start3A_1684 = arith.constant 0 : i32
    %dma_start3A_1685 = tpu.memref_slice %arg4[%dma_start3A_1683, %dma_start3A_1684] : memref<256x16384xf32, #tpu.memory_space<any>> -> memref<8x16384xf32, #tpu.memory_space<any>>
    %dma_start3A_1686 = arith.constant 0 : i32
    %dma_start3A_1687 = arith.constant 0 : i32
    %dma_start3A_1688 = tpu.memref_slice %arg7[%dma_start3A_1679, %dma_start3A_1686, %dma_start3A_1687] : memref<4x8x16384xf32, #tpu.memory_space<vmem>> -> memref<1x8x16384xf32, #tpu.memory_space<vmem>>
    %dma_start3A_1689 = tpu.memref_squeeze %dma_start3A_1688 : memref<1x8x16384xf32, #tpu.memory_space<vmem>> -> memref<8x16384xf32, #tpu.memory_space<vmem>>
    tpu.enqueue_dma source(%dma_start3A_1689 : memref<8x16384xf32, #tpu.memory_space<vmem>>) target(%dma_start3A_1685 : memref<8x16384xf32, #tpu.memory_space<any>>) target_semaphore(%dma_start3A_1682 : memref<!tpu.dma_semaphore, #tpu.memory_space<semaphore_mem>>)
    %dma_start3A_1690 = arith.constant 1 : i32
    %dma_start3A_1691 = arith.constant 1 : i32
    %dma_start3A_1692 = tpu.memref_slice %arg8[%dma_start3A_1691] : memref<4x!tpu.dma_semaphore, #tpu.memory_space<semaphore_mem>> -> memref<1x!tpu.dma_semaphore, #tpu.memory_space<semaphore_mem>>
    %dma_start3A_1693 = tpu.memref_squeeze %dma_start3A_1692 : memref<1x!tpu.dma_semaphore, #tpu.memory_space<semaphore_mem>> -> memref<!tpu.dma_semaphore, #tpu.memory_space<semaphore_mem>>
    %dma_start3A_1694 = arith.constant 0 : i32
    %dma_start3A_1695 = arith.constant 0 : i32
    %dma_start3A_1696 = tpu.memref_slice %arg5[%dma_start3A_1690, %dma_start3A_1694, %dma_start3A_1695] : memref<4x8x16384xf32, #tpu.memory_space<vmem>> -> memref<1x8x16384xf32, #tpu.memory_space<vmem>>
    %dma_start3A_1697 = tpu.memref_squeeze %dma_start3A_1696 : memref<1x8x16384xf32, #tpu.memory_space<vmem>> -> memref<8x16384xf32, #tpu.memory_space<vmem>>
    %dma_start3A_1698 = arith.constant 168 : i32
    %dma_start3A_1699 = arith.constant 0 : i32
    %dma_start3A_1700 = tpu.memref_slice %arg2[%dma_start3A_1698, %dma_start3A_1699] : memref<256x16384xf32, #tpu.memory_space<any>> -> memref<8x16384xf32, #tpu.memory_space<any>>
    tpu.enqueue_dma source(%dma_start3A_1700 : memref<8x16384xf32, #tpu.memory_space<any>>) target(%dma_start3A_1697 : memref<8x16384xf32, #tpu.memory_space<vmem>>) target_semaphore(%dma_start3A_1693 : memref<!tpu.dma_semaphore, #tpu.memory_space<semaphore_mem>>)
    %dma_start3A_1701 = arith.constant 1 : i32
    %dma_start3A_1702 = arith.constant 1 : i32
    %dma_start3A_1703 = tpu.memref_slice %arg9[%dma_start3A_1702] : memref<4x!tpu.dma_semaphore, #tpu.memory_space<semaphore_mem>> -> memref<1x!tpu.dma_semaphore, #tpu.memory_space<semaphore_mem>>
    %dma_start3A_1704 = tpu.memref_squeeze %dma_start3A_1703 : memref<1x!tpu.dma_semaphore, #tpu.memory_space<semaphore_mem>> -> memref<!tpu.dma_semaphore, #tpu.memory_space<semaphore_mem>>
    %dma_start3A_1705 = arith.constant 0 : i32
    %dma_start3A_1706 = arith.constant 0 : i32
    %dma_start3A_1707 = tpu.memref_slice %arg6[%dma_start3A_1701, %dma_start3A_1705, %dma_start3A_1706] : memref<4x8x16384xf32, #tpu.memory_space<vmem>> -> memref<1x8x16384xf32, #tpu.memory_space<vmem>>
    %dma_start3A_1708 = tpu.memref_squeeze %dma_start3A_1707 : memref<1x8x16384xf32, #tpu.memory_space<vmem>> -> memref<8x16384xf32, #tpu.memory_space<vmem>>
    %dma_start3A_1709 = arith.constant 168 : i32
    %dma_start3A_1710 = arith.constant 0 : i32
    %dma_start3A_1711 = tpu.memref_slice %arg3[%dma_start3A_1709, %dma_start3A_1710] : memref<256x16384xf32, #tpu.memory_space<any>> -> memref<8x16384xf32, #tpu.memory_space<any>>
    tpu.enqueue_dma source(%dma_start3A_1711 : memref<8x16384xf32, #tpu.memory_space<any>>) target(%dma_start3A_1708 : memref<8x16384xf32, #tpu.memory_space<vmem>>) target_semaphore(%dma_start3A_1704 : memref<!tpu.dma_semaphore, #tpu.memory_space<semaphore_mem>>)
    %dma_wait3A_1712 = arith.constant 2 : i32
    %dma_wait3A_1713 = arith.constant 2 : i32
    %dma_wait3A_1714 = tpu.memref_slice %arg8[%dma_wait3A_1713] : memref<4x!tpu.dma_semaphore, #tpu.memory_space<semaphore_mem>> -> memref<1x!tpu.dma_semaphore, #tpu.memory_space<semaphore_mem>>
    %dma_wait3A_1715 = tpu.memref_squeeze %dma_wait3A_1714 : memref<1x!tpu.dma_semaphore, #tpu.memory_space<semaphore_mem>> -> memref<!tpu.dma_semaphore, #tpu.memory_space<semaphore_mem>>
    %dma_wait3A_1716 = arith.constant 0 : i32
    %dma_wait3A_1717 = arith.constant 0 : i32
    %dma_wait3A_1718 = tpu.memref_slice %arg5[%dma_wait3A_1712, %dma_wait3A_1716, %dma_wait3A_1717] : memref<4x8x16384xf32, #tpu.memory_space<vmem>> -> memref<1x8x16384xf32, #tpu.memory_space<vmem>>
    %dma_wait3A_1719 = tpu.memref_squeeze %dma_wait3A_1718 : memref<1x8x16384xf32, #tpu.memory_space<vmem>> -> memref<8x16384xf32, #tpu.memory_space<vmem>>
    %dma_wait3A_1720 = arith.constant 144 : i32
    %dma_wait3A_1721 = arith.constant 0 : i32
    %dma_wait3A_1722 = tpu.memref_slice %arg2[%dma_wait3A_1720, %dma_wait3A_1721] : memref<256x16384xf32, #tpu.memory_space<any>> -> memref<8x16384xf32, #tpu.memory_space<any>>
    tpu.wait_dma2 semaphore(%dma_wait3A_1715 : memref<!tpu.dma_semaphore, #tpu.memory_space<semaphore_mem>>) src(%dma_wait3A_1722 : memref<8x16384xf32, #tpu.memory_space<any>>) dst(%dma_wait3A_1719 : memref<8x16384xf32, #tpu.memory_space<vmem>>)
    %dma_wait3A_1723 = arith.constant 2 : i32
    %dma_wait3A_1724 = arith.constant 2 : i32
    %dma_wait3A_1725 = tpu.memref_slice %arg9[%dma_wait3A_1724] : memref<4x!tpu.dma_semaphore, #tpu.memory_space<semaphore_mem>> -> memref<1x!tpu.dma_semaphore, #tpu.memory_space<semaphore_mem>>
    %dma_wait3A_1726 = tpu.memref_squeeze %dma_wait3A_1725 : memref<1x!tpu.dma_semaphore, #tpu.memory_space<semaphore_mem>> -> memref<!tpu.dma_semaphore, #tpu.memory_space<semaphore_mem>>
    %dma_wait3A_1727 = arith.constant 0 : i32
    %dma_wait3A_1728 = arith.constant 0 : i32
    %dma_wait3A_1729 = tpu.memref_slice %arg6[%dma_wait3A_1723, %dma_wait3A_1727, %dma_wait3A_1728] : memref<4x8x16384xf32, #tpu.memory_space<vmem>> -> memref<1x8x16384xf32, #tpu.memory_space<vmem>>
    %dma_wait3A_1730 = tpu.memref_squeeze %dma_wait3A_1729 : memref<1x8x16384xf32, #tpu.memory_space<vmem>> -> memref<8x16384xf32, #tpu.memory_space<vmem>>
    %dma_wait3A_1731 = arith.constant 144 : i32
    %dma_wait3A_1732 = arith.constant 0 : i32
    %dma_wait3A_1733 = tpu.memref_slice %arg3[%dma_wait3A_1731, %dma_wait3A_1732] : memref<256x16384xf32, #tpu.memory_space<any>> -> memref<8x16384xf32, #tpu.memory_space<any>>
    tpu.wait_dma2 semaphore(%dma_wait3A_1726 : memref<!tpu.dma_semaphore, #tpu.memory_space<semaphore_mem>>) src(%dma_wait3A_1733 : memref<8x16384xf32, #tpu.memory_space<any>>) dst(%dma_wait3A_1730 : memref<8x16384xf32, #tpu.memory_space<vmem>>)
    %dma_wait3A_1734 = arith.constant 2 : i32
    %dma_wait3A_1735 = arith.constant 2 : i32
    %dma_wait3A_1736 = tpu.memref_slice %arg10[%dma_wait3A_1735] : memref<4x!tpu.dma_semaphore, #tpu.memory_space<semaphore_mem>> -> memref<1x!tpu.dma_semaphore, #tpu.memory_space<semaphore_mem>>
    %dma_wait3A_1737 = tpu.memref_squeeze %dma_wait3A_1736 : memref<1x!tpu.dma_semaphore, #tpu.memory_space<semaphore_mem>> -> memref<!tpu.dma_semaphore, #tpu.memory_space<semaphore_mem>>
    %dma_wait3A_1738 = arith.constant 112 : i32
    %dma_wait3A_1739 = arith.constant 0 : i32
    %dma_wait3A_1740 = tpu.memref_slice %arg4[%dma_wait3A_1738, %dma_wait3A_1739] : memref<256x16384xf32, #tpu.memory_space<any>> -> memref<8x16384xf32, #tpu.memory_space<any>>
    %dma_wait3A_1741 = arith.constant 0 : i32
    %dma_wait3A_1742 = arith.constant 0 : i32
    %dma_wait3A_1743 = tpu.memref_slice %arg7[%dma_wait3A_1734, %dma_wait3A_1741, %dma_wait3A_1742] : memref<4x8x16384xf32, #tpu.memory_space<vmem>> -> memref<1x8x16384xf32, #tpu.memory_space<vmem>>
    %dma_wait3A_1744 = tpu.memref_squeeze %dma_wait3A_1743 : memref<1x8x16384xf32, #tpu.memory_space<vmem>> -> memref<8x16384xf32, #tpu.memory_space<vmem>>
    tpu.wait_dma2 semaphore(%dma_wait3A_1737 : memref<!tpu.dma_semaphore, #tpu.memory_space<semaphore_mem>>) src(%dma_wait3A_1744 : memref<8x16384xf32, #tpu.memory_space<vmem>>) dst(%dma_wait3A_1740 : memref<8x16384xf32, #tpu.memory_space<any>>)
    %get3A_1745 = arith.constant 144 : index
    %get3A_1746 = arith.constant 0 : index
    %get3A_1747 = vector.load %arg0[%get3A_1745, %get3A_1746] : memref<256x1xf32, #tpu.memory_space<vmem>>, vector<8x1xf32>
    %get3A_1748 = arith.constant 144 : index
    %get3A_1749 = arith.constant 0 : index
    %get3A_1750 = vector.load %arg1[%get3A_1748, %get3A_1749] : memref<256x1xf32, #tpu.memory_space<vmem>>, vector<8x1xf32>
    %get3A_1751 = arith.constant 2 : index
    %get3A_1752 = arith.constant 0 : index
    %get3A_1753 = arith.constant 0 : index
    %get3A_1754 = vector.load %arg5[%get3A_1751, %get3A_1752, %get3A_1753] : memref<4x8x16384xf32, #tpu.memory_space<vmem>>, vector<1x8x16384xf32>
    %get3A_1755 = vector.shape_cast %get3A_1754 : vector<1x8x16384xf32> to vector<8x16384xf32>
    %mul3A_1756 = vector.broadcast %get3A_1747 : vector<8x1xf32> to vector<8x16384xf32>
    %mul3A_1757 = arith.mulf %mul3A_1756, %get3A_1755 : vector<8x16384xf32>
    %get3A_1758 = arith.constant 2 : index
    %get3A_1759 = arith.constant 0 : index
    %get3A_1760 = arith.constant 0 : index
    %get3A_1761 = vector.load %arg6[%get3A_1758, %get3A_1759, %get3A_1760] : memref<4x8x16384xf32, #tpu.memory_space<vmem>>, vector<1x8x16384xf32>
    %get3A_1762 = vector.shape_cast %get3A_1761 : vector<1x8x16384xf32> to vector<8x16384xf32>
    %mul3A_1763 = vector.broadcast %get3A_1750 : vector<8x1xf32> to vector<8x16384xf32>
    %mul3A_1764 = arith.mulf %mul3A_1763, %get3A_1762 : vector<8x16384xf32>
    %add3A_1765 = arith.addf %mul3A_1757, %mul3A_1764 : vector<8x16384xf32>
    %swap3A_1766 = arith.constant 2 : index
    %swap3A_1767 = arith.constant 0 : index
    %swap3A_1768 = arith.constant 0 : index
    %swap3A_1769 = vector.load %arg7[%swap3A_1766, %swap3A_1767, %swap3A_1768] : memref<4x8x16384xf32, #tpu.memory_space<vmem>>, vector<1x8x16384xf32>
    %swap3A_1770 = vector.shape_cast %swap3A_1769 : vector<1x8x16384xf32> to vector<8x16384xf32>
    %swap3A_1771 = vector.shape_cast %add3A_1765 : vector<8x16384xf32> to vector<1x8x16384xf32>
    tpu.vector_store %arg7[%swap3A_1766, %swap3A_1767, %swap3A_1768], %swap3A_1771 {strides = array<i32>} : memref<4x8x16384xf32, #tpu.memory_space<vmem>>, vector<1x8x16384xf32>,
    %dma_start3A_1772 = arith.constant 2 : i32
    %dma_start3A_1773 = arith.constant 2 : i32
    %dma_start3A_1774 = tpu.memref_slice %arg10[%dma_start3A_1773] : memref<4x!tpu.dma_semaphore, #tpu.memory_space<semaphore_mem>> -> memref<1x!tpu.dma_semaphore, #tpu.memory_space<semaphore_mem>>
    %dma_start3A_1775 = tpu.memref_squeeze %dma_start3A_1774 : memref<1x!tpu.dma_semaphore, #tpu.memory_space<semaphore_mem>> -> memref<!tpu.dma_semaphore, #tpu.memory_space<semaphore_mem>>
    %dma_start3A_1776 = arith.constant 144 : i32
    %dma_start3A_1777 = arith.constant 0 : i32
    %dma_start3A_1778 = tpu.memref_slice %arg4[%dma_start3A_1776, %dma_start3A_1777] : memref<256x16384xf32, #tpu.memory_space<any>> -> memref<8x16384xf32, #tpu.memory_space<any>>
    %dma_start3A_1779 = arith.constant 0 : i32
    %dma_start3A_1780 = arith.constant 0 : i32
    %dma_start3A_1781 = tpu.memref_slice %arg7[%dma_start3A_1772, %dma_start3A_1779, %dma_start3A_1780] : memref<4x8x16384xf32, #tpu.memory_space<vmem>> -> memref<1x8x16384xf32, #tpu.memory_space<vmem>>
    %dma_start3A_1782 = tpu.memref_squeeze %dma_start3A_1781 : memref<1x8x16384xf32, #tpu.memory_space<vmem>> -> memref<8x16384xf32, #tpu.memory_space<vmem>>
    tpu.enqueue_dma source(%dma_start3A_1782 : memref<8x16384xf32, #tpu.memory_space<vmem>>) target(%dma_start3A_1778 : memref<8x16384xf32, #tpu.memory_space<any>>) target_semaphore(%dma_start3A_1775 : memref<!tpu.dma_semaphore, #tpu.memory_space<semaphore_mem>>)
    %dma_start3A_1783 = arith.constant 2 : i32
    %dma_start3A_1784 = arith.constant 2 : i32
    %dma_start3A_1785 = tpu.memref_slice %arg8[%dma_start3A_1784] : memref<4x!tpu.dma_semaphore, #tpu.memory_space<semaphore_mem>> -> memref<1x!tpu.dma_semaphore, #tpu.memory_space<semaphore_mem>>
    %dma_start3A_1786 = tpu.memref_squeeze %dma_start3A_1785 : memref<1x!tpu.dma_semaphore, #tpu.memory_space<semaphore_mem>> -> memref<!tpu.dma_semaphore, #tpu.memory_space<semaphore_mem>>
    %dma_start3A_1787 = arith.constant 0 : i32
    %dma_start3A_1788 = arith.constant 0 : i32
    %dma_start3A_1789 = tpu.memref_slice %arg5[%dma_start3A_1783, %dma_start3A_1787, %dma_start3A_1788] : memref<4x8x16384xf32, #tpu.memory_space<vmem>> -> memref<1x8x16384xf32, #tpu.memory_space<vmem>>
    %dma_start3A_1790 = tpu.memref_squeeze %dma_start3A_1789 : memref<1x8x16384xf32, #tpu.memory_space<vmem>> -> memref<8x16384xf32, #tpu.memory_space<vmem>>
    %dma_start3A_1791 = arith.constant 176 : i32
    %dma_start3A_1792 = arith.constant 0 : i32
    %dma_start3A_1793 = tpu.memref_slice %arg2[%dma_start3A_1791, %dma_start3A_1792] : memref<256x16384xf32, #tpu.memory_space<any>> -> memref<8x16384xf32, #tpu.memory_space<any>>
    tpu.enqueue_dma source(%dma_start3A_1793 : memref<8x16384xf32, #tpu.memory_space<any>>) target(%dma_start3A_1790 : memref<8x16384xf32, #tpu.memory_space<vmem>>) target_semaphore(%dma_start3A_1786 : memref<!tpu.dma_semaphore, #tpu.memory_space<semaphore_mem>>)
    %dma_start3A_1794 = arith.constant 2 : i32
    %dma_start3A_1795 = arith.constant 2 : i32
    %dma_start3A_1796 = tpu.memref_slice %arg9[%dma_start3A_1795] : memref<4x!tpu.dma_semaphore, #tpu.memory_space<semaphore_mem>> -> memref<1x!tpu.dma_semaphore, #tpu.memory_space<semaphore_mem>>
    %dma_start3A_1797 = tpu.memref_squeeze %dma_start3A_1796 : memref<1x!tpu.dma_semaphore, #tpu.memory_space<semaphore_mem>> -> memref<!tpu.dma_semaphore, #tpu.memory_space<semaphore_mem>>
    %dma_start3A_1798 = arith.constant 0 : i32
    %dma_start3A_1799 = arith.constant 0 : i32
    %dma_start3A_1800 = tpu.memref_slice %arg6[%dma_start3A_1794, %dma_start3A_1798, %dma_start3A_1799] : memref<4x8x16384xf32, #tpu.memory_space<vmem>> -> memref<1x8x16384xf32, #tpu.memory_space<vmem>>
    %dma_start3A_1801 = tpu.memref_squeeze %dma_start3A_1800 : memref<1x8x16384xf32, #tpu.memory_space<vmem>> -> memref<8x16384xf32, #tpu.memory_space<vmem>>
    %dma_start3A_1802 = arith.constant 176 : i32
    %dma_start3A_1803 = arith.constant 0 : i32
    %dma_start3A_1804 = tpu.memref_slice %arg3[%dma_start3A_1802, %dma_start3A_1803] : memref<256x16384xf32, #tpu.memory_space<any>> -> memref<8x16384xf32, #tpu.memory_space<any>>
    tpu.enqueue_dma source(%dma_start3A_1804 : memref<8x16384xf32, #tpu.memory_space<any>>) target(%dma_start3A_1801 : memref<8x16384xf32, #tpu.memory_space<vmem>>) target_semaphore(%dma_start3A_1797 : memref<!tpu.dma_semaphore, #tpu.memory_space<semaphore_mem>>)
    %dma_wait3A_1805 = arith.constant 3 : i32
    %dma_wait3A_1806 = arith.constant 3 : i32
    %dma_wait3A_1807 = tpu.memref_slice %arg8[%dma_wait3A_1806] : memref<4x!tpu.dma_semaphore, #tpu.memory_space<semaphore_mem>> -> memref<1x!tpu.dma_semaphore, #tpu.memory_space<semaphore_mem>>
    %dma_wait3A_1808 = tpu.memref_squeeze %dma_wait3A_1807 : memref<1x!tpu.dma_semaphore, #tpu.memory_space<semaphore_mem>> -> memref<!tpu.dma_semaphore, #tpu.memory_space<semaphore_mem>>
    %dma_wait3A_1809 = arith.constant 0 : i32
    %dma_wait3A_1810 = arith.constant 0 : i32
    %dma_wait3A_1811 = tpu.memref_slice %arg5[%dma_wait3A_1805, %dma_wait3A_1809, %dma_wait3A_1810] : memref<4x8x16384xf32, #tpu.memory_space<vmem>> -> memref<1x8x16384xf32, #tpu.memory_space<vmem>>
    %dma_wait3A_1812 = tpu.memref_squeeze %dma_wait3A_1811 : memref<1x8x16384xf32, #tpu.memory_space<vmem>> -> memref<8x16384xf32, #tpu.memory_space<vmem>>
    %dma_wait3A_1813 = arith.constant 152 : i32
    %dma_wait3A_1814 = arith.constant 0 : i32
    %dma_wait3A_1815 = tpu.memref_slice %arg2[%dma_wait3A_1813, %dma_wait3A_1814] : memref<256x16384xf32, #tpu.memory_space<any>> -> memref<8x16384xf32, #tpu.memory_space<any>>
    tpu.wait_dma2 semaphore(%dma_wait3A_1808 : memref<!tpu.dma_semaphore, #tpu.memory_space<semaphore_mem>>) src(%dma_wait3A_1815 : memref<8x16384xf32, #tpu.memory_space<any>>) dst(%dma_wait3A_1812 : memref<8x16384xf32, #tpu.memory_space<vmem>>)
    %dma_wait3A_1816 = arith.constant 3 : i32
    %dma_wait3A_1817 = arith.constant 3 : i32
    %dma_wait3A_1818 = tpu.memref_slice %arg9[%dma_wait3A_1817] : memref<4x!tpu.dma_semaphore, #tpu.memory_space<semaphore_mem>> -> memref<1x!tpu.dma_semaphore, #tpu.memory_space<semaphore_mem>>
    %dma_wait3A_1819 = tpu.memref_squeeze %dma_wait3A_1818 : memref<1x!tpu.dma_semaphore, #tpu.memory_space<semaphore_mem>> -> memref<!tpu.dma_semaphore, #tpu.memory_space<semaphore_mem>>
    %dma_wait3A_1820 = arith.constant 0 : i32
    %dma_wait3A_1821 = arith.constant 0 : i32
    %dma_wait3A_1822 = tpu.memref_slice %arg6[%dma_wait3A_1816, %dma_wait3A_1820, %dma_wait3A_1821] : memref<4x8x16384xf32, #tpu.memory_space<vmem>> -> memref<1x8x16384xf32, #tpu.memory_space<vmem>>
    %dma_wait3A_1823 = tpu.memref_squeeze %dma_wait3A_1822 : memref<1x8x16384xf32, #tpu.memory_space<vmem>> -> memref<8x16384xf32, #tpu.memory_space<vmem>>
    %dma_wait3A_1824 = arith.constant 152 : i32
    %dma_wait3A_1825 = arith.constant 0 : i32
    %dma_wait3A_1826 = tpu.memref_slice %arg3[%dma_wait3A_1824, %dma_wait3A_1825] : memref<256x16384xf32, #tpu.memory_space<any>> -> memref<8x16384xf32, #tpu.memory_space<any>>
    tpu.wait_dma2 semaphore(%dma_wait3A_1819 : memref<!tpu.dma_semaphore, #tpu.memory_space<semaphore_mem>>) src(%dma_wait3A_1826 : memref<8x16384xf32, #tpu.memory_space<any>>) dst(%dma_wait3A_1823 : memref<8x16384xf32, #tpu.memory_space<vmem>>)
    %dma_wait3A_1827 = arith.constant 3 : i32
    %dma_wait3A_1828 = arith.constant 3 : i32
    %dma_wait3A_1829 = tpu.memref_slice %arg10[%dma_wait3A_1828] : memref<4x!tpu.dma_semaphore, #tpu.memory_space<semaphore_mem>> -> memref<1x!tpu.dma_semaphore, #tpu.memory_space<semaphore_mem>>
    %dma_wait3A_1830 = tpu.memref_squeeze %dma_wait3A_1829 : memref<1x!tpu.dma_semaphore, #tpu.memory_space<semaphore_mem>> -> memref<!tpu.dma_semaphore, #tpu.memory_space<semaphore_mem>>
    %dma_wait3A_1831 = arith.constant 120 : i32
    %dma_wait3A_1832 = arith.constant 0 : i32
    %dma_wait3A_1833 = tpu.memref_slice %arg4[%dma_wait3A_1831, %dma_wait3A_1832] : memref<256x16384xf32, #tpu.memory_space<any>> -> memref<8x16384xf32, #tpu.memory_space<any>>
    %dma_wait3A_1834 = arith.constant 0 : i32
    %dma_wait3A_1835 = arith.constant 0 : i32
    %dma_wait3A_1836 = tpu.memref_slice %arg7[%dma_wait3A_1827, %dma_wait3A_1834, %dma_wait3A_1835] : memref<4x8x16384xf32, #tpu.memory_space<vmem>> -> memref<1x8x16384xf32, #tpu.memory_space<vmem>>
    %dma_wait3A_1837 = tpu.memref_squeeze %dma_wait3A_1836 : memref<1x8x16384xf32, #tpu.memory_space<vmem>> -> memref<8x16384xf32, #tpu.memory_space<vmem>>
    tpu.wait_dma2 semaphore(%dma_wait3A_1830 : memref<!tpu.dma_semaphore, #tpu.memory_space<semaphore_mem>>) src(%dma_wait3A_1837 : memref<8x16384xf32, #tpu.memory_space<vmem>>) dst(%dma_wait3A_1833 : memref<8x16384xf32, #tpu.memory_space<any>>)
    %get3A_1838 = arith.constant 152 : index
    %get3A_1839 = arith.constant 0 : index
    %get3A_1840 = vector.load %arg0[%get3A_1838, %get3A_1839] : memref<256x1xf32, #tpu.memory_space<vmem>>, vector<8x1xf32>
    %get3A_1841 = arith.constant 152 : index
    %get3A_1842 = arith.constant 0 : index
    %get3A_1843 = vector.load %arg1[%get3A_1841, %get3A_1842] : memref<256x1xf32, #tpu.memory_space<vmem>>, vector<8x1xf32>
    %get3A_1844 = arith.constant 3 : index
    %get3A_1845 = arith.constant 0 : index
    %get3A_1846 = arith.constant 0 : index
    %get3A_1847 = vector.load %arg5[%get3A_1844, %get3A_1845, %get3A_1846] : memref<4x8x16384xf32, #tpu.memory_space<vmem>>, vector<1x8x16384xf32>
    %get3A_1848 = vector.shape_cast %get3A_1847 : vector<1x8x16384xf32> to vector<8x16384xf32>
    %mul3A_1849 = vector.broadcast %get3A_1840 : vector<8x1xf32> to vector<8x16384xf32>
    %mul3A_1850 = arith.mulf %mul3A_1849, %get3A_1848 : vector<8x16384xf32>
    %get3A_1851 = arith.constant 3 : index
    %get3A_1852 = arith.constant 0 : index
    %get3A_1853 = arith.constant 0 : index
    %get3A_1854 = vector.load %arg6[%get3A_1851, %get3A_1852, %get3A_1853] : memref<4x8x16384xf32, #tpu.memory_space<vmem>>, vector<1x8x16384xf32>
    %get3A_1855 = vector.shape_cast %get3A_1854 : vector<1x8x16384xf32> to vector<8x16384xf32>
    %mul3A_1856 = vector.broadcast %get3A_1843 : vector<8x1xf32> to vector<8x16384xf32>
    %mul3A_1857 = arith.mulf %mul3A_1856, %get3A_1855 : vector<8x16384xf32>
    %add3A_1858 = arith.addf %mul3A_1850, %mul3A_1857 : vector<8x16384xf32>
    %swap3A_1859 = arith.constant 3 : index
    %swap3A_1860 = arith.constant 0 : index
    %swap3A_1861 = arith.constant 0 : index
    %swap3A_1862 = vector.load %arg7[%swap3A_1859, %swap3A_1860, %swap3A_1861] : memref<4x8x16384xf32, #tpu.memory_space<vmem>>, vector<1x8x16384xf32>
    %swap3A_1863 = vector.shape_cast %swap3A_1862 : vector<1x8x16384xf32> to vector<8x16384xf32>
    %swap3A_1864 = vector.shape_cast %add3A_1858 : vector<8x16384xf32> to vector<1x8x16384xf32>
    tpu.vector_store %arg7[%swap3A_1859, %swap3A_1860, %swap3A_1861], %swap3A_1864 {strides = array<i32>} : memref<4x8x16384xf32, #tpu.memory_space<vmem>>, vector<1x8x16384xf32>,
    %dma_start3A_1865 = arith.constant 3 : i32
    %dma_start3A_1866 = arith.constant 3 : i32
    %dma_start3A_1867 = tpu.memref_slice %arg10[%dma_start3A_1866] : memref<4x!tpu.dma_semaphore, #tpu.memory_space<semaphore_mem>> -> memref<1x!tpu.dma_semaphore, #tpu.memory_space<semaphore_mem>>
    %dma_start3A_1868 = tpu.memref_squeeze %dma_start3A_1867 : memref<1x!tpu.dma_semaphore, #tpu.memory_space<semaphore_mem>> -> memref<!tpu.dma_semaphore, #tpu.memory_space<semaphore_mem>>
    %dma_start3A_1869 = arith.constant 152 : i32
    %dma_start3A_1870 = arith.constant 0 : i32
    %dma_start3A_1871 = tpu.memref_slice %arg4[%dma_start3A_1869, %dma_start3A_1870] : memref<256x16384xf32, #tpu.memory_space<any>> -> memref<8x16384xf32, #tpu.memory_space<any>>
    %dma_start3A_1872 = arith.constant 0 : i32
    %dma_start3A_1873 = arith.constant 0 : i32
    %dma_start3A_1874 = tpu.memref_slice %arg7[%dma_start3A_1865, %dma_start3A_1872, %dma_start3A_1873] : memref<4x8x16384xf32, #tpu.memory_space<vmem>> -> memref<1x8x16384xf32, #tpu.memory_space<vmem>>
    %dma_start3A_1875 = tpu.memref_squeeze %dma_start3A_1874 : memref<1x8x16384xf32, #tpu.memory_space<vmem>> -> memref<8x16384xf32, #tpu.memory_space<vmem>>
    tpu.enqueue_dma source(%dma_start3A_1875 : memref<8x16384xf32, #tpu.memory_space<vmem>>) target(%dma_start3A_1871 : memref<8x16384xf32, #tpu.memory_space<any>>) target_semaphore(%dma_start3A_1868 : memref<!tpu.dma_semaphore, #tpu.memory_space<semaphore_mem>>)
    %dma_start3A_1876 = arith.constant 3 : i32
    %dma_start3A_1877 = arith.constant 3 : i32
    %dma_start3A_1878 = tpu.memref_slice %arg8[%dma_start3A_1877] : memref<4x!tpu.dma_semaphore, #tpu.memory_space<semaphore_mem>> -> memref<1x!tpu.dma_semaphore, #tpu.memory_space<semaphore_mem>>
    %dma_start3A_1879 = tpu.memref_squeeze %dma_start3A_1878 : memref<1x!tpu.dma_semaphore, #tpu.memory_space<semaphore_mem>> -> memref<!tpu.dma_semaphore, #tpu.memory_space<semaphore_mem>>
    %dma_start3A_1880 = arith.constant 0 : i32
    %dma_start3A_1881 = arith.constant 0 : i32
    %dma_start3A_1882 = tpu.memref_slice %arg5[%dma_start3A_1876, %dma_start3A_1880, %dma_start3A_1881] : memref<4x8x16384xf32, #tpu.memory_space<vmem>> -> memref<1x8x16384xf32, #tpu.memory_space<vmem>>
    %dma_start3A_1883 = tpu.memref_squeeze %dma_start3A_1882 : memref<1x8x16384xf32, #tpu.memory_space<vmem>> -> memref<8x16384xf32, #tpu.memory_space<vmem>>
    %dma_start3A_1884 = arith.constant 184 : i32
    %dma_start3A_1885 = arith.constant 0 : i32
    %dma_start3A_1886 = tpu.memref_slice %arg2[%dma_start3A_1884, %dma_start3A_1885] : memref<256x16384xf32, #tpu.memory_space<any>> -> memref<8x16384xf32, #tpu.memory_space<any>>
    tpu.enqueue_dma source(%dma_start3A_1886 : memref<8x16384xf32, #tpu.memory_space<any>>) target(%dma_start3A_1883 : memref<8x16384xf32, #tpu.memory_space<vmem>>) target_semaphore(%dma_start3A_1879 : memref<!tpu.dma_semaphore, #tpu.memory_space<semaphore_mem>>)
    %dma_start3A_1887 = arith.constant 3 : i32
    %dma_start3A_1888 = arith.constant 3 : i32
    %dma_start3A_1889 = tpu.memref_slice %arg9[%dma_start3A_1888] : memref<4x!tpu.dma_semaphore, #tpu.memory_space<semaphore_mem>> -> memref<1x!tpu.dma_semaphore, #tpu.memory_space<semaphore_mem>>
    %dma_start3A_1890 = tpu.memref_squeeze %dma_start3A_1889 : memref<1x!tpu.dma_semaphore, #tpu.memory_space<semaphore_mem>> -> memref<!tpu.dma_semaphore, #tpu.memory_space<semaphore_mem>>
    %dma_start3A_1891 = arith.constant 0 : i32
    %dma_start3A_1892 = arith.constant 0 : i32
    %dma_start3A_1893 = tpu.memref_slice %arg6[%dma_start3A_1887, %dma_start3A_1891, %dma_start3A_1892] : memref<4x8x16384xf32, #tpu.memory_space<vmem>> -> memref<1x8x16384xf32, #tpu.memory_space<vmem>>
    %dma_start3A_1894 = tpu.memref_squeeze %dma_start3A_1893 : memref<1x8x16384xf32, #tpu.memory_space<vmem>> -> memref<8x16384xf32, #tpu.memory_space<vmem>>
    %dma_start3A_1895 = arith.constant 184 : i32
    %dma_start3A_1896 = arith.constant 0 : i32
    %dma_start3A_1897 = tpu.memref_slice %arg3[%dma_start3A_1895, %dma_start3A_1896] : memref<256x16384xf32, #tpu.memory_space<any>> -> memref<8x16384xf32, #tpu.memory_space<any>>
    tpu.enqueue_dma source(%dma_start3A_1897 : memref<8x16384xf32, #tpu.memory_space<any>>) target(%dma_start3A_1894 : memref<8x16384xf32, #tpu.memory_space<vmem>>) target_semaphore(%dma_start3A_1890 : memref<!tpu.dma_semaphore, #tpu.memory_space<semaphore_mem>>)
    %dma_wait3A_1898 = arith.constant 0 : i32
    %dma_wait3A_1899 = arith.constant 0 : i32
    %dma_wait3A_1900 = tpu.memref_slice %arg8[%dma_wait3A_1899] : memref<4x!tpu.dma_semaphore, #tpu.memory_space<semaphore_mem>> -> memref<1x!tpu.dma_semaphore, #tpu.memory_space<semaphore_mem>>
    %dma_wait3A_1901 = tpu.memref_squeeze %dma_wait3A_1900 : memref<1x!tpu.dma_semaphore, #tpu.memory_space<semaphore_mem>> -> memref<!tpu.dma_semaphore, #tpu.memory_space<semaphore_mem>>
    %dma_wait3A_1902 = arith.constant 0 : i32
    %dma_wait3A_1903 = arith.constant 0 : i32
    %dma_wait3A_1904 = tpu.memref_slice %arg5[%dma_wait3A_1898, %dma_wait3A_1902, %dma_wait3A_1903] : memref<4x8x16384xf32, #tpu.memory_space<vmem>> -> memref<1x8x16384xf32, #tpu.memory_space<vmem>>
    %dma_wait3A_1905 = tpu.memref_squeeze %dma_wait3A_1904 : memref<1x8x16384xf32, #tpu.memory_space<vmem>> -> memref<8x16384xf32, #tpu.memory_space<vmem>>
    %dma_wait3A_1906 = arith.constant 160 : i32
    %dma_wait3A_1907 = arith.constant 0 : i32
    %dma_wait3A_1908 = tpu.memref_slice %arg2[%dma_wait3A_1906, %dma_wait3A_1907] : memref<256x16384xf32, #tpu.memory_space<any>> -> memref<8x16384xf32, #tpu.memory_space<any>>
    tpu.wait_dma2 semaphore(%dma_wait3A_1901 : memref<!tpu.dma_semaphore, #tpu.memory_space<semaphore_mem>>) src(%dma_wait3A_1908 : memref<8x16384xf32, #tpu.memory_space<any>>) dst(%dma_wait3A_1905 : memref<8x16384xf32, #tpu.memory_space<vmem>>)
    %dma_wait3A_1909 = arith.constant 0 : i32
    %dma_wait3A_1910 = arith.constant 0 : i32
    %dma_wait3A_1911 = tpu.memref_slice %arg9[%dma_wait3A_1910] : memref<4x!tpu.dma_semaphore, #tpu.memory_space<semaphore_mem>> -> memref<1x!tpu.dma_semaphore, #tpu.memory_space<semaphore_mem>>
    %dma_wait3A_1912 = tpu.memref_squeeze %dma_wait3A_1911 : memref<1x!tpu.dma_semaphore, #tpu.memory_space<semaphore_mem>> -> memref<!tpu.dma_semaphore, #tpu.memory_space<semaphore_mem>>
    %dma_wait3A_1913 = arith.constant 0 : i32
    %dma_wait3A_1914 = arith.constant 0 : i32
    %dma_wait3A_1915 = tpu.memref_slice %arg6[%dma_wait3A_1909, %dma_wait3A_1913, %dma_wait3A_1914] : memref<4x8x16384xf32, #tpu.memory_space<vmem>> -> memref<1x8x16384xf32, #tpu.memory_space<vmem>>
    %dma_wait3A_1916 = tpu.memref_squeeze %dma_wait3A_1915 : memref<1x8x16384xf32, #tpu.memory_space<vmem>> -> memref<8x16384xf32, #tpu.memory_space<vmem>>
    %dma_wait3A_1917 = arith.constant 160 : i32
    %dma_wait3A_1918 = arith.constant 0 : i32
    %dma_wait3A_1919 = tpu.memref_slice %arg3[%dma_wait3A_1917, %dma_wait3A_1918] : memref<256x16384xf32, #tpu.memory_space<any>> -> memref<8x16384xf32, #tpu.memory_space<any>>
    tpu.wait_dma2 semaphore(%dma_wait3A_1912 : memref<!tpu.dma_semaphore, #tpu.memory_space<semaphore_mem>>) src(%dma_wait3A_1919 : memref<8x16384xf32, #tpu.memory_space<any>>) dst(%dma_wait3A_1916 : memref<8x16384xf32, #tpu.memory_space<vmem>>)
    %dma_wait3A_1920 = arith.constant 0 : i32
    %dma_wait3A_1921 = arith.constant 0 : i32
    %dma_wait3A_1922 = tpu.memref_slice %arg10[%dma_wait3A_1921] : memref<4x!tpu.dma_semaphore, #tpu.memory_space<semaphore_mem>> -> memref<1x!tpu.dma_semaphore, #tpu.memory_space<semaphore_mem>>
    %dma_wait3A_1923 = tpu.memref_squeeze %dma_wait3A_1922 : memref<1x!tpu.dma_semaphore, #tpu.memory_space<semaphore_mem>> -> memref<!tpu.dma_semaphore, #tpu.memory_space<semaphore_mem>>
    %dma_wait3A_1924 = arith.constant 128 : i32
    %dma_wait3A_1925 = arith.constant 0 : i32
    %dma_wait3A_1926 = tpu.memref_slice %arg4[%dma_wait3A_1924, %dma_wait3A_1925] : memref<256x16384xf32, #tpu.memory_space<any>> -> memref<8x16384xf32, #tpu.memory_space<any>>
    %dma_wait3A_1927 = arith.constant 0 : i32
    %dma_wait3A_1928 = arith.constant 0 : i32
    %dma_wait3A_1929 = tpu.memref_slice %arg7[%dma_wait3A_1920, %dma_wait3A_1927, %dma_wait3A_1928] : memref<4x8x16384xf32, #tpu.memory_space<vmem>> -> memref<1x8x16384xf32, #tpu.memory_space<vmem>>
    %dma_wait3A_1930 = tpu.memref_squeeze %dma_wait3A_1929 : memref<1x8x16384xf32, #tpu.memory_space<vmem>> -> memref<8x16384xf32, #tpu.memory_space<vmem>>
    tpu.wait_dma2 semaphore(%dma_wait3A_1923 : memref<!tpu.dma_semaphore, #tpu.memory_space<semaphore_mem>>) src(%dma_wait3A_1930 : memref<8x16384xf32, #tpu.memory_space<vmem>>) dst(%dma_wait3A_1926 : memref<8x16384xf32, #tpu.memory_space<any>>)
    %get3A_1931 = arith.constant 160 : index
    %get3A_1932 = arith.constant 0 : index
    %get3A_1933 = vector.load %arg0[%get3A_1931, %get3A_1932] : memref<256x1xf32, #tpu.memory_space<vmem>>, vector<8x1xf32>
    %get3A_1934 = arith.constant 160 : index
    %get3A_1935 = arith.constant 0 : index
    %get3A_1936 = vector.load %arg1[%get3A_1934, %get3A_1935] : memref<256x1xf32, #tpu.memory_space<vmem>>, vector<8x1xf32>
    %get3A_1937 = arith.constant 0 : index
    %get3A_1938 = arith.constant 0 : index
    %get3A_1939 = arith.constant 0 : index
    %get3A_1940 = vector.load %arg5[%get3A_1937, %get3A_1938, %get3A_1939] : memref<4x8x16384xf32, #tpu.memory_space<vmem>>, vector<1x8x16384xf32>
    %get3A_1941 = vector.shape_cast %get3A_1940 : vector<1x8x16384xf32> to vector<8x16384xf32>
    %mul3A_1942 = vector.broadcast %get3A_1933 : vector<8x1xf32> to vector<8x16384xf32>
    %mul3A_1943 = arith.mulf %mul3A_1942, %get3A_1941 : vector<8x16384xf32>
    %get3A_1944 = arith.constant 0 : index
    %get3A_1945 = arith.constant 0 : index
    %get3A_1946 = arith.constant 0 : index
    %get3A_1947 = vector.load %arg6[%get3A_1944, %get3A_1945, %get3A_1946] : memref<4x8x16384xf32, #tpu.memory_space<vmem>>, vector<1x8x16384xf32>
    %get3A_1948 = vector.shape_cast %get3A_1947 : vector<1x8x16384xf32> to vector<8x16384xf32>
    %mul3A_1949 = vector.broadcast %get3A_1936 : vector<8x1xf32> to vector<8x16384xf32>
    %mul3A_1950 = arith.mulf %mul3A_1949, %get3A_1948 : vector<8x16384xf32>
    %add3A_1951 = arith.addf %mul3A_1943, %mul3A_1950 : vector<8x16384xf32>
    %swap3A_1952 = arith.constant 0 : index
    %swap3A_1953 = arith.constant 0 : index
    %swap3A_1954 = arith.constant 0 : index
    %swap3A_1955 = vector.load %arg7[%swap3A_1952, %swap3A_1953, %swap3A_1954] : memref<4x8x16384xf32, #tpu.memory_space<vmem>>, vector<1x8x16384xf32>
    %swap3A_1956 = vector.shape_cast %swap3A_1955 : vector<1x8x16384xf32> to vector<8x16384xf32>
    %swap3A_1957 = vector.shape_cast %add3A_1951 : vector<8x16384xf32> to vector<1x8x16384xf32>
    tpu.vector_store %arg7[%swap3A_1952, %swap3A_1953, %swap3A_1954], %swap3A_1957 {strides = array<i32>} : memref<4x8x16384xf32, #tpu.memory_space<vmem>>, vector<1x8x16384xf32>,
    %dma_start3A_1958 = arith.constant 0 : i32
    %dma_start3A_1959 = arith.constant 0 : i32
    %dma_start3A_1960 = tpu.memref_slice %arg10[%dma_start3A_1959] : memref<4x!tpu.dma_semaphore, #tpu.memory_space<semaphore_mem>> -> memref<1x!tpu.dma_semaphore, #tpu.memory_space<semaphore_mem>>
    %dma_start3A_1961 = tpu.memref_squeeze %dma_start3A_1960 : memref<1x!tpu.dma_semaphore, #tpu.memory_space<semaphore_mem>> -> memref<!tpu.dma_semaphore, #tpu.memory_space<semaphore_mem>>
    %dma_start3A_1962 = arith.constant 160 : i32
    %dma_start3A_1963 = arith.constant 0 : i32
    %dma_start3A_1964 = tpu.memref_slice %arg4[%dma_start3A_1962, %dma_start3A_1963] : memref<256x16384xf32, #tpu.memory_space<any>> -> memref<8x16384xf32, #tpu.memory_space<any>>
    %dma_start3A_1965 = arith.constant 0 : i32
    %dma_start3A_1966 = arith.constant 0 : i32
    %dma_start3A_1967 = tpu.memref_slice %arg7[%dma_start3A_1958, %dma_start3A_1965, %dma_start3A_1966] : memref<4x8x16384xf32, #tpu.memory_space<vmem>> -> memref<1x8x16384xf32, #tpu.memory_space<vmem>>
    %dma_start3A_1968 = tpu.memref_squeeze %dma_start3A_1967 : memref<1x8x16384xf32, #tpu.memory_space<vmem>> -> memref<8x16384xf32, #tpu.memory_space<vmem>>
    tpu.enqueue_dma source(%dma_start3A_1968 : memref<8x16384xf32, #tpu.memory_space<vmem>>) target(%dma_start3A_1964 : memref<8x16384xf32, #tpu.memory_space<any>>) target_semaphore(%dma_start3A_1961 : memref<!tpu.dma_semaphore, #tpu.memory_space<semaphore_mem>>)
    %dma_start3A_1969 = arith.constant 0 : i32
    %dma_start3A_1970 = arith.constant 0 : i32
    %dma_start3A_1971 = tpu.memref_slice %arg8[%dma_start3A_1970] : memref<4x!tpu.dma_semaphore, #tpu.memory_space<semaphore_mem>> -> memref<1x!tpu.dma_semaphore, #tpu.memory_space<semaphore_mem>>
    %dma_start3A_1972 = tpu.memref_squeeze %dma_start3A_1971 : memref<1x!tpu.dma_semaphore, #tpu.memory_space<semaphore_mem>> -> memref<!tpu.dma_semaphore, #tpu.memory_space<semaphore_mem>>
    %dma_start3A_1973 = arith.constant 0 : i32
    %dma_start3A_1974 = arith.constant 0 : i32
    %dma_start3A_1975 = tpu.memref_slice %arg5[%dma_start3A_1969, %dma_start3A_1973, %dma_start3A_1974] : memref<4x8x16384xf32, #tpu.memory_space<vmem>> -> memref<1x8x16384xf32, #tpu.memory_space<vmem>>
    %dma_start3A_1976 = tpu.memref_squeeze %dma_start3A_1975 : memref<1x8x16384xf32, #tpu.memory_space<vmem>> -> memref<8x16384xf32, #tpu.memory_space<vmem>>
    %dma_start3A_1977 = arith.constant 192 : i32
    %dma_start3A_1978 = arith.constant 0 : i32
    %dma_start3A_1979 = tpu.memref_slice %arg2[%dma_start3A_1977, %dma_start3A_1978] : memref<256x16384xf32, #tpu.memory_space<any>> -> memref<8x16384xf32, #tpu.memory_space<any>>
    tpu.enqueue_dma source(%dma_start3A_1979 : memref<8x16384xf32, #tpu.memory_space<any>>) target(%dma_start3A_1976 : memref<8x16384xf32, #tpu.memory_space<vmem>>) target_semaphore(%dma_start3A_1972 : memref<!tpu.dma_semaphore, #tpu.memory_space<semaphore_mem>>)
    %dma_start3A_1980 = arith.constant 0 : i32
    %dma_start3A_1981 = arith.constant 0 : i32
    %dma_start3A_1982 = tpu.memref_slice %arg9[%dma_start3A_1981] : memref<4x!tpu.dma_semaphore, #tpu.memory_space<semaphore_mem>> -> memref<1x!tpu.dma_semaphore, #tpu.memory_space<semaphore_mem>>
    %dma_start3A_1983 = tpu.memref_squeeze %dma_start3A_1982 : memref<1x!tpu.dma_semaphore, #tpu.memory_space<semaphore_mem>> -> memref<!tpu.dma_semaphore, #tpu.memory_space<semaphore_mem>>
    %dma_start3A_1984 = arith.constant 0 : i32
    %dma_start3A_1985 = arith.constant 0 : i32
    %dma_start3A_1986 = tpu.memref_slice %arg6[%dma_start3A_1980, %dma_start3A_1984, %dma_start3A_1985] : memref<4x8x16384xf32, #tpu.memory_space<vmem>> -> memref<1x8x16384xf32, #tpu.memory_space<vmem>>
    %dma_start3A_1987 = tpu.memref_squeeze %dma_start3A_1986 : memref<1x8x16384xf32, #tpu.memory_space<vmem>> -> memref<8x16384xf32, #tpu.memory_space<vmem>>
    %dma_start3A_1988 = arith.constant 192 : i32
    %dma_start3A_1989 = arith.constant 0 : i32
    %dma_start3A_1990 = tpu.memref_slice %arg3[%dma_start3A_1988, %dma_start3A_1989] : memref<256x16384xf32, #tpu.memory_space<any>> -> memref<8x16384xf32, #tpu.memory_space<any>>
    tpu.enqueue_dma source(%dma_start3A_1990 : memref<8x16384xf32, #tpu.memory_space<any>>) target(%dma_start3A_1987 : memref<8x16384xf32, #tpu.memory_space<vmem>>) target_semaphore(%dma_start3A_1983 : memref<!tpu.dma_semaphore, #tpu.memory_space<semaphore_mem>>)
    %dma_wait3A_1991 = arith.constant 1 : i32
    %dma_wait3A_1992 = arith.constant 1 : i32
    %dma_wait3A_1993 = tpu.memref_slice %arg8[%dma_wait3A_1992] : memref<4x!tpu.dma_semaphore, #tpu.memory_space<semaphore_mem>> -> memref<1x!tpu.dma_semaphore, #tpu.memory_space<semaphore_mem>>
    %dma_wait3A_1994 = tpu.memref_squeeze %dma_wait3A_1993 : memref<1x!tpu.dma_semaphore, #tpu.memory_space<semaphore_mem>> -> memref<!tpu.dma_semaphore, #tpu.memory_space<semaphore_mem>>
    %dma_wait3A_1995 = arith.constant 0 : i32
    %dma_wait3A_1996 = arith.constant 0 : i32
    %dma_wait3A_1997 = tpu.memref_slice %arg5[%dma_wait3A_1991, %dma_wait3A_1995, %dma_wait3A_1996] : memref<4x8x16384xf32, #tpu.memory_space<vmem>> -> memref<1x8x16384xf32, #tpu.memory_space<vmem>>
    %dma_wait3A_1998 = tpu.memref_squeeze %dma_wait3A_1997 : memref<1x8x16384xf32, #tpu.memory_space<vmem>> -> memref<8x16384xf32, #tpu.memory_space<vmem>>
    %dma_wait3A_1999 = arith.constant 168 : i32
    %dma_wait3A_2000 = arith.constant 0 : i32
    %dma_wait3A_2001 = tpu.memref_slice %arg2[%dma_wait3A_1999, %dma_wait3A_2000] : memref<256x16384xf32, #tpu.memory_space<any>> -> memref<8x16384xf32, #tpu.memory_space<any>>
    tpu.wait_dma2 semaphore(%dma_wait3A_1994 : memref<!tpu.dma_semaphore, #tpu.memory_space<semaphore_mem>>) src(%dma_wait3A_2001 : memref<8x16384xf32, #tpu.memory_space<any>>) dst(%dma_wait3A_1998 : memref<8x16384xf32, #tpu.memory_space<vmem>>)
    %dma_wait3A_2002 = arith.constant 1 : i32
    %dma_wait3A_2003 = arith.constant 1 : i32
    %dma_wait3A_2004 = tpu.memref_slice %arg9[%dma_wait3A_2003] : memref<4x!tpu.dma_semaphore, #tpu.memory_space<semaphore_mem>> -> memref<1x!tpu.dma_semaphore, #tpu.memory_space<semaphore_mem>>
    %dma_wait3A_2005 = tpu.memref_squeeze %dma_wait3A_2004 : memref<1x!tpu.dma_semaphore, #tpu.memory_space<semaphore_mem>> -> memref<!tpu.dma_semaphore, #tpu.memory_space<semaphore_mem>>
    %dma_wait3A_2006 = arith.constant 0 : i32
    %dma_wait3A_2007 = arith.constant 0 : i32
    %dma_wait3A_2008 = tpu.memref_slice %arg6[%dma_wait3A_2002, %dma_wait3A_2006, %dma_wait3A_2007] : memref<4x8x16384xf32, #tpu.memory_space<vmem>> -> memref<1x8x16384xf32, #tpu.memory_space<vmem>>
    %dma_wait3A_2009 = tpu.memref_squeeze %dma_wait3A_2008 : memref<1x8x16384xf32, #tpu.memory_space<vmem>> -> memref<8x16384xf32, #tpu.memory_space<vmem>>
    %dma_wait3A_2010 = arith.constant 168 : i32
    %dma_wait3A_2011 = arith.constant 0 : i32
    %dma_wait3A_2012 = tpu.memref_slice %arg3[%dma_wait3A_2010, %dma_wait3A_2011] : memref<256x16384xf32, #tpu.memory_space<any>> -> memref<8x16384xf32, #tpu.memory_space<any>>
    tpu.wait_dma2 semaphore(%dma_wait3A_2005 : memref<!tpu.dma_semaphore, #tpu.memory_space<semaphore_mem>>) src(%dma_wait3A_2012 : memref<8x16384xf32, #tpu.memory_space<any>>) dst(%dma_wait3A_2009 : memref<8x16384xf32, #tpu.memory_space<vmem>>)
    %dma_wait3A_2013 = arith.constant 1 : i32
    %dma_wait3A_2014 = arith.constant 1 : i32
    %dma_wait3A_2015 = tpu.memref_slice %arg10[%dma_wait3A_2014] : memref<4x!tpu.dma_semaphore, #tpu.memory_space<semaphore_mem>> -> memref<1x!tpu.dma_semaphore, #tpu.memory_space<semaphore_mem>>
    %dma_wait3A_2016 = tpu.memref_squeeze %dma_wait3A_2015 : memref<1x!tpu.dma_semaphore, #tpu.memory_space<semaphore_mem>> -> memref<!tpu.dma_semaphore, #tpu.memory_space<semaphore_mem>>
    %dma_wait3A_2017 = arith.constant 136 : i32
    %dma_wait3A_2018 = arith.constant 0 : i32
    %dma_wait3A_2019 = tpu.memref_slice %arg4[%dma_wait3A_2017, %dma_wait3A_2018] : memref<256x16384xf32, #tpu.memory_space<any>> -> memref<8x16384xf32, #tpu.memory_space<any>>
    %dma_wait3A_2020 = arith.constant 0 : i32
    %dma_wait3A_2021 = arith.constant 0 : i32
    %dma_wait3A_2022 = tpu.memref_slice %arg7[%dma_wait3A_2013, %dma_wait3A_2020, %dma_wait3A_2021] : memref<4x8x16384xf32, #tpu.memory_space<vmem>> -> memref<1x8x16384xf32, #tpu.memory_space<vmem>>
    %dma_wait3A_2023 = tpu.memref_squeeze %dma_wait3A_2022 : memref<1x8x16384xf32, #tpu.memory_space<vmem>> -> memref<8x16384xf32, #tpu.memory_space<vmem>>
    tpu.wait_dma2 semaphore(%dma_wait3A_2016 : memref<!tpu.dma_semaphore, #tpu.memory_space<semaphore_mem>>) src(%dma_wait3A_2023 : memref<8x16384xf32, #tpu.memory_space<vmem>>) dst(%dma_wait3A_2019 : memref<8x16384xf32, #tpu.memory_space<any>>)
    %get3A_2024 = arith.constant 168 : index
    %get3A_2025 = arith.constant 0 : index
    %get3A_2026 = vector.load %arg0[%get3A_2024, %get3A_2025] : memref<256x1xf32, #tpu.memory_space<vmem>>, vector<8x1xf32>
    %get3A_2027 = arith.constant 168 : index
    %get3A_2028 = arith.constant 0 : index
    %get3A_2029 = vector.load %arg1[%get3A_2027, %get3A_2028] : memref<256x1xf32, #tpu.memory_space<vmem>>, vector<8x1xf32>
    %get3A_2030 = arith.constant 1 : index
    %get3A_2031 = arith.constant 0 : index
    %get3A_2032 = arith.constant 0 : index
    %get3A_2033 = vector.load %arg5[%get3A_2030, %get3A_2031, %get3A_2032] : memref<4x8x16384xf32, #tpu.memory_space<vmem>>, vector<1x8x16384xf32>
    %get3A_2034 = vector.shape_cast %get3A_2033 : vector<1x8x16384xf32> to vector<8x16384xf32>
    %mul3A_2035 = vector.broadcast %get3A_2026 : vector<8x1xf32> to vector<8x16384xf32>
    %mul3A_2036 = arith.mulf %mul3A_2035, %get3A_2034 : vector<8x16384xf32>
    %get3A_2037 = arith.constant 1 : index
    %get3A_2038 = arith.constant 0 : index
    %get3A_2039 = arith.constant 0 : index
    %get3A_2040 = vector.load %arg6[%get3A_2037, %get3A_2038, %get3A_2039] : memref<4x8x16384xf32, #tpu.memory_space<vmem>>, vector<1x8x16384xf32>
    %get3A_2041 = vector.shape_cast %get3A_2040 : vector<1x8x16384xf32> to vector<8x16384xf32>
    %mul3A_2042 = vector.broadcast %get3A_2029 : vector<8x1xf32> to vector<8x16384xf32>
    %mul3A_2043 = arith.mulf %mul3A_2042, %get3A_2041 : vector<8x16384xf32>
    %add3A_2044 = arith.addf %mul3A_2036, %mul3A_2043 : vector<8x16384xf32>
    %swap3A_2045 = arith.constant 1 : index
    %swap3A_2046 = arith.constant 0 : index
    %swap3A_2047 = arith.constant 0 : index
    %swap3A_2048 = vector.load %arg7[%swap3A_2045, %swap3A_2046, %swap3A_2047] : memref<4x8x16384xf32, #tpu.memory_space<vmem>>, vector<1x8x16384xf32>
    %swap3A_2049 = vector.shape_cast %swap3A_2048 : vector<1x8x16384xf32> to vector<8x16384xf32>
    %swap3A_2050 = vector.shape_cast %add3A_2044 : vector<8x16384xf32> to vector<1x8x16384xf32>
    tpu.vector_store %arg7[%swap3A_2045, %swap3A_2046, %swap3A_2047], %swap3A_2050 {strides = array<i32>} : memref<4x8x16384xf32, #tpu.memory_space<vmem>>, vector<1x8x16384xf32>,
    %dma_start3A_2051 = arith.constant 1 : i32
    %dma_start3A_2052 = arith.constant 1 : i32
    %dma_start3A_2053 = tpu.memref_slice %arg10[%dma_start3A_2052] : memref<4x!tpu.dma_semaphore, #tpu.memory_space<semaphore_mem>> -> memref<1x!tpu.dma_semaphore, #tpu.memory_space<semaphore_mem>>
    %dma_start3A_2054 = tpu.memref_squeeze %dma_start3A_2053 : memref<1x!tpu.dma_semaphore, #tpu.memory_space<semaphore_mem>> -> memref<!tpu.dma_semaphore, #tpu.memory_space<semaphore_mem>>
    %dma_start3A_2055 = arith.constant 168 : i32
    %dma_start3A_2056 = arith.constant 0 : i32
    %dma_start3A_2057 = tpu.memref_slice %arg4[%dma_start3A_2055, %dma_start3A_2056] : memref<256x16384xf32, #tpu.memory_space<any>> -> memref<8x16384xf32, #tpu.memory_space<any>>
    %dma_start3A_2058 = arith.constant 0 : i32
    %dma_start3A_2059 = arith.constant 0 : i32
    %dma_start3A_2060 = tpu.memref_slice %arg7[%dma_start3A_2051, %dma_start3A_2058, %dma_start3A_2059] : memref<4x8x16384xf32, #tpu.memory_space<vmem>> -> memref<1x8x16384xf32, #tpu.memory_space<vmem>>
    %dma_start3A_2061 = tpu.memref_squeeze %dma_start3A_2060 : memref<1x8x16384xf32, #tpu.memory_space<vmem>> -> memref<8x16384xf32, #tpu.memory_space<vmem>>
    tpu.enqueue_dma source(%dma_start3A_2061 : memref<8x16384xf32, #tpu.memory_space<vmem>>) target(%dma_start3A_2057 : memref<8x16384xf32, #tpu.memory_space<any>>) target_semaphore(%dma_start3A_2054 : memref<!tpu.dma_semaphore, #tpu.memory_space<semaphore_mem>>)
    %dma_start3A_2062 = arith.constant 1 : i32
    %dma_start3A_2063 = arith.constant 1 : i32
    %dma_start3A_2064 = tpu.memref_slice %arg8[%dma_start3A_2063] : memref<4x!tpu.dma_semaphore, #tpu.memory_space<semaphore_mem>> -> memref<1x!tpu.dma_semaphore, #tpu.memory_space<semaphore_mem>>
    %dma_start3A_2065 = tpu.memref_squeeze %dma_start3A_2064 : memref<1x!tpu.dma_semaphore, #tpu.memory_space<semaphore_mem>> -> memref<!tpu.dma_semaphore, #tpu.memory_space<semaphore_mem>>
    %dma_start3A_2066 = arith.constant 0 : i32
    %dma_start3A_2067 = arith.constant 0 : i32
    %dma_start3A_2068 = tpu.memref_slice %arg5[%dma_start3A_2062, %dma_start3A_2066, %dma_start3A_2067] : memref<4x8x16384xf32, #tpu.memory_space<vmem>> -> memref<1x8x16384xf32, #tpu.memory_space<vmem>>
    %dma_start3A_2069 = tpu.memref_squeeze %dma_start3A_2068 : memref<1x8x16384xf32, #tpu.memory_space<vmem>> -> memref<8x16384xf32, #tpu.memory_space<vmem>>
    %dma_start3A_2070 = arith.constant 200 : i32
    %dma_start3A_2071 = arith.constant 0 : i32
    %dma_start3A_2072 = tpu.memref_slice %arg2[%dma_start3A_2070, %dma_start3A_2071] : memref<256x16384xf32, #tpu.memory_space<any>> -> memref<8x16384xf32, #tpu.memory_space<any>>
    tpu.enqueue_dma source(%dma_start3A_2072 : memref<8x16384xf32, #tpu.memory_space<any>>) target(%dma_start3A_2069 : memref<8x16384xf32, #tpu.memory_space<vmem>>) target_semaphore(%dma_start3A_2065 : memref<!tpu.dma_semaphore, #tpu.memory_space<semaphore_mem>>)
    %dma_start3A_2073 = arith.constant 1 : i32
    %dma_start3A_2074 = arith.constant 1 : i32
    %dma_start3A_2075 = tpu.memref_slice %arg9[%dma_start3A_2074] : memref<4x!tpu.dma_semaphore, #tpu.memory_space<semaphore_mem>> -> memref<1x!tpu.dma_semaphore, #tpu.memory_space<semaphore_mem>>
    %dma_start3A_2076 = tpu.memref_squeeze %dma_start3A_2075 : memref<1x!tpu.dma_semaphore, #tpu.memory_space<semaphore_mem>> -> memref<!tpu.dma_semaphore, #tpu.memory_space<semaphore_mem>>
    %dma_start3A_2077 = arith.constant 0 : i32
    %dma_start3A_2078 = arith.constant 0 : i32
    %dma_start3A_2079 = tpu.memref_slice %arg6[%dma_start3A_2073, %dma_start3A_2077, %dma_start3A_2078] : memref<4x8x16384xf32, #tpu.memory_space<vmem>> -> memref<1x8x16384xf32, #tpu.memory_space<vmem>>
    %dma_start3A_2080 = tpu.memref_squeeze %dma_start3A_2079 : memref<1x8x16384xf32, #tpu.memory_space<vmem>> -> memref<8x16384xf32, #tpu.memory_space<vmem>>
    %dma_start3A_2081 = arith.constant 200 : i32
    %dma_start3A_2082 = arith.constant 0 : i32
    %dma_start3A_2083 = tpu.memref_slice %arg3[%dma_start3A_2081, %dma_start3A_2082] : memref<256x16384xf32, #tpu.memory_space<any>> -> memref<8x16384xf32, #tpu.memory_space<any>>
    tpu.enqueue_dma source(%dma_start3A_2083 : memref<8x16384xf32, #tpu.memory_space<any>>) target(%dma_start3A_2080 : memref<8x16384xf32, #tpu.memory_space<vmem>>) target_semaphore(%dma_start3A_2076 : memref<!tpu.dma_semaphore, #tpu.memory_space<semaphore_mem>>)
    %dma_wait3A_2084 = arith.constant 2 : i32
    %dma_wait3A_2085 = arith.constant 2 : i32
    %dma_wait3A_2086 = tpu.memref_slice %arg8[%dma_wait3A_2085] : memref<4x!tpu.dma_semaphore, #tpu.memory_space<semaphore_mem>> -> memref<1x!tpu.dma_semaphore, #tpu.memory_space<semaphore_mem>>
    %dma_wait3A_2087 = tpu.memref_squeeze %dma_wait3A_2086 : memref<1x!tpu.dma_semaphore, #tpu.memory_space<semaphore_mem>> -> memref<!tpu.dma_semaphore, #tpu.memory_space<semaphore_mem>>
    %dma_wait3A_2088 = arith.constant 0 : i32
    %dma_wait3A_2089 = arith.constant 0 : i32
    %dma_wait3A_2090 = tpu.memref_slice %arg5[%dma_wait3A_2084, %dma_wait3A_2088, %dma_wait3A_2089] : memref<4x8x16384xf32, #tpu.memory_space<vmem>> -> memref<1x8x16384xf32, #tpu.memory_space<vmem>>
    %dma_wait3A_2091 = tpu.memref_squeeze %dma_wait3A_2090 : memref<1x8x16384xf32, #tpu.memory_space<vmem>> -> memref<8x16384xf32, #tpu.memory_space<vmem>>
    %dma_wait3A_2092 = arith.constant 176 : i32
    %dma_wait3A_2093 = arith.constant 0 : i32
    %dma_wait3A_2094 = tpu.memref_slice %arg2[%dma_wait3A_2092, %dma_wait3A_2093] : memref<256x16384xf32, #tpu.memory_space<any>> -> memref<8x16384xf32, #tpu.memory_space<any>>
    tpu.wait_dma2 semaphore(%dma_wait3A_2087 : memref<!tpu.dma_semaphore, #tpu.memory_space<semaphore_mem>>) src(%dma_wait3A_2094 : memref<8x16384xf32, #tpu.memory_space<any>>) dst(%dma_wait3A_2091 : memref<8x16384xf32, #tpu.memory_space<vmem>>)
    %dma_wait3A_2095 = arith.constant 2 : i32
    %dma_wait3A_2096 = arith.constant 2 : i32
    %dma_wait3A_2097 = tpu.memref_slice %arg9[%dma_wait3A_2096] : memref<4x!tpu.dma_semaphore, #tpu.memory_space<semaphore_mem>> -> memref<1x!tpu.dma_semaphore, #tpu.memory_space<semaphore_mem>>
    %dma_wait3A_2098 = tpu.memref_squeeze %dma_wait3A_2097 : memref<1x!tpu.dma_semaphore, #tpu.memory_space<semaphore_mem>> -> memref<!tpu.dma_semaphore, #tpu.memory_space<semaphore_mem>>
    %dma_wait3A_2099 = arith.constant 0 : i32
    %dma_wait3A_2100 = arith.constant 0 : i32
    %dma_wait3A_2101 = tpu.memref_slice %arg6[%dma_wait3A_2095, %dma_wait3A_2099, %dma_wait3A_2100] : memref<4x8x16384xf32, #tpu.memory_space<vmem>> -> memref<1x8x16384xf32, #tpu.memory_space<vmem>>
    %dma_wait3A_2102 = tpu.memref_squeeze %dma_wait3A_2101 : memref<1x8x16384xf32, #tpu.memory_space<vmem>> -> memref<8x16384xf32, #tpu.memory_space<vmem>>
    %dma_wait3A_2103 = arith.constant 176 : i32
    %dma_wait3A_2104 = arith.constant 0 : i32
    %dma_wait3A_2105 = tpu.memref_slice %arg3[%dma_wait3A_2103, %dma_wait3A_2104] : memref<256x16384xf32, #tpu.memory_space<any>> -> memref<8x16384xf32, #tpu.memory_space<any>>
    tpu.wait_dma2 semaphore(%dma_wait3A_2098 : memref<!tpu.dma_semaphore, #tpu.memory_space<semaphore_mem>>) src(%dma_wait3A_2105 : memref<8x16384xf32, #tpu.memory_space<any>>) dst(%dma_wait3A_2102 : memref<8x16384xf32, #tpu.memory_space<vmem>>)
    %dma_wait3A_2106 = arith.constant 2 : i32
    %dma_wait3A_2107 = arith.constant 2 : i32
    %dma_wait3A_2108 = tpu.memref_slice %arg10[%dma_wait3A_2107] : memref<4x!tpu.dma_semaphore, #tpu.memory_space<semaphore_mem>> -> memref<1x!tpu.dma_semaphore, #tpu.memory_space<semaphore_mem>>
    %dma_wait3A_2109 = tpu.memref_squeeze %dma_wait3A_2108 : memref<1x!tpu.dma_semaphore, #tpu.memory_space<semaphore_mem>> -> memref<!tpu.dma_semaphore, #tpu.memory_space<semaphore_mem>>
    %dma_wait3A_2110 = arith.constant 144 : i32
    %dma_wait3A_2111 = arith.constant 0 : i32
    %dma_wait3A_2112 = tpu.memref_slice %arg4[%dma_wait3A_2110, %dma_wait3A_2111] : memref<256x16384xf32, #tpu.memory_space<any>> -> memref<8x16384xf32, #tpu.memory_space<any>>
    %dma_wait3A_2113 = arith.constant 0 : i32
    %dma_wait3A_2114 = arith.constant 0 : i32
    %dma_wait3A_2115 = tpu.memref_slice %arg7[%dma_wait3A_2106, %dma_wait3A_2113, %dma_wait3A_2114] : memref<4x8x16384xf32, #tpu.memory_space<vmem>> -> memref<1x8x16384xf32, #tpu.memory_space<vmem>>
    %dma_wait3A_2116 = tpu.memref_squeeze %dma_wait3A_2115 : memref<1x8x16384xf32, #tpu.memory_space<vmem>> -> memref<8x16384xf32, #tpu.memory_space<vmem>>
    tpu.wait_dma2 semaphore(%dma_wait3A_2109 : memref<!tpu.dma_semaphore, #tpu.memory_space<semaphore_mem>>) src(%dma_wait3A_2116 : memref<8x16384xf32, #tpu.memory_space<vmem>>) dst(%dma_wait3A_2112 : memref<8x16384xf32, #tpu.memory_space<any>>)
    %get3A_2117 = arith.constant 176 : index
    %get3A_2118 = arith.constant 0 : index
    %get3A_2119 = vector.load %arg0[%get3A_2117, %get3A_2118] : memref<256x1xf32, #tpu.memory_space<vmem>>, vector<8x1xf32>
    %get3A_2120 = arith.constant 176 : index
    %get3A_2121 = arith.constant 0 : index
    %get3A_2122 = vector.load %arg1[%get3A_2120, %get3A_2121] : memref<256x1xf32, #tpu.memory_space<vmem>>, vector<8x1xf32>
    %get3A_2123 = arith.constant 2 : index
    %get3A_2124 = arith.constant 0 : index
    %get3A_2125 = arith.constant 0 : index
    %get3A_2126 = vector.load %arg5[%get3A_2123, %get3A_2124, %get3A_2125] : memref<4x8x16384xf32, #tpu.memory_space<vmem>>, vector<1x8x16384xf32>
    %get3A_2127 = vector.shape_cast %get3A_2126 : vector<1x8x16384xf32> to vector<8x16384xf32>
    %mul3A_2128 = vector.broadcast %get3A_2119 : vector<8x1xf32> to vector<8x16384xf32>
    %mul3A_2129 = arith.mulf %mul3A_2128, %get3A_2127 : vector<8x16384xf32>
    %get3A_2130 = arith.constant 2 : index
    %get3A_2131 = arith.constant 0 : index
    %get3A_2132 = arith.constant 0 : index
    %get3A_2133 = vector.load %arg6[%get3A_2130, %get3A_2131, %get3A_2132] : memref<4x8x16384xf32, #tpu.memory_space<vmem>>, vector<1x8x16384xf32>
    %get3A_2134 = vector.shape_cast %get3A_2133 : vector<1x8x16384xf32> to vector<8x16384xf32>
    %mul3A_2135 = vector.broadcast %get3A_2122 : vector<8x1xf32> to vector<8x16384xf32>
    %mul3A_2136 = arith.mulf %mul3A_2135, %get3A_2134 : vector<8x16384xf32>
    %add3A_2137 = arith.addf %mul3A_2129, %mul3A_2136 : vector<8x16384xf32>
    %swap3A_2138 = arith.constant 2 : index
    %swap3A_2139 = arith.constant 0 : index
    %swap3A_2140 = arith.constant 0 : index
    %swap3A_2141 = vector.load %arg7[%swap3A_2138, %swap3A_2139, %swap3A_2140] : memref<4x8x16384xf32, #tpu.memory_space<vmem>>, vector<1x8x16384xf32>
    %swap3A_2142 = vector.shape_cast %swap3A_2141 : vector<1x8x16384xf32> to vector<8x16384xf32>
    %swap3A_2143 = vector.shape_cast %add3A_2137 : vector<8x16384xf32> to vector<1x8x16384xf32>
    tpu.vector_store %arg7[%swap3A_2138, %swap3A_2139, %swap3A_2140], %swap3A_2143 {strides = array<i32>} : memref<4x8x16384xf32, #tpu.memory_space<vmem>>, vector<1x8x16384xf32>,
    %dma_start3A_2144 = arith.constant 2 : i32
    %dma_start3A_2145 = arith.constant 2 : i32
    %dma_start3A_2146 = tpu.memref_slice %arg10[%dma_start3A_2145] : memref<4x!tpu.dma_semaphore, #tpu.memory_space<semaphore_mem>> -> memref<1x!tpu.dma_semaphore, #tpu.memory_space<semaphore_mem>>
    %dma_start3A_2147 = tpu.memref_squeeze %dma_start3A_2146 : memref<1x!tpu.dma_semaphore, #tpu.memory_space<semaphore_mem>> -> memref<!tpu.dma_semaphore, #tpu.memory_space<semaphore_mem>>
    %dma_start3A_2148 = arith.constant 176 : i32
    %dma_start3A_2149 = arith.constant 0 : i32
    %dma_start3A_2150 = tpu.memref_slice %arg4[%dma_start3A_2148, %dma_start3A_2149] : memref<256x16384xf32, #tpu.memory_space<any>> -> memref<8x16384xf32, #tpu.memory_space<any>>
    %dma_start3A_2151 = arith.constant 0 : i32
    %dma_start3A_2152 = arith.constant 0 : i32
    %dma_start3A_2153 = tpu.memref_slice %arg7[%dma_start3A_2144, %dma_start3A_2151, %dma_start3A_2152] : memref<4x8x16384xf32, #tpu.memory_space<vmem>> -> memref<1x8x16384xf32, #tpu.memory_space<vmem>>
    %dma_start3A_2154 = tpu.memref_squeeze %dma_start3A_2153 : memref<1x8x16384xf32, #tpu.memory_space<vmem>> -> memref<8x16384xf32, #tpu.memory_space<vmem>>
    tpu.enqueue_dma source(%dma_start3A_2154 : memref<8x16384xf32, #tpu.memory_space<vmem>>) target(%dma_start3A_2150 : memref<8x16384xf32, #tpu.memory_space<any>>) target_semaphore(%dma_start3A_2147 : memref<!tpu.dma_semaphore, #tpu.memory_space<semaphore_mem>>)
    %dma_start3A_2155 = arith.constant 2 : i32
    %dma_start3A_2156 = arith.constant 2 : i32
    %dma_start3A_2157 = tpu.memref_slice %arg8[%dma_start3A_2156] : memref<4x!tpu.dma_semaphore, #tpu.memory_space<semaphore_mem>> -> memref<1x!tpu.dma_semaphore, #tpu.memory_space<semaphore_mem>>
    %dma_start3A_2158 = tpu.memref_squeeze %dma_start3A_2157 : memref<1x!tpu.dma_semaphore, #tpu.memory_space<semaphore_mem>> -> memref<!tpu.dma_semaphore, #tpu.memory_space<semaphore_mem>>
    %dma_start3A_2159 = arith.constant 0 : i32
    %dma_start3A_2160 = arith.constant 0 : i32
    %dma_start3A_2161 = tpu.memref_slice %arg5[%dma_start3A_2155, %dma_start3A_2159, %dma_start3A_2160] : memref<4x8x16384xf32, #tpu.memory_space<vmem>> -> memref<1x8x16384xf32, #tpu.memory_space<vmem>>
    %dma_start3A_2162 = tpu.memref_squeeze %dma_start3A_2161 : memref<1x8x16384xf32, #tpu.memory_space<vmem>> -> memref<8x16384xf32, #tpu.memory_space<vmem>>
    %dma_start3A_2163 = arith.constant 208 : i32
    %dma_start3A_2164 = arith.constant 0 : i32
    %dma_start3A_2165 = tpu.memref_slice %arg2[%dma_start3A_2163, %dma_start3A_2164] : memref<256x16384xf32, #tpu.memory_space<any>> -> memref<8x16384xf32, #tpu.memory_space<any>>
    tpu.enqueue_dma source(%dma_start3A_2165 : memref<8x16384xf32, #tpu.memory_space<any>>) target(%dma_start3A_2162 : memref<8x16384xf32, #tpu.memory_space<vmem>>) target_semaphore(%dma_start3A_2158 : memref<!tpu.dma_semaphore, #tpu.memory_space<semaphore_mem>>)
    %dma_start3A_2166 = arith.constant 2 : i32
    %dma_start3A_2167 = arith.constant 2 : i32
    %dma_start3A_2168 = tpu.memref_slice %arg9[%dma_start3A_2167] : memref<4x!tpu.dma_semaphore, #tpu.memory_space<semaphore_mem>> -> memref<1x!tpu.dma_semaphore, #tpu.memory_space<semaphore_mem>>
    %dma_start3A_2169 = tpu.memref_squeeze %dma_start3A_2168 : memref<1x!tpu.dma_semaphore, #tpu.memory_space<semaphore_mem>> -> memref<!tpu.dma_semaphore, #tpu.memory_space<semaphore_mem>>
    %dma_start3A_2170 = arith.constant 0 : i32
    %dma_start3A_2171 = arith.constant 0 : i32
    %dma_start3A_2172 = tpu.memref_slice %arg6[%dma_start3A_2166, %dma_start3A_2170, %dma_start3A_2171] : memref<4x8x16384xf32, #tpu.memory_space<vmem>> -> memref<1x8x16384xf32, #tpu.memory_space<vmem>>
    %dma_start3A_2173 = tpu.memref_squeeze %dma_start3A_2172 : memref<1x8x16384xf32, #tpu.memory_space<vmem>> -> memref<8x16384xf32, #tpu.memory_space<vmem>>
    %dma_start3A_2174 = arith.constant 208 : i32
    %dma_start3A_2175 = arith.constant 0 : i32
    %dma_start3A_2176 = tpu.memref_slice %arg3[%dma_start3A_2174, %dma_start3A_2175] : memref<256x16384xf32, #tpu.memory_space<any>> -> memref<8x16384xf32, #tpu.memory_space<any>>
    tpu.enqueue_dma source(%dma_start3A_2176 : memref<8x16384xf32, #tpu.memory_space<any>>) target(%dma_start3A_2173 : memref<8x16384xf32, #tpu.memory_space<vmem>>) target_semaphore(%dma_start3A_2169 : memref<!tpu.dma_semaphore, #tpu.memory_space<semaphore_mem>>)
    %dma_wait3A_2177 = arith.constant 3 : i32
    %dma_wait3A_2178 = arith.constant 3 : i32
    %dma_wait3A_2179 = tpu.memref_slice %arg8[%dma_wait3A_2178] : memref<4x!tpu.dma_semaphore, #tpu.memory_space<semaphore_mem>> -> memref<1x!tpu.dma_semaphore, #tpu.memory_space<semaphore_mem>>
    %dma_wait3A_2180 = tpu.memref_squeeze %dma_wait3A_2179 : memref<1x!tpu.dma_semaphore, #tpu.memory_space<semaphore_mem>> -> memref<!tpu.dma_semaphore, #tpu.memory_space<semaphore_mem>>
    %dma_wait3A_2181 = arith.constant 0 : i32
    %dma_wait3A_2182 = arith.constant 0 : i32
    %dma_wait3A_2183 = tpu.memref_slice %arg5[%dma_wait3A_2177, %dma_wait3A_2181, %dma_wait3A_2182] : memref<4x8x16384xf32, #tpu.memory_space<vmem>> -> memref<1x8x16384xf32, #tpu.memory_space<vmem>>
    %dma_wait3A_2184 = tpu.memref_squeeze %dma_wait3A_2183 : memref<1x8x16384xf32, #tpu.memory_space<vmem>> -> memref<8x16384xf32, #tpu.memory_space<vmem>>
    %dma_wait3A_2185 = arith.constant 184 : i32
    %dma_wait3A_2186 = arith.constant 0 : i32
    %dma_wait3A_2187 = tpu.memref_slice %arg2[%dma_wait3A_2185, %dma_wait3A_2186] : memref<256x16384xf32, #tpu.memory_space<any>> -> memref<8x16384xf32, #tpu.memory_space<any>>
    tpu.wait_dma2 semaphore(%dma_wait3A_2180 : memref<!tpu.dma_semaphore, #tpu.memory_space<semaphore_mem>>) src(%dma_wait3A_2187 : memref<8x16384xf32, #tpu.memory_space<any>>) dst(%dma_wait3A_2184 : memref<8x16384xf32, #tpu.memory_space<vmem>>)
    %dma_wait3A_2188 = arith.constant 3 : i32
    %dma_wait3A_2189 = arith.constant 3 : i32
    %dma_wait3A_2190 = tpu.memref_slice %arg9[%dma_wait3A_2189] : memref<4x!tpu.dma_semaphore, #tpu.memory_space<semaphore_mem>> -> memref<1x!tpu.dma_semaphore, #tpu.memory_space<semaphore_mem>>
    %dma_wait3A_2191 = tpu.memref_squeeze %dma_wait3A_2190 : memref<1x!tpu.dma_semaphore, #tpu.memory_space<semaphore_mem>> -> memref<!tpu.dma_semaphore, #tpu.memory_space<semaphore_mem>>
    %dma_wait3A_2192 = arith.constant 0 : i32
    %dma_wait3A_2193 = arith.constant 0 : i32
    %dma_wait3A_2194 = tpu.memref_slice %arg6[%dma_wait3A_2188, %dma_wait3A_2192, %dma_wait3A_2193] : memref<4x8x16384xf32, #tpu.memory_space<vmem>> -> memref<1x8x16384xf32, #tpu.memory_space<vmem>>
    %dma_wait3A_2195 = tpu.memref_squeeze %dma_wait3A_2194 : memref<1x8x16384xf32, #tpu.memory_space<vmem>> -> memref<8x16384xf32, #tpu.memory_space<vmem>>
    %dma_wait3A_2196 = arith.constant 184 : i32
    %dma_wait3A_2197 = arith.constant 0 : i32
    %dma_wait3A_2198 = tpu.memref_slice %arg3[%dma_wait3A_2196, %dma_wait3A_2197] : memref<256x16384xf32, #tpu.memory_space<any>> -> memref<8x16384xf32, #tpu.memory_space<any>>
    tpu.wait_dma2 semaphore(%dma_wait3A_2191 : memref<!tpu.dma_semaphore, #tpu.memory_space<semaphore_mem>>) src(%dma_wait3A_2198 : memref<8x16384xf32, #tpu.memory_space<any>>) dst(%dma_wait3A_2195 : memref<8x16384xf32, #tpu.memory_space<vmem>>)
    %dma_wait3A_2199 = arith.constant 3 : i32
    %dma_wait3A_2200 = arith.constant 3 : i32
    %dma_wait3A_2201 = tpu.memref_slice %arg10[%dma_wait3A_2200] : memref<4x!tpu.dma_semaphore, #tpu.memory_space<semaphore_mem>> -> memref<1x!tpu.dma_semaphore, #tpu.memory_space<semaphore_mem>>
    %dma_wait3A_2202 = tpu.memref_squeeze %dma_wait3A_2201 : memref<1x!tpu.dma_semaphore, #tpu.memory_space<semaphore_mem>> -> memref<!tpu.dma_semaphore, #tpu.memory_space<semaphore_mem>>
    %dma_wait3A_2203 = arith.constant 152 : i32
    %dma_wait3A_2204 = arith.constant 0 : i32
    %dma_wait3A_2205 = tpu.memref_slice %arg4[%dma_wait3A_2203, %dma_wait3A_2204] : memref<256x16384xf32, #tpu.memory_space<any>> -> memref<8x16384xf32, #tpu.memory_space<any>>
    %dma_wait3A_2206 = arith.constant 0 : i32
    %dma_wait3A_2207 = arith.constant 0 : i32
    %dma_wait3A_2208 = tpu.memref_slice %arg7[%dma_wait3A_2199, %dma_wait3A_2206, %dma_wait3A_2207] : memref<4x8x16384xf32, #tpu.memory_space<vmem>> -> memref<1x8x16384xf32, #tpu.memory_space<vmem>>
    %dma_wait3A_2209 = tpu.memref_squeeze %dma_wait3A_2208 : memref<1x8x16384xf32, #tpu.memory_space<vmem>> -> memref<8x16384xf32, #tpu.memory_space<vmem>>
    tpu.wait_dma2 semaphore(%dma_wait3A_2202 : memref<!tpu.dma_semaphore, #tpu.memory_space<semaphore_mem>>) src(%dma_wait3A_2209 : memref<8x16384xf32, #tpu.memory_space<vmem>>) dst(%dma_wait3A_2205 : memref<8x16384xf32, #tpu.memory_space<any>>)
    %get3A_2210 = arith.constant 184 : index
    %get3A_2211 = arith.constant 0 : index
    %get3A_2212 = vector.load %arg0[%get3A_2210, %get3A_2211] : memref<256x1xf32, #tpu.memory_space<vmem>>, vector<8x1xf32>
    %get3A_2213 = arith.constant 184 : index
    %get3A_2214 = arith.constant 0 : index
    %get3A_2215 = vector.load %arg1[%get3A_2213, %get3A_2214] : memref<256x1xf32, #tpu.memory_space<vmem>>, vector<8x1xf32>
    %get3A_2216 = arith.constant 3 : index
    %get3A_2217 = arith.constant 0 : index
    %get3A_2218 = arith.constant 0 : index
    %get3A_2219 = vector.load %arg5[%get3A_2216, %get3A_2217, %get3A_2218] : memref<4x8x16384xf32, #tpu.memory_space<vmem>>, vector<1x8x16384xf32>
    %get3A_2220 = vector.shape_cast %get3A_2219 : vector<1x8x16384xf32> to vector<8x16384xf32>
    %mul3A_2221 = vector.broadcast %get3A_2212 : vector<8x1xf32> to vector<8x16384xf32>
    %mul3A_2222 = arith.mulf %mul3A_2221, %get3A_2220 : vector<8x16384xf32>
    %get3A_2223 = arith.constant 3 : index
    %get3A_2224 = arith.constant 0 : index
    %get3A_2225 = arith.constant 0 : index
    %get3A_2226 = vector.load %arg6[%get3A_2223, %get3A_2224, %get3A_2225] : memref<4x8x16384xf32, #tpu.memory_space<vmem>>, vector<1x8x16384xf32>
    %get3A_2227 = vector.shape_cast %get3A_2226 : vector<1x8x16384xf32> to vector<8x16384xf32>
    %mul3A_2228 = vector.broadcast %get3A_2215 : vector<8x1xf32> to vector<8x16384xf32>
    %mul3A_2229 = arith.mulf %mul3A_2228, %get3A_2227 : vector<8x16384xf32>
    %add3A_2230 = arith.addf %mul3A_2222, %mul3A_2229 : vector<8x16384xf32>
    %swap3A_2231 = arith.constant 3 : index
    %swap3A_2232 = arith.constant 0 : index
    %swap3A_2233 = arith.constant 0 : index
    %swap3A_2234 = vector.load %arg7[%swap3A_2231, %swap3A_2232, %swap3A_2233] : memref<4x8x16384xf32, #tpu.memory_space<vmem>>, vector<1x8x16384xf32>
    %swap3A_2235 = vector.shape_cast %swap3A_2234 : vector<1x8x16384xf32> to vector<8x16384xf32>
    %swap3A_2236 = vector.shape_cast %add3A_2230 : vector<8x16384xf32> to vector<1x8x16384xf32>
    tpu.vector_store %arg7[%swap3A_2231, %swap3A_2232, %swap3A_2233], %swap3A_2236 {strides = array<i32>} : memref<4x8x16384xf32, #tpu.memory_space<vmem>>, vector<1x8x16384xf32>,
    %dma_start3A_2237 = arith.constant 3 : i32
    %dma_start3A_2238 = arith.constant 3 : i32
    %dma_start3A_2239 = tpu.memref_slice %arg10[%dma_start3A_2238] : memref<4x!tpu.dma_semaphore, #tpu.memory_space<semaphore_mem>> -> memref<1x!tpu.dma_semaphore, #tpu.memory_space<semaphore_mem>>
    %dma_start3A_2240 = tpu.memref_squeeze %dma_start3A_2239 : memref<1x!tpu.dma_semaphore, #tpu.memory_space<semaphore_mem>> -> memref<!tpu.dma_semaphore, #tpu.memory_space<semaphore_mem>>
    %dma_start3A_2241 = arith.constant 184 : i32
    %dma_start3A_2242 = arith.constant 0 : i32
    %dma_start3A_2243 = tpu.memref_slice %arg4[%dma_start3A_2241, %dma_start3A_2242] : memref<256x16384xf32, #tpu.memory_space<any>> -> memref<8x16384xf32, #tpu.memory_space<any>>
    %dma_start3A_2244 = arith.constant 0 : i32
    %dma_start3A_2245 = arith.constant 0 : i32
    %dma_start3A_2246 = tpu.memref_slice %arg7[%dma_start3A_2237, %dma_start3A_2244, %dma_start3A_2245] : memref<4x8x16384xf32, #tpu.memory_space<vmem>> -> memref<1x8x16384xf32, #tpu.memory_space<vmem>>
    %dma_start3A_2247 = tpu.memref_squeeze %dma_start3A_2246 : memref<1x8x16384xf32, #tpu.memory_space<vmem>> -> memref<8x16384xf32, #tpu.memory_space<vmem>>
    tpu.enqueue_dma source(%dma_start3A_2247 : memref<8x16384xf32, #tpu.memory_space<vmem>>) target(%dma_start3A_2243 : memref<8x16384xf32, #tpu.memory_space<any>>) target_semaphore(%dma_start3A_2240 : memref<!tpu.dma_semaphore, #tpu.memory_space<semaphore_mem>>)
    %dma_start3A_2248 = arith.constant 3 : i32
    %dma_start3A_2249 = arith.constant 3 : i32
    %dma_start3A_2250 = tpu.memref_slice %arg8[%dma_start3A_2249] : memref<4x!tpu.dma_semaphore, #tpu.memory_space<semaphore_mem>> -> memref<1x!tpu.dma_semaphore, #tpu.memory_space<semaphore_mem>>
    %dma_start3A_2251 = tpu.memref_squeeze %dma_start3A_2250 : memref<1x!tpu.dma_semaphore, #tpu.memory_space<semaphore_mem>> -> memref<!tpu.dma_semaphore, #tpu.memory_space<semaphore_mem>>
    %dma_start3A_2252 = arith.constant 0 : i32
    %dma_start3A_2253 = arith.constant 0 : i32
    %dma_start3A_2254 = tpu.memref_slice %arg5[%dma_start3A_2248, %dma_start3A_2252, %dma_start3A_2253] : memref<4x8x16384xf32, #tpu.memory_space<vmem>> -> memref<1x8x16384xf32, #tpu.memory_space<vmem>>
    %dma_start3A_2255 = tpu.memref_squeeze %dma_start3A_2254 : memref<1x8x16384xf32, #tpu.memory_space<vmem>> -> memref<8x16384xf32, #tpu.memory_space<vmem>>
    %dma_start3A_2256 = arith.constant 216 : i32
    %dma_start3A_2257 = arith.constant 0 : i32
    %dma_start3A_2258 = tpu.memref_slice %arg2[%dma_start3A_2256, %dma_start3A_2257] : memref<256x16384xf32, #tpu.memory_space<any>> -> memref<8x16384xf32, #tpu.memory_space<any>>
    tpu.enqueue_dma source(%dma_start3A_2258 : memref<8x16384xf32, #tpu.memory_space<any>>) target(%dma_start3A_2255 : memref<8x16384xf32, #tpu.memory_space<vmem>>) target_semaphore(%dma_start3A_2251 : memref<!tpu.dma_semaphore, #tpu.memory_space<semaphore_mem>>)
    %dma_start3A_2259 = arith.constant 3 : i32
    %dma_start3A_2260 = arith.constant 3 : i32
    %dma_start3A_2261 = tpu.memref_slice %arg9[%dma_start3A_2260] : memref<4x!tpu.dma_semaphore, #tpu.memory_space<semaphore_mem>> -> memref<1x!tpu.dma_semaphore, #tpu.memory_space<semaphore_mem>>
    %dma_start3A_2262 = tpu.memref_squeeze %dma_start3A_2261 : memref<1x!tpu.dma_semaphore, #tpu.memory_space<semaphore_mem>> -> memref<!tpu.dma_semaphore, #tpu.memory_space<semaphore_mem>>
    %dma_start3A_2263 = arith.constant 0 : i32
    %dma_start3A_2264 = arith.constant 0 : i32
    %dma_start3A_2265 = tpu.memref_slice %arg6[%dma_start3A_2259, %dma_start3A_2263, %dma_start3A_2264] : memref<4x8x16384xf32, #tpu.memory_space<vmem>> -> memref<1x8x16384xf32, #tpu.memory_space<vmem>>
    %dma_start3A_2266 = tpu.memref_squeeze %dma_start3A_2265 : memref<1x8x16384xf32, #tpu.memory_space<vmem>> -> memref<8x16384xf32, #tpu.memory_space<vmem>>
    %dma_start3A_2267 = arith.constant 216 : i32
    %dma_start3A_2268 = arith.constant 0 : i32
    %dma_start3A_2269 = tpu.memref_slice %arg3[%dma_start3A_2267, %dma_start3A_2268] : memref<256x16384xf32, #tpu.memory_space<any>> -> memref<8x16384xf32, #tpu.memory_space<any>>
    tpu.enqueue_dma source(%dma_start3A_2269 : memref<8x16384xf32, #tpu.memory_space<any>>) target(%dma_start3A_2266 : memref<8x16384xf32, #tpu.memory_space<vmem>>) target_semaphore(%dma_start3A_2262 : memref<!tpu.dma_semaphore, #tpu.memory_space<semaphore_mem>>)
    %dma_wait3A_2270 = arith.constant 0 : i32
    %dma_wait3A_2271 = arith.constant 0 : i32
    %dma_wait3A_2272 = tpu.memref_slice %arg8[%dma_wait3A_2271] : memref<4x!tpu.dma_semaphore, #tpu.memory_space<semaphore_mem>> -> memref<1x!tpu.dma_semaphore, #tpu.memory_space<semaphore_mem>>
    %dma_wait3A_2273 = tpu.memref_squeeze %dma_wait3A_2272 : memref<1x!tpu.dma_semaphore, #tpu.memory_space<semaphore_mem>> -> memref<!tpu.dma_semaphore, #tpu.memory_space<semaphore_mem>>
    %dma_wait3A_2274 = arith.constant 0 : i32
    %dma_wait3A_2275 = arith.constant 0 : i32
    %dma_wait3A_2276 = tpu.memref_slice %arg5[%dma_wait3A_2270, %dma_wait3A_2274, %dma_wait3A_2275] : memref<4x8x16384xf32, #tpu.memory_space<vmem>> -> memref<1x8x16384xf32, #tpu.memory_space<vmem>>
    %dma_wait3A_2277 = tpu.memref_squeeze %dma_wait3A_2276 : memref<1x8x16384xf32, #tpu.memory_space<vmem>> -> memref<8x16384xf32, #tpu.memory_space<vmem>>
    %dma_wait3A_2278 = arith.constant 192 : i32
    %dma_wait3A_2279 = arith.constant 0 : i32
    %dma_wait3A_2280 = tpu.memref_slice %arg2[%dma_wait3A_2278, %dma_wait3A_2279] : memref<256x16384xf32, #tpu.memory_space<any>> -> memref<8x16384xf32, #tpu.memory_space<any>>
    tpu.wait_dma2 semaphore(%dma_wait3A_2273 : memref<!tpu.dma_semaphore, #tpu.memory_space<semaphore_mem>>) src(%dma_wait3A_2280 : memref<8x16384xf32, #tpu.memory_space<any>>) dst(%dma_wait3A_2277 : memref<8x16384xf32, #tpu.memory_space<vmem>>)
    %dma_wait3A_2281 = arith.constant 0 : i32
    %dma_wait3A_2282 = arith.constant 0 : i32
    %dma_wait3A_2283 = tpu.memref_slice %arg9[%dma_wait3A_2282] : memref<4x!tpu.dma_semaphore, #tpu.memory_space<semaphore_mem>> -> memref<1x!tpu.dma_semaphore, #tpu.memory_space<semaphore_mem>>
    %dma_wait3A_2284 = tpu.memref_squeeze %dma_wait3A_2283 : memref<1x!tpu.dma_semaphore, #tpu.memory_space<semaphore_mem>> -> memref<!tpu.dma_semaphore, #tpu.memory_space<semaphore_mem>>
    %dma_wait3A_2285 = arith.constant 0 : i32
    %dma_wait3A_2286 = arith.constant 0 : i32
    %dma_wait3A_2287 = tpu.memref_slice %arg6[%dma_wait3A_2281, %dma_wait3A_2285, %dma_wait3A_2286] : memref<4x8x16384xf32, #tpu.memory_space<vmem>> -> memref<1x8x16384xf32, #tpu.memory_space<vmem>>
    %dma_wait3A_2288 = tpu.memref_squeeze %dma_wait3A_2287 : memref<1x8x16384xf32, #tpu.memory_space<vmem>> -> memref<8x16384xf32, #tpu.memory_space<vmem>>
    %dma_wait3A_2289 = arith.constant 192 : i32
    %dma_wait3A_2290 = arith.constant 0 : i32
    %dma_wait3A_2291 = tpu.memref_slice %arg3[%dma_wait3A_2289, %dma_wait3A_2290] : memref<256x16384xf32, #tpu.memory_space<any>> -> memref<8x16384xf32, #tpu.memory_space<any>>
    tpu.wait_dma2 semaphore(%dma_wait3A_2284 : memref<!tpu.dma_semaphore, #tpu.memory_space<semaphore_mem>>) src(%dma_wait3A_2291 : memref<8x16384xf32, #tpu.memory_space<any>>) dst(%dma_wait3A_2288 : memref<8x16384xf32, #tpu.memory_space<vmem>>)
    %dma_wait3A_2292 = arith.constant 0 : i32
    %dma_wait3A_2293 = arith.constant 0 : i32
    %dma_wait3A_2294 = tpu.memref_slice %arg10[%dma_wait3A_2293] : memref<4x!tpu.dma_semaphore, #tpu.memory_space<semaphore_mem>> -> memref<1x!tpu.dma_semaphore, #tpu.memory_space<semaphore_mem>>
    %dma_wait3A_2295 = tpu.memref_squeeze %dma_wait3A_2294 : memref<1x!tpu.dma_semaphore, #tpu.memory_space<semaphore_mem>> -> memref<!tpu.dma_semaphore, #tpu.memory_space<semaphore_mem>>
    %dma_wait3A_2296 = arith.constant 160 : i32
    %dma_wait3A_2297 = arith.constant 0 : i32
    %dma_wait3A_2298 = tpu.memref_slice %arg4[%dma_wait3A_2296, %dma_wait3A_2297] : memref<256x16384xf32, #tpu.memory_space<any>> -> memref<8x16384xf32, #tpu.memory_space<any>>
    %dma_wait3A_2299 = arith.constant 0 : i32
    %dma_wait3A_2300 = arith.constant 0 : i32
    %dma_wait3A_2301 = tpu.memref_slice %arg7[%dma_wait3A_2292, %dma_wait3A_2299, %dma_wait3A_2300] : memref<4x8x16384xf32, #tpu.memory_space<vmem>> -> memref<1x8x16384xf32, #tpu.memory_space<vmem>>
    %dma_wait3A_2302 = tpu.memref_squeeze %dma_wait3A_2301 : memref<1x8x16384xf32, #tpu.memory_space<vmem>> -> memref<8x16384xf32, #tpu.memory_space<vmem>>
    tpu.wait_dma2 semaphore(%dma_wait3A_2295 : memref<!tpu.dma_semaphore, #tpu.memory_space<semaphore_mem>>) src(%dma_wait3A_2302 : memref<8x16384xf32, #tpu.memory_space<vmem>>) dst(%dma_wait3A_2298 : memref<8x16384xf32, #tpu.memory_space<any>>)
    %get3A_2303 = arith.constant 192 : index
    %get3A_2304 = arith.constant 0 : index
    %get3A_2305 = vector.load %arg0[%get3A_2303, %get3A_2304] : memref<256x1xf32, #tpu.memory_space<vmem>>, vector<8x1xf32>
    %get3A_2306 = arith.constant 192 : index
    %get3A_2307 = arith.constant 0 : index
    %get3A_2308 = vector.load %arg1[%get3A_2306, %get3A_2307] : memref<256x1xf32, #tpu.memory_space<vmem>>, vector<8x1xf32>
    %get3A_2309 = arith.constant 0 : index
    %get3A_2310 = arith.constant 0 : index
    %get3A_2311 = arith.constant 0 : index
    %get3A_2312 = vector.load %arg5[%get3A_2309, %get3A_2310, %get3A_2311] : memref<4x8x16384xf32, #tpu.memory_space<vmem>>, vector<1x8x16384xf32>
    %get3A_2313 = vector.shape_cast %get3A_2312 : vector<1x8x16384xf32> to vector<8x16384xf32>
    %mul3A_2314 = vector.broadcast %get3A_2305 : vector<8x1xf32> to vector<8x16384xf32>
    %mul3A_2315 = arith.mulf %mul3A_2314, %get3A_2313 : vector<8x16384xf32>
    %get3A_2316 = arith.constant 0 : index
    %get3A_2317 = arith.constant 0 : index
    %get3A_2318 = arith.constant 0 : index
    %get3A_2319 = vector.load %arg6[%get3A_2316, %get3A_2317, %get3A_2318] : memref<4x8x16384xf32, #tpu.memory_space<vmem>>, vector<1x8x16384xf32>
    %get3A_2320 = vector.shape_cast %get3A_2319 : vector<1x8x16384xf32> to vector<8x16384xf32>
    %mul3A_2321 = vector.broadcast %get3A_2308 : vector<8x1xf32> to vector<8x16384xf32>
    %mul3A_2322 = arith.mulf %mul3A_2321, %get3A_2320 : vector<8x16384xf32>
    %add3A_2323 = arith.addf %mul3A_2315, %mul3A_2322 : vector<8x16384xf32>
    %swap3A_2324 = arith.constant 0 : index
    %swap3A_2325 = arith.constant 0 : index
    %swap3A_2326 = arith.constant 0 : index
    %swap3A_2327 = vector.load %arg7[%swap3A_2324, %swap3A_2325, %swap3A_2326] : memref<4x8x16384xf32, #tpu.memory_space<vmem>>, vector<1x8x16384xf32>
    %swap3A_2328 = vector.shape_cast %swap3A_2327 : vector<1x8x16384xf32> to vector<8x16384xf32>
    %swap3A_2329 = vector.shape_cast %add3A_2323 : vector<8x16384xf32> to vector<1x8x16384xf32>
    tpu.vector_store %arg7[%swap3A_2324, %swap3A_2325, %swap3A_2326], %swap3A_2329 {strides = array<i32>} : memref<4x8x16384xf32, #tpu.memory_space<vmem>>, vector<1x8x16384xf32>,
    %dma_start3A_2330 = arith.constant 0 : i32
    %dma_start3A_2331 = arith.constant 0 : i32
    %dma_start3A_2332 = tpu.memref_slice %arg10[%dma_start3A_2331] : memref<4x!tpu.dma_semaphore, #tpu.memory_space<semaphore_mem>> -> memref<1x!tpu.dma_semaphore, #tpu.memory_space<semaphore_mem>>
    %dma_start3A_2333 = tpu.memref_squeeze %dma_start3A_2332 : memref<1x!tpu.dma_semaphore, #tpu.memory_space<semaphore_mem>> -> memref<!tpu.dma_semaphore, #tpu.memory_space<semaphore_mem>>
    %dma_start3A_2334 = arith.constant 192 : i32
    %dma_start3A_2335 = arith.constant 0 : i32
    %dma_start3A_2336 = tpu.memref_slice %arg4[%dma_start3A_2334, %dma_start3A_2335] : memref<256x16384xf32, #tpu.memory_space<any>> -> memref<8x16384xf32, #tpu.memory_space<any>>
    %dma_start3A_2337 = arith.constant 0 : i32
    %dma_start3A_2338 = arith.constant 0 : i32
    %dma_start3A_2339 = tpu.memref_slice %arg7[%dma_start3A_2330, %dma_start3A_2337, %dma_start3A_2338] : memref<4x8x16384xf32, #tpu.memory_space<vmem>> -> memref<1x8x16384xf32, #tpu.memory_space<vmem>>
    %dma_start3A_2340 = tpu.memref_squeeze %dma_start3A_2339 : memref<1x8x16384xf32, #tpu.memory_space<vmem>> -> memref<8x16384xf32, #tpu.memory_space<vmem>>
    tpu.enqueue_dma source(%dma_start3A_2340 : memref<8x16384xf32, #tpu.memory_space<vmem>>) target(%dma_start3A_2336 : memref<8x16384xf32, #tpu.memory_space<any>>) target_semaphore(%dma_start3A_2333 : memref<!tpu.dma_semaphore, #tpu.memory_space<semaphore_mem>>)
    %dma_start3A_2341 = arith.constant 0 : i32
    %dma_start3A_2342 = arith.constant 0 : i32
    %dma_start3A_2343 = tpu.memref_slice %arg8[%dma_start3A_2342] : memref<4x!tpu.dma_semaphore, #tpu.memory_space<semaphore_mem>> -> memref<1x!tpu.dma_semaphore, #tpu.memory_space<semaphore_mem>>
    %dma_start3A_2344 = tpu.memref_squeeze %dma_start3A_2343 : memref<1x!tpu.dma_semaphore, #tpu.memory_space<semaphore_mem>> -> memref<!tpu.dma_semaphore, #tpu.memory_space<semaphore_mem>>
    %dma_start3A_2345 = arith.constant 0 : i32
    %dma_start3A_2346 = arith.constant 0 : i32
    %dma_start3A_2347 = tpu.memref_slice %arg5[%dma_start3A_2341, %dma_start3A_2345, %dma_start3A_2346] : memref<4x8x16384xf32, #tpu.memory_space<vmem>> -> memref<1x8x16384xf32, #tpu.memory_space<vmem>>
    %dma_start3A_2348 = tpu.memref_squeeze %dma_start3A_2347 : memref<1x8x16384xf32, #tpu.memory_space<vmem>> -> memref<8x16384xf32, #tpu.memory_space<vmem>>
    %dma_start3A_2349 = arith.constant 224 : i32
    %dma_start3A_2350 = arith.constant 0 : i32
    %dma_start3A_2351 = tpu.memref_slice %arg2[%dma_start3A_2349, %dma_start3A_2350] : memref<256x16384xf32, #tpu.memory_space<any>> -> memref<8x16384xf32, #tpu.memory_space<any>>
    tpu.enqueue_dma source(%dma_start3A_2351 : memref<8x16384xf32, #tpu.memory_space<any>>) target(%dma_start3A_2348 : memref<8x16384xf32, #tpu.memory_space<vmem>>) target_semaphore(%dma_start3A_2344 : memref<!tpu.dma_semaphore, #tpu.memory_space<semaphore_mem>>)
    %dma_start3A_2352 = arith.constant 0 : i32
    %dma_start3A_2353 = arith.constant 0 : i32
    %dma_start3A_2354 = tpu.memref_slice %arg9[%dma_start3A_2353] : memref<4x!tpu.dma_semaphore, #tpu.memory_space<semaphore_mem>> -> memref<1x!tpu.dma_semaphore, #tpu.memory_space<semaphore_mem>>
    %dma_start3A_2355 = tpu.memref_squeeze %dma_start3A_2354 : memref<1x!tpu.dma_semaphore, #tpu.memory_space<semaphore_mem>> -> memref<!tpu.dma_semaphore, #tpu.memory_space<semaphore_mem>>
    %dma_start3A_2356 = arith.constant 0 : i32
    %dma_start3A_2357 = arith.constant 0 : i32
    %dma_start3A_2358 = tpu.memref_slice %arg6[%dma_start3A_2352, %dma_start3A_2356, %dma_start3A_2357] : memref<4x8x16384xf32, #tpu.memory_space<vmem>> -> memref<1x8x16384xf32, #tpu.memory_space<vmem>>
    %dma_start3A_2359 = tpu.memref_squeeze %dma_start3A_2358 : memref<1x8x16384xf32, #tpu.memory_space<vmem>> -> memref<8x16384xf32, #tpu.memory_space<vmem>>
    %dma_start3A_2360 = arith.constant 224 : i32
    %dma_start3A_2361 = arith.constant 0 : i32
    %dma_start3A_2362 = tpu.memref_slice %arg3[%dma_start3A_2360, %dma_start3A_2361] : memref<256x16384xf32, #tpu.memory_space<any>> -> memref<8x16384xf32, #tpu.memory_space<any>>
    tpu.enqueue_dma source(%dma_start3A_2362 : memref<8x16384xf32, #tpu.memory_space<any>>) target(%dma_start3A_2359 : memref<8x16384xf32, #tpu.memory_space<vmem>>) target_semaphore(%dma_start3A_2355 : memref<!tpu.dma_semaphore, #tpu.memory_space<semaphore_mem>>)
    %dma_wait3A_2363 = arith.constant 1 : i32
    %dma_wait3A_2364 = arith.constant 1 : i32
    %dma_wait3A_2365 = tpu.memref_slice %arg8[%dma_wait3A_2364] : memref<4x!tpu.dma_semaphore, #tpu.memory_space<semaphore_mem>> -> memref<1x!tpu.dma_semaphore, #tpu.memory_space<semaphore_mem>>
    %dma_wait3A_2366 = tpu.memref_squeeze %dma_wait3A_2365 : memref<1x!tpu.dma_semaphore, #tpu.memory_space<semaphore_mem>> -> memref<!tpu.dma_semaphore, #tpu.memory_space<semaphore_mem>>
    %dma_wait3A_2367 = arith.constant 0 : i32
    %dma_wait3A_2368 = arith.constant 0 : i32
    %dma_wait3A_2369 = tpu.memref_slice %arg5[%dma_wait3A_2363, %dma_wait3A_2367, %dma_wait3A_2368] : memref<4x8x16384xf32, #tpu.memory_space<vmem>> -> memref<1x8x16384xf32, #tpu.memory_space<vmem>>
    %dma_wait3A_2370 = tpu.memref_squeeze %dma_wait3A_2369 : memref<1x8x16384xf32, #tpu.memory_space<vmem>> -> memref<8x16384xf32, #tpu.memory_space<vmem>>
    %dma_wait3A_2371 = arith.constant 200 : i32
    %dma_wait3A_2372 = arith.constant 0 : i32
    %dma_wait3A_2373 = tpu.memref_slice %arg2[%dma_wait3A_2371, %dma_wait3A_2372] : memref<256x16384xf32, #tpu.memory_space<any>> -> memref<8x16384xf32, #tpu.memory_space<any>>
    tpu.wait_dma2 semaphore(%dma_wait3A_2366 : memref<!tpu.dma_semaphore, #tpu.memory_space<semaphore_mem>>) src(%dma_wait3A_2373 : memref<8x16384xf32, #tpu.memory_space<any>>) dst(%dma_wait3A_2370 : memref<8x16384xf32, #tpu.memory_space<vmem>>)
    %dma_wait3A_2374 = arith.constant 1 : i32
    %dma_wait3A_2375 = arith.constant 1 : i32
    %dma_wait3A_2376 = tpu.memref_slice %arg9[%dma_wait3A_2375] : memref<4x!tpu.dma_semaphore, #tpu.memory_space<semaphore_mem>> -> memref<1x!tpu.dma_semaphore, #tpu.memory_space<semaphore_mem>>
    %dma_wait3A_2377 = tpu.memref_squeeze %dma_wait3A_2376 : memref<1x!tpu.dma_semaphore, #tpu.memory_space<semaphore_mem>> -> memref<!tpu.dma_semaphore, #tpu.memory_space<semaphore_mem>>
    %dma_wait3A_2378 = arith.constant 0 : i32
    %dma_wait3A_2379 = arith.constant 0 : i32
    %dma_wait3A_2380 = tpu.memref_slice %arg6[%dma_wait3A_2374, %dma_wait3A_2378, %dma_wait3A_2379] : memref<4x8x16384xf32, #tpu.memory_space<vmem>> -> memref<1x8x16384xf32, #tpu.memory_space<vmem>>
    %dma_wait3A_2381 = tpu.memref_squeeze %dma_wait3A_2380 : memref<1x8x16384xf32, #tpu.memory_space<vmem>> -> memref<8x16384xf32, #tpu.memory_space<vmem>>
    %dma_wait3A_2382 = arith.constant 200 : i32
    %dma_wait3A_2383 = arith.constant 0 : i32
    %dma_wait3A_2384 = tpu.memref_slice %arg3[%dma_wait3A_2382, %dma_wait3A_2383] : memref<256x16384xf32, #tpu.memory_space<any>> -> memref<8x16384xf32, #tpu.memory_space<any>>
    tpu.wait_dma2 semaphore(%dma_wait3A_2377 : memref<!tpu.dma_semaphore, #tpu.memory_space<semaphore_mem>>) src(%dma_wait3A_2384 : memref<8x16384xf32, #tpu.memory_space<any>>) dst(%dma_wait3A_2381 : memref<8x16384xf32, #tpu.memory_space<vmem>>)
    %dma_wait3A_2385 = arith.constant 1 : i32
    %dma_wait3A_2386 = arith.constant 1 : i32
    %dma_wait3A_2387 = tpu.memref_slice %arg10[%dma_wait3A_2386] : memref<4x!tpu.dma_semaphore, #tpu.memory_space<semaphore_mem>> -> memref<1x!tpu.dma_semaphore, #tpu.memory_space<semaphore_mem>>
    %dma_wait3A_2388 = tpu.memref_squeeze %dma_wait3A_2387 : memref<1x!tpu.dma_semaphore, #tpu.memory_space<semaphore_mem>> -> memref<!tpu.dma_semaphore, #tpu.memory_space<semaphore_mem>>
    %dma_wait3A_2389 = arith.constant 168 : i32
    %dma_wait3A_2390 = arith.constant 0 : i32
    %dma_wait3A_2391 = tpu.memref_slice %arg4[%dma_wait3A_2389, %dma_wait3A_2390] : memref<256x16384xf32, #tpu.memory_space<any>> -> memref<8x16384xf32, #tpu.memory_space<any>>
    %dma_wait3A_2392 = arith.constant 0 : i32
    %dma_wait3A_2393 = arith.constant 0 : i32
    %dma_wait3A_2394 = tpu.memref_slice %arg7[%dma_wait3A_2385, %dma_wait3A_2392, %dma_wait3A_2393] : memref<4x8x16384xf32, #tpu.memory_space<vmem>> -> memref<1x8x16384xf32, #tpu.memory_space<vmem>>
    %dma_wait3A_2395 = tpu.memref_squeeze %dma_wait3A_2394 : memref<1x8x16384xf32, #tpu.memory_space<vmem>> -> memref<8x16384xf32, #tpu.memory_space<vmem>>
    tpu.wait_dma2 semaphore(%dma_wait3A_2388 : memref<!tpu.dma_semaphore, #tpu.memory_space<semaphore_mem>>) src(%dma_wait3A_2395 : memref<8x16384xf32, #tpu.memory_space<vmem>>) dst(%dma_wait3A_2391 : memref<8x16384xf32, #tpu.memory_space<any>>)
    %get3A_2396 = arith.constant 200 : index
    %get3A_2397 = arith.constant 0 : index
    %get3A_2398 = vector.load %arg0[%get3A_2396, %get3A_2397] : memref<256x1xf32, #tpu.memory_space<vmem>>, vector<8x1xf32>
    %get3A_2399 = arith.constant 200 : index
    %get3A_2400 = arith.constant 0 : index
    %get3A_2401 = vector.load %arg1[%get3A_2399, %get3A_2400] : memref<256x1xf32, #tpu.memory_space<vmem>>, vector<8x1xf32>
    %get3A_2402 = arith.constant 1 : index
    %get3A_2403 = arith.constant 0 : index
    %get3A_2404 = arith.constant 0 : index
    %get3A_2405 = vector.load %arg5[%get3A_2402, %get3A_2403, %get3A_2404] : memref<4x8x16384xf32, #tpu.memory_space<vmem>>, vector<1x8x16384xf32>
    %get3A_2406 = vector.shape_cast %get3A_2405 : vector<1x8x16384xf32> to vector<8x16384xf32>
    %mul3A_2407 = vector.broadcast %get3A_2398 : vector<8x1xf32> to vector<8x16384xf32>
    %mul3A_2408 = arith.mulf %mul3A_2407, %get3A_2406 : vector<8x16384xf32>
    %get3A_2409 = arith.constant 1 : index
    %get3A_2410 = arith.constant 0 : index
    %get3A_2411 = arith.constant 0 : index
    %get3A_2412 = vector.load %arg6[%get3A_2409, %get3A_2410, %get3A_2411] : memref<4x8x16384xf32, #tpu.memory_space<vmem>>, vector<1x8x16384xf32>
    %get3A_2413 = vector.shape_cast %get3A_2412 : vector<1x8x16384xf32> to vector<8x16384xf32>
    %mul3A_2414 = vector.broadcast %get3A_2401 : vector<8x1xf32> to vector<8x16384xf32>
    %mul3A_2415 = arith.mulf %mul3A_2414, %get3A_2413 : vector<8x16384xf32>
    %add3A_2416 = arith.addf %mul3A_2408, %mul3A_2415 : vector<8x16384xf32>
    %swap3A_2417 = arith.constant 1 : index
    %swap3A_2418 = arith.constant 0 : index
    %swap3A_2419 = arith.constant 0 : index
    %swap3A_2420 = vector.load %arg7[%swap3A_2417, %swap3A_2418, %swap3A_2419] : memref<4x8x16384xf32, #tpu.memory_space<vmem>>, vector<1x8x16384xf32>
    %swap3A_2421 = vector.shape_cast %swap3A_2420 : vector<1x8x16384xf32> to vector<8x16384xf32>
    %swap3A_2422 = vector.shape_cast %add3A_2416 : vector<8x16384xf32> to vector<1x8x16384xf32>
    tpu.vector_store %arg7[%swap3A_2417, %swap3A_2418, %swap3A_2419], %swap3A_2422 {strides = array<i32>} : memref<4x8x16384xf32, #tpu.memory_space<vmem>>, vector<1x8x16384xf32>,
    %dma_start3A_2423 = arith.constant 1 : i32
    %dma_start3A_2424 = arith.constant 1 : i32
    %dma_start3A_2425 = tpu.memref_slice %arg10[%dma_start3A_2424] : memref<4x!tpu.dma_semaphore, #tpu.memory_space<semaphore_mem>> -> memref<1x!tpu.dma_semaphore, #tpu.memory_space<semaphore_mem>>
    %dma_start3A_2426 = tpu.memref_squeeze %dma_start3A_2425 : memref<1x!tpu.dma_semaphore, #tpu.memory_space<semaphore_mem>> -> memref<!tpu.dma_semaphore, #tpu.memory_space<semaphore_mem>>
    %dma_start3A_2427 = arith.constant 200 : i32
    %dma_start3A_2428 = arith.constant 0 : i32
    %dma_start3A_2429 = tpu.memref_slice %arg4[%dma_start3A_2427, %dma_start3A_2428] : memref<256x16384xf32, #tpu.memory_space<any>> -> memref<8x16384xf32, #tpu.memory_space<any>>
    %dma_start3A_2430 = arith.constant 0 : i32
    %dma_start3A_2431 = arith.constant 0 : i32
    %dma_start3A_2432 = tpu.memref_slice %arg7[%dma_start3A_2423, %dma_start3A_2430, %dma_start3A_2431] : memref<4x8x16384xf32, #tpu.memory_space<vmem>> -> memref<1x8x16384xf32, #tpu.memory_space<vmem>>
    %dma_start3A_2433 = tpu.memref_squeeze %dma_start3A_2432 : memref<1x8x16384xf32, #tpu.memory_space<vmem>> -> memref<8x16384xf32, #tpu.memory_space<vmem>>
    tpu.enqueue_dma source(%dma_start3A_2433 : memref<8x16384xf32, #tpu.memory_space<vmem>>) target(%dma_start3A_2429 : memref<8x16384xf32, #tpu.memory_space<any>>) target_semaphore(%dma_start3A_2426 : memref<!tpu.dma_semaphore, #tpu.memory_space<semaphore_mem>>)
    %dma_start3A_2434 = arith.constant 1 : i32
    %dma_start3A_2435 = arith.constant 1 : i32
    %dma_start3A_2436 = tpu.memref_slice %arg8[%dma_start3A_2435] : memref<4x!tpu.dma_semaphore, #tpu.memory_space<semaphore_mem>> -> memref<1x!tpu.dma_semaphore, #tpu.memory_space<semaphore_mem>>
    %dma_start3A_2437 = tpu.memref_squeeze %dma_start3A_2436 : memref<1x!tpu.dma_semaphore, #tpu.memory_space<semaphore_mem>> -> memref<!tpu.dma_semaphore, #tpu.memory_space<semaphore_mem>>
    %dma_start3A_2438 = arith.constant 0 : i32
    %dma_start3A_2439 = arith.constant 0 : i32
    %dma_start3A_2440 = tpu.memref_slice %arg5[%dma_start3A_2434, %dma_start3A_2438, %dma_start3A_2439] : memref<4x8x16384xf32, #tpu.memory_space<vmem>> -> memref<1x8x16384xf32, #tpu.memory_space<vmem>>
    %dma_start3A_2441 = tpu.memref_squeeze %dma_start3A_2440 : memref<1x8x16384xf32, #tpu.memory_space<vmem>> -> memref<8x16384xf32, #tpu.memory_space<vmem>>
    %dma_start3A_2442 = arith.constant 232 : i32
    %dma_start3A_2443 = arith.constant 0 : i32
    %dma_start3A_2444 = tpu.memref_slice %arg2[%dma_start3A_2442, %dma_start3A_2443] : memref<256x16384xf32, #tpu.memory_space<any>> -> memref<8x16384xf32, #tpu.memory_space<any>>
    tpu.enqueue_dma source(%dma_start3A_2444 : memref<8x16384xf32, #tpu.memory_space<any>>) target(%dma_start3A_2441 : memref<8x16384xf32, #tpu.memory_space<vmem>>) target_semaphore(%dma_start3A_2437 : memref<!tpu.dma_semaphore, #tpu.memory_space<semaphore_mem>>)
    %dma_start3A_2445 = arith.constant 1 : i32
    %dma_start3A_2446 = arith.constant 1 : i32
    %dma_start3A_2447 = tpu.memref_slice %arg9[%dma_start3A_2446] : memref<4x!tpu.dma_semaphore, #tpu.memory_space<semaphore_mem>> -> memref<1x!tpu.dma_semaphore, #tpu.memory_space<semaphore_mem>>
    %dma_start3A_2448 = tpu.memref_squeeze %dma_start3A_2447 : memref<1x!tpu.dma_semaphore, #tpu.memory_space<semaphore_mem>> -> memref<!tpu.dma_semaphore, #tpu.memory_space<semaphore_mem>>
    %dma_start3A_2449 = arith.constant 0 : i32
    %dma_start3A_2450 = arith.constant 0 : i32
    %dma_start3A_2451 = tpu.memref_slice %arg6[%dma_start3A_2445, %dma_start3A_2449, %dma_start3A_2450] : memref<4x8x16384xf32, #tpu.memory_space<vmem>> -> memref<1x8x16384xf32, #tpu.memory_space<vmem>>
    %dma_start3A_2452 = tpu.memref_squeeze %dma_start3A_2451 : memref<1x8x16384xf32, #tpu.memory_space<vmem>> -> memref<8x16384xf32, #tpu.memory_space<vmem>>
    %dma_start3A_2453 = arith.constant 232 : i32
    %dma_start3A_2454 = arith.constant 0 : i32
    %dma_start3A_2455 = tpu.memref_slice %arg3[%dma_start3A_2453, %dma_start3A_2454] : memref<256x16384xf32, #tpu.memory_space<any>> -> memref<8x16384xf32, #tpu.memory_space<any>>
    tpu.enqueue_dma source(%dma_start3A_2455 : memref<8x16384xf32, #tpu.memory_space<any>>) target(%dma_start3A_2452 : memref<8x16384xf32, #tpu.memory_space<vmem>>) target_semaphore(%dma_start3A_2448 : memref<!tpu.dma_semaphore, #tpu.memory_space<semaphore_mem>>)
    %dma_wait3A_2456 = arith.constant 2 : i32
    %dma_wait3A_2457 = arith.constant 2 : i32
    %dma_wait3A_2458 = tpu.memref_slice %arg8[%dma_wait3A_2457] : memref<4x!tpu.dma_semaphore, #tpu.memory_space<semaphore_mem>> -> memref<1x!tpu.dma_semaphore, #tpu.memory_space<semaphore_mem>>
    %dma_wait3A_2459 = tpu.memref_squeeze %dma_wait3A_2458 : memref<1x!tpu.dma_semaphore, #tpu.memory_space<semaphore_mem>> -> memref<!tpu.dma_semaphore, #tpu.memory_space<semaphore_mem>>
    %dma_wait3A_2460 = arith.constant 0 : i32
    %dma_wait3A_2461 = arith.constant 0 : i32
    %dma_wait3A_2462 = tpu.memref_slice %arg5[%dma_wait3A_2456, %dma_wait3A_2460, %dma_wait3A_2461] : memref<4x8x16384xf32, #tpu.memory_space<vmem>> -> memref<1x8x16384xf32, #tpu.memory_space<vmem>>
    %dma_wait3A_2463 = tpu.memref_squeeze %dma_wait3A_2462 : memref<1x8x16384xf32, #tpu.memory_space<vmem>> -> memref<8x16384xf32, #tpu.memory_space<vmem>>
    %dma_wait3A_2464 = arith.constant 208 : i32
    %dma_wait3A_2465 = arith.constant 0 : i32
    %dma_wait3A_2466 = tpu.memref_slice %arg2[%dma_wait3A_2464, %dma_wait3A_2465] : memref<256x16384xf32, #tpu.memory_space<any>> -> memref<8x16384xf32, #tpu.memory_space<any>>
    tpu.wait_dma2 semaphore(%dma_wait3A_2459 : memref<!tpu.dma_semaphore, #tpu.memory_space<semaphore_mem>>) src(%dma_wait3A_2466 : memref<8x16384xf32, #tpu.memory_space<any>>) dst(%dma_wait3A_2463 : memref<8x16384xf32, #tpu.memory_space<vmem>>)
    %dma_wait3A_2467 = arith.constant 2 : i32
    %dma_wait3A_2468 = arith.constant 2 : i32
    %dma_wait3A_2469 = tpu.memref_slice %arg9[%dma_wait3A_2468] : memref<4x!tpu.dma_semaphore, #tpu.memory_space<semaphore_mem>> -> memref<1x!tpu.dma_semaphore, #tpu.memory_space<semaphore_mem>>
    %dma_wait3A_2470 = tpu.memref_squeeze %dma_wait3A_2469 : memref<1x!tpu.dma_semaphore, #tpu.memory_space<semaphore_mem>> -> memref<!tpu.dma_semaphore, #tpu.memory_space<semaphore_mem>>
    %dma_wait3A_2471 = arith.constant 0 : i32
    %dma_wait3A_2472 = arith.constant 0 : i32
    %dma_wait3A_2473 = tpu.memref_slice %arg6[%dma_wait3A_2467, %dma_wait3A_2471, %dma_wait3A_2472] : memref<4x8x16384xf32, #tpu.memory_space<vmem>> -> memref<1x8x16384xf32, #tpu.memory_space<vmem>>
    %dma_wait3A_2474 = tpu.memref_squeeze %dma_wait3A_2473 : memref<1x8x16384xf32, #tpu.memory_space<vmem>> -> memref<8x16384xf32, #tpu.memory_space<vmem>>
    %dma_wait3A_2475 = arith.constant 208 : i32
    %dma_wait3A_2476 = arith.constant 0 : i32
    %dma_wait3A_2477 = tpu.memref_slice %arg3[%dma_wait3A_2475, %dma_wait3A_2476] : memref<256x16384xf32, #tpu.memory_space<any>> -> memref<8x16384xf32, #tpu.memory_space<any>>
    tpu.wait_dma2 semaphore(%dma_wait3A_2470 : memref<!tpu.dma_semaphore, #tpu.memory_space<semaphore_mem>>) src(%dma_wait3A_2477 : memref<8x16384xf32, #tpu.memory_space<any>>) dst(%dma_wait3A_2474 : memref<8x16384xf32, #tpu.memory_space<vmem>>)
    %dma_wait3A_2478 = arith.constant 2 : i32
    %dma_wait3A_2479 = arith.constant 2 : i32
    %dma_wait3A_2480 = tpu.memref_slice %arg10[%dma_wait3A_2479] : memref<4x!tpu.dma_semaphore, #tpu.memory_space<semaphore_mem>> -> memref<1x!tpu.dma_semaphore, #tpu.memory_space<semaphore_mem>>
    %dma_wait3A_2481 = tpu.memref_squeeze %dma_wait3A_2480 : memref<1x!tpu.dma_semaphore, #tpu.memory_space<semaphore_mem>> -> memref<!tpu.dma_semaphore, #tpu.memory_space<semaphore_mem>>
    %dma_wait3A_2482 = arith.constant 176 : i32
    %dma_wait3A_2483 = arith.constant 0 : i32
    %dma_wait3A_2484 = tpu.memref_slice %arg4[%dma_wait3A_2482, %dma_wait3A_2483] : memref<256x16384xf32, #tpu.memory_space<any>> -> memref<8x16384xf32, #tpu.memory_space<any>>
    %dma_wait3A_2485 = arith.constant 0 : i32
    %dma_wait3A_2486 = arith.constant 0 : i32
    %dma_wait3A_2487 = tpu.memref_slice %arg7[%dma_wait3A_2478, %dma_wait3A_2485, %dma_wait3A_2486] : memref<4x8x16384xf32, #tpu.memory_space<vmem>> -> memref<1x8x16384xf32, #tpu.memory_space<vmem>>
    %dma_wait3A_2488 = tpu.memref_squeeze %dma_wait3A_2487 : memref<1x8x16384xf32, #tpu.memory_space<vmem>> -> memref<8x16384xf32, #tpu.memory_space<vmem>>
    tpu.wait_dma2 semaphore(%dma_wait3A_2481 : memref<!tpu.dma_semaphore, #tpu.memory_space<semaphore_mem>>) src(%dma_wait3A_2488 : memref<8x16384xf32, #tpu.memory_space<vmem>>) dst(%dma_wait3A_2484 : memref<8x16384xf32, #tpu.memory_space<any>>)
    %get3A_2489 = arith.constant 208 : index
    %get3A_2490 = arith.constant 0 : index
    %get3A_2491 = vector.load %arg0[%get3A_2489, %get3A_2490] : memref<256x1xf32, #tpu.memory_space<vmem>>, vector<8x1xf32>
    %get3A_2492 = arith.constant 208 : index
    %get3A_2493 = arith.constant 0 : index
    %get3A_2494 = vector.load %arg1[%get3A_2492, %get3A_2493] : memref<256x1xf32, #tpu.memory_space<vmem>>, vector<8x1xf32>
    %get3A_2495 = arith.constant 2 : index
    %get3A_2496 = arith.constant 0 : index
    %get3A_2497 = arith.constant 0 : index
    %get3A_2498 = vector.load %arg5[%get3A_2495, %get3A_2496, %get3A_2497] : memref<4x8x16384xf32, #tpu.memory_space<vmem>>, vector<1x8x16384xf32>
    %get3A_2499 = vector.shape_cast %get3A_2498 : vector<1x8x16384xf32> to vector<8x16384xf32>
    %mul3A_2500 = vector.broadcast %get3A_2491 : vector<8x1xf32> to vector<8x16384xf32>
    %mul3A_2501 = arith.mulf %mul3A_2500, %get3A_2499 : vector<8x16384xf32>
    %get3A_2502 = arith.constant 2 : index
    %get3A_2503 = arith.constant 0 : index
    %get3A_2504 = arith.constant 0 : index
    %get3A_2505 = vector.load %arg6[%get3A_2502, %get3A_2503, %get3A_2504] : memref<4x8x16384xf32, #tpu.memory_space<vmem>>, vector<1x8x16384xf32>
    %get3A_2506 = vector.shape_cast %get3A_2505 : vector<1x8x16384xf32> to vector<8x16384xf32>
    %mul3A_2507 = vector.broadcast %get3A_2494 : vector<8x1xf32> to vector<8x16384xf32>
    %mul3A_2508 = arith.mulf %mul3A_2507, %get3A_2506 : vector<8x16384xf32>
    %add3A_2509 = arith.addf %mul3A_2501, %mul3A_2508 : vector<8x16384xf32>
    %swap3A_2510 = arith.constant 2 : index
    %swap3A_2511 = arith.constant 0 : index
    %swap3A_2512 = arith.constant 0 : index
    %swap3A_2513 = vector.load %arg7[%swap3A_2510, %swap3A_2511, %swap3A_2512] : memref<4x8x16384xf32, #tpu.memory_space<vmem>>, vector<1x8x16384xf32>
    %swap3A_2514 = vector.shape_cast %swap3A_2513 : vector<1x8x16384xf32> to vector<8x16384xf32>
    %swap3A_2515 = vector.shape_cast %add3A_2509 : vector<8x16384xf32> to vector<1x8x16384xf32>
    tpu.vector_store %arg7[%swap3A_2510, %swap3A_2511, %swap3A_2512], %swap3A_2515 {strides = array<i32>} : memref<4x8x16384xf32, #tpu.memory_space<vmem>>, vector<1x8x16384xf32>,
    %dma_start3A_2516 = arith.constant 2 : i32
    %dma_start3A_2517 = arith.constant 2 : i32
    %dma_start3A_2518 = tpu.memref_slice %arg10[%dma_start3A_2517] : memref<4x!tpu.dma_semaphore, #tpu.memory_space<semaphore_mem>> -> memref<1x!tpu.dma_semaphore, #tpu.memory_space<semaphore_mem>>
    %dma_start3A_2519 = tpu.memref_squeeze %dma_start3A_2518 : memref<1x!tpu.dma_semaphore, #tpu.memory_space<semaphore_mem>> -> memref<!tpu.dma_semaphore, #tpu.memory_space<semaphore_mem>>
    %dma_start3A_2520 = arith.constant 208 : i32
    %dma_start3A_2521 = arith.constant 0 : i32
    %dma_start3A_2522 = tpu.memref_slice %arg4[%dma_start3A_2520, %dma_start3A_2521] : memref<256x16384xf32, #tpu.memory_space<any>> -> memref<8x16384xf32, #tpu.memory_space<any>>
    %dma_start3A_2523 = arith.constant 0 : i32
    %dma_start3A_2524 = arith.constant 0 : i32
    %dma_start3A_2525 = tpu.memref_slice %arg7[%dma_start3A_2516, %dma_start3A_2523, %dma_start3A_2524] : memref<4x8x16384xf32, #tpu.memory_space<vmem>> -> memref<1x8x16384xf32, #tpu.memory_space<vmem>>
    %dma_start3A_2526 = tpu.memref_squeeze %dma_start3A_2525 : memref<1x8x16384xf32, #tpu.memory_space<vmem>> -> memref<8x16384xf32, #tpu.memory_space<vmem>>
    tpu.enqueue_dma source(%dma_start3A_2526 : memref<8x16384xf32, #tpu.memory_space<vmem>>) target(%dma_start3A_2522 : memref<8x16384xf32, #tpu.memory_space<any>>) target_semaphore(%dma_start3A_2519 : memref<!tpu.dma_semaphore, #tpu.memory_space<semaphore_mem>>)
    %dma_start3A_2527 = arith.constant 2 : i32
    %dma_start3A_2528 = arith.constant 2 : i32
    %dma_start3A_2529 = tpu.memref_slice %arg8[%dma_start3A_2528] : memref<4x!tpu.dma_semaphore, #tpu.memory_space<semaphore_mem>> -> memref<1x!tpu.dma_semaphore, #tpu.memory_space<semaphore_mem>>
    %dma_start3A_2530 = tpu.memref_squeeze %dma_start3A_2529 : memref<1x!tpu.dma_semaphore, #tpu.memory_space<semaphore_mem>> -> memref<!tpu.dma_semaphore, #tpu.memory_space<semaphore_mem>>
    %dma_start3A_2531 = arith.constant 0 : i32
    %dma_start3A_2532 = arith.constant 0 : i32
    %dma_start3A_2533 = tpu.memref_slice %arg5[%dma_start3A_2527, %dma_start3A_2531, %dma_start3A_2532] : memref<4x8x16384xf32, #tpu.memory_space<vmem>> -> memref<1x8x16384xf32, #tpu.memory_space<vmem>>
    %dma_start3A_2534 = tpu.memref_squeeze %dma_start3A_2533 : memref<1x8x16384xf32, #tpu.memory_space<vmem>> -> memref<8x16384xf32, #tpu.memory_space<vmem>>
    %dma_start3A_2535 = arith.constant 240 : i32
    %dma_start3A_2536 = arith.constant 0 : i32
    %dma_start3A_2537 = tpu.memref_slice %arg2[%dma_start3A_2535, %dma_start3A_2536] : memref<256x16384xf32, #tpu.memory_space<any>> -> memref<8x16384xf32, #tpu.memory_space<any>>
    tpu.enqueue_dma source(%dma_start3A_2537 : memref<8x16384xf32, #tpu.memory_space<any>>) target(%dma_start3A_2534 : memref<8x16384xf32, #tpu.memory_space<vmem>>) target_semaphore(%dma_start3A_2530 : memref<!tpu.dma_semaphore, #tpu.memory_space<semaphore_mem>>)
    %dma_start3A_2538 = arith.constant 2 : i32
    %dma_start3A_2539 = arith.constant 2 : i32
    %dma_start3A_2540 = tpu.memref_slice %arg9[%dma_start3A_2539] : memref<4x!tpu.dma_semaphore, #tpu.memory_space<semaphore_mem>> -> memref<1x!tpu.dma_semaphore, #tpu.memory_space<semaphore_mem>>
    %dma_start3A_2541 = tpu.memref_squeeze %dma_start3A_2540 : memref<1x!tpu.dma_semaphore, #tpu.memory_space<semaphore_mem>> -> memref<!tpu.dma_semaphore, #tpu.memory_space<semaphore_mem>>
    %dma_start3A_2542 = arith.constant 0 : i32
    %dma_start3A_2543 = arith.constant 0 : i32
    %dma_start3A_2544 = tpu.memref_slice %arg6[%dma_start3A_2538, %dma_start3A_2542, %dma_start3A_2543] : memref<4x8x16384xf32, #tpu.memory_space<vmem>> -> memref<1x8x16384xf32, #tpu.memory_space<vmem>>
    %dma_start3A_2545 = tpu.memref_squeeze %dma_start3A_2544 : memref<1x8x16384xf32, #tpu.memory_space<vmem>> -> memref<8x16384xf32, #tpu.memory_space<vmem>>
    %dma_start3A_2546 = arith.constant 240 : i32
    %dma_start3A_2547 = arith.constant 0 : i32
    %dma_start3A_2548 = tpu.memref_slice %arg3[%dma_start3A_2546, %dma_start3A_2547] : memref<256x16384xf32, #tpu.memory_space<any>> -> memref<8x16384xf32, #tpu.memory_space<any>>
    tpu.enqueue_dma source(%dma_start3A_2548 : memref<8x16384xf32, #tpu.memory_space<any>>) target(%dma_start3A_2545 : memref<8x16384xf32, #tpu.memory_space<vmem>>) target_semaphore(%dma_start3A_2541 : memref<!tpu.dma_semaphore, #tpu.memory_space<semaphore_mem>>)
    %dma_wait3A_2549 = arith.constant 3 : i32
    %dma_wait3A_2550 = arith.constant 3 : i32
    %dma_wait3A_2551 = tpu.memref_slice %arg8[%dma_wait3A_2550] : memref<4x!tpu.dma_semaphore, #tpu.memory_space<semaphore_mem>> -> memref<1x!tpu.dma_semaphore, #tpu.memory_space<semaphore_mem>>
    %dma_wait3A_2552 = tpu.memref_squeeze %dma_wait3A_2551 : memref<1x!tpu.dma_semaphore, #tpu.memory_space<semaphore_mem>> -> memref<!tpu.dma_semaphore, #tpu.memory_space<semaphore_mem>>
    %dma_wait3A_2553 = arith.constant 0 : i32
    %dma_wait3A_2554 = arith.constant 0 : i32
    %dma_wait3A_2555 = tpu.memref_slice %arg5[%dma_wait3A_2549, %dma_wait3A_2553, %dma_wait3A_2554] : memref<4x8x16384xf32, #tpu.memory_space<vmem>> -> memref<1x8x16384xf32, #tpu.memory_space<vmem>>
    %dma_wait3A_2556 = tpu.memref_squeeze %dma_wait3A_2555 : memref<1x8x16384xf32, #tpu.memory_space<vmem>> -> memref<8x16384xf32, #tpu.memory_space<vmem>>
    %dma_wait3A_2557 = arith.constant 216 : i32
    %dma_wait3A_2558 = arith.constant 0 : i32
    %dma_wait3A_2559 = tpu.memref_slice %arg2[%dma_wait3A_2557, %dma_wait3A_2558] : memref<256x16384xf32, #tpu.memory_space<any>> -> memref<8x16384xf32, #tpu.memory_space<any>>
    tpu.wait_dma2 semaphore(%dma_wait3A_2552 : memref<!tpu.dma_semaphore, #tpu.memory_space<semaphore_mem>>) src(%dma_wait3A_2559 : memref<8x16384xf32, #tpu.memory_space<any>>) dst(%dma_wait3A_2556 : memref<8x16384xf32, #tpu.memory_space<vmem>>)
    %dma_wait3A_2560 = arith.constant 3 : i32
    %dma_wait3A_2561 = arith.constant 3 : i32
    %dma_wait3A_2562 = tpu.memref_slice %arg9[%dma_wait3A_2561] : memref<4x!tpu.dma_semaphore, #tpu.memory_space<semaphore_mem>> -> memref<1x!tpu.dma_semaphore, #tpu.memory_space<semaphore_mem>>
    %dma_wait3A_2563 = tpu.memref_squeeze %dma_wait3A_2562 : memref<1x!tpu.dma_semaphore, #tpu.memory_space<semaphore_mem>> -> memref<!tpu.dma_semaphore, #tpu.memory_space<semaphore_mem>>
    %dma_wait3A_2564 = arith.constant 0 : i32
    %dma_wait3A_2565 = arith.constant 0 : i32
    %dma_wait3A_2566 = tpu.memref_slice %arg6[%dma_wait3A_2560, %dma_wait3A_2564, %dma_wait3A_2565] : memref<4x8x16384xf32, #tpu.memory_space<vmem>> -> memref<1x8x16384xf32, #tpu.memory_space<vmem>>
    %dma_wait3A_2567 = tpu.memref_squeeze %dma_wait3A_2566 : memref<1x8x16384xf32, #tpu.memory_space<vmem>> -> memref<8x16384xf32, #tpu.memory_space<vmem>>
    %dma_wait3A_2568 = arith.constant 216 : i32
    %dma_wait3A_2569 = arith.constant 0 : i32
    %dma_wait3A_2570 = tpu.memref_slice %arg3[%dma_wait3A_2568, %dma_wait3A_2569] : memref<256x16384xf32, #tpu.memory_space<any>> -> memref<8x16384xf32, #tpu.memory_space<any>>
    tpu.wait_dma2 semaphore(%dma_wait3A_2563 : memref<!tpu.dma_semaphore, #tpu.memory_space<semaphore_mem>>) src(%dma_wait3A_2570 : memref<8x16384xf32, #tpu.memory_space<any>>) dst(%dma_wait3A_2567 : memref<8x16384xf32, #tpu.memory_space<vmem>>)
    %dma_wait3A_2571 = arith.constant 3 : i32
    %dma_wait3A_2572 = arith.constant 3 : i32
    %dma_wait3A_2573 = tpu.memref_slice %arg10[%dma_wait3A_2572] : memref<4x!tpu.dma_semaphore, #tpu.memory_space<semaphore_mem>> -> memref<1x!tpu.dma_semaphore, #tpu.memory_space<semaphore_mem>>
    %dma_wait3A_2574 = tpu.memref_squeeze %dma_wait3A_2573 : memref<1x!tpu.dma_semaphore, #tpu.memory_space<semaphore_mem>> -> memref<!tpu.dma_semaphore, #tpu.memory_space<semaphore_mem>>
    %dma_wait3A_2575 = arith.constant 184 : i32
    %dma_wait3A_2576 = arith.constant 0 : i32
    %dma_wait3A_2577 = tpu.memref_slice %arg4[%dma_wait3A_2575, %dma_wait3A_2576] : memref<256x16384xf32, #tpu.memory_space<any>> -> memref<8x16384xf32, #tpu.memory_space<any>>
    %dma_wait3A_2578 = arith.constant 0 : i32
    %dma_wait3A_2579 = arith.constant 0 : i32
    %dma_wait3A_2580 = tpu.memref_slice %arg7[%dma_wait3A_2571, %dma_wait3A_2578, %dma_wait3A_2579] : memref<4x8x16384xf32, #tpu.memory_space<vmem>> -> memref<1x8x16384xf32, #tpu.memory_space<vmem>>
    %dma_wait3A_2581 = tpu.memref_squeeze %dma_wait3A_2580 : memref<1x8x16384xf32, #tpu.memory_space<vmem>> -> memref<8x16384xf32, #tpu.memory_space<vmem>>
    tpu.wait_dma2 semaphore(%dma_wait3A_2574 : memref<!tpu.dma_semaphore, #tpu.memory_space<semaphore_mem>>) src(%dma_wait3A_2581 : memref<8x16384xf32, #tpu.memory_space<vmem>>) dst(%dma_wait3A_2577 : memref<8x16384xf32, #tpu.memory_space<any>>)
    %get3A_2582 = arith.constant 216 : index
    %get3A_2583 = arith.constant 0 : index
    %get3A_2584 = vector.load %arg0[%get3A_2582, %get3A_2583] : memref<256x1xf32, #tpu.memory_space<vmem>>, vector<8x1xf32>
    %get3A_2585 = arith.constant 216 : index
    %get3A_2586 = arith.constant 0 : index
    %get3A_2587 = vector.load %arg1[%get3A_2585, %get3A_2586] : memref<256x1xf32, #tpu.memory_space<vmem>>, vector<8x1xf32>
    %get3A_2588 = arith.constant 3 : index
    %get3A_2589 = arith.constant 0 : index
    %get3A_2590 = arith.constant 0 : index
    %get3A_2591 = vector.load %arg5[%get3A_2588, %get3A_2589, %get3A_2590] : memref<4x8x16384xf32, #tpu.memory_space<vmem>>, vector<1x8x16384xf32>
    %get3A_2592 = vector.shape_cast %get3A_2591 : vector<1x8x16384xf32> to vector<8x16384xf32>
    %mul3A_2593 = vector.broadcast %get3A_2584 : vector<8x1xf32> to vector<8x16384xf32>
    %mul3A_2594 = arith.mulf %mul3A_2593, %get3A_2592 : vector<8x16384xf32>
    %get3A_2595 = arith.constant 3 : index
    %get3A_2596 = arith.constant 0 : index
    %get3A_2597 = arith.constant 0 : index
    %get3A_2598 = vector.load %arg6[%get3A_2595, %get3A_2596, %get3A_2597] : memref<4x8x16384xf32, #tpu.memory_space<vmem>>, vector<1x8x16384xf32>
    %get3A_2599 = vector.shape_cast %get3A_2598 : vector<1x8x16384xf32> to vector<8x16384xf32>
    %mul3A_2600 = vector.broadcast %get3A_2587 : vector<8x1xf32> to vector<8x16384xf32>
    %mul3A_2601 = arith.mulf %mul3A_2600, %get3A_2599 : vector<8x16384xf32>
    %add3A_2602 = arith.addf %mul3A_2594, %mul3A_2601 : vector<8x16384xf32>
    %swap3A_2603 = arith.constant 3 : index
    %swap3A_2604 = arith.constant 0 : index
    %swap3A_2605 = arith.constant 0 : index
    %swap3A_2606 = vector.load %arg7[%swap3A_2603, %swap3A_2604, %swap3A_2605] : memref<4x8x16384xf32, #tpu.memory_space<vmem>>, vector<1x8x16384xf32>
    %swap3A_2607 = vector.shape_cast %swap3A_2606 : vector<1x8x16384xf32> to vector<8x16384xf32>
    %swap3A_2608 = vector.shape_cast %add3A_2602 : vector<8x16384xf32> to vector<1x8x16384xf32>
    tpu.vector_store %arg7[%swap3A_2603, %swap3A_2604, %swap3A_2605], %swap3A_2608 {strides = array<i32>} : memref<4x8x16384xf32, #tpu.memory_space<vmem>>, vector<1x8x16384xf32>,
    %dma_start3A_2609 = arith.constant 3 : i32
    %dma_start3A_2610 = arith.constant 3 : i32
    %dma_start3A_2611 = tpu.memref_slice %arg10[%dma_start3A_2610] : memref<4x!tpu.dma_semaphore, #tpu.memory_space<semaphore_mem>> -> memref<1x!tpu.dma_semaphore, #tpu.memory_space<semaphore_mem>>
    %dma_start3A_2612 = tpu.memref_squeeze %dma_start3A_2611 : memref<1x!tpu.dma_semaphore, #tpu.memory_space<semaphore_mem>> -> memref<!tpu.dma_semaphore, #tpu.memory_space<semaphore_mem>>
    %dma_start3A_2613 = arith.constant 216 : i32
    %dma_start3A_2614 = arith.constant 0 : i32
    %dma_start3A_2615 = tpu.memref_slice %arg4[%dma_start3A_2613, %dma_start3A_2614] : memref<256x16384xf32, #tpu.memory_space<any>> -> memref<8x16384xf32, #tpu.memory_space<any>>
    %dma_start3A_2616 = arith.constant 0 : i32
    %dma_start3A_2617 = arith.constant 0 : i32
    %dma_start3A_2618 = tpu.memref_slice %arg7[%dma_start3A_2609, %dma_start3A_2616, %dma_start3A_2617] : memref<4x8x16384xf32, #tpu.memory_space<vmem>> -> memref<1x8x16384xf32, #tpu.memory_space<vmem>>
    %dma_start3A_2619 = tpu.memref_squeeze %dma_start3A_2618 : memref<1x8x16384xf32, #tpu.memory_space<vmem>> -> memref<8x16384xf32, #tpu.memory_space<vmem>>
    tpu.enqueue_dma source(%dma_start3A_2619 : memref<8x16384xf32, #tpu.memory_space<vmem>>) target(%dma_start3A_2615 : memref<8x16384xf32, #tpu.memory_space<any>>) target_semaphore(%dma_start3A_2612 : memref<!tpu.dma_semaphore, #tpu.memory_space<semaphore_mem>>)
    %dma_start3A_2620 = arith.constant 3 : i32
    %dma_start3A_2621 = arith.constant 3 : i32
    %dma_start3A_2622 = tpu.memref_slice %arg8[%dma_start3A_2621] : memref<4x!tpu.dma_semaphore, #tpu.memory_space<semaphore_mem>> -> memref<1x!tpu.dma_semaphore, #tpu.memory_space<semaphore_mem>>
    %dma_start3A_2623 = tpu.memref_squeeze %dma_start3A_2622 : memref<1x!tpu.dma_semaphore, #tpu.memory_space<semaphore_mem>> -> memref<!tpu.dma_semaphore, #tpu.memory_space<semaphore_mem>>
    %dma_start3A_2624 = arith.constant 0 : i32
    %dma_start3A_2625 = arith.constant 0 : i32
    %dma_start3A_2626 = tpu.memref_slice %arg5[%dma_start3A_2620, %dma_start3A_2624, %dma_start3A_2625] : memref<4x8x16384xf32, #tpu.memory_space<vmem>> -> memref<1x8x16384xf32, #tpu.memory_space<vmem>>
    %dma_start3A_2627 = tpu.memref_squeeze %dma_start3A_2626 : memref<1x8x16384xf32, #tpu.memory_space<vmem>> -> memref<8x16384xf32, #tpu.memory_space<vmem>>
    %dma_start3A_2628 = arith.constant 248 : i32
    %dma_start3A_2629 = arith.constant 0 : i32
    %dma_start3A_2630 = tpu.memref_slice %arg2[%dma_start3A_2628, %dma_start3A_2629] : memref<256x16384xf32, #tpu.memory_space<any>> -> memref<8x16384xf32, #tpu.memory_space<any>>
    tpu.enqueue_dma source(%dma_start3A_2630 : memref<8x16384xf32, #tpu.memory_space<any>>) target(%dma_start3A_2627 : memref<8x16384xf32, #tpu.memory_space<vmem>>) target_semaphore(%dma_start3A_2623 : memref<!tpu.dma_semaphore, #tpu.memory_space<semaphore_mem>>)
    %dma_start3A_2631 = arith.constant 3 : i32
    %dma_start3A_2632 = arith.constant 3 : i32
    %dma_start3A_2633 = tpu.memref_slice %arg9[%dma_start3A_2632] : memref<4x!tpu.dma_semaphore, #tpu.memory_space<semaphore_mem>> -> memref<1x!tpu.dma_semaphore, #tpu.memory_space<semaphore_mem>>
    %dma_start3A_2634 = tpu.memref_squeeze %dma_start3A_2633 : memref<1x!tpu.dma_semaphore, #tpu.memory_space<semaphore_mem>> -> memref<!tpu.dma_semaphore, #tpu.memory_space<semaphore_mem>>
    %dma_start3A_2635 = arith.constant 0 : i32
    %dma_start3A_2636 = arith.constant 0 : i32
    %dma_start3A_2637 = tpu.memref_slice %arg6[%dma_start3A_2631, %dma_start3A_2635, %dma_start3A_2636] : memref<4x8x16384xf32, #tpu.memory_space<vmem>> -> memref<1x8x16384xf32, #tpu.memory_space<vmem>>
    %dma_start3A_2638 = tpu.memref_squeeze %dma_start3A_2637 : memref<1x8x16384xf32, #tpu.memory_space<vmem>> -> memref<8x16384xf32, #tpu.memory_space<vmem>>
    %dma_start3A_2639 = arith.constant 248 : i32
    %dma_start3A_2640 = arith.constant 0 : i32
    %dma_start3A_2641 = tpu.memref_slice %arg3[%dma_start3A_2639, %dma_start3A_2640] : memref<256x16384xf32, #tpu.memory_space<any>> -> memref<8x16384xf32, #tpu.memory_space<any>>
    tpu.enqueue_dma source(%dma_start3A_2641 : memref<8x16384xf32, #tpu.memory_space<any>>) target(%dma_start3A_2638 : memref<8x16384xf32, #tpu.memory_space<vmem>>) target_semaphore(%dma_start3A_2634 : memref<!tpu.dma_semaphore, #tpu.memory_space<semaphore_mem>>)
    %dma_wait3A_2642 = arith.constant 0 : i32
    %dma_wait3A_2643 = arith.constant 0 : i32
    %dma_wait3A_2644 = tpu.memref_slice %arg8[%dma_wait3A_2643] : memref<4x!tpu.dma_semaphore, #tpu.memory_space<semaphore_mem>> -> memref<1x!tpu.dma_semaphore, #tpu.memory_space<semaphore_mem>>
    %dma_wait3A_2645 = tpu.memref_squeeze %dma_wait3A_2644 : memref<1x!tpu.dma_semaphore, #tpu.memory_space<semaphore_mem>> -> memref<!tpu.dma_semaphore, #tpu.memory_space<semaphore_mem>>
    %dma_wait3A_2646 = arith.constant 0 : i32
    %dma_wait3A_2647 = arith.constant 0 : i32
    %dma_wait3A_2648 = tpu.memref_slice %arg5[%dma_wait3A_2642, %dma_wait3A_2646, %dma_wait3A_2647] : memref<4x8x16384xf32, #tpu.memory_space<vmem>> -> memref<1x8x16384xf32, #tpu.memory_space<vmem>>
    %dma_wait3A_2649 = tpu.memref_squeeze %dma_wait3A_2648 : memref<1x8x16384xf32, #tpu.memory_space<vmem>> -> memref<8x16384xf32, #tpu.memory_space<vmem>>
    %dma_wait3A_2650 = arith.constant 224 : i32
    %dma_wait3A_2651 = arith.constant 0 : i32
    %dma_wait3A_2652 = tpu.memref_slice %arg2[%dma_wait3A_2650, %dma_wait3A_2651] : memref<256x16384xf32, #tpu.memory_space<any>> -> memref<8x16384xf32, #tpu.memory_space<any>>
    tpu.wait_dma2 semaphore(%dma_wait3A_2645 : memref<!tpu.dma_semaphore, #tpu.memory_space<semaphore_mem>>) src(%dma_wait3A_2652 : memref<8x16384xf32, #tpu.memory_space<any>>) dst(%dma_wait3A_2649 : memref<8x16384xf32, #tpu.memory_space<vmem>>)
    %dma_wait3A_2653 = arith.constant 0 : i32
    %dma_wait3A_2654 = arith.constant 0 : i32
    %dma_wait3A_2655 = tpu.memref_slice %arg9[%dma_wait3A_2654] : memref<4x!tpu.dma_semaphore, #tpu.memory_space<semaphore_mem>> -> memref<1x!tpu.dma_semaphore, #tpu.memory_space<semaphore_mem>>
    %dma_wait3A_2656 = tpu.memref_squeeze %dma_wait3A_2655 : memref<1x!tpu.dma_semaphore, #tpu.memory_space<semaphore_mem>> -> memref<!tpu.dma_semaphore, #tpu.memory_space<semaphore_mem>>
    %dma_wait3A_2657 = arith.constant 0 : i32
    %dma_wait3A_2658 = arith.constant 0 : i32
    %dma_wait3A_2659 = tpu.memref_slice %arg6[%dma_wait3A_2653, %dma_wait3A_2657, %dma_wait3A_2658] : memref<4x8x16384xf32, #tpu.memory_space<vmem>> -> memref<1x8x16384xf32, #tpu.memory_space<vmem>>
    %dma_wait3A_2660 = tpu.memref_squeeze %dma_wait3A_2659 : memref<1x8x16384xf32, #tpu.memory_space<vmem>> -> memref<8x16384xf32, #tpu.memory_space<vmem>>
    %dma_wait3A_2661 = arith.constant 224 : i32
    %dma_wait3A_2662 = arith.constant 0 : i32
    %dma_wait3A_2663 = tpu.memref_slice %arg3[%dma_wait3A_2661, %dma_wait3A_2662] : memref<256x16384xf32, #tpu.memory_space<any>> -> memref<8x16384xf32, #tpu.memory_space<any>>
    tpu.wait_dma2 semaphore(%dma_wait3A_2656 : memref<!tpu.dma_semaphore, #tpu.memory_space<semaphore_mem>>) src(%dma_wait3A_2663 : memref<8x16384xf32, #tpu.memory_space<any>>) dst(%dma_wait3A_2660 : memref<8x16384xf32, #tpu.memory_space<vmem>>)
    %dma_wait3A_2664 = arith.constant 0 : i32
    %dma_wait3A_2665 = arith.constant 0 : i32
    %dma_wait3A_2666 = tpu.memref_slice %arg10[%dma_wait3A_2665] : memref<4x!tpu.dma_semaphore, #tpu.memory_space<semaphore_mem>> -> memref<1x!tpu.dma_semaphore, #tpu.memory_space<semaphore_mem>>
    %dma_wait3A_2667 = tpu.memref_squeeze %dma_wait3A_2666 : memref<1x!tpu.dma_semaphore, #tpu.memory_space<semaphore_mem>> -> memref<!tpu.dma_semaphore, #tpu.memory_space<semaphore_mem>>
    %dma_wait3A_2668 = arith.constant 192 : i32
    %dma_wait3A_2669 = arith.constant 0 : i32
    %dma_wait3A_2670 = tpu.memref_slice %arg4[%dma_wait3A_2668, %dma_wait3A_2669] : memref<256x16384xf32, #tpu.memory_space<any>> -> memref<8x16384xf32, #tpu.memory_space<any>>
    %dma_wait3A_2671 = arith.constant 0 : i32
    %dma_wait3A_2672 = arith.constant 0 : i32
    %dma_wait3A_2673 = tpu.memref_slice %arg7[%dma_wait3A_2664, %dma_wait3A_2671, %dma_wait3A_2672] : memref<4x8x16384xf32, #tpu.memory_space<vmem>> -> memref<1x8x16384xf32, #tpu.memory_space<vmem>>
    %dma_wait3A_2674 = tpu.memref_squeeze %dma_wait3A_2673 : memref<1x8x16384xf32, #tpu.memory_space<vmem>> -> memref<8x16384xf32, #tpu.memory_space<vmem>>
    tpu.wait_dma2 semaphore(%dma_wait3A_2667 : memref<!tpu.dma_semaphore, #tpu.memory_space<semaphore_mem>>) src(%dma_wait3A_2674 : memref<8x16384xf32, #tpu.memory_space<vmem>>) dst(%dma_wait3A_2670 : memref<8x16384xf32, #tpu.memory_space<any>>)
    %get3A_2675 = arith.constant 224 : index
    %get3A_2676 = arith.constant 0 : index
    %get3A_2677 = vector.load %arg0[%get3A_2675, %get3A_2676] : memref<256x1xf32, #tpu.memory_space<vmem>>, vector<8x1xf32>
    %get3A_2678 = arith.constant 224 : index
    %get3A_2679 = arith.constant 0 : index
    %get3A_2680 = vector.load %arg1[%get3A_2678, %get3A_2679] : memref<256x1xf32, #tpu.memory_space<vmem>>, vector<8x1xf32>
    %get3A_2681 = arith.constant 0 : index
    %get3A_2682 = arith.constant 0 : index
    %get3A_2683 = arith.constant 0 : index
    %get3A_2684 = vector.load %arg5[%get3A_2681, %get3A_2682, %get3A_2683] : memref<4x8x16384xf32, #tpu.memory_space<vmem>>, vector<1x8x16384xf32>
    %get3A_2685 = vector.shape_cast %get3A_2684 : vector<1x8x16384xf32> to vector<8x16384xf32>
    %mul3A_2686 = vector.broadcast %get3A_2677 : vector<8x1xf32> to vector<8x16384xf32>
    %mul3A_2687 = arith.mulf %mul3A_2686, %get3A_2685 : vector<8x16384xf32>
    %get3A_2688 = arith.constant 0 : index
    %get3A_2689 = arith.constant 0 : index
    %get3A_2690 = arith.constant 0 : index
    %get3A_2691 = vector.load %arg6[%get3A_2688, %get3A_2689, %get3A_2690] : memref<4x8x16384xf32, #tpu.memory_space<vmem>>, vector<1x8x16384xf32>
    %get3A_2692 = vector.shape_cast %get3A_2691 : vector<1x8x16384xf32> to vector<8x16384xf32>
    %mul3A_2693 = vector.broadcast %get3A_2680 : vector<8x1xf32> to vector<8x16384xf32>
    %mul3A_2694 = arith.mulf %mul3A_2693, %get3A_2692 : vector<8x16384xf32>
    %add3A_2695 = arith.addf %mul3A_2687, %mul3A_2694 : vector<8x16384xf32>
    %swap3A_2696 = arith.constant 0 : index
    %swap3A_2697 = arith.constant 0 : index
    %swap3A_2698 = arith.constant 0 : index
    %swap3A_2699 = vector.load %arg7[%swap3A_2696, %swap3A_2697, %swap3A_2698] : memref<4x8x16384xf32, #tpu.memory_space<vmem>>, vector<1x8x16384xf32>
    %swap3A_2700 = vector.shape_cast %swap3A_2699 : vector<1x8x16384xf32> to vector<8x16384xf32>
    %swap3A_2701 = vector.shape_cast %add3A_2695 : vector<8x16384xf32> to vector<1x8x16384xf32>
    tpu.vector_store %arg7[%swap3A_2696, %swap3A_2697, %swap3A_2698], %swap3A_2701 {strides = array<i32>} : memref<4x8x16384xf32, #tpu.memory_space<vmem>>, vector<1x8x16384xf32>,
    %dma_start3A_2702 = arith.constant 0 : i32
    %dma_start3A_2703 = arith.constant 0 : i32
    %dma_start3A_2704 = tpu.memref_slice %arg10[%dma_start3A_2703] : memref<4x!tpu.dma_semaphore, #tpu.memory_space<semaphore_mem>> -> memref<1x!tpu.dma_semaphore, #tpu.memory_space<semaphore_mem>>
    %dma_start3A_2705 = tpu.memref_squeeze %dma_start3A_2704 : memref<1x!tpu.dma_semaphore, #tpu.memory_space<semaphore_mem>> -> memref<!tpu.dma_semaphore, #tpu.memory_space<semaphore_mem>>
    %dma_start3A_2706 = arith.constant 224 : i32
    %dma_start3A_2707 = arith.constant 0 : i32
    %dma_start3A_2708 = tpu.memref_slice %arg4[%dma_start3A_2706, %dma_start3A_2707] : memref<256x16384xf32, #tpu.memory_space<any>> -> memref<8x16384xf32, #tpu.memory_space<any>>
    %dma_start3A_2709 = arith.constant 0 : i32
    %dma_start3A_2710 = arith.constant 0 : i32
    %dma_start3A_2711 = tpu.memref_slice %arg7[%dma_start3A_2702, %dma_start3A_2709, %dma_start3A_2710] : memref<4x8x16384xf32, #tpu.memory_space<vmem>> -> memref<1x8x16384xf32, #tpu.memory_space<vmem>>
    %dma_start3A_2712 = tpu.memref_squeeze %dma_start3A_2711 : memref<1x8x16384xf32, #tpu.memory_space<vmem>> -> memref<8x16384xf32, #tpu.memory_space<vmem>>
    tpu.enqueue_dma source(%dma_start3A_2712 : memref<8x16384xf32, #tpu.memory_space<vmem>>) target(%dma_start3A_2708 : memref<8x16384xf32, #tpu.memory_space<any>>) target_semaphore(%dma_start3A_2705 : memref<!tpu.dma_semaphore, #tpu.memory_space<semaphore_mem>>)
    %dma_wait3A_2713 = arith.constant 1 : i32
    %dma_wait3A_2714 = arith.constant 1 : i32
    %dma_wait3A_2715 = tpu.memref_slice %arg8[%dma_wait3A_2714] : memref<4x!tpu.dma_semaphore, #tpu.memory_space<semaphore_mem>> -> memref<1x!tpu.dma_semaphore, #tpu.memory_space<semaphore_mem>>
    %dma_wait3A_2716 = tpu.memref_squeeze %dma_wait3A_2715 : memref<1x!tpu.dma_semaphore, #tpu.memory_space<semaphore_mem>> -> memref<!tpu.dma_semaphore, #tpu.memory_space<semaphore_mem>>
    %dma_wait3A_2717 = arith.constant 0 : i32
    %dma_wait3A_2718 = arith.constant 0 : i32
    %dma_wait3A_2719 = tpu.memref_slice %arg5[%dma_wait3A_2713, %dma_wait3A_2717, %dma_wait3A_2718] : memref<4x8x16384xf32, #tpu.memory_space<vmem>> -> memref<1x8x16384xf32, #tpu.memory_space<vmem>>
    %dma_wait3A_2720 = tpu.memref_squeeze %dma_wait3A_2719 : memref<1x8x16384xf32, #tpu.memory_space<vmem>> -> memref<8x16384xf32, #tpu.memory_space<vmem>>
    %dma_wait3A_2721 = arith.constant 232 : i32
    %dma_wait3A_2722 = arith.constant 0 : i32
    %dma_wait3A_2723 = tpu.memref_slice %arg2[%dma_wait3A_2721, %dma_wait3A_2722] : memref<256x16384xf32, #tpu.memory_space<any>> -> memref<8x16384xf32, #tpu.memory_space<any>>
    tpu.wait_dma2 semaphore(%dma_wait3A_2716 : memref<!tpu.dma_semaphore, #tpu.memory_space<semaphore_mem>>) src(%dma_wait3A_2723 : memref<8x16384xf32, #tpu.memory_space<any>>) dst(%dma_wait3A_2720 : memref<8x16384xf32, #tpu.memory_space<vmem>>)
    %dma_wait3A_2724 = arith.constant 1 : i32
    %dma_wait3A_2725 = arith.constant 1 : i32
    %dma_wait3A_2726 = tpu.memref_slice %arg9[%dma_wait3A_2725] : memref<4x!tpu.dma_semaphore, #tpu.memory_space<semaphore_mem>> -> memref<1x!tpu.dma_semaphore, #tpu.memory_space<semaphore_mem>>
    %dma_wait3A_2727 = tpu.memref_squeeze %dma_wait3A_2726 : memref<1x!tpu.dma_semaphore, #tpu.memory_space<semaphore_mem>> -> memref<!tpu.dma_semaphore, #tpu.memory_space<semaphore_mem>>
    %dma_wait3A_2728 = arith.constant 0 : i32
    %dma_wait3A_2729 = arith.constant 0 : i32
    %dma_wait3A_2730 = tpu.memref_slice %arg6[%dma_wait3A_2724, %dma_wait3A_2728, %dma_wait3A_2729] : memref<4x8x16384xf32, #tpu.memory_space<vmem>> -> memref<1x8x16384xf32, #tpu.memory_space<vmem>>
    %dma_wait3A_2731 = tpu.memref_squeeze %dma_wait3A_2730 : memref<1x8x16384xf32, #tpu.memory_space<vmem>> -> memref<8x16384xf32, #tpu.memory_space<vmem>>
    %dma_wait3A_2732 = arith.constant 232 : i32
    %dma_wait3A_2733 = arith.constant 0 : i32
    %dma_wait3A_2734 = tpu.memref_slice %arg3[%dma_wait3A_2732, %dma_wait3A_2733] : memref<256x16384xf32, #tpu.memory_space<any>> -> memref<8x16384xf32, #tpu.memory_space<any>>
    tpu.wait_dma2 semaphore(%dma_wait3A_2727 : memref<!tpu.dma_semaphore, #tpu.memory_space<semaphore_mem>>) src(%dma_wait3A_2734 : memref<8x16384xf32, #tpu.memory_space<any>>) dst(%dma_wait3A_2731 : memref<8x16384xf32, #tpu.memory_space<vmem>>)
    %dma_wait3A_2735 = arith.constant 1 : i32
    %dma_wait3A_2736 = arith.constant 1 : i32
    %dma_wait3A_2737 = tpu.memref_slice %arg10[%dma_wait3A_2736] : memref<4x!tpu.dma_semaphore, #tpu.memory_space<semaphore_mem>> -> memref<1x!tpu.dma_semaphore, #tpu.memory_space<semaphore_mem>>
    %dma_wait3A_2738 = tpu.memref_squeeze %dma_wait3A_2737 : memref<1x!tpu.dma_semaphore, #tpu.memory_space<semaphore_mem>> -> memref<!tpu.dma_semaphore, #tpu.memory_space<semaphore_mem>>
    %dma_wait3A_2739 = arith.constant 200 : i32
    %dma_wait3A_2740 = arith.constant 0 : i32
    %dma_wait3A_2741 = tpu.memref_slice %arg4[%dma_wait3A_2739, %dma_wait3A_2740] : memref<256x16384xf32, #tpu.memory_space<any>> -> memref<8x16384xf32, #tpu.memory_space<any>>
    %dma_wait3A_2742 = arith.constant 0 : i32
    %dma_wait3A_2743 = arith.constant 0 : i32
    %dma_wait3A_2744 = tpu.memref_slice %arg7[%dma_wait3A_2735, %dma_wait3A_2742, %dma_wait3A_2743] : memref<4x8x16384xf32, #tpu.memory_space<vmem>> -> memref<1x8x16384xf32, #tpu.memory_space<vmem>>
    %dma_wait3A_2745 = tpu.memref_squeeze %dma_wait3A_2744 : memref<1x8x16384xf32, #tpu.memory_space<vmem>> -> memref<8x16384xf32, #tpu.memory_space<vmem>>
    tpu.wait_dma2 semaphore(%dma_wait3A_2738 : memref<!tpu.dma_semaphore, #tpu.memory_space<semaphore_mem>>) src(%dma_wait3A_2745 : memref<8x16384xf32, #tpu.memory_space<vmem>>) dst(%dma_wait3A_2741 : memref<8x16384xf32, #tpu.memory_space<any>>)
    %get3A_2746 = arith.constant 232 : index
    %get3A_2747 = arith.constant 0 : index
    %get3A_2748 = vector.load %arg0[%get3A_2746, %get3A_2747] : memref<256x1xf32, #tpu.memory_space<vmem>>, vector<8x1xf32>
    %get3A_2749 = arith.constant 232 : index
    %get3A_2750 = arith.constant 0 : index
    %get3A_2751 = vector.load %arg1[%get3A_2749, %get3A_2750] : memref<256x1xf32, #tpu.memory_space<vmem>>, vector<8x1xf32>
    %get3A_2752 = arith.constant 1 : index
    %get3A_2753 = arith.constant 0 : index
    %get3A_2754 = arith.constant 0 : index
    %get3A_2755 = vector.load %arg5[%get3A_2752, %get3A_2753, %get3A_2754] : memref<4x8x16384xf32, #tpu.memory_space<vmem>>, vector<1x8x16384xf32>
    %get3A_2756 = vector.shape_cast %get3A_2755 : vector<1x8x16384xf32> to vector<8x16384xf32>
    %mul3A_2757 = vector.broadcast %get3A_2748 : vector<8x1xf32> to vector<8x16384xf32>
    %mul3A_2758 = arith.mulf %mul3A_2757, %get3A_2756 : vector<8x16384xf32>
    %get3A_2759 = arith.constant 1 : index
    %get3A_2760 = arith.constant 0 : index
    %get3A_2761 = arith.constant 0 : index
    %get3A_2762 = vector.load %arg6[%get3A_2759, %get3A_2760, %get3A_2761] : memref<4x8x16384xf32, #tpu.memory_space<vmem>>, vector<1x8x16384xf32>
    %get3A_2763 = vector.shape_cast %get3A_2762 : vector<1x8x16384xf32> to vector<8x16384xf32>
    %mul3A_2764 = vector.broadcast %get3A_2751 : vector<8x1xf32> to vector<8x16384xf32>
    %mul3A_2765 = arith.mulf %mul3A_2764, %get3A_2763 : vector<8x16384xf32>
    %add3A_2766 = arith.addf %mul3A_2758, %mul3A_2765 : vector<8x16384xf32>
    %swap3A_2767 = arith.constant 1 : index
    %swap3A_2768 = arith.constant 0 : index
    %swap3A_2769 = arith.constant 0 : index
    %swap3A_2770 = vector.load %arg7[%swap3A_2767, %swap3A_2768, %swap3A_2769] : memref<4x8x16384xf32, #tpu.memory_space<vmem>>, vector<1x8x16384xf32>
    %swap3A_2771 = vector.shape_cast %swap3A_2770 : vector<1x8x16384xf32> to vector<8x16384xf32>
    %swap3A_2772 = vector.shape_cast %add3A_2766 : vector<8x16384xf32> to vector<1x8x16384xf32>
    tpu.vector_store %arg7[%swap3A_2767, %swap3A_2768, %swap3A_2769], %swap3A_2772 {strides = array<i32>} : memref<4x8x16384xf32, #tpu.memory_space<vmem>>, vector<1x8x16384xf32>,
    %dma_start3A_2773 = arith.constant 1 : i32
    %dma_start3A_2774 = arith.constant 1 : i32
    %dma_start3A_2775 = tpu.memref_slice %arg10[%dma_start3A_2774] : memref<4x!tpu.dma_semaphore, #tpu.memory_space<semaphore_mem>> -> memref<1x!tpu.dma_semaphore, #tpu.memory_space<semaphore_mem>>
    %dma_start3A_2776 = tpu.memref_squeeze %dma_start3A_2775 : memref<1x!tpu.dma_semaphore, #tpu.memory_space<semaphore_mem>> -> memref<!tpu.dma_semaphore, #tpu.memory_space<semaphore_mem>>
    %dma_start3A_2777 = arith.constant 232 : i32
    %dma_start3A_2778 = arith.constant 0 : i32
    %dma_start3A_2779 = tpu.memref_slice %arg4[%dma_start3A_2777, %dma_start3A_2778] : memref<256x16384xf32, #tpu.memory_space<any>> -> memref<8x16384xf32, #tpu.memory_space<any>>
    %dma_start3A_2780 = arith.constant 0 : i32
    %dma_start3A_2781 = arith.constant 0 : i32
    %dma_start3A_2782 = tpu.memref_slice %arg7[%dma_start3A_2773, %dma_start3A_2780, %dma_start3A_2781] : memref<4x8x16384xf32, #tpu.memory_space<vmem>> -> memref<1x8x16384xf32, #tpu.memory_space<vmem>>
    %dma_start3A_2783 = tpu.memref_squeeze %dma_start3A_2782 : memref<1x8x16384xf32, #tpu.memory_space<vmem>> -> memref<8x16384xf32, #tpu.memory_space<vmem>>
    tpu.enqueue_dma source(%dma_start3A_2783 : memref<8x16384xf32, #tpu.memory_space<vmem>>) target(%dma_start3A_2779 : memref<8x16384xf32, #tpu.memory_space<any>>) target_semaphore(%dma_start3A_2776 : memref<!tpu.dma_semaphore, #tpu.memory_space<semaphore_mem>>)
    %dma_wait3A_2784 = arith.constant 2 : i32
    %dma_wait3A_2785 = arith.constant 2 : i32
    %dma_wait3A_2786 = tpu.memref_slice %arg8[%dma_wait3A_2785] : memref<4x!tpu.dma_semaphore, #tpu.memory_space<semaphore_mem>> -> memref<1x!tpu.dma_semaphore, #tpu.memory_space<semaphore_mem>>
    %dma_wait3A_2787 = tpu.memref_squeeze %dma_wait3A_2786 : memref<1x!tpu.dma_semaphore, #tpu.memory_space<semaphore_mem>> -> memref<!tpu.dma_semaphore, #tpu.memory_space<semaphore_mem>>
    %dma_wait3A_2788 = arith.constant 0 : i32
    %dma_wait3A_2789 = arith.constant 0 : i32
    %dma_wait3A_2790 = tpu.memref_slice %arg5[%dma_wait3A_2784, %dma_wait3A_2788, %dma_wait3A_2789] : memref<4x8x16384xf32, #tpu.memory_space<vmem>> -> memref<1x8x16384xf32, #tpu.memory_space<vmem>>
    %dma_wait3A_2791 = tpu.memref_squeeze %dma_wait3A_2790 : memref<1x8x16384xf32, #tpu.memory_space<vmem>> -> memref<8x16384xf32, #tpu.memory_space<vmem>>
    %dma_wait3A_2792 = arith.constant 240 : i32
    %dma_wait3A_2793 = arith.constant 0 : i32
    %dma_wait3A_2794 = tpu.memref_slice %arg2[%dma_wait3A_2792, %dma_wait3A_2793] : memref<256x16384xf32, #tpu.memory_space<any>> -> memref<8x16384xf32, #tpu.memory_space<any>>
    tpu.wait_dma2 semaphore(%dma_wait3A_2787 : memref<!tpu.dma_semaphore, #tpu.memory_space<semaphore_mem>>) src(%dma_wait3A_2794 : memref<8x16384xf32, #tpu.memory_space<any>>) dst(%dma_wait3A_2791 : memref<8x16384xf32, #tpu.memory_space<vmem>>)
    %dma_wait3A_2795 = arith.constant 2 : i32
    %dma_wait3A_2796 = arith.constant 2 : i32
    %dma_wait3A_2797 = tpu.memref_slice %arg9[%dma_wait3A_2796] : memref<4x!tpu.dma_semaphore, #tpu.memory_space<semaphore_mem>> -> memref<1x!tpu.dma_semaphore, #tpu.memory_space<semaphore_mem>>
    %dma_wait3A_2798 = tpu.memref_squeeze %dma_wait3A_2797 : memref<1x!tpu.dma_semaphore, #tpu.memory_space<semaphore_mem>> -> memref<!tpu.dma_semaphore, #tpu.memory_space<semaphore_mem>>
    %dma_wait3A_2799 = arith.constant 0 : i32
    %dma_wait3A_2800 = arith.constant 0 : i32
    %dma_wait3A_2801 = tpu.memref_slice %arg6[%dma_wait3A_2795, %dma_wait3A_2799, %dma_wait3A_2800] : memref<4x8x16384xf32, #tpu.memory_space<vmem>> -> memref<1x8x16384xf32, #tpu.memory_space<vmem>>
    %dma_wait3A_2802 = tpu.memref_squeeze %dma_wait3A_2801 : memref<1x8x16384xf32, #tpu.memory_space<vmem>> -> memref<8x16384xf32, #tpu.memory_space<vmem>>
    %dma_wait3A_2803 = arith.constant 240 : i32
    %dma_wait3A_2804 = arith.constant 0 : i32
    %dma_wait3A_2805 = tpu.memref_slice %arg3[%dma_wait3A_2803, %dma_wait3A_2804] : memref<256x16384xf32, #tpu.memory_space<any>> -> memref<8x16384xf32, #tpu.memory_space<any>>
    tpu.wait_dma2 semaphore(%dma_wait3A_2798 : memref<!tpu.dma_semaphore, #tpu.memory_space<semaphore_mem>>) src(%dma_wait3A_2805 : memref<8x16384xf32, #tpu.memory_space<any>>) dst(%dma_wait3A_2802 : memref<8x16384xf32, #tpu.memory_space<vmem>>)
    %dma_wait3A_2806 = arith.constant 2 : i32
    %dma_wait3A_2807 = arith.constant 2 : i32
    %dma_wait3A_2808 = tpu.memref_slice %arg10[%dma_wait3A_2807] : memref<4x!tpu.dma_semaphore, #tpu.memory_space<semaphore_mem>> -> memref<1x!tpu.dma_semaphore, #tpu.memory_space<semaphore_mem>>
    %dma_wait3A_2809 = tpu.memref_squeeze %dma_wait3A_2808 : memref<1x!tpu.dma_semaphore, #tpu.memory_space<semaphore_mem>> -> memref<!tpu.dma_semaphore, #tpu.memory_space<semaphore_mem>>
    %dma_wait3A_2810 = arith.constant 208 : i32
    %dma_wait3A_2811 = arith.constant 0 : i32
    %dma_wait3A_2812 = tpu.memref_slice %arg4[%dma_wait3A_2810, %dma_wait3A_2811] : memref<256x16384xf32, #tpu.memory_space<any>> -> memref<8x16384xf32, #tpu.memory_space<any>>
    %dma_wait3A_2813 = arith.constant 0 : i32
    %dma_wait3A_2814 = arith.constant 0 : i32
    %dma_wait3A_2815 = tpu.memref_slice %arg7[%dma_wait3A_2806, %dma_wait3A_2813, %dma_wait3A_2814] : memref<4x8x16384xf32, #tpu.memory_space<vmem>> -> memref<1x8x16384xf32, #tpu.memory_space<vmem>>
    %dma_wait3A_2816 = tpu.memref_squeeze %dma_wait3A_2815 : memref<1x8x16384xf32, #tpu.memory_space<vmem>> -> memref<8x16384xf32, #tpu.memory_space<vmem>>
    tpu.wait_dma2 semaphore(%dma_wait3A_2809 : memref<!tpu.dma_semaphore, #tpu.memory_space<semaphore_mem>>) src(%dma_wait3A_2816 : memref<8x16384xf32, #tpu.memory_space<vmem>>) dst(%dma_wait3A_2812 : memref<8x16384xf32, #tpu.memory_space<any>>)
    %get3A_2817 = arith.constant 240 : index
    %get3A_2818 = arith.constant 0 : index
    %get3A_2819 = vector.load %arg0[%get3A_2817, %get3A_2818] : memref<256x1xf32, #tpu.memory_space<vmem>>, vector<8x1xf32>
    %get3A_2820 = arith.constant 240 : index
    %get3A_2821 = arith.constant 0 : index
    %get3A_2822 = vector.load %arg1[%get3A_2820, %get3A_2821] : memref<256x1xf32, #tpu.memory_space<vmem>>, vector<8x1xf32>
    %get3A_2823 = arith.constant 2 : index
    %get3A_2824 = arith.constant 0 : index
    %get3A_2825 = arith.constant 0 : index
    %get3A_2826 = vector.load %arg5[%get3A_2823, %get3A_2824, %get3A_2825] : memref<4x8x16384xf32, #tpu.memory_space<vmem>>, vector<1x8x16384xf32>
    %get3A_2827 = vector.shape_cast %get3A_2826 : vector<1x8x16384xf32> to vector<8x16384xf32>
    %mul3A_2828 = vector.broadcast %get3A_2819 : vector<8x1xf32> to vector<8x16384xf32>
    %mul3A_2829 = arith.mulf %mul3A_2828, %get3A_2827 : vector<8x16384xf32>
    %get3A_2830 = arith.constant 2 : index
    %get3A_2831 = arith.constant 0 : index
    %get3A_2832 = arith.constant 0 : index
    %get3A_2833 = vector.load %arg6[%get3A_2830, %get3A_2831, %get3A_2832] : memref<4x8x16384xf32, #tpu.memory_space<vmem>>, vector<1x8x16384xf32>
    %get3A_2834 = vector.shape_cast %get3A_2833 : vector<1x8x16384xf32> to vector<8x16384xf32>
    %mul3A_2835 = vector.broadcast %get3A_2822 : vector<8x1xf32> to vector<8x16384xf32>
    %mul3A_2836 = arith.mulf %mul3A_2835, %get3A_2834 : vector<8x16384xf32>
    %add3A_2837 = arith.addf %mul3A_2829, %mul3A_2836 : vector<8x16384xf32>
    %swap3A_2838 = arith.constant 2 : index
    %swap3A_2839 = arith.constant 0 : index
    %swap3A_2840 = arith.constant 0 : index
    %swap3A_2841 = vector.load %arg7[%swap3A_2838, %swap3A_2839, %swap3A_2840] : memref<4x8x16384xf32, #tpu.memory_space<vmem>>, vector<1x8x16384xf32>
    %swap3A_2842 = vector.shape_cast %swap3A_2841 : vector<1x8x16384xf32> to vector<8x16384xf32>
    %swap3A_2843 = vector.shape_cast %add3A_2837 : vector<8x16384xf32> to vector<1x8x16384xf32>
    tpu.vector_store %arg7[%swap3A_2838, %swap3A_2839, %swap3A_2840], %swap3A_2843 {strides = array<i32>} : memref<4x8x16384xf32, #tpu.memory_space<vmem>>, vector<1x8x16384xf32>,
    %dma_start3A_2844 = arith.constant 2 : i32
    %dma_start3A_2845 = arith.constant 2 : i32
    %dma_start3A_2846 = tpu.memref_slice %arg10[%dma_start3A_2845] : memref<4x!tpu.dma_semaphore, #tpu.memory_space<semaphore_mem>> -> memref<1x!tpu.dma_semaphore, #tpu.memory_space<semaphore_mem>>
    %dma_start3A_2847 = tpu.memref_squeeze %dma_start3A_2846 : memref<1x!tpu.dma_semaphore, #tpu.memory_space<semaphore_mem>> -> memref<!tpu.dma_semaphore, #tpu.memory_space<semaphore_mem>>
    %dma_start3A_2848 = arith.constant 240 : i32
    %dma_start3A_2849 = arith.constant 0 : i32
    %dma_start3A_2850 = tpu.memref_slice %arg4[%dma_start3A_2848, %dma_start3A_2849] : memref<256x16384xf32, #tpu.memory_space<any>> -> memref<8x16384xf32, #tpu.memory_space<any>>
    %dma_start3A_2851 = arith.constant 0 : i32
    %dma_start3A_2852 = arith.constant 0 : i32
    %dma_start3A_2853 = tpu.memref_slice %arg7[%dma_start3A_2844, %dma_start3A_2851, %dma_start3A_2852] : memref<4x8x16384xf32, #tpu.memory_space<vmem>> -> memref<1x8x16384xf32, #tpu.memory_space<vmem>>
    %dma_start3A_2854 = tpu.memref_squeeze %dma_start3A_2853 : memref<1x8x16384xf32, #tpu.memory_space<vmem>> -> memref<8x16384xf32, #tpu.memory_space<vmem>>
    tpu.enqueue_dma source(%dma_start3A_2854 : memref<8x16384xf32, #tpu.memory_space<vmem>>) target(%dma_start3A_2850 : memref<8x16384xf32, #tpu.memory_space<any>>) target_semaphore(%dma_start3A_2847 : memref<!tpu.dma_semaphore, #tpu.memory_space<semaphore_mem>>)
    %dma_wait3A_2855 = arith.constant 3 : i32
    %dma_wait3A_2856 = arith.constant 3 : i32
    %dma_wait3A_2857 = tpu.memref_slice %arg8[%dma_wait3A_2856] : memref<4x!tpu.dma_semaphore, #tpu.memory_space<semaphore_mem>> -> memref<1x!tpu.dma_semaphore, #tpu.memory_space<semaphore_mem>>
    %dma_wait3A_2858 = tpu.memref_squeeze %dma_wait3A_2857 : memref<1x!tpu.dma_semaphore, #tpu.memory_space<semaphore_mem>> -> memref<!tpu.dma_semaphore, #tpu.memory_space<semaphore_mem>>
    %dma_wait3A_2859 = arith.constant 0 : i32
    %dma_wait3A_2860 = arith.constant 0 : i32
    %dma_wait3A_2861 = tpu.memref_slice %arg5[%dma_wait3A_2855, %dma_wait3A_2859, %dma_wait3A_2860] : memref<4x8x16384xf32, #tpu.memory_space<vmem>> -> memref<1x8x16384xf32, #tpu.memory_space<vmem>>
    %dma_wait3A_2862 = tpu.memref_squeeze %dma_wait3A_2861 : memref<1x8x16384xf32, #tpu.memory_space<vmem>> -> memref<8x16384xf32, #tpu.memory_space<vmem>>
    %dma_wait3A_2863 = arith.constant 248 : i32
    %dma_wait3A_2864 = arith.constant 0 : i32
    %dma_wait3A_2865 = tpu.memref_slice %arg2[%dma_wait3A_2863, %dma_wait3A_2864] : memref<256x16384xf32, #tpu.memory_space<any>> -> memref<8x16384xf32, #tpu.memory_space<any>>
    tpu.wait_dma2 semaphore(%dma_wait3A_2858 : memref<!tpu.dma_semaphore, #tpu.memory_space<semaphore_mem>>) src(%dma_wait3A_2865 : memref<8x16384xf32, #tpu.memory_space<any>>) dst(%dma_wait3A_2862 : memref<8x16384xf32, #tpu.memory_space<vmem>>)
    %dma_wait3A_2866 = arith.constant 3 : i32
    %dma_wait3A_2867 = arith.constant 3 : i32
    %dma_wait3A_2868 = tpu.memref_slice %arg9[%dma_wait3A_2867] : memref<4x!tpu.dma_semaphore, #tpu.memory_space<semaphore_mem>> -> memref<1x!tpu.dma_semaphore, #tpu.memory_space<semaphore_mem>>
    %dma_wait3A_2869 = tpu.memref_squeeze %dma_wait3A_2868 : memref<1x!tpu.dma_semaphore, #tpu.memory_space<semaphore_mem>> -> memref<!tpu.dma_semaphore, #tpu.memory_space<semaphore_mem>>
    %dma_wait3A_2870 = arith.constant 0 : i32
    %dma_wait3A_2871 = arith.constant 0 : i32
    %dma_wait3A_2872 = tpu.memref_slice %arg6[%dma_wait3A_2866, %dma_wait3A_2870, %dma_wait3A_2871] : memref<4x8x16384xf32, #tpu.memory_space<vmem>> -> memref<1x8x16384xf32, #tpu.memory_space<vmem>>
    %dma_wait3A_2873 = tpu.memref_squeeze %dma_wait3A_2872 : memref<1x8x16384xf32, #tpu.memory_space<vmem>> -> memref<8x16384xf32, #tpu.memory_space<vmem>>
    %dma_wait3A_2874 = arith.constant 248 : i32
    %dma_wait3A_2875 = arith.constant 0 : i32
    %dma_wait3A_2876 = tpu.memref_slice %arg3[%dma_wait3A_2874, %dma_wait3A_2875] : memref<256x16384xf32, #tpu.memory_space<any>> -> memref<8x16384xf32, #tpu.memory_space<any>>
    tpu.wait_dma2 semaphore(%dma_wait3A_2869 : memref<!tpu.dma_semaphore, #tpu.memory_space<semaphore_mem>>) src(%dma_wait3A_2876 : memref<8x16384xf32, #tpu.memory_space<any>>) dst(%dma_wait3A_2873 : memref<8x16384xf32, #tpu.memory_space<vmem>>)
    %dma_wait3A_2877 = arith.constant 3 : i32
    %dma_wait3A_2878 = arith.constant 3 : i32
    %dma_wait3A_2879 = tpu.memref_slice %arg10[%dma_wait3A_2878] : memref<4x!tpu.dma_semaphore, #tpu.memory_space<semaphore_mem>> -> memref<1x!tpu.dma_semaphore, #tpu.memory_space<semaphore_mem>>
    %dma_wait3A_2880 = tpu.memref_squeeze %dma_wait3A_2879 : memref<1x!tpu.dma_semaphore, #tpu.memory_space<semaphore_mem>> -> memref<!tpu.dma_semaphore, #tpu.memory_space<semaphore_mem>>
    %dma_wait3A_2881 = arith.constant 216 : i32
    %dma_wait3A_2882 = arith.constant 0 : i32
    %dma_wait3A_2883 = tpu.memref_slice %arg4[%dma_wait3A_2881, %dma_wait3A_2882] : memref<256x16384xf32, #tpu.memory_space<any>> -> memref<8x16384xf32, #tpu.memory_space<any>>
    %dma_wait3A_2884 = arith.constant 0 : i32
    %dma_wait3A_2885 = arith.constant 0 : i32
    %dma_wait3A_2886 = tpu.memref_slice %arg7[%dma_wait3A_2877, %dma_wait3A_2884, %dma_wait3A_2885] : memref<4x8x16384xf32, #tpu.memory_space<vmem>> -> memref<1x8x16384xf32, #tpu.memory_space<vmem>>
    %dma_wait3A_2887 = tpu.memref_squeeze %dma_wait3A_2886 : memref<1x8x16384xf32, #tpu.memory_space<vmem>> -> memref<8x16384xf32, #tpu.memory_space<vmem>>
    tpu.wait_dma2 semaphore(%dma_wait3A_2880 : memref<!tpu.dma_semaphore, #tpu.memory_space<semaphore_mem>>) src(%dma_wait3A_2887 : memref<8x16384xf32, #tpu.memory_space<vmem>>) dst(%dma_wait3A_2883 : memref<8x16384xf32, #tpu.memory_space<any>>)
    %get3A_2888 = arith.constant 248 : index
    %get3A_2889 = arith.constant 0 : index
    %get3A_2890 = vector.load %arg0[%get3A_2888, %get3A_2889] : memref<256x1xf32, #tpu.memory_space<vmem>>, vector<8x1xf32>
    %get3A_2891 = arith.constant 248 : index
    %get3A_2892 = arith.constant 0 : index
    %get3A_2893 = vector.load %arg1[%get3A_2891, %get3A_2892] : memref<256x1xf32, #tpu.memory_space<vmem>>, vector<8x1xf32>
    %get3A_2894 = arith.constant 3 : index
    %get3A_2895 = arith.constant 0 : index
    %get3A_2896 = arith.constant 0 : index
    %get3A_2897 = vector.load %arg5[%get3A_2894, %get3A_2895, %get3A_2896] : memref<4x8x16384xf32, #tpu.memory_space<vmem>>, vector<1x8x16384xf32>
    %get3A_2898 = vector.shape_cast %get3A_2897 : vector<1x8x16384xf32> to vector<8x16384xf32>
    %mul3A_2899 = vector.broadcast %get3A_2890 : vector<8x1xf32> to vector<8x16384xf32>
    %mul3A_2900 = arith.mulf %mul3A_2899, %get3A_2898 : vector<8x16384xf32>
    %get3A_2901 = arith.constant 3 : index
    %get3A_2902 = arith.constant 0 : index
    %get3A_2903 = arith.constant 0 : index
    %get3A_2904 = vector.load %arg6[%get3A_2901, %get3A_2902, %get3A_2903] : memref<4x8x16384xf32, #tpu.memory_space<vmem>>, vector<1x8x16384xf32>
    %get3A_2905 = vector.shape_cast %get3A_2904 : vector<1x8x16384xf32> to vector<8x16384xf32>
    %mul3A_2906 = vector.broadcast %get3A_2893 : vector<8x1xf32> to vector<8x16384xf32>
    %mul3A_2907 = arith.mulf %mul3A_2906, %get3A_2905 : vector<8x16384xf32>
    %add3A_2908 = arith.addf %mul3A_2900, %mul3A_2907 : vector<8x16384xf32>
    %swap3A_2909 = arith.constant 3 : index
    %swap3A_2910 = arith.constant 0 : index
    %swap3A_2911 = arith.constant 0 : index
    %swap3A_2912 = vector.load %arg7[%swap3A_2909, %swap3A_2910, %swap3A_2911] : memref<4x8x16384xf32, #tpu.memory_space<vmem>>, vector<1x8x16384xf32>
    %swap3A_2913 = vector.shape_cast %swap3A_2912 : vector<1x8x16384xf32> to vector<8x16384xf32>
    %swap3A_2914 = vector.shape_cast %add3A_2908 : vector<8x16384xf32> to vector<1x8x16384xf32>
    tpu.vector_store %arg7[%swap3A_2909, %swap3A_2910, %swap3A_2911], %swap3A_2914 {strides = array<i32>} : memref<4x8x16384xf32, #tpu.memory_space<vmem>>, vector<1x8x16384xf32>,
    %dma_start3A_2915 = arith.constant 3 : i32
    %dma_start3A_2916 = arith.constant 3 : i32
    %dma_start3A_2917 = tpu.memref_slice %arg10[%dma_start3A_2916] : memref<4x!tpu.dma_semaphore, #tpu.memory_space<semaphore_mem>> -> memref<1x!tpu.dma_semaphore, #tpu.memory_space<semaphore_mem>>
    %dma_start3A_2918 = tpu.memref_squeeze %dma_start3A_2917 : memref<1x!tpu.dma_semaphore, #tpu.memory_space<semaphore_mem>> -> memref<!tpu.dma_semaphore, #tpu.memory_space<semaphore_mem>>
    %dma_start3A_2919 = arith.constant 248 : i32
    %dma_start3A_2920 = arith.constant 0 : i32
    %dma_start3A_2921 = tpu.memref_slice %arg4[%dma_start3A_2919, %dma_start3A_2920] : memref<256x16384xf32, #tpu.memory_space<any>> -> memref<8x16384xf32, #tpu.memory_space<any>>
    %dma_start3A_2922 = arith.constant 0 : i32
    %dma_start3A_2923 = arith.constant 0 : i32
    %dma_start3A_2924 = tpu.memref_slice %arg7[%dma_start3A_2915, %dma_start3A_2922, %dma_start3A_2923] : memref<4x8x16384xf32, #tpu.memory_space<vmem>> -> memref<1x8x16384xf32, #tpu.memory_space<vmem>>
    %dma_start3A_2925 = tpu.memref_squeeze %dma_start3A_2924 : memref<1x8x16384xf32, #tpu.memory_space<vmem>> -> memref<8x16384xf32, #tpu.memory_space<vmem>>
    tpu.enqueue_dma source(%dma_start3A_2925 : memref<8x16384xf32, #tpu.memory_space<vmem>>) target(%dma_start3A_2921 : memref<8x16384xf32, #tpu.memory_space<any>>) target_semaphore(%dma_start3A_2918 : memref<!tpu.dma_semaphore, #tpu.memory_space<semaphore_mem>>)
    %dma_wait3A_2926 = arith.constant 0 : i32
    %dma_wait3A_2927 = arith.constant 0 : i32
    %dma_wait3A_2928 = tpu.memref_slice %arg10[%dma_wait3A_2927] : memref<4x!tpu.dma_semaphore, #tpu.memory_space<semaphore_mem>> -> memref<1x!tpu.dma_semaphore, #tpu.memory_space<semaphore_mem>>
    %dma_wait3A_2929 = tpu.memref_squeeze %dma_wait3A_2928 : memref<1x!tpu.dma_semaphore, #tpu.memory_space<semaphore_mem>> -> memref<!tpu.dma_semaphore, #tpu.memory_space<semaphore_mem>>
    %dma_wait3A_2930 = arith.constant 224 : i32
    %dma_wait3A_2931 = arith.constant 0 : i32
    %dma_wait3A_2932 = tpu.memref_slice %arg4[%dma_wait3A_2930, %dma_wait3A_2931] : memref<256x16384xf32, #tpu.memory_space<any>> -> memref<8x16384xf32, #tpu.memory_space<any>>
    %dma_wait3A_2933 = arith.constant 0 : i32
    %dma_wait3A_2934 = arith.constant 0 : i32
    %dma_wait3A_2935 = tpu.memref_slice %arg7[%dma_wait3A_2926, %dma_wait3A_2933, %dma_wait3A_2934] : memref<4x8x16384xf32, #tpu.memory_space<vmem>> -> memref<1x8x16384xf32, #tpu.memory_space<vmem>>
    %dma_wait3A_2936 = tpu.memref_squeeze %dma_wait3A_2935 : memref<1x8x16384xf32, #tpu.memory_space<vmem>> -> memref<8x16384xf32, #tpu.memory_space<vmem>>
    tpu.wait_dma2 semaphore(%dma_wait3A_2929 : memref<!tpu.dma_semaphore, #tpu.memory_space<semaphore_mem>>) src(%dma_wait3A_2936 : memref<8x16384xf32, #tpu.memory_space<vmem>>) dst(%dma_wait3A_2932 : memref<8x16384xf32, #tpu.memory_space<any>>)
    %dma_wait3A_2937 = arith.constant 1 : i32
    %dma_wait3A_2938 = arith.constant 1 : i32
    %dma_wait3A_2939 = tpu.memref_slice %arg10[%dma_wait3A_2938] : memref<4x!tpu.dma_semaphore, #tpu.memory_space<semaphore_mem>> -> memref<1x!tpu.dma_semaphore, #tpu.memory_space<semaphore_mem>>
    %dma_wait3A_2940 = tpu.memref_squeeze %dma_wait3A_2939 : memref<1x!tpu.dma_semaphore, #tpu.memory_space<semaphore_mem>> -> memref<!tpu.dma_semaphore, #tpu.memory_space<semaphore_mem>>
    %dma_wait3A_2941 = arith.constant 232 : i32
    %dma_wait3A_2942 = arith.constant 0 : i32
    %dma_wait3A_2943 = tpu.memref_slice %arg4[%dma_wait3A_2941, %dma_wait3A_2942] : memref<256x16384xf32, #tpu.memory_space<any>> -> memref<8x16384xf32, #tpu.memory_space<any>>
    %dma_wait3A_2944 = arith.constant 0 : i32
    %dma_wait3A_2945 = arith.constant 0 : i32
    %dma_wait3A_2946 = tpu.memref_slice %arg7[%dma_wait3A_2937, %dma_wait3A_2944, %dma_wait3A_2945] : memref<4x8x16384xf32, #tpu.memory_space<vmem>> -> memref<1x8x16384xf32, #tpu.memory_space<vmem>>
    %dma_wait3A_2947 = tpu.memref_squeeze %dma_wait3A_2946 : memref<1x8x16384xf32, #tpu.memory_space<vmem>> -> memref<8x16384xf32, #tpu.memory_space<vmem>>
    tpu.wait_dma2 semaphore(%dma_wait3A_2940 : memref<!tpu.dma_semaphore, #tpu.memory_space<semaphore_mem>>) src(%dma_wait3A_2947 : memref<8x16384xf32, #tpu.memory_space<vmem>>) dst(%dma_wait3A_2943 : memref<8x16384xf32, #tpu.memory_space<any>>)
    %dma_wait3A_2948 = arith.constant 2 : i32
    %dma_wait3A_2949 = arith.constant 2 : i32
    %dma_wait3A_2950 = tpu.memref_slice %arg10[%dma_wait3A_2949] : memref<4x!tpu.dma_semaphore, #tpu.memory_space<semaphore_mem>> -> memref<1x!tpu.dma_semaphore, #tpu.memory_space<semaphore_mem>>
    %dma_wait3A_2951 = tpu.memref_squeeze %dma_wait3A_2950 : memref<1x!tpu.dma_semaphore, #tpu.memory_space<semaphore_mem>> -> memref<!tpu.dma_semaphore, #tpu.memory_space<semaphore_mem>>
    %dma_wait3A_2952 = arith.constant 240 : i32
    %dma_wait3A_2953 = arith.constant 0 : i32
    %dma_wait3A_2954 = tpu.memref_slice %arg4[%dma_wait3A_2952, %dma_wait3A_2953] : memref<256x16384xf32, #tpu.memory_space<any>> -> memref<8x16384xf32, #tpu.memory_space<any>>
    %dma_wait3A_2955 = arith.constant 0 : i32
    %dma_wait3A_2956 = arith.constant 0 : i32
    %dma_wait3A_2957 = tpu.memref_slice %arg7[%dma_wait3A_2948, %dma_wait3A_2955, %dma_wait3A_2956] : memref<4x8x16384xf32, #tpu.memory_space<vmem>> -> memref<1x8x16384xf32, #tpu.memory_space<vmem>>
    %dma_wait3A_2958 = tpu.memref_squeeze %dma_wait3A_2957 : memref<1x8x16384xf32, #tpu.memory_space<vmem>> -> memref<8x16384xf32, #tpu.memory_space<vmem>>
    tpu.wait_dma2 semaphore(%dma_wait3A_2951 : memref<!tpu.dma_semaphore, #tpu.memory_space<semaphore_mem>>) src(%dma_wait3A_2958 : memref<8x16384xf32, #tpu.memory_space<vmem>>) dst(%dma_wait3A_2954 : memref<8x16384xf32, #tpu.memory_space<any>>)
    %dma_wait3A_2959 = arith.constant 3 : i32
    %dma_wait3A_2960 = arith.constant 3 : i32
    %dma_wait3A_2961 = tpu.memref_slice %arg10[%dma_wait3A_2960] : memref<4x!tpu.dma_semaphore, #tpu.memory_space<semaphore_mem>> -> memref<1x!tpu.dma_semaphore, #tpu.memory_space<semaphore_mem>>
    %dma_wait3A_2962 = tpu.memref_squeeze %dma_wait3A_2961 : memref<1x!tpu.dma_semaphore, #tpu.memory_space<semaphore_mem>> -> memref<!tpu.dma_semaphore, #tpu.memory_space<semaphore_mem>>
    %dma_wait3A_2963 = arith.constant 248 : i32
    %dma_wait3A_2964 = arith.constant 0 : i32
    %dma_wait3A_2965 = tpu.memref_slice %arg4[%dma_wait3A_2963, %dma_wait3A_2964] : memref<256x16384xf32, #tpu.memory_space<any>> -> memref<8x16384xf32, #tpu.memory_space<any>>
    %dma_wait3A_2966 = arith.constant 0 : i32
    %dma_wait3A_2967 = arith.constant 0 : i32
    %dma_wait3A_2968 = tpu.memref_slice %arg7[%dma_wait3A_2959, %dma_wait3A_2966, %dma_wait3A_2967] : memref<4x8x16384xf32, #tpu.memory_space<vmem>> -> memref<1x8x16384xf32, #tpu.memory_space<vmem>>
    %dma_wait3A_2969 = tpu.memref_squeeze %dma_wait3A_2968 : memref<1x8x16384xf32, #tpu.memory_space<vmem>> -> memref<8x16384xf32, #tpu.memory_space<vmem>>
    tpu.wait_dma2 semaphore(%dma_wait3A_2962 : memref<!tpu.dma_semaphore, #tpu.memory_space<semaphore_mem>>) src(%dma_wait3A_2969 : memref<8x16384xf32, #tpu.memory_space<vmem>>) dst(%dma_wait3A_2965 : memref<8x16384xf32, #tpu.memory_space<any>>)
    return
  }
}

</mosaic_0001>

<sc_bundles>
// kernel: kernel.4.cloned.1.call-start
scs
__scs_entry_jumppad:
0x0: {  	(pc) =	sbr.rel $0x88, $3  }
0x1: {  	(tag) =	ssettag $0x0;
	lr =	simm.s32 $0x1  }
0x2: {  	[smem:$0x3F9C] =	sst lr;
	_ =	strace $0xD0000000  }
0x3: {  	_ = 	snop  }
0x4: {  	_ = 	snop  }
0x5: {  	_ = 	snop  }
0x6: {  	_ = 	snop  }
0x7: {  	_ = 	snop  }
__scs_overlays_trampoline_lowered:
0x8: {  	[smem:$0x3FAB] =	sst s0  }
0x9: {  	[smem:$0x3FAC] =	sst s1  }
0xa: {  	[smem:$0x3FAD] =	sst s2  }
0xb: {  	[smem:$0x3FAE] =	sst s3  }
0xc: {  	[smem:$0x3FAF] =	sst s4  }
0xd: {  	[smem:$0x3FB0] =	sst s5  }
0xe: {  	[smem:$0x3FB1] =	sst s6  }
0xf: {  	[smem:$0x3FB2] =	sst s7  }
0x10: {  	[smem:$0x3FB3] =	sst s8  }
0x11: {  	[smem:$0x3FB4] =	sst s9;
	s0 =	simm.s32 @!p0 $0x0  }
0x12: {  	s1 =	sld [smem:$0x3F9A];
	s0 =	simm.s32 @p0 $0x1  }
0x13: {  	[smem:$0x3FB5] =	sst s0;
	s0 =	simm.s32 @!p1 $0x0  }
0x14: {  	s2 =	sld [smem:$0x3F99];
	s0 =	simm.s32 @p1 $0x1  }
0x15: {  	[smem:$0x3FB6] =	sst s0;
	s0 =	simm.s32 @!p2 $0x0  }
0x16: {  	s3 =	sld [smem:$0x3FDB];
	s0 =	simm.s32 @p2 $0x1  }
0x17: {  	s4 =	simm.s32 $0x1BF5;
	[smem:$0x3FB8] =	sst s0  }
0x18: {  	s0 =	sld [smem:$0x3F9B];
	_ =	swait.ge [sflag:s4], $0x0  }
0x19: {  	s7 =	sld [smem:$0x3F9C]  }
0x1a: {  	s8 =	sadd.s32 $0xFFFFE003, lr  }
0x1b: {  	s9 =	sadd.s32 $0xFFFFFEF7, lr;
	s5 =	simm.s32 $0xFFFFFFFF;
	p2 =	slt.u32 s8, $0xFFFFF086  }
0x1c: {  	p1 =	slt.u32 s9, $0xF7A;
	s5 =	simm.s32 @!p2 $0x0  }
0x1d: {  	s5 =	simm.s32 @p1 $0x1;
	p0 =	seq.s32 s7, s2  }
0x1e: {  	s7 =	smul.u32 @!p0 $0xF7A, s2;
	p2 =	seq.s32 @!p0 s5, $0x0  }
0x1f: {  	s9 =	smul.u32 $0xF7A, s1;
	s8 =	simm.s32 @!p0 $0x1BF5;
	p2 =	por !p2, p0  }
0x20: {  	[sflag:s8] =	ssyncset.s32 @!p0 $0xFFFFF086;
	s6 =	sadd.s32 @!p0 s3, s7;
	s7 =	simm.s32 @!p0 $0x108  }
0x21: {  	s3 =	sadd.s32 s3, s9;
	s6 =	sadd.s32 @!p0 $0x88, s6;
	s7 =	simm.s32 @p2 $0x1082  }
0x22: {  	[simem:s7], [sflag:s8] =	dma.local @!p0 [hbm:s6], $0xF7A  }
0x23: {  	s9 =	sor.u32 $0xD0000000, s2;
	s6 =	simm.s32 $0x108;
	_ =	swait.ge @!p0 [sflag:s8], $0x0  }
0x24: {  	s3 =	sadd.s32 $0x88, s3;
	s6 =	simm.s32 @!p1 $0x1082;
	[sflag:s4] =	ssyncset.s32 $0xFFFFF086  }
0x25: {  	[simem:s6], [sflag:s4] =	dma.local [hbm:s3], $0xF7A  }
0x26: {  	[smem:$0x3F9C] =	sst s1;
	(tag) =	ssettag s2;
	_ =	strace s9  }
0x27: {  	s1 =	sld [smem:$0x3FAC]  }
0x28: {  	s2 =	sld [smem:$0x3FAD]  }
0x29: {  	s4 =	sld [smem:$0x3FAF]  }
0x2a: {  	p0 =	seq.s32 s5, $0x0;
	s5 =	sld [smem:$0x3FB0]  }
0x2b: {  	s6 =	sld [smem:$0x3FB1]  }
0x2c: {  	s7 =	sld [smem:$0x3FB2]  }
0x2d: {  	s3 =	simm.s32 $0x108;
	s8 =	sld [smem:$0x3FB3]  }
0x2e: {  	s3 =	simm.s32 @!p0 $0x1082;
	s9 =	sld [smem:$0x3FB4]  }
0x2f: {  	lr =	sadd.s32 s0, s3;
	s0 =	sld [smem:$0x3FAB]  }
0x30: {  	s3 =	sld [smem:$0x3FAE]  }
0x31: {  	[smem:$0x3FB7] =	sst s10  }
0x32: {  	s10 =	sld [smem:$0x3FB5];
	_ =	sdelay $0x3  }
0x33: {  	p0 =	seq.s32 s10, $0x1;
	s10 =	sld [smem:$0x3FB7];
	_ =	sdelay $0x3  }
0x34: {  	[smem:$0x3FB7] =	sst s10  }
0x35: {  	s10 =	sld [smem:$0x3FB6];
	_ =	sdelay $0x3  }
0x36: {  	p1 =	seq.s32 s10, $0x1;
	s10 =	sld [smem:$0x3FB7];
	_ =	sdelay $0x3  }
0x37: {  	[smem:$0x3FB7] =	sst s10  }
0x38: {  	s10 =	sld [smem:$0x3FB8]  }
0x39: {  	_ = 	snop;
	(pc) =	sbr.ind lr, $3  }
0x3a: {  	_ = 	snop  }
0x3b: {  	_ = 	snop  }
0x3c: {  	p2 =	seq.s32 s10, $0x1;
	s10 =	sld [smem:$0x3FB7]  }
0x3d: {  	_ =	shalt  }
0x3e: {  	_ =	shalt  }
0x3f: {  	_ =	shalt  }
0x40: {  	_ =	shalt  }
0x41: {  	_ =	shalt  }
0x42: {  	_ =	shalt  }
0x43: {  	_ =	shalt  }
0x44: {  	_ =	shalt  }
0x45: {  	_ =	shalt  }
0x46: {  	_ =	shalt  }
0x47: {  	_ =	shalt  }
0x48: {  	_ =	shalt  }
0x49: {  	_ =	shalt  }
0x4a: {  	_ =	shalt  }
0x4b: {  	_ =	shalt  }
0x4c: {  	_ =	shalt  }
0x4d: {  	_ =	shalt  }
0x4e: {  	_ =	shalt  }
0x4f: {  	_ =	shalt  }
0x50: {  	_ =	shalt  }
0x51: {  	_ =	shalt  }
0x52: {  	_ =	shalt  }
0x53: {  	_ =	shalt  }
0x54: {  	_ =	shalt  }
0x55: {  	_ =	shalt  }
0x56: {  	_ =	shalt  }
0x57: {  	_ =	shalt  }
0x58: {  	_ =	shalt  }
0x59: {  	_ =	shalt  }
0x5a: {  	_ =	shalt  }
0x5b: {  	_ =	shalt  }
0x5c: {  	_ =	shalt  }
0x5d: {  	_ =	shalt  }
0x5e: {  	_ =	shalt  }
0x5f: {  	_ =	shalt  }
0x60: {  	_ =	shalt  }
0x61: {  	_ =	shalt  }
0x62: {  	_ =	shalt  }
0x63: {  	_ =	shalt  }
0x64: {  	_ =	shalt  }
0x65: {  	_ =	shalt  }
0x66: {  	_ =	shalt  }
0x67: {  	_ =	shalt  }
0x68: {  	_ =	shalt  }
0x69: {  	_ =	shalt  }
0x6a: {  	_ =	shalt  }
0x6b: {  	_ =	shalt  }
0x6c: {  	_ =	shalt  }
0x6d: {  	_ =	shalt  }
0x6e: {  	_ =	shalt  }
0x6f: {  	_ =	shalt  }
0x70: {  	_ =	shalt  }
0x71: {  	_ =	shalt  }
0x72: {  	_ =	shalt  }
0x73: {  	_ =	shalt  }
0x74: {  	_ =	shalt  }
0x75: {  	_ =	shalt  }
0x76: {  	_ =	shalt  }
0x77: {  	_ =	shalt  }
0x78: {  	_ =	shalt  }
0x79: {  	_ =	shalt  }
0x7a: {  	_ =	shalt  }
0x7b: {  	_ =	shalt  }
0x7c: {  	_ =	shalt  }
0x7d: {  	_ =	shalt  }
0x7e: {  	_ =	shalt  }
0x7f: {  	_ =	shalt  }
0x80: {  	_ =	shalt  }
0x81: {  	_ =	shalt  }
0x82: {  	_ =	shalt  }
0x83: {  	_ =	shalt  }
0x84: {  	_ =	shalt  }
0x85: {  	_ =	shalt  }
0x86: {  	_ =	shalt  }
0x87: {  	_ =	shalt  }
.Lfunc_end0:
.L_simem_size_0:
called_computation_lowered:
.L_overlay_start_0:
0x88: {  	s2 =	sld [smem:$0x3FD9]  }
0x89: {  	s3 =	sld [smem:$0x3FFE];
	_ =	sdelay $0x1  }
0x8a: {  	s1 =	srdreg.scid  }
0x8b: {  	s0 =	sand.u32 $0x1, s1  }
0x8c: {  	s17 =	sshll.u32 s0, $0xA;
	s2 =	sadd.s32 s3, s2  }
0x8d: {  	s2 =	sadd.s32 s2, s17  }
0x8e: {  	[smem:$0x3FC3] =	sst s2  }
0x8f: {  	_ = 	snop  }
0x90: {  	s2 =	sld [smem:$0x3FC8]  }
0x91: {  	s18 =	sld [smem:$0x3FC6]  }
0x92: {  	s4 =	sld [smem:$0x3FC5];
	(tm) =	ssettm $0x1  }
0x93: {  	s5 =	sld [smem:$0x3FFB];
	_ =	sdelay $0x3  }
0x94: {  	_ =	strace s5  }
0x95: {  	s5 =	sld [smem:$0x3FFC];
	_ =	sdelay $0x3  }
0x96: {  	_ =	strace s5  }
0x97: {  	s5 =	sld [smem:$0x3FFD];
	_ =	sdelay $0x3  }
0x98: {  	_ =	strace s5  }
0x99: {  	_ =	strace $0x8FFFFFFF  }
0x9a: {  	s19 =	sld [smem:$0x3FDB];
	_ =	sdelay $0x1  }
0x9b: {  	s6 =	simm.s32 $_scs_section_size  }
0x9c: {  	s7 =	simm.s32 $_size__tile_overlayer_lowered;
	s8 =	simm.s32 $_tile_overlayer_lowered  }
0x9d: {  	s22 =	simm.s32 $0x1BFF;
	s21 =	sshll.u32 s8, $0x1;
	s5 =	sadd.s32 s6, s19  }
0x9e: {  	s9 =	simm.s32 $0x0;
	s20 =	sshll.u32 s7, $0x1;
	s7 =	sadd.s32 s21, s5  }
0x9f: {  	[timem:s9], [sflag:s22] =	dma.local [hbm:s7], s20  }
0xa0: {  	_ =	swait.ge [sflag:s22], s20  }
0xa1: {  	s6 =	ssub.s32 $0x0, s20;
	[sflag:s22] =	ssyncset.done $0x0  }
0xa2: {  	[sflag:s22] =	ssyncadd.s32 s6;
	_ =	sdelay $0x1  }
0xa3: {  	s23 =	simm.s32 $0x1B8B  }
0xa4: {  	_ =	swait.ge [sflag:s23], $0x1  }
0xa5: {  	[sflag:s23] =	ssyncset.done $0x0  }
0xa6: {  	s25 =	simm.s32 $0x1B8E;
	s24 =	sld [smem:$0x3FFE];
	[sflag:s23] =	ssyncadd.s32 $0xFFFFFFFF  }
0xa7: {  	s26 =	simm.s32 $execute0_lowered;
	[smem:$0x3FD2] =	sst s25  }
0xa8: {  	s7 =	sshll.u32 s26, $0x1;
	_ =	strace $0x80000046;
	[dreg:$0x1] =	wrdreg $0xFFFFFFFF  }
0xa9: {  	s28 =	simm.s32 $_size_execute0_lowered;
	s5 =	sadd.s32 s5, s7;
	[dreg:$0x0] =	wrdreg $0x0  }
0xaa: {  	s7 =	sshll.u32 s28, $0x1;
	[dreg:$0x2] =	wrdreg s5  }
0xab: {  	[dreg:$0x3] =	wrdreg s7  }
0xac: {  	[dreg:$0x4] =	wrdreg $0xC0  }
0xad: {  	_ =	task [dreg:s9], $0x5FFFF  }
0xae: {  	[dreg:$0x1] =	wrdreg $0xFFFFFFFF  }
0xaf: {  	[dreg:$0x0] =	wrdreg $0x60  }
0xb0: {  	[dreg:$0x2] =	wrdreg s18  }
0xb1: {  	[dreg:$0x3] =	wrdreg s4  }
0xb2: {  	[dreg:$0x4] =	wrdreg s2  }
0xb3: {  	[dreg:$0x5] =	wrdreg s24  }
0xb4: {  	[dreg:$0x6] =	wrdreg $0x9  }
0xb5: {  	_ =	task.clear_ibuf [dreg:s9], $0x7FFFF;
	_ =	strace $0x90000046  }
0xb6: {  	s29 =	simm.s32 $0x9;
	_ =	strace $0x80000048  }
0xb7: {  	_ =	swait.ge [sflag:s29], $0x1  }
0xb8: {  	[sflag:s29] =	ssyncadd.s32 $0xFFFFFFFF  }
0xb9: {  	_ =	strace $0x90000048  }
0xba: {  	_ =	sfence  }
0xbb: {  	s30 =	sld [smem:$0x0];
	_ =	sdelay $0x2  }
0xbc: {  	s31 =	sshll.u32 s1, $0xD;
	s1 =	sshrl.u32 s1, $0x2  }
0xbd: {  	s3 =	sand.u32 $0x4000, s31;
	s1 =	sadd.s32 s1, s30  }
0xbe: {  	s0 =	sor.u32 s3, s0;
	s1 =	sshll.u32 s1, $0x11  }
0xbf: {  	s0 =	sor.u32 s1, s0  }
0xc0: {  	s0 =	sadd.s32 $0x8F2B, s0  }
0xc1: {  	[sflag:s0] =	ssyncadd.remote.s32 $0x1  }
0xc2: {  	_ =	sfence.sel $0xFFFF  }
0xc3: {  	[dreg:$0x0] =	wrdreg $0xFFFFFFFF;
	(pc) =	sbr.abs _section_cstart, $3  }
0xc4: {  	[dreg:$0x1] =	wrdreg $0xFFFFFFFF  }
0xc5: {  	_ =	task.clear_ibuf [dreg:s9], $0x2FFFF;
	_ =	strace $0x9FFFFFFF  }
0xc6: {  	(tm) =	ssettm $0x7FFFFFFF  }
0xc7: {  	_ =	shalt  }
tec
execute0_lowered:
.L_overlay_start_1:
0x0: {  	(tag) =	ssettag $0x1  }
0x1: {  	s1 =	rddreg [dreg:$0x0]  }
0x2: {  	s3 =	rddreg [dreg:$0x1]  }
0x3: {  	s5 =	rddreg [dreg:$0x2]  }
0x4: {  	s11 =	rddreg [dreg:$0x3]  }
0x5: {  	s0 =	rddreg [dreg:$0x4]  }
0x6: {  	s6 =	srdreg.scid;
	s2 =	stileid.u32  }
0x7: {  	s4 =	simm.s32 $0x0;
	s12 =	sand.u32 $0x1, s6;
	s30 =	sshll.u32 s2, $0x1  }
0x8: {  	[smem:$0x7FF] =	sst s4;
	s13 =	sor.u32 s12, s30  }
0x9: {  	_ =	strace $0x80000047;
	s6 =	sadd.s32 s5, s13;
	s5 =	simm.s32 $0x2  }
0xa: {  	[tilespmem:s4], [sflag:$0x2] =	stream.linear.gather [hbm4b:s6+s4], $0x8, $0x38;
	[tilespmem:$0x180] =	vst v63  }
0xb: {  	_ =	swait.ge [sflag:s5], $0x8  }
0xc: {  	[sflag:s5] =	ssyncset.done $0x0  }
0xd: {  	s7 =	simm.s32 $0x8;
	s8 =	simm.s32 $0x80;
	[sflag:s5] =	ssyncadd.s32 $0xFFFFFFF8  }
0xe: {  	[tilespmem:s8], [sflag:$0x1] =	stream.indirect.gather [hbm4b:s1+s7], $0x1, s4, s7, $0xb8;
	[tilespmem:$0x180] =	vst v63  }
0xf: {  	s9 =	simm.s32 $0x100;
	s10 =	simm.s32 $0x1  }
0x10: {  	[tilespmem:s9], [sflag:$0x1] =	stream.indirect.gather [hbm4b:s3+s7], $0x1, s4, s7, $0xb8;
	[tilespmem:$0x180] =	vst v63  }
0x11: {  	_ =	swait.ge [sflag:s10], $0x8  }
0x12: {  	[sflag:s10] =	ssyncset.done $0x0  }
0x13: {  	s12 =	ssub.s32 $0x2, s12;
	[sflag:s10] =	ssyncadd.s32 $0xFFFFFFF8  }
0x14: {  	s14 =	sshrl.u32 s12, $0x1;
	_ =	swait.ge [sflag:s10], $0x8  }
0x15: {  	s13 =	sadd.s32 s13, s11;
	s14 =	ssub.s32 s12, s14;
	[sflag:s10] =	ssyncset.done $0x0  }
0x16: {  	s11 =	sadd.s32 $0xC00, s13;
	s31 =	smax.u32 s14, $0x1;
	[sflag:s10] =	ssyncadd.s32 $0xFFFFFFF8  }
0x17: {  	[hbm4b:s11+s4] =	stream.linear.scatter [tilespmem:s8], [sflag:$0x2], $0x8, $0x38;
	[tilespmem:$0x180] =	vst v63  }
0x18: {  	p0 =	sne.s32 s31, $0x1;
	_ =	swait.ge [sflag:s5], $0x8  }
.Ltmp0:
0x19: {  	[sflag:s5] =	ssyncset.done $0x0;
	(pc) =	sbr.rel @!p0 .LBB2_2-.Ltmp0, $4  }
0x1a: {  	s12 =	sadd.s32 $0xA00, s13;
	[sflag:s5] =	ssyncadd.s32 $0xFFFFFFF8  }
0x1b: {  	[hbm4b:s12+s4] =	stream.linear.scatter [tilespmem:s9], [sflag:$0x2], $0x8, $0x38;
	[tilespmem:$0x180] =	vst v63  }
0x1c: {  	_ =	swait.ge [sflag:s5], $0x8  }
0x1d: {  	s13 =	sadd.s32 $0xFFFFFFFF, s31;
	[sflag:s5] =	ssyncset.done $0x0  }
.LBB2_1:
0x1e: {  	p0 =	sne.s32 s13, $0x1;
	s13 =	sadd.s32 $0xFFFFFFFF, s13;
	[sflag:s5] =	ssyncadd.s32 $0xFFFFFFF8  }
0x1f: {  	[tilespmem:s4], [sflag:$0x2] =	stream.linear.gather [hbm4b:s6+s4], $0x8, $0x38;
	[tilespmem:$0x180] =	vst v63  }
0x20: {  	_ =	swait.ge [sflag:s5], $0x8  }
0x21: {  	[sflag:s5] =	ssyncset.done $0x0  }
0x22: {  	[sflag:s5] =	ssyncadd.s32 $0xFFFFFFF8  }
0x23: {  	[tilespmem:s8], [sflag:$0x1] =	stream.indirect.gather [hbm4b:s1+s7], $0x1, s4, s7, $0xb8;
	[tilespmem:$0x180] =	vst v63  }
0x24: {  	_ = 	snop  }
0x25: {  	[tilespmem:s9], [sflag:$0x1] =	stream.indirect.gather [hbm4b:s3+s7], $0x1, s4, s7, $0xb8;
	[tilespmem:$0x180] =	vst v63  }
0x26: {  	_ =	swait.ge [sflag:s10], $0x8  }
0x27: {  	[sflag:s10] =	ssyncset.done $0x0  }
0x28: {  	[sflag:s10] =	ssyncadd.s32 $0xFFFFFFF8  }
0x29: {  	_ =	swait.ge [sflag:s10], $0x8  }
0x2a: {  	[sflag:s10] =	ssyncset.done $0x0  }
0x2b: {  	[sflag:s10] =	ssyncadd.s32 $0xFFFFFFF8  }
0x2c: {  	[hbm4b:s11+s4] =	stream.linear.scatter [tilespmem:s8], [sflag:$0x2], $0x8, $0x38;
	[tilespmem:$0x180] =	vst v63  }
0x2d: {  	_ =	swait.ge [sflag:s5], $0x8  }
.Ltmp1:
0x2e: {  	[sflag:s5] =	ssyncset.done $0x0;
	(pc) =	sbr.rel @p0 .LBB2_1-.Ltmp1, $4  }
0x2f: {  	[sflag:s5] =	ssyncadd.s32 $0xFFFFFFF8  }
0x30: {  	[hbm4b:s12+s4] =	stream.linear.scatter [tilespmem:s9], [sflag:$0x2], $0x8, $0x38;
	[tilespmem:$0x180] =	vst v63  }
0x31: {  	_ =	swait.ge [sflag:s5], $0x8  }
0x32: {  	[sflag:s5] =	ssyncset.done $0x0  }
.LBB2_2:
0x33: {  	[sflag:s5] =	ssyncadd.s32 $0xFFFFFFF8  }
0x34: {  	_ =	sfence.sel $0x180000  }
0x35: {  	[bflag:$0x0] =	sbarrier.arrive $0xFFFF  }
0x36: {  	p0 =	sne.s32 s2, $0x0;
	_ =	strace $0x90000047  }
0x37: {  	s0 =	sadd.s32 @!p0 $0x100000, s0;
	[bflag:$0x2] =	sbarrier.arrive $0xFFFF  }
0x38: {  	[sflag:s0] =	ssyncadd.tile.s32 @!p0 $0x1;
	_ =	shalt  }
.Lfunc_end2:
_tile_overlayer_lowered:
.L_overlay_start_2:
0x39: {  	(tag) =	ssettag $0x2  }
0x3a: {  	s0 =	rddreg [dreg:$0x0];
	s2 =	stileid.u32  }
0x3b: {  	s1 =	rddreg [dreg:$0x1];
	p0 =	sne.s32 s2, $0x0  }
0x3c: {  	s3 =	rddreg [dreg:$0x2];
	[bflag:$0x3] =	sbarrier.arrive $0xFFFF;
	s2 =	simm.s32 @!p0 $0x1C02  }
0x3d: {  	[timem:s3], [sflag:s2] =	dma.local @!p0 [hbm:s0], s1  }
0x3e: {  	s0 =	simm.s32 @!p0 $0x2  }
0x3f: {  	_ =	swait.ge @!p0 [sflag:s0], s1  }
0x40: {  	s1 =	ssub.s32 @!p0 $0x0, s1;
	[sflag:s0] =	ssyncset.done @!p0 $0x0  }
0x41: {  	[sflag:s0] =	ssyncadd.s32 @!p0 s1  }
0x42: {  	[bflag:$0x3] =	sbarrier.arrive $0xFFFF  }
0x43: {  	_ =	shalt  }

</sc_bundles>
